<compile_context>
chip_gen: v7x
topology: tpu7x:2x2x1
jax: 0.10.2.dev20260603
libtpu: 0.0.44.dev20260713+nightly
codegen_flags: <defaults>
</compile_context>

<pallas_src>
import functools

import jax
import jax.numpy as jnp
from jax import lax
from jax.experimental import pallas as pl
from jax.experimental.pallas import tpu as pltpu
from jax.experimental.pallas import tpu_sc as plsc

_NUM_ORDERS = 3
_FEATURES = 128
_NUM_EMB = 100000
_NUM_TABLES = 8
_SHARD = _FEATURES // _NUM_TABLES
_MULT = 1000003
_PRIMES = (2, 3, 5, 7, 11, 13, 17, 19)

_B = 1024
_T = 200
_L = 16
_NC = 2
_NS = 16
_NW = _NC * _NS
_ROWS_PER_WORKER = _B // _NW
_GROUPS = 13
_TPAD = _GROUPS * _L
_RPC = _TPAD * _NUM_TABLES
_ROWS_OUT = _T * _NUM_TABLES
_NIDX = _NUM_ORDERS * _RPC
_RINV = 1.0 / _NUM_EMB


def _floor_mod_1e5(v):
    q = (v.astype(jnp.float32) * _RINV).astype(jnp.int32)
    r = v - q * _NUM_EMB
    r = jnp.where(r < 0, r + _NUM_EMB, r)
    r = jnp.where(r < 0, r + _NUM_EMB, r)
    r = jnp.where(r >= _NUM_EMB, r - _NUM_EMB, r)
    return r


def _sc_body(ids_hbm, table_hbm, out_hbm,
             ids_all, idx_v, buf, sem):
    wid = lax.axis_index("c") * _NS + lax.axis_index("s")
    iota = lax.iota(jnp.int32, _L)
    r_base = wid * _ROWS_PER_WORKER
    pltpu.sync_copy(ids_hbm.at[pl.ds(r_base, _ROWS_PER_WORKER)], ids_all)

    def hash_row(k, slot_idx):
        row = ids_all.at[k]

        def grp(g, c2):
            t0 = pl.multiple_of(g * _L, _L)
            a = row[pl.ds(t0, _L)]
            b = row[pl.ds(t0 + 1, _L)]
            c = row[pl.ds(t0 + 2, _L)]
            fp2 = a * _MULT + b
            fp3 = fp2 * _MULT + c
            col = iota * _NUM_TABLES
            for oi, fp in enumerate((a, fp2, fp3)):
                fpp = fp + 1
                base = col + (oi * _GROUPS + g) * 128
                for ti in range(_NUM_TABLES):
                    h = _floor_mod_1e5(fpp * _PRIMES[ti])
                    h = h + ((oi * _NUM_TABLES + ti) * _NUM_EMB)
                    plsc.store_scatter(slot_idx, [base + ti], h)
            return c2

        lax.fori_loop(0, _GROUPS, grp, 0)

    def acc_store(r):
        def acc(i, c3):
            i2 = i * 8
            for u in range(8):
                buf[i2 + u, :] = (buf[i2 + u, :] + buf[_RPC + i2 + u, :]
                                  + buf[2 * _RPC + i2 + u, :])
            return c3

        lax.fori_loop(0, _ROWS_OUT // 8, acc, 0)
        pltpu.sync_copy(buf.at[pl.ds(0, _ROWS_OUT)],
                        out_hbm.at[pl.ds(r * _ROWS_OUT, _ROWS_OUT)])

    hash_row(0, idx_v.at[0])

    def row_pair(k, carry):
        k0 = 2 * k
        cp0 = pltpu.async_copy(table_hbm.at[idx_v.at[0]], buf, sem)
        hash_row(k0 + 1, idx_v.at[1])
        cp0.wait()
        acc_store(r_base + k0)
        cp1 = pltpu.async_copy(table_hbm.at[idx_v.at[1]], buf, sem)
        hash_row(jnp.minimum(k0 + 2, _ROWS_PER_WORKER - 1), idx_v.at[0])
        cp1.wait()
        acc_store(r_base + k0 + 1)
        return carry

    lax.fori_loop(0, _ROWS_PER_WORKER // 2, row_pair, 0)


@jax.jit
def _ngram_embed_sc(input_ids, table_flat):
    mesh = plsc.VectorSubcoreMesh(core_axis_name="c", subcore_axis_name="s")
    fn = functools.partial(
        pl.kernel,
        out_type=jax.ShapeDtypeStruct((_B * _ROWS_OUT, _SHARD), jnp.float32),
        mesh=mesh,
        compiler_params=pltpu.CompilerParams(
            needs_layout_passes=False, use_tc_tiling_on_sc=False),
        scratch_types=[
            pltpu.VMEM((_ROWS_PER_WORKER, 256), jnp.int32),
            pltpu.VMEM((2, _NIDX), jnp.int32),
            pltpu.VMEM((_NIDX, _SHARD), jnp.float32),
            pltpu.SemaphoreType.DMA,
        ],
    )(_sc_body)
    return fn(input_ids, table_flat)


def kernel(input_ids, tables):
    table_flat = tables.reshape(_NUM_ORDERS * _NUM_TABLES * _NUM_EMB, _SHARD)
    ids_pad = jnp.zeros((_B, 256), jnp.int32).at[:, :_T].set(
        input_ids.astype(jnp.int32))
    out = _ngram_embed_sc(ids_pad, table_flat)
    return out.reshape(_B, _T, _FEATURES)

# --- scband reference (transcript-rebuilt; emitter-appended) ---
"""Pipeline reference for scband-ngram-hash-embed-73839077753241 (READ-ONLY COPY).

The authoritative reference and input builder live on the scoring server;
editing this copy changes nothing except your own understanding.
"""

import jax, jax.numpy as jnp
import numpy as np
import math

NGRAM_ORDERS = (1, 2, 3)
PADDING_ID = 0
FEATURES = 128
NUM_EMB = 100000
NUM_TABLES = 8
SHARD = FEATURES // NUM_TABLES
MULT = 1000003  # polynomial rolling-hash multiplier for ngram fingerprints


def _generate_primes(n):
    primes = []
    i = 2
    while len(primes) < n:
        if all(i % p != 0 for p in range(2, int(math.isqrt(i)) + 1)):
            primes.append(i)
        i += 1
    return primes

PRIMES = _generate_primes(NUM_TABLES)


def setup_inputs(seed: int = 0):
    key = jax.random.key(seed)
    k1, k2 = jax.random.split(key)
    input_ids = jax.random.randint(k1, (1024, 200), 0, 100000, dtype=jnp.int32)
    # variance_scaling(1.0, 'fan_in', 'normal', out_axis=0) on (num_emb, shard): fan_in = shard
    std = math.sqrt(1.0 / SHARD)
    tables = jax.random.normal(
        k2, (len(NGRAM_ORDERS), NUM_TABLES, NUM_EMB, SHARD), dtype=jnp.float32) * std
    return {"input_ids": input_ids, "tables": tables}


def _ngram_fingerprint(ids, order):
    # Fingerprint of the ngram starting at position t covering t..t+order-1,
    # padded past the end of the sequence with PADDING_ID.
    B = ids.shape[0]
    fp = jnp.zeros_like(ids)
    for j in range(order):
        if j == 0:
            shifted = ids
        else:
            shifted = jnp.concatenate(
                [ids[:, j:], jnp.full((B, j), PADDING_ID, ids.dtype)], axis=1)
        fp = fp * MULT + shifted
    return fp


def _forward(input_ids, tables):
    ids = input_ids.astype(jnp.int32)
    out = jnp.zeros(ids.shape + (FEATURES,), jnp.float32)
    for oi, order in enumerate(NGRAM_ORDERS):
        fp = _ngram_fingerprint(ids, order)
        shard_embs = []
        for ti in range(NUM_TABLES):
            # Per-table multiplicative hash with a distinct prime, mod table size.
            hashed = ((fp + 1) * PRIMES[ti]) % NUM_EMB
            hashed = jnp.where(hashed < 0, hashed + NUM_EMB, hashed)
            shard_embs.append(jnp.take(tables[oi, ti], hashed, axis=0))
        # Concatenate the num_tables shards into the full feature dim,
        # then sum contributions across ngram orders.
        out = out + jnp.concatenate(shard_embs, axis=-1)
    return out


def reference(input_ids, tables):
    return _forward(input_ids, tables)

if __name__ == "__main__":
    import jax
    _d = setup_inputs()
    print(jax.jit(kernel)(*tuple(_d.values())))

</pallas_src>

<mosaic_0001>
#map = affine_map<(d0, d1) -> (0, 0)>
module attributes {stable_mosaic.version = 14 : i64} {
  func.func @_sc_body(%arg0: i32, %arg1: i32, %arg2: memref<1024x256xi32, #tpu.memory_space<hbm>>, %arg3: memref<2400000x16xf32, #tpu.memory_space<hbm>>, %arg4: memref<1638400x16xf32, #tpu.memory_space<hbm>>, %arg5: memref<32x256xi32, #tpu.memory_space<vmem>>, %arg6: memref<2x4992xi32, #tpu.memory_space<vmem>>, %arg7: memref<4992x16xf32, #tpu.memory_space<vmem>>, %arg8: memref<!tpu.dma_semaphore, #tpu.memory_space<semaphore_mem>>) attributes {dimension_semantics = [#tpu.dimension_semantics<core_parallel>, #tpu.dimension_semantics<subcore_parallel>], iteration_bounds = array<i64: 2, 16>, scalar_prefetch = 0 : i64, scratch_operands = 4 : i64, tpu.core_type = #tpu.core_type<sc_vector_subcore>, window_params = [{transform_indices = #map}, {transform_indices = #map}, {transform_indices = #map}]} {
    %mul3A = arith.constant 16 : i32
    %mul3A_0 = arith.muli %arg0, %mul3A : i32
    %add3A = arith.addi %mul3A_0, %arg1 : i32
    %iota3A = tpu.iota {dimensions = array<i32: 0>} : vector<16xi32>
    %mul3A_1 = arith.constant 32 : i32
    %mul3A_2 = arith.muli %add3A, %mul3A_1 : i32
    "tpu.region"() ({
      %run_scoped3A = tpu.sem_alloc : memref<!tpu.dma_semaphore, #tpu.memory_space<semaphore_mem>>
      %dma_start3A = arith.constant 0 : i32
      %dma_start3A_16 = tpu.memref_slice %arg2[%mul3A_2, %dma_start3A] : memref<1024x256xi32, #tpu.memory_space<hbm>> -> memref<32x256xi32, #tpu.memory_space<hbm>>
      %dma_start3A_17 = arith.constant 0 : i32
      %dma_start3A_18 = tpu.memref_slice %arg2[%mul3A_2, %dma_start3A_17] : memref<1024x256xi32, #tpu.memory_space<hbm>> -> memref<32x256xi32, #tpu.memory_space<hbm>>
      tpu.enqueue_dma source(%dma_start3A_18 : memref<32x256xi32, #tpu.memory_space<hbm>>) target(%arg5 : memref<32x256xi32, #tpu.memory_space<vmem>>) target_semaphore(%run_scoped3A : memref<!tpu.dma_semaphore, #tpu.memory_space<semaphore_mem>>)
      %dma_wait3A = arith.constant 0 : i32
      %dma_wait3A_19 = tpu.memref_slice %arg2[%mul3A_2, %dma_wait3A] : memref<1024x256xi32, #tpu.memory_space<hbm>> -> memref<32x256xi32, #tpu.memory_space<hbm>>
      %dma_wait3A_20 = arith.constant 0 : i32
      %dma_wait3A_21 = tpu.memref_slice %arg2[%mul3A_2, %dma_wait3A_20] : memref<1024x256xi32, #tpu.memory_space<hbm>> -> memref<32x256xi32, #tpu.memory_space<hbm>>
      tpu.wait_dma2 semaphore(%run_scoped3A : memref<!tpu.dma_semaphore, #tpu.memory_space<semaphore_mem>>) src(%dma_wait3A_21 : memref<32x256xi32, #tpu.memory_space<hbm>>) dst(%arg5 : memref<32x256xi32, #tpu.memory_space<vmem>>)
      tpu.yield
    }) : () -> ()
    %scan3A = arith.constant 0 : i32
    %scan3A_3 = arith.constant 0 : i32
    %scan3A_4 = arith.constant 0 : i32
    %scan3A_5 = arith.constant 0 : i32
    %scan3A_6 = arith.constant 13 : i32
    %scan3A_7 = arith.addi %scan3A_5, %scan3A_6 : i32
    %scan3A_8 = arith.constant 1 : i32
    scf.for %scan3A_16 = %scan3A_5 to %scan3A_7 step %scan3A_8  : i32 {
      %mul3A_17 = arith.constant 16 : i32
      %mul3A_18 = arith.muli %scan3A_16, %mul3A_17 : i32
      %multiple_of3A = tpu.assume_multiple %mul3A_18, 16 : i32
      %get3A = arith.constant 0 : i32
      %get3A_19 = tpu.memref_slice %arg5[%scan3A_3, %get3A] : memref<32x256xi32, #tpu.memory_space<vmem>> -> memref<1x256xi32, #tpu.memory_space<vmem>>
      %get3A_20 = tpu.memref_squeeze %get3A_19 : memref<1x256xi32, #tpu.memory_space<vmem>> -> memref<256xi32, #tpu.memory_space<vmem>>
      %get3A_21 = arith.index_cast %multiple_of3A : i32 to index
      %get3A_22 = tpu.vector_load %get3A_20[%get3A_21] {strides = array<i32>} : memref<256xi32, #tpu.memory_space<vmem>>, vector<16xi32>,
      %add3A_23 = arith.constant 1 : i32
      %add3A_24 = arith.addi %multiple_of3A, %add3A_23 : i32
      %get3A_25 = arith.constant 0 : i32
      %get3A_26 = tpu.memref_slice %arg5[%scan3A_3, %get3A_25] : memref<32x256xi32, #tpu.memory_space<vmem>> -> memref<1x256xi32, #tpu.memory_space<vmem>>
      %get3A_27 = tpu.memref_squeeze %get3A_26 : memref<1x256xi32, #tpu.memory_space<vmem>> -> memref<256xi32, #tpu.memory_space<vmem>>
      %get3A_28 = arith.index_cast %add3A_24 : i32 to index
      %get3A_29 = tpu.vector_load %get3A_27[%get3A_28] {strides = array<i32>} : memref<256xi32, #tpu.memory_space<vmem>>, vector<16xi32>,
      %add3A_30 = arith.constant 2 : i32
      %add3A_31 = arith.addi %multiple_of3A, %add3A_30 : i32
      %get3A_32 = arith.constant 0 : i32
      %get3A_33 = tpu.memref_slice %arg5[%scan3A_3, %get3A_32] : memref<32x256xi32, #tpu.memory_space<vmem>> -> memref<1x256xi32, #tpu.memory_space<vmem>>
      %get3A_34 = tpu.memref_squeeze %get3A_33 : memref<1x256xi32, #tpu.memory_space<vmem>> -> memref<256xi32, #tpu.memory_space<vmem>>
      %get3A_35 = arith.index_cast %add3A_31 : i32 to index
      %get3A_36 = tpu.vector_load %get3A_34[%get3A_35] {strides = array<i32>} : memref<256xi32, #tpu.memory_space<vmem>>, vector<16xi32>,
      %mul3A_37 = arith.constant 1000003 : i32
      %mul3A_38 = vector.broadcast %mul3A_37 : i32 to vector<16xi32>
      %mul3A_39 = arith.muli %get3A_22, %mul3A_38 : vector<16xi32>
      %add3A_40 = arith.addi %mul3A_39, %get3A_29 : vector<16xi32>
      %mul3A_41 = arith.constant 1000003 : i32
      %mul3A_42 = vector.broadcast %mul3A_41 : i32 to vector<16xi32>
      %mul3A_43 = arith.muli %add3A_40, %mul3A_42 : vector<16xi32>
      %add3A_44 = arith.addi %mul3A_43, %get3A_36 : vector<16xi32>
      %mul3A_45 = arith.constant 8 : i32
      %mul3A_46 = vector.broadcast %mul3A_45 : i32 to vector<16xi32>
      %mul3A_47 = arith.muli %iota3A, %mul3A_46 : vector<16xi32>
      %add3A_48 = arith.constant 1 : i32
      %add3A_49 = vector.broadcast %add3A_48 : i32 to vector<16xi32>
      %add3A_50 = arith.addi %get3A_22, %add3A_49 : vector<16xi32>
      %add3A_51 = arith.constant 0 : i32
      %add3A_52 = arith.addi %add3A_51, %scan3A_16 : i32
      %mul3A_53 = arith.constant 128 : i32
      %mul3A_54 = arith.muli %add3A_52, %mul3A_53 : i32
      %add3A_55 = vector.broadcast %mul3A_54 : i32 to vector<16xi32>
      %add3A_56 = arith.addi %mul3A_47, %add3A_55 : vector<16xi32>
      %mul3A_57 = arith.constant 2 : i32
      %mul3A_58 = vector.broadcast %mul3A_57 : i32 to vector<16xi32>
      %mul3A_59 = arith.muli %add3A_50, %mul3A_58 : vector<16xi32>
      %convert_element_type3A = arith.sitofp %mul3A_59 : vector<16xi32> to vector<16xf32>
      %mul3A_60 = arith.constant 9.99999974E-6 : f32
      %mul3A_61 = vector.broadcast %mul3A_60 : f32 to vector<16xf32>
      %mul3A_62 = arith.mulf %convert_element_type3A, %mul3A_61 : vector<16xf32>
      %convert_element_type3A_63 = arith.fptosi %mul3A_62 : vector<16xf32> to vector<16xi32>
      %mul3A_64 = arith.constant 100000 : i32
      %mul3A_65 = vector.broadcast %mul3A_64 : i32 to vector<16xi32>
      %mul3A_66 = arith.muli %convert_element_type3A_63, %mul3A_65 : vector<16xi32>
      %sub3A = arith.subi %mul3A_59, %mul3A_66 : vector<16xi32>
      %lt3A = arith.constant 0 : i32
      %lt3A_67 = vector.broadcast %lt3A : i32 to vector<16xi32>
      %lt3A_68 = arith.cmpi slt, %sub3A, %lt3A_67 : vector<16xi32>
      %add3A_69 = arith.constant 100000 : i32
      %add3A_70 = vector.broadcast %add3A_69 : i32 to vector<16xi32>
      %add3A_71 = arith.addi %sub3A, %add3A_70 : vector<16xi32>
      %select_n3A = arith.select %lt3A_68, %add3A_71, %sub3A : vector<16xi1>, vector<16xi32>
      %lt3A_72 = arith.constant 0 : i32
      %lt3A_73 = vector.broadcast %lt3A_72 : i32 to vector<16xi32>
      %lt3A_74 = arith.cmpi slt, %select_n3A, %lt3A_73 : vector<16xi32>
      %add3A_75 = arith.constant 100000 : i32
      %add3A_76 = vector.broadcast %add3A_75 : i32 to vector<16xi32>
      %add3A_77 = arith.addi %select_n3A, %add3A_76 : vector<16xi32>
      %select_n3A_78 = arith.select %lt3A_74, %add3A_77, %select_n3A : vector<16xi1>, vector<16xi32>
      %ge3A = arith.constant 100000 : i32
      %ge3A_79 = vector.broadcast %ge3A : i32 to vector<16xi32>
      %ge3A_80 = arith.cmpi sge, %select_n3A_78, %ge3A_79 : vector<16xi32>
      %sub3A_81 = arith.constant 100000 : i32
      %sub3A_82 = vector.broadcast %sub3A_81 : i32 to vector<16xi32>
      %sub3A_83 = arith.subi %select_n3A_78, %sub3A_82 : vector<16xi32>
      %select_n3A_84 = arith.select %ge3A_80, %sub3A_83, %select_n3A_78 : vector<16xi1>, vector<16xi32>
      %add3A_85 = arith.constant 0 : i32
      %add3A_86 = vector.broadcast %add3A_85 : i32 to vector<16xi32>
      %add3A_87 = arith.addi %select_n3A_84, %add3A_86 : vector<16xi32>
      %add3A_88 = arith.constant 0 : i32
      %add3A_89 = vector.broadcast %add3A_88 : i32 to vector<16xi32>
      %add3A_90 = arith.addi %add3A_56, %add3A_89 : vector<16xi32>
      %scatter3A = arith.constant 0 : i32
      %scatter3A_91 = tpu.memref_slice %arg6[%scan3A_4, %scatter3A] : memref<2x4992xi32, #tpu.memory_space<vmem>> -> memref<1x4992xi32, #tpu.memory_space<vmem>>
      %scatter3A_92 = tpu.memref_squeeze %scatter3A_91 : memref<1x4992xi32, #tpu.memory_space<vmem>> -> memref<4992xi32, #tpu.memory_space<vmem>>
      tpu.vector_store_idx %scatter3A_92[%add3A_90], %add3A_87 : memref<4992xi32, #tpu.memory_space<vmem>>[vector<16xi32>], vector<16xi32>,
      %mul3A_93 = arith.constant 3 : i32
      %mul3A_94 = vector.broadcast %mul3A_93 : i32 to vector<16xi32>
      %mul3A_95 = arith.muli %add3A_50, %mul3A_94 : vector<16xi32>
      %convert_element_type3A_96 = arith.sitofp %mul3A_95 : vector<16xi32> to vector<16xf32>
      %mul3A_97 = arith.constant 9.99999974E-6 : f32
      %mul3A_98 = vector.broadcast %mul3A_97 : f32 to vector<16xf32>
      %mul3A_99 = arith.mulf %convert_element_type3A_96, %mul3A_98 : vector<16xf32>
      %convert_element_type3A_100 = arith.fptosi %mul3A_99 : vector<16xf32> to vector<16xi32>
      %mul3A_101 = arith.constant 100000 : i32
      %mul3A_102 = vector.broadcast %mul3A_101 : i32 to vector<16xi32>
      %mul3A_103 = arith.muli %convert_element_type3A_100, %mul3A_102 : vector<16xi32>
      %sub3A_104 = arith.subi %mul3A_95, %mul3A_103 : vector<16xi32>
      %lt3A_105 = arith.constant 0 : i32
      %lt3A_106 = vector.broadcast %lt3A_105 : i32 to vector<16xi32>
      %lt3A_107 = arith.cmpi slt, %sub3A_104, %lt3A_106 : vector<16xi32>
      %add3A_108 = arith.constant 100000 : i32
      %add3A_109 = vector.broadcast %add3A_108 : i32 to vector<16xi32>
      %add3A_110 = arith.addi %sub3A_104, %add3A_109 : vector<16xi32>
      %select_n3A_111 = arith.select %lt3A_107, %add3A_110, %sub3A_104 : vector<16xi1>, vector<16xi32>
      %lt3A_112 = arith.constant 0 : i32
      %lt3A_113 = vector.broadcast %lt3A_112 : i32 to vector<16xi32>
      %lt3A_114 = arith.cmpi slt, %select_n3A_111, %lt3A_113 : vector<16xi32>
      %add3A_115 = arith.constant 100000 : i32
      %add3A_116 = vector.broadcast %add3A_115 : i32 to vector<16xi32>
      %add3A_117 = arith.addi %select_n3A_111, %add3A_116 : vector<16xi32>
      %select_n3A_118 = arith.select %lt3A_114, %add3A_117, %select_n3A_111 : vector<16xi1>, vector<16xi32>
      %ge3A_119 = arith.constant 100000 : i32
      %ge3A_120 = vector.broadcast %ge3A_119 : i32 to vector<16xi32>
      %ge3A_121 = arith.cmpi sge, %select_n3A_118, %ge3A_120 : vector<16xi32>
      %sub3A_122 = arith.constant 100000 : i32
      %sub3A_123 = vector.broadcast %sub3A_122 : i32 to vector<16xi32>
      %sub3A_124 = arith.subi %select_n3A_118, %sub3A_123 : vector<16xi32>
      %select_n3A_125 = arith.select %ge3A_121, %sub3A_124, %select_n3A_118 : vector<16xi1>, vector<16xi32>
      %add3A_126 = arith.constant 100000 : i32
      %add3A_127 = vector.broadcast %add3A_126 : i32 to vector<16xi32>
      %add3A_128 = arith.addi %select_n3A_125, %add3A_127 : vector<16xi32>
      %add3A_129 = arith.constant 1 : i32
      %add3A_130 = vector.broadcast %add3A_129 : i32 to vector<16xi32>
      %add3A_131 = arith.addi %add3A_56, %add3A_130 : vector<16xi32>
      %scatter3A_132 = arith.constant 0 : i32
      %scatter3A_133 = tpu.memref_slice %arg6[%scan3A_4, %scatter3A_132] : memref<2x4992xi32, #tpu.memory_space<vmem>> -> memref<1x4992xi32, #tpu.memory_space<vmem>>
      %scatter3A_134 = tpu.memref_squeeze %scatter3A_133 : memref<1x4992xi32, #tpu.memory_space<vmem>> -> memref<4992xi32, #tpu.memory_space<vmem>>
      tpu.vector_store_idx %scatter3A_134[%add3A_131], %add3A_128 : memref<4992xi32, #tpu.memory_space<vmem>>[vector<16xi32>], vector<16xi32>,
      %mul3A_135 = arith.constant 5 : i32
      %mul3A_136 = vector.broadcast %mul3A_135 : i32 to vector<16xi32>
      %mul3A_137 = arith.muli %add3A_50, %mul3A_136 : vector<16xi32>
      %convert_element_type3A_138 = arith.sitofp %mul3A_137 : vector<16xi32> to vector<16xf32>
      %mul3A_139 = arith.constant 9.99999974E-6 : f32
      %mul3A_140 = vector.broadcast %mul3A_139 : f32 to vector<16xf32>
      %mul3A_141 = arith.mulf %convert_element_type3A_138, %mul3A_140 : vector<16xf32>
      %convert_element_type3A_142 = arith.fptosi %mul3A_141 : vector<16xf32> to vector<16xi32>
      %mul3A_143 = arith.constant 100000 : i32
      %mul3A_144 = vector.broadcast %mul3A_143 : i32 to vector<16xi32>
      %mul3A_145 = arith.muli %convert_element_type3A_142, %mul3A_144 : vector<16xi32>
      %sub3A_146 = arith.subi %mul3A_137, %mul3A_145 : vector<16xi32>
      %lt3A_147 = arith.constant 0 : i32
      %lt3A_148 = vector.broadcast %lt3A_147 : i32 to vector<16xi32>
      %lt3A_149 = arith.cmpi slt, %sub3A_146, %lt3A_148 : vector<16xi32>
      %add3A_150 = arith.constant 100000 : i32
      %add3A_151 = vector.broadcast %add3A_150 : i32 to vector<16xi32>
      %add3A_152 = arith.addi %sub3A_146, %add3A_151 : vector<16xi32>
      %select_n3A_153 = arith.select %lt3A_149, %add3A_152, %sub3A_146 : vector<16xi1>, vector<16xi32>
      %lt3A_154 = arith.constant 0 : i32
      %lt3A_155 = vector.broadcast %lt3A_154 : i32 to vector<16xi32>
      %lt3A_156 = arith.cmpi slt, %select_n3A_153, %lt3A_155 : vector<16xi32>
      %add3A_157 = arith.constant 100000 : i32
      %add3A_158 = vector.broadcast %add3A_157 : i32 to vector<16xi32>
      %add3A_159 = arith.addi %select_n3A_153, %add3A_158 : vector<16xi32>
      %select_n3A_160 = arith.select %lt3A_156, %add3A_159, %select_n3A_153 : vector<16xi1>, vector<16xi32>
      %ge3A_161 = arith.constant 100000 : i32
      %ge3A_162 = vector.broadcast %ge3A_161 : i32 to vector<16xi32>
      %ge3A_163 = arith.cmpi sge, %select_n3A_160, %ge3A_162 : vector<16xi32>
      %sub3A_164 = arith.constant 100000 : i32
      %sub3A_165 = vector.broadcast %sub3A_164 : i32 to vector<16xi32>
      %sub3A_166 = arith.subi %select_n3A_160, %sub3A_165 : vector<16xi32>
      %select_n3A_167 = arith.select %ge3A_163, %sub3A_166, %select_n3A_160 : vector<16xi1>, vector<16xi32>
      %add3A_168 = arith.constant 200000 : i32
      %add3A_169 = vector.broadcast %add3A_168 : i32 to vector<16xi32>
      %add3A_170 = arith.addi %select_n3A_167, %add3A_169 : vector<16xi32>
      %add3A_171 = arith.constant 2 : i32
      %add3A_172 = vector.broadcast %add3A_171 : i32 to vector<16xi32>
      %add3A_173 = arith.addi %add3A_56, %add3A_172 : vector<16xi32>
      %scatter3A_174 = arith.constant 0 : i32
      %scatter3A_175 = tpu.memref_slice %arg6[%scan3A_4, %scatter3A_174] : memref<2x4992xi32, #tpu.memory_space<vmem>> -> memref<1x4992xi32, #tpu.memory_space<vmem>>
      %scatter3A_176 = tpu.memref_squeeze %scatter3A_175 : memref<1x4992xi32, #tpu.memory_space<vmem>> -> memref<4992xi32, #tpu.memory_space<vmem>>
      tpu.vector_store_idx %scatter3A_176[%add3A_173], %add3A_170 : memref<4992xi32, #tpu.memory_space<vmem>>[vector<16xi32>], vector<16xi32>,
      %mul3A_177 = arith.constant 7 : i32
      %mul3A_178 = vector.broadcast %mul3A_177 : i32 to vector<16xi32>
      %mul3A_179 = arith.muli %add3A_50, %mul3A_178 : vector<16xi32>
      %convert_element_type3A_180 = arith.sitofp %mul3A_179 : vector<16xi32> to vector<16xf32>
      %mul3A_181 = arith.constant 9.99999974E-6 : f32
      %mul3A_182 = vector.broadcast %mul3A_181 : f32 to vector<16xf32>
      %mul3A_183 = arith.mulf %convert_element_type3A_180, %mul3A_182 : vector<16xf32>
      %convert_element_type3A_184 = arith.fptosi %mul3A_183 : vector<16xf32> to vector<16xi32>
      %mul3A_185 = arith.constant 100000 : i32
      %mul3A_186 = vector.broadcast %mul3A_185 : i32 to vector<16xi32>
      %mul3A_187 = arith.muli %convert_element_type3A_184, %mul3A_186 : vector<16xi32>
      %sub3A_188 = arith.subi %mul3A_179, %mul3A_187 : vector<16xi32>
      %lt3A_189 = arith.constant 0 : i32
      %lt3A_190 = vector.broadcast %lt3A_189 : i32 to vector<16xi32>
      %lt3A_191 = arith.cmpi slt, %sub3A_188, %lt3A_190 : vector<16xi32>
      %add3A_192 = arith.constant 100000 : i32
      %add3A_193 = vector.broadcast %add3A_192 : i32 to vector<16xi32>
      %add3A_194 = arith.addi %sub3A_188, %add3A_193 : vector<16xi32>
      %select_n3A_195 = arith.select %lt3A_191, %add3A_194, %sub3A_188 : vector<16xi1>, vector<16xi32>
      %lt3A_196 = arith.constant 0 : i32
      %lt3A_197 = vector.broadcast %lt3A_196 : i32 to vector<16xi32>
      %lt3A_198 = arith.cmpi slt, %select_n3A_195, %lt3A_197 : vector<16xi32>
      %add3A_199 = arith.constant 100000 : i32
      %add3A_200 = vector.broadcast %add3A_199 : i32 to vector<16xi32>
      %add3A_201 = arith.addi %select_n3A_195, %add3A_200 : vector<16xi32>
      %select_n3A_202 = arith.select %lt3A_198, %add3A_201, %select_n3A_195 : vector<16xi1>, vector<16xi32>
      %ge3A_203 = arith.constant 100000 : i32
      %ge3A_204 = vector.broadcast %ge3A_203 : i32 to vector<16xi32>
      %ge3A_205 = arith.cmpi sge, %select_n3A_202, %ge3A_204 : vector<16xi32>
      %sub3A_206 = arith.constant 100000 : i32
      %sub3A_207 = vector.broadcast %sub3A_206 : i32 to vector<16xi32>
      %sub3A_208 = arith.subi %select_n3A_202, %sub3A_207 : vector<16xi32>
      %select_n3A_209 = arith.select %ge3A_205, %sub3A_208, %select_n3A_202 : vector<16xi1>, vector<16xi32>
      %add3A_210 = arith.constant 300000 : i32
      %add3A_211 = vector.broadcast %add3A_210 : i32 to vector<16xi32>
      %add3A_212 = arith.addi %select_n3A_209, %add3A_211 : vector<16xi32>
      %add3A_213 = arith.constant 3 : i32
      %add3A_214 = vector.broadcast %add3A_213 : i32 to vector<16xi32>
      %add3A_215 = arith.addi %add3A_56, %add3A_214 : vector<16xi32>
      %scatter3A_216 = arith.constant 0 : i32
      %scatter3A_217 = tpu.memref_slice %arg6[%scan3A_4, %scatter3A_216] : memref<2x4992xi32, #tpu.memory_space<vmem>> -> memref<1x4992xi32, #tpu.memory_space<vmem>>
      %scatter3A_218 = tpu.memref_squeeze %scatter3A_217 : memref<1x4992xi32, #tpu.memory_space<vmem>> -> memref<4992xi32, #tpu.memory_space<vmem>>
      tpu.vector_store_idx %scatter3A_218[%add3A_215], %add3A_212 : memref<4992xi32, #tpu.memory_space<vmem>>[vector<16xi32>], vector<16xi32>,
      %mul3A_219 = arith.constant 11 : i32
      %mul3A_220 = vector.broadcast %mul3A_219 : i32 to vector<16xi32>
      %mul3A_221 = arith.muli %add3A_50, %mul3A_220 : vector<16xi32>
      %convert_element_type3A_222 = arith.sitofp %mul3A_221 : vector<16xi32> to vector<16xf32>
      %mul3A_223 = arith.constant 9.99999974E-6 : f32
      %mul3A_224 = vector.broadcast %mul3A_223 : f32 to vector<16xf32>
      %mul3A_225 = arith.mulf %convert_element_type3A_222, %mul3A_224 : vector<16xf32>
      %convert_element_type3A_226 = arith.fptosi %mul3A_225 : vector<16xf32> to vector<16xi32>
      %mul3A_227 = arith.constant 100000 : i32
      %mul3A_228 = vector.broadcast %mul3A_227 : i32 to vector<16xi32>
      %mul3A_229 = arith.muli %convert_element_type3A_226, %mul3A_228 : vector<16xi32>
      %sub3A_230 = arith.subi %mul3A_221, %mul3A_229 : vector<16xi32>
      %lt3A_231 = arith.constant 0 : i32
      %lt3A_232 = vector.broadcast %lt3A_231 : i32 to vector<16xi32>
      %lt3A_233 = arith.cmpi slt, %sub3A_230, %lt3A_232 : vector<16xi32>
      %add3A_234 = arith.constant 100000 : i32
      %add3A_235 = vector.broadcast %add3A_234 : i32 to vector<16xi32>
      %add3A_236 = arith.addi %sub3A_230, %add3A_235 : vector<16xi32>
      %select_n3A_237 = arith.select %lt3A_233, %add3A_236, %sub3A_230 : vector<16xi1>, vector<16xi32>
      %lt3A_238 = arith.constant 0 : i32
      %lt3A_239 = vector.broadcast %lt3A_238 : i32 to vector<16xi32>
      %lt3A_240 = arith.cmpi slt, %select_n3A_237, %lt3A_239 : vector<16xi32>
      %add3A_241 = arith.constant 100000 : i32
      %add3A_242 = vector.broadcast %add3A_241 : i32 to vector<16xi32>
      %add3A_243 = arith.addi %select_n3A_237, %add3A_242 : vector<16xi32>
      %select_n3A_244 = arith.select %lt3A_240, %add3A_243, %select_n3A_237 : vector<16xi1>, vector<16xi32>
      %ge3A_245 = arith.constant 100000 : i32
      %ge3A_246 = vector.broadcast %ge3A_245 : i32 to vector<16xi32>
      %ge3A_247 = arith.cmpi sge, %select_n3A_244, %ge3A_246 : vector<16xi32>
      %sub3A_248 = arith.constant 100000 : i32
      %sub3A_249 = vector.broadcast %sub3A_248 : i32 to vector<16xi32>
      %sub3A_250 = arith.subi %select_n3A_244, %sub3A_249 : vector<16xi32>
      %select_n3A_251 = arith.select %ge3A_247, %sub3A_250, %select_n3A_244 : vector<16xi1>, vector<16xi32>
      %add3A_252 = arith.constant 400000 : i32
      %add3A_253 = vector.broadcast %add3A_252 : i32 to vector<16xi32>
      %add3A_254 = arith.addi %select_n3A_251, %add3A_253 : vector<16xi32>
      %add3A_255 = arith.constant 4 : i32
      %add3A_256 = vector.broadcast %add3A_255 : i32 to vector<16xi32>
      %add3A_257 = arith.addi %add3A_56, %add3A_256 : vector<16xi32>
      %scatter3A_258 = arith.constant 0 : i32
      %scatter3A_259 = tpu.memref_slice %arg6[%scan3A_4, %scatter3A_258] : memref<2x4992xi32, #tpu.memory_space<vmem>> -> memref<1x4992xi32, #tpu.memory_space<vmem>>
      %scatter3A_260 = tpu.memref_squeeze %scatter3A_259 : memref<1x4992xi32, #tpu.memory_space<vmem>> -> memref<4992xi32, #tpu.memory_space<vmem>>
      tpu.vector_store_idx %scatter3A_260[%add3A_257], %add3A_254 : memref<4992xi32, #tpu.memory_space<vmem>>[vector<16xi32>], vector<16xi32>,
      %mul3A_261 = arith.constant 13 : i32
      %mul3A_262 = vector.broadcast %mul3A_261 : i32 to vector<16xi32>
      %mul3A_263 = arith.muli %add3A_50, %mul3A_262 : vector<16xi32>
      %convert_element_type3A_264 = arith.sitofp %mul3A_263 : vector<16xi32> to vector<16xf32>
      %mul3A_265 = arith.constant 9.99999974E-6 : f32
      %mul3A_266 = vector.broadcast %mul3A_265 : f32 to vector<16xf32>
      %mul3A_267 = arith.mulf %convert_element_type3A_264, %mul3A_266 : vector<16xf32>
      %convert_element_type3A_268 = arith.fptosi %mul3A_267 : vector<16xf32> to vector<16xi32>
      %mul3A_269 = arith.constant 100000 : i32
      %mul3A_270 = vector.broadcast %mul3A_269 : i32 to vector<16xi32>
      %mul3A_271 = arith.muli %convert_element_type3A_268, %mul3A_270 : vector<16xi32>
      %sub3A_272 = arith.subi %mul3A_263, %mul3A_271 : vector<16xi32>
      %lt3A_273 = arith.constant 0 : i32
      %lt3A_274 = vector.broadcast %lt3A_273 : i32 to vector<16xi32>
      %lt3A_275 = arith.cmpi slt, %sub3A_272, %lt3A_274 : vector<16xi32>
      %add3A_276 = arith.constant 100000 : i32
      %add3A_277 = vector.broadcast %add3A_276 : i32 to vector<16xi32>
      %add3A_278 = arith.addi %sub3A_272, %add3A_277 : vector<16xi32>
      %select_n3A_279 = arith.select %lt3A_275, %add3A_278, %sub3A_272 : vector<16xi1>, vector<16xi32>
      %lt3A_280 = arith.constant 0 : i32
      %lt3A_281 = vector.broadcast %lt3A_280 : i32 to vector<16xi32>
      %lt3A_282 = arith.cmpi slt, %select_n3A_279, %lt3A_281 : vector<16xi32>
      %add3A_283 = arith.constant 100000 : i32
      %add3A_284 = vector.broadcast %add3A_283 : i32 to vector<16xi32>
      %add3A_285 = arith.addi %select_n3A_279, %add3A_284 : vector<16xi32>
      %select_n3A_286 = arith.select %lt3A_282, %add3A_285, %select_n3A_279 : vector<16xi1>, vector<16xi32>
      %ge3A_287 = arith.constant 100000 : i32
      %ge3A_288 = vector.broadcast %ge3A_287 : i32 to vector<16xi32>
      %ge3A_289 = arith.cmpi sge, %select_n3A_286, %ge3A_288 : vector<16xi32>
      %sub3A_290 = arith.constant 100000 : i32
      %sub3A_291 = vector.broadcast %sub3A_290 : i32 to vector<16xi32>
      %sub3A_292 = arith.subi %select_n3A_286, %sub3A_291 : vector<16xi32>
      %select_n3A_293 = arith.select %ge3A_289, %sub3A_292, %select_n3A_286 : vector<16xi1>, vector<16xi32>
      %add3A_294 = arith.constant 500000 : i32
      %add3A_295 = vector.broadcast %add3A_294 : i32 to vector<16xi32>
      %add3A_296 = arith.addi %select_n3A_293, %add3A_295 : vector<16xi32>
      %add3A_297 = arith.constant 5 : i32
      %add3A_298 = vector.broadcast %add3A_297 : i32 to vector<16xi32>
      %add3A_299 = arith.addi %add3A_56, %add3A_298 : vector<16xi32>
      %scatter3A_300 = arith.constant 0 : i32
      %scatter3A_301 = tpu.memref_slice %arg6[%scan3A_4, %scatter3A_300] : memref<2x4992xi32, #tpu.memory_space<vmem>> -> memref<1x4992xi32, #tpu.memory_space<vmem>>
      %scatter3A_302 = tpu.memref_squeeze %scatter3A_301 : memref<1x4992xi32, #tpu.memory_space<vmem>> -> memref<4992xi32, #tpu.memory_space<vmem>>
      tpu.vector_store_idx %scatter3A_302[%add3A_299], %add3A_296 : memref<4992xi32, #tpu.memory_space<vmem>>[vector<16xi32>], vector<16xi32>,
      %mul3A_303 = arith.constant 17 : i32
      %mul3A_304 = vector.broadcast %mul3A_303 : i32 to vector<16xi32>
      %mul3A_305 = arith.muli %add3A_50, %mul3A_304 : vector<16xi32>
      %convert_element_type3A_306 = arith.sitofp %mul3A_305 : vector<16xi32> to vector<16xf32>
      %mul3A_307 = arith.constant 9.99999974E-6 : f32
      %mul3A_308 = vector.broadcast %mul3A_307 : f32 to vector<16xf32>
      %mul3A_309 = arith.mulf %convert_element_type3A_306, %mul3A_308 : vector<16xf32>
      %convert_element_type3A_310 = arith.fptosi %mul3A_309 : vector<16xf32> to vector<16xi32>
      %mul3A_311 = arith.constant 100000 : i32
      %mul3A_312 = vector.broadcast %mul3A_311 : i32 to vector<16xi32>
      %mul3A_313 = arith.muli %convert_element_type3A_310, %mul3A_312 : vector<16xi32>
      %sub3A_314 = arith.subi %mul3A_305, %mul3A_313 : vector<16xi32>
      %lt3A_315 = arith.constant 0 : i32
      %lt3A_316 = vector.broadcast %lt3A_315 : i32 to vector<16xi32>
      %lt3A_317 = arith.cmpi slt, %sub3A_314, %lt3A_316 : vector<16xi32>
      %add3A_318 = arith.constant 100000 : i32
      %add3A_319 = vector.broadcast %add3A_318 : i32 to vector<16xi32>
      %add3A_320 = arith.addi %sub3A_314, %add3A_319 : vector<16xi32>
      %select_n3A_321 = arith.select %lt3A_317, %add3A_320, %sub3A_314 : vector<16xi1>, vector<16xi32>
      %lt3A_322 = arith.constant 0 : i32
      %lt3A_323 = vector.broadcast %lt3A_322 : i32 to vector<16xi32>
      %lt3A_324 = arith.cmpi slt, %select_n3A_321, %lt3A_323 : vector<16xi32>
      %add3A_325 = arith.constant 100000 : i32
      %add3A_326 = vector.broadcast %add3A_325 : i32 to vector<16xi32>
      %add3A_327 = arith.addi %select_n3A_321, %add3A_326 : vector<16xi32>
      %select_n3A_328 = arith.select %lt3A_324, %add3A_327, %select_n3A_321 : vector<16xi1>, vector<16xi32>
      %ge3A_329 = arith.constant 100000 : i32
      %ge3A_330 = vector.broadcast %ge3A_329 : i32 to vector<16xi32>
      %ge3A_331 = arith.cmpi sge, %select_n3A_328, %ge3A_330 : vector<16xi32>
      %sub3A_332 = arith.constant 100000 : i32
      %sub3A_333 = vector.broadcast %sub3A_332 : i32 to vector<16xi32>
      %sub3A_334 = arith.subi %select_n3A_328, %sub3A_333 : vector<16xi32>
      %select_n3A_335 = arith.select %ge3A_331, %sub3A_334, %select_n3A_328 : vector<16xi1>, vector<16xi32>
      %add3A_336 = arith.constant 600000 : i32
      %add3A_337 = vector.broadcast %add3A_336 : i32 to vector<16xi32>
      %add3A_338 = arith.addi %select_n3A_335, %add3A_337 : vector<16xi32>
      %add3A_339 = arith.constant 6 : i32
      %add3A_340 = vector.broadcast %add3A_339 : i32 to vector<16xi32>
      %add3A_341 = arith.addi %add3A_56, %add3A_340 : vector<16xi32>
      %scatter3A_342 = arith.constant 0 : i32
      %scatter3A_343 = tpu.memref_slice %arg6[%scan3A_4, %scatter3A_342] : memref<2x4992xi32, #tpu.memory_space<vmem>> -> memref<1x4992xi32, #tpu.memory_space<vmem>>
      %scatter3A_344 = tpu.memref_squeeze %scatter3A_343 : memref<1x4992xi32, #tpu.memory_space<vmem>> -> memref<4992xi32, #tpu.memory_space<vmem>>
      tpu.vector_store_idx %scatter3A_344[%add3A_341], %add3A_338 : memref<4992xi32, #tpu.memory_space<vmem>>[vector<16xi32>], vector<16xi32>,
      %mul3A_345 = arith.constant 19 : i32
      %mul3A_346 = vector.broadcast %mul3A_345 : i32 to vector<16xi32>
      %mul3A_347 = arith.muli %add3A_50, %mul3A_346 : vector<16xi32>
      %convert_element_type3A_348 = arith.sitofp %mul3A_347 : vector<16xi32> to vector<16xf32>
      %mul3A_349 = arith.constant 9.99999974E-6 : f32
      %mul3A_350 = vector.broadcast %mul3A_349 : f32 to vector<16xf32>
      %mul3A_351 = arith.mulf %convert_element_type3A_348, %mul3A_350 : vector<16xf32>
      %convert_element_type3A_352 = arith.fptosi %mul3A_351 : vector<16xf32> to vector<16xi32>
      %mul3A_353 = arith.constant 100000 : i32
      %mul3A_354 = vector.broadcast %mul3A_353 : i32 to vector<16xi32>
      %mul3A_355 = arith.muli %convert_element_type3A_352, %mul3A_354 : vector<16xi32>
      %sub3A_356 = arith.subi %mul3A_347, %mul3A_355 : vector<16xi32>
      %lt3A_357 = arith.constant 0 : i32
      %lt3A_358 = vector.broadcast %lt3A_357 : i32 to vector<16xi32>
      %lt3A_359 = arith.cmpi slt, %sub3A_356, %lt3A_358 : vector<16xi32>
      %add3A_360 = arith.constant 100000 : i32
      %add3A_361 = vector.broadcast %add3A_360 : i32 to vector<16xi32>
      %add3A_362 = arith.addi %sub3A_356, %add3A_361 : vector<16xi32>
      %select_n3A_363 = arith.select %lt3A_359, %add3A_362, %sub3A_356 : vector<16xi1>, vector<16xi32>
      %lt3A_364 = arith.constant 0 : i32
      %lt3A_365 = vector.broadcast %lt3A_364 : i32 to vector<16xi32>
      %lt3A_366 = arith.cmpi slt, %select_n3A_363, %lt3A_365 : vector<16xi32>
      %add3A_367 = arith.constant 100000 : i32
      %add3A_368 = vector.broadcast %add3A_367 : i32 to vector<16xi32>
      %add3A_369 = arith.addi %select_n3A_363, %add3A_368 : vector<16xi32>
      %select_n3A_370 = arith.select %lt3A_366, %add3A_369, %select_n3A_363 : vector<16xi1>, vector<16xi32>
      %ge3A_371 = arith.constant 100000 : i32
      %ge3A_372 = vector.broadcast %ge3A_371 : i32 to vector<16xi32>
      %ge3A_373 = arith.cmpi sge, %select_n3A_370, %ge3A_372 : vector<16xi32>
      %sub3A_374 = arith.constant 100000 : i32
      %sub3A_375 = vector.broadcast %sub3A_374 : i32 to vector<16xi32>
      %sub3A_376 = arith.subi %select_n3A_370, %sub3A_375 : vector<16xi32>
      %select_n3A_377 = arith.select %ge3A_373, %sub3A_376, %select_n3A_370 : vector<16xi1>, vector<16xi32>
      %add3A_378 = arith.constant 700000 : i32
      %add3A_379 = vector.broadcast %add3A_378 : i32 to vector<16xi32>
      %add3A_380 = arith.addi %select_n3A_377, %add3A_379 : vector<16xi32>
      %add3A_381 = arith.constant 7 : i32
      %add3A_382 = vector.broadcast %add3A_381 : i32 to vector<16xi32>
      %add3A_383 = arith.addi %add3A_56, %add3A_382 : vector<16xi32>
      %scatter3A_384 = arith.constant 0 : i32
      %scatter3A_385 = tpu.memref_slice %arg6[%scan3A_4, %scatter3A_384] : memref<2x4992xi32, #tpu.memory_space<vmem>> -> memref<1x4992xi32, #tpu.memory_space<vmem>>
      %scatter3A_386 = tpu.memref_squeeze %scatter3A_385 : memref<1x4992xi32, #tpu.memory_space<vmem>> -> memref<4992xi32, #tpu.memory_space<vmem>>
      tpu.vector_store_idx %scatter3A_386[%add3A_383], %add3A_380 : memref<4992xi32, #tpu.memory_space<vmem>>[vector<16xi32>], vector<16xi32>,
      %add3A_387 = arith.constant 1 : i32
      %add3A_388 = vector.broadcast %add3A_387 : i32 to vector<16xi32>
      %add3A_389 = arith.addi %add3A_40, %add3A_388 : vector<16xi32>
      %add3A_390 = arith.constant 13 : i32
      %add3A_391 = arith.addi %add3A_390, %scan3A_16 : i32
      %mul3A_392 = arith.constant 128 : i32
      %mul3A_393 = arith.muli %add3A_391, %mul3A_392 : i32
      %add3A_394 = vector.broadcast %mul3A_393 : i32 to vector<16xi32>
      %add3A_395 = arith.addi %mul3A_47, %add3A_394 : vector<16xi32>
      %mul3A_396 = arith.constant 2 : i32
      %mul3A_397 = vector.broadcast %mul3A_396 : i32 to vector<16xi32>
      %mul3A_398 = arith.muli %add3A_389, %mul3A_397 : vector<16xi32>
      %convert_element_type3A_399 = arith.sitofp %mul3A_398 : vector<16xi32> to vector<16xf32>
      %mul3A_400 = arith.constant 9.99999974E-6 : f32
      %mul3A_401 = vector.broadcast %mul3A_400 : f32 to vector<16xf32>
      %mul3A_402 = arith.mulf %convert_element_type3A_399, %mul3A_401 : vector<16xf32>
      %convert_element_type3A_403 = arith.fptosi %mul3A_402 : vector<16xf32> to vector<16xi32>
      %mul3A_404 = arith.constant 100000 : i32
      %mul3A_405 = vector.broadcast %mul3A_404 : i32 to vector<16xi32>
      %mul3A_406 = arith.muli %convert_element_type3A_403, %mul3A_405 : vector<16xi32>
      %sub3A_407 = arith.subi %mul3A_398, %mul3A_406 : vector<16xi32>
      %lt3A_408 = arith.constant 0 : i32
      %lt3A_409 = vector.broadcast %lt3A_408 : i32 to vector<16xi32>
      %lt3A_410 = arith.cmpi slt, %sub3A_407, %lt3A_409 : vector<16xi32>
      %add3A_411 = arith.constant 100000 : i32
      %add3A_412 = vector.broadcast %add3A_411 : i32 to vector<16xi32>
      %add3A_413 = arith.addi %sub3A_407, %add3A_412 : vector<16xi32>
      %select_n3A_414 = arith.select %lt3A_410, %add3A_413, %sub3A_407 : vector<16xi1>, vector<16xi32>
      %lt3A_415 = arith.constant 0 : i32
      %lt3A_416 = vector.broadcast %lt3A_415 : i32 to vector<16xi32>
      %lt3A_417 = arith.cmpi slt, %select_n3A_414, %lt3A_416 : vector<16xi32>
      %add3A_418 = arith.constant 100000 : i32
      %add3A_419 = vector.broadcast %add3A_418 : i32 to vector<16xi32>
      %add3A_420 = arith.addi %select_n3A_414, %add3A_419 : vector<16xi32>
      %select_n3A_421 = arith.select %lt3A_417, %add3A_420, %select_n3A_414 : vector<16xi1>, vector<16xi32>
      %ge3A_422 = arith.constant 100000 : i32
      %ge3A_423 = vector.broadcast %ge3A_422 : i32 to vector<16xi32>
      %ge3A_424 = arith.cmpi sge, %select_n3A_421, %ge3A_423 : vector<16xi32>
      %sub3A_425 = arith.constant 100000 : i32
      %sub3A_426 = vector.broadcast %sub3A_425 : i32 to vector<16xi32>
      %sub3A_427 = arith.subi %select_n3A_421, %sub3A_426 : vector<16xi32>
      %select_n3A_428 = arith.select %ge3A_424, %sub3A_427, %select_n3A_421 : vector<16xi1>, vector<16xi32>
      %add3A_429 = arith.constant 800000 : i32
      %add3A_430 = vector.broadcast %add3A_429 : i32 to vector<16xi32>
      %add3A_431 = arith.addi %select_n3A_428, %add3A_430 : vector<16xi32>
      %add3A_432 = arith.constant 0 : i32
      %add3A_433 = vector.broadcast %add3A_432 : i32 to vector<16xi32>
      %add3A_434 = arith.addi %add3A_395, %add3A_433 : vector<16xi32>
      %scatter3A_435 = arith.constant 0 : i32
      %scatter3A_436 = tpu.memref_slice %arg6[%scan3A_4, %scatter3A_435] : memref<2x4992xi32, #tpu.memory_space<vmem>> -> memref<1x4992xi32, #tpu.memory_space<vmem>>
      %scatter3A_437 = tpu.memref_squeeze %scatter3A_436 : memref<1x4992xi32, #tpu.memory_space<vmem>> -> memref<4992xi32, #tpu.memory_space<vmem>>
      tpu.vector_store_idx %scatter3A_437[%add3A_434], %add3A_431 : memref<4992xi32, #tpu.memory_space<vmem>>[vector<16xi32>], vector<16xi32>,
      %mul3A_438 = arith.constant 3 : i32
      %mul3A_439 = vector.broadcast %mul3A_438 : i32 to vector<16xi32>
      %mul3A_440 = arith.muli %add3A_389, %mul3A_439 : vector<16xi32>
      %convert_element_type3A_441 = arith.sitofp %mul3A_440 : vector<16xi32> to vector<16xf32>
      %mul3A_442 = arith.constant 9.99999974E-6 : f32
      %mul3A_443 = vector.broadcast %mul3A_442 : f32 to vector<16xf32>
      %mul3A_444 = arith.mulf %convert_element_type3A_441, %mul3A_443 : vector<16xf32>
      %convert_element_type3A_445 = arith.fptosi %mul3A_444 : vector<16xf32> to vector<16xi32>
      %mul3A_446 = arith.constant 100000 : i32
      %mul3A_447 = vector.broadcast %mul3A_446 : i32 to vector<16xi32>
      %mul3A_448 = arith.muli %convert_element_type3A_445, %mul3A_447 : vector<16xi32>
      %sub3A_449 = arith.subi %mul3A_440, %mul3A_448 : vector<16xi32>
      %lt3A_450 = arith.constant 0 : i32
      %lt3A_451 = vector.broadcast %lt3A_450 : i32 to vector<16xi32>
      %lt3A_452 = arith.cmpi slt, %sub3A_449, %lt3A_451 : vector<16xi32>
      %add3A_453 = arith.constant 100000 : i32
      %add3A_454 = vector.broadcast %add3A_453 : i32 to vector<16xi32>
      %add3A_455 = arith.addi %sub3A_449, %add3A_454 : vector<16xi32>
      %select_n3A_456 = arith.select %lt3A_452, %add3A_455, %sub3A_449 : vector<16xi1>, vector<16xi32>
      %lt3A_457 = arith.constant 0 : i32
      %lt3A_458 = vector.broadcast %lt3A_457 : i32 to vector<16xi32>
      %lt3A_459 = arith.cmpi slt, %select_n3A_456, %lt3A_458 : vector<16xi32>
      %add3A_460 = arith.constant 100000 : i32
      %add3A_461 = vector.broadcast %add3A_460 : i32 to vector<16xi32>
      %add3A_462 = arith.addi %select_n3A_456, %add3A_461 : vector<16xi32>
      %select_n3A_463 = arith.select %lt3A_459, %add3A_462, %select_n3A_456 : vector<16xi1>, vector<16xi32>
      %ge3A_464 = arith.constant 100000 : i32
      %ge3A_465 = vector.broadcast %ge3A_464 : i32 to vector<16xi32>
      %ge3A_466 = arith.cmpi sge, %select_n3A_463, %ge3A_465 : vector<16xi32>
      %sub3A_467 = arith.constant 100000 : i32
      %sub3A_468 = vector.broadcast %sub3A_467 : i32 to vector<16xi32>
      %sub3A_469 = arith.subi %select_n3A_463, %sub3A_468 : vector<16xi32>
      %select_n3A_470 = arith.select %ge3A_466, %sub3A_469, %select_n3A_463 : vector<16xi1>, vector<16xi32>
      %add3A_471 = arith.constant 900000 : i32
      %add3A_472 = vector.broadcast %add3A_471 : i32 to vector<16xi32>
      %add3A_473 = arith.addi %select_n3A_470, %add3A_472 : vector<16xi32>
      %add3A_474 = arith.constant 1 : i32
      %add3A_475 = vector.broadcast %add3A_474 : i32 to vector<16xi32>
      %add3A_476 = arith.addi %add3A_395, %add3A_475 : vector<16xi32>
      %scatter3A_477 = arith.constant 0 : i32
      %scatter3A_478 = tpu.memref_slice %arg6[%scan3A_4, %scatter3A_477] : memref<2x4992xi32, #tpu.memory_space<vmem>> -> memref<1x4992xi32, #tpu.memory_space<vmem>>
      %scatter3A_479 = tpu.memref_squeeze %scatter3A_478 : memref<1x4992xi32, #tpu.memory_space<vmem>> -> memref<4992xi32, #tpu.memory_space<vmem>>
      tpu.vector_store_idx %scatter3A_479[%add3A_476], %add3A_473 : memref<4992xi32, #tpu.memory_space<vmem>>[vector<16xi32>], vector<16xi32>,
      %mul3A_480 = arith.constant 5 : i32
      %mul3A_481 = vector.broadcast %mul3A_480 : i32 to vector<16xi32>
      %mul3A_482 = arith.muli %add3A_389, %mul3A_481 : vector<16xi32>
      %convert_element_type3A_483 = arith.sitofp %mul3A_482 : vector<16xi32> to vector<16xf32>
      %mul3A_484 = arith.constant 9.99999974E-6 : f32
      %mul3A_485 = vector.broadcast %mul3A_484 : f32 to vector<16xf32>
      %mul3A_486 = arith.mulf %convert_element_type3A_483, %mul3A_485 : vector<16xf32>
      %convert_element_type3A_487 = arith.fptosi %mul3A_486 : vector<16xf32> to vector<16xi32>
      %mul3A_488 = arith.constant 100000 : i32
      %mul3A_489 = vector.broadcast %mul3A_488 : i32 to vector<16xi32>
      %mul3A_490 = arith.muli %convert_element_type3A_487, %mul3A_489 : vector<16xi32>
      %sub3A_491 = arith.subi %mul3A_482, %mul3A_490 : vector<16xi32>
      %lt3A_492 = arith.constant 0 : i32
      %lt3A_493 = vector.broadcast %lt3A_492 : i32 to vector<16xi32>
      %lt3A_494 = arith.cmpi slt, %sub3A_491, %lt3A_493 : vector<16xi32>
      %add3A_495 = arith.constant 100000 : i32
      %add3A_496 = vector.broadcast %add3A_495 : i32 to vector<16xi32>
      %add3A_497 = arith.addi %sub3A_491, %add3A_496 : vector<16xi32>
      %select_n3A_498 = arith.select %lt3A_494, %add3A_497, %sub3A_491 : vector<16xi1>, vector<16xi32>
      %lt3A_499 = arith.constant 0 : i32
      %lt3A_500 = vector.broadcast %lt3A_499 : i32 to vector<16xi32>
      %lt3A_501 = arith.cmpi slt, %select_n3A_498, %lt3A_500 : vector<16xi32>
      %add3A_502 = arith.constant 100000 : i32
      %add3A_503 = vector.broadcast %add3A_502 : i32 to vector<16xi32>
      %add3A_504 = arith.addi %select_n3A_498, %add3A_503 : vector<16xi32>
      %select_n3A_505 = arith.select %lt3A_501, %add3A_504, %select_n3A_498 : vector<16xi1>, vector<16xi32>
      %ge3A_506 = arith.constant 100000 : i32
      %ge3A_507 = vector.broadcast %ge3A_506 : i32 to vector<16xi32>
      %ge3A_508 = arith.cmpi sge, %select_n3A_505, %ge3A_507 : vector<16xi32>
      %sub3A_509 = arith.constant 100000 : i32
      %sub3A_510 = vector.broadcast %sub3A_509 : i32 to vector<16xi32>
      %sub3A_511 = arith.subi %select_n3A_505, %sub3A_510 : vector<16xi32>
      %select_n3A_512 = arith.select %ge3A_508, %sub3A_511, %select_n3A_505 : vector<16xi1>, vector<16xi32>
      %add3A_513 = arith.constant 1000000 : i32
      %add3A_514 = vector.broadcast %add3A_513 : i32 to vector<16xi32>
      %add3A_515 = arith.addi %select_n3A_512, %add3A_514 : vector<16xi32>
      %add3A_516 = arith.constant 2 : i32
      %add3A_517 = vector.broadcast %add3A_516 : i32 to vector<16xi32>
      %add3A_518 = arith.addi %add3A_395, %add3A_517 : vector<16xi32>
      %scatter3A_519 = arith.constant 0 : i32
      %scatter3A_520 = tpu.memref_slice %arg6[%scan3A_4, %scatter3A_519] : memref<2x4992xi32, #tpu.memory_space<vmem>> -> memref<1x4992xi32, #tpu.memory_space<vmem>>
      %scatter3A_521 = tpu.memref_squeeze %scatter3A_520 : memref<1x4992xi32, #tpu.memory_space<vmem>> -> memref<4992xi32, #tpu.memory_space<vmem>>
      tpu.vector_store_idx %scatter3A_521[%add3A_518], %add3A_515 : memref<4992xi32, #tpu.memory_space<vmem>>[vector<16xi32>], vector<16xi32>,
      %mul3A_522 = arith.constant 7 : i32
      %mul3A_523 = vector.broadcast %mul3A_522 : i32 to vector<16xi32>
      %mul3A_524 = arith.muli %add3A_389, %mul3A_523 : vector<16xi32>
      %convert_element_type3A_525 = arith.sitofp %mul3A_524 : vector<16xi32> to vector<16xf32>
      %mul3A_526 = arith.constant 9.99999974E-6 : f32
      %mul3A_527 = vector.broadcast %mul3A_526 : f32 to vector<16xf32>
      %mul3A_528 = arith.mulf %convert_element_type3A_525, %mul3A_527 : vector<16xf32>
      %convert_element_type3A_529 = arith.fptosi %mul3A_528 : vector<16xf32> to vector<16xi32>
      %mul3A_530 = arith.constant 100000 : i32
      %mul3A_531 = vector.broadcast %mul3A_530 : i32 to vector<16xi32>
      %mul3A_532 = arith.muli %convert_element_type3A_529, %mul3A_531 : vector<16xi32>
      %sub3A_533 = arith.subi %mul3A_524, %mul3A_532 : vector<16xi32>
      %lt3A_534 = arith.constant 0 : i32
      %lt3A_535 = vector.broadcast %lt3A_534 : i32 to vector<16xi32>
      %lt3A_536 = arith.cmpi slt, %sub3A_533, %lt3A_535 : vector<16xi32>
      %add3A_537 = arith.constant 100000 : i32
      %add3A_538 = vector.broadcast %add3A_537 : i32 to vector<16xi32>
      %add3A_539 = arith.addi %sub3A_533, %add3A_538 : vector<16xi32>
      %select_n3A_540 = arith.select %lt3A_536, %add3A_539, %sub3A_533 : vector<16xi1>, vector<16xi32>
      %lt3A_541 = arith.constant 0 : i32
      %lt3A_542 = vector.broadcast %lt3A_541 : i32 to vector<16xi32>
      %lt3A_543 = arith.cmpi slt, %select_n3A_540, %lt3A_542 : vector<16xi32>
      %add3A_544 = arith.constant 100000 : i32
      %add3A_545 = vector.broadcast %add3A_544 : i32 to vector<16xi32>
      %add3A_546 = arith.addi %select_n3A_540, %add3A_545 : vector<16xi32>
      %select_n3A_547 = arith.select %lt3A_543, %add3A_546, %select_n3A_540 : vector<16xi1>, vector<16xi32>
      %ge3A_548 = arith.constant 100000 : i32
      %ge3A_549 = vector.broadcast %ge3A_548 : i32 to vector<16xi32>
      %ge3A_550 = arith.cmpi sge, %select_n3A_547, %ge3A_549 : vector<16xi32>
      %sub3A_551 = arith.constant 100000 : i32
      %sub3A_552 = vector.broadcast %sub3A_551 : i32 to vector<16xi32>
      %sub3A_553 = arith.subi %select_n3A_547, %sub3A_552 : vector<16xi32>
      %select_n3A_554 = arith.select %ge3A_550, %sub3A_553, %select_n3A_547 : vector<16xi1>, vector<16xi32>
      %add3A_555 = arith.constant 1100000 : i32
      %add3A_556 = vector.broadcast %add3A_555 : i32 to vector<16xi32>
      %add3A_557 = arith.addi %select_n3A_554, %add3A_556 : vector<16xi32>
      %add3A_558 = arith.constant 3 : i32
      %add3A_559 = vector.broadcast %add3A_558 : i32 to vector<16xi32>
      %add3A_560 = arith.addi %add3A_395, %add3A_559 : vector<16xi32>
      %scatter3A_561 = arith.constant 0 : i32
      %scatter3A_562 = tpu.memref_slice %arg6[%scan3A_4, %scatter3A_561] : memref<2x4992xi32, #tpu.memory_space<vmem>> -> memref<1x4992xi32, #tpu.memory_space<vmem>>
      %scatter3A_563 = tpu.memref_squeeze %scatter3A_562 : memref<1x4992xi32, #tpu.memory_space<vmem>> -> memref<4992xi32, #tpu.memory_space<vmem>>
      tpu.vector_store_idx %scatter3A_563[%add3A_560], %add3A_557 : memref<4992xi32, #tpu.memory_space<vmem>>[vector<16xi32>], vector<16xi32>,
      %mul3A_564 = arith.constant 11 : i32
      %mul3A_565 = vector.broadcast %mul3A_564 : i32 to vector<16xi32>
      %mul3A_566 = arith.muli %add3A_389, %mul3A_565 : vector<16xi32>
      %convert_element_type3A_567 = arith.sitofp %mul3A_566 : vector<16xi32> to vector<16xf32>
      %mul3A_568 = arith.constant 9.99999974E-6 : f32
      %mul3A_569 = vector.broadcast %mul3A_568 : f32 to vector<16xf32>
      %mul3A_570 = arith.mulf %convert_element_type3A_567, %mul3A_569 : vector<16xf32>
      %convert_element_type3A_571 = arith.fptosi %mul3A_570 : vector<16xf32> to vector<16xi32>
      %mul3A_572 = arith.constant 100000 : i32
      %mul3A_573 = vector.broadcast %mul3A_572 : i32 to vector<16xi32>
      %mul3A_574 = arith.muli %convert_element_type3A_571, %mul3A_573 : vector<16xi32>
      %sub3A_575 = arith.subi %mul3A_566, %mul3A_574 : vector<16xi32>
      %lt3A_576 = arith.constant 0 : i32
      %lt3A_577 = vector.broadcast %lt3A_576 : i32 to vector<16xi32>
      %lt3A_578 = arith.cmpi slt, %sub3A_575, %lt3A_577 : vector<16xi32>
      %add3A_579 = arith.constant 100000 : i32
      %add3A_580 = vector.broadcast %add3A_579 : i32 to vector<16xi32>
      %add3A_581 = arith.addi %sub3A_575, %add3A_580 : vector<16xi32>
      %select_n3A_582 = arith.select %lt3A_578, %add3A_581, %sub3A_575 : vector<16xi1>, vector<16xi32>
      %lt3A_583 = arith.constant 0 : i32
      %lt3A_584 = vector.broadcast %lt3A_583 : i32 to vector<16xi32>
      %lt3A_585 = arith.cmpi slt, %select_n3A_582, %lt3A_584 : vector<16xi32>
      %add3A_586 = arith.constant 100000 : i32
      %add3A_587 = vector.broadcast %add3A_586 : i32 to vector<16xi32>
      %add3A_588 = arith.addi %select_n3A_582, %add3A_587 : vector<16xi32>
      %select_n3A_589 = arith.select %lt3A_585, %add3A_588, %select_n3A_582 : vector<16xi1>, vector<16xi32>
      %ge3A_590 = arith.constant 100000 : i32
      %ge3A_591 = vector.broadcast %ge3A_590 : i32 to vector<16xi32>
      %ge3A_592 = arith.cmpi sge, %select_n3A_589, %ge3A_591 : vector<16xi32>
      %sub3A_593 = arith.constant 100000 : i32
      %sub3A_594 = vector.broadcast %sub3A_593 : i32 to vector<16xi32>
      %sub3A_595 = arith.subi %select_n3A_589, %sub3A_594 : vector<16xi32>
      %select_n3A_596 = arith.select %ge3A_592, %sub3A_595, %select_n3A_589 : vector<16xi1>, vector<16xi32>
      %add3A_597 = arith.constant 1200000 : i32
      %add3A_598 = vector.broadcast %add3A_597 : i32 to vector<16xi32>
      %add3A_599 = arith.addi %select_n3A_596, %add3A_598 : vector<16xi32>
      %add3A_600 = arith.constant 4 : i32
      %add3A_601 = vector.broadcast %add3A_600 : i32 to vector<16xi32>
      %add3A_602 = arith.addi %add3A_395, %add3A_601 : vector<16xi32>
      %scatter3A_603 = arith.constant 0 : i32
      %scatter3A_604 = tpu.memref_slice %arg6[%scan3A_4, %scatter3A_603] : memref<2x4992xi32, #tpu.memory_space<vmem>> -> memref<1x4992xi32, #tpu.memory_space<vmem>>
      %scatter3A_605 = tpu.memref_squeeze %scatter3A_604 : memref<1x4992xi32, #tpu.memory_space<vmem>> -> memref<4992xi32, #tpu.memory_space<vmem>>
      tpu.vector_store_idx %scatter3A_605[%add3A_602], %add3A_599 : memref<4992xi32, #tpu.memory_space<vmem>>[vector<16xi32>], vector<16xi32>,
      %mul3A_606 = arith.constant 13 : i32
      %mul3A_607 = vector.broadcast %mul3A_606 : i32 to vector<16xi32>
      %mul3A_608 = arith.muli %add3A_389, %mul3A_607 : vector<16xi32>
      %convert_element_type3A_609 = arith.sitofp %mul3A_608 : vector<16xi32> to vector<16xf32>
      %mul3A_610 = arith.constant 9.99999974E-6 : f32
      %mul3A_611 = vector.broadcast %mul3A_610 : f32 to vector<16xf32>
      %mul3A_612 = arith.mulf %convert_element_type3A_609, %mul3A_611 : vector<16xf32>
      %convert_element_type3A_613 = arith.fptosi %mul3A_612 : vector<16xf32> to vector<16xi32>
      %mul3A_614 = arith.constant 100000 : i32
      %mul3A_615 = vector.broadcast %mul3A_614 : i32 to vector<16xi32>
      %mul3A_616 = arith.muli %convert_element_type3A_613, %mul3A_615 : vector<16xi32>
      %sub3A_617 = arith.subi %mul3A_608, %mul3A_616 : vector<16xi32>
      %lt3A_618 = arith.constant 0 : i32
      %lt3A_619 = vector.broadcast %lt3A_618 : i32 to vector<16xi32>
      %lt3A_620 = arith.cmpi slt, %sub3A_617, %lt3A_619 : vector<16xi32>
      %add3A_621 = arith.constant 100000 : i32
      %add3A_622 = vector.broadcast %add3A_621 : i32 to vector<16xi32>
      %add3A_623 = arith.addi %sub3A_617, %add3A_622 : vector<16xi32>
      %select_n3A_624 = arith.select %lt3A_620, %add3A_623, %sub3A_617 : vector<16xi1>, vector<16xi32>
      %lt3A_625 = arith.constant 0 : i32
      %lt3A_626 = vector.broadcast %lt3A_625 : i32 to vector<16xi32>
      %lt3A_627 = arith.cmpi slt, %select_n3A_624, %lt3A_626 : vector<16xi32>
      %add3A_628 = arith.constant 100000 : i32
      %add3A_629 = vector.broadcast %add3A_628 : i32 to vector<16xi32>
      %add3A_630 = arith.addi %select_n3A_624, %add3A_629 : vector<16xi32>
      %select_n3A_631 = arith.select %lt3A_627, %add3A_630, %select_n3A_624 : vector<16xi1>, vector<16xi32>
      %ge3A_632 = arith.constant 100000 : i32
      %ge3A_633 = vector.broadcast %ge3A_632 : i32 to vector<16xi32>
      %ge3A_634 = arith.cmpi sge, %select_n3A_631, %ge3A_633 : vector<16xi32>
      %sub3A_635 = arith.constant 100000 : i32
      %sub3A_636 = vector.broadcast %sub3A_635 : i32 to vector<16xi32>
      %sub3A_637 = arith.subi %select_n3A_631, %sub3A_636 : vector<16xi32>
      %select_n3A_638 = arith.select %ge3A_634, %sub3A_637, %select_n3A_631 : vector<16xi1>, vector<16xi32>
      %add3A_639 = arith.constant 1300000 : i32
      %add3A_640 = vector.broadcast %add3A_639 : i32 to vector<16xi32>
      %add3A_641 = arith.addi %select_n3A_638, %add3A_640 : vector<16xi32>
      %add3A_642 = arith.constant 5 : i32
      %add3A_643 = vector.broadcast %add3A_642 : i32 to vector<16xi32>
      %add3A_644 = arith.addi %add3A_395, %add3A_643 : vector<16xi32>
      %scatter3A_645 = arith.constant 0 : i32
      %scatter3A_646 = tpu.memref_slice %arg6[%scan3A_4, %scatter3A_645] : memref<2x4992xi32, #tpu.memory_space<vmem>> -> memref<1x4992xi32, #tpu.memory_space<vmem>>
      %scatter3A_647 = tpu.memref_squeeze %scatter3A_646 : memref<1x4992xi32, #tpu.memory_space<vmem>> -> memref<4992xi32, #tpu.memory_space<vmem>>
      tpu.vector_store_idx %scatter3A_647[%add3A_644], %add3A_641 : memref<4992xi32, #tpu.memory_space<vmem>>[vector<16xi32>], vector<16xi32>,
      %mul3A_648 = arith.constant 17 : i32
      %mul3A_649 = vector.broadcast %mul3A_648 : i32 to vector<16xi32>
      %mul3A_650 = arith.muli %add3A_389, %mul3A_649 : vector<16xi32>
      %convert_element_type3A_651 = arith.sitofp %mul3A_650 : vector<16xi32> to vector<16xf32>
      %mul3A_652 = arith.constant 9.99999974E-6 : f32
      %mul3A_653 = vector.broadcast %mul3A_652 : f32 to vector<16xf32>
      %mul3A_654 = arith.mulf %convert_element_type3A_651, %mul3A_653 : vector<16xf32>
      %convert_element_type3A_655 = arith.fptosi %mul3A_654 : vector<16xf32> to vector<16xi32>
      %mul3A_656 = arith.constant 100000 : i32
      %mul3A_657 = vector.broadcast %mul3A_656 : i32 to vector<16xi32>
      %mul3A_658 = arith.muli %convert_element_type3A_655, %mul3A_657 : vector<16xi32>
      %sub3A_659 = arith.subi %mul3A_650, %mul3A_658 : vector<16xi32>
      %lt3A_660 = arith.constant 0 : i32
      %lt3A_661 = vector.broadcast %lt3A_660 : i32 to vector<16xi32>
      %lt3A_662 = arith.cmpi slt, %sub3A_659, %lt3A_661 : vector<16xi32>
      %add3A_663 = arith.constant 100000 : i32
      %add3A_664 = vector.broadcast %add3A_663 : i32 to vector<16xi32>
      %add3A_665 = arith.addi %sub3A_659, %add3A_664 : vector<16xi32>
      %select_n3A_666 = arith.select %lt3A_662, %add3A_665, %sub3A_659 : vector<16xi1>, vector<16xi32>
      %lt3A_667 = arith.constant 0 : i32
      %lt3A_668 = vector.broadcast %lt3A_667 : i32 to vector<16xi32>
      %lt3A_669 = arith.cmpi slt, %select_n3A_666, %lt3A_668 : vector<16xi32>
      %add3A_670 = arith.constant 100000 : i32
      %add3A_671 = vector.broadcast %add3A_670 : i32 to vector<16xi32>
      %add3A_672 = arith.addi %select_n3A_666, %add3A_671 : vector<16xi32>
      %select_n3A_673 = arith.select %lt3A_669, %add3A_672, %select_n3A_666 : vector<16xi1>, vector<16xi32>
      %ge3A_674 = arith.constant 100000 : i32
      %ge3A_675 = vector.broadcast %ge3A_674 : i32 to vector<16xi32>
      %ge3A_676 = arith.cmpi sge, %select_n3A_673, %ge3A_675 : vector<16xi32>
      %sub3A_677 = arith.constant 100000 : i32
      %sub3A_678 = vector.broadcast %sub3A_677 : i32 to vector<16xi32>
      %sub3A_679 = arith.subi %select_n3A_673, %sub3A_678 : vector<16xi32>
      %select_n3A_680 = arith.select %ge3A_676, %sub3A_679, %select_n3A_673 : vector<16xi1>, vector<16xi32>
      %add3A_681 = arith.constant 1400000 : i32
      %add3A_682 = vector.broadcast %add3A_681 : i32 to vector<16xi32>
      %add3A_683 = arith.addi %select_n3A_680, %add3A_682 : vector<16xi32>
      %add3A_684 = arith.constant 6 : i32
      %add3A_685 = vector.broadcast %add3A_684 : i32 to vector<16xi32>
      %add3A_686 = arith.addi %add3A_395, %add3A_685 : vector<16xi32>
      %scatter3A_687 = arith.constant 0 : i32
      %scatter3A_688 = tpu.memref_slice %arg6[%scan3A_4, %scatter3A_687] : memref<2x4992xi32, #tpu.memory_space<vmem>> -> memref<1x4992xi32, #tpu.memory_space<vmem>>
      %scatter3A_689 = tpu.memref_squeeze %scatter3A_688 : memref<1x4992xi32, #tpu.memory_space<vmem>> -> memref<4992xi32, #tpu.memory_space<vmem>>
      tpu.vector_store_idx %scatter3A_689[%add3A_686], %add3A_683 : memref<4992xi32, #tpu.memory_space<vmem>>[vector<16xi32>], vector<16xi32>,
      %mul3A_690 = arith.constant 19 : i32
      %mul3A_691 = vector.broadcast %mul3A_690 : i32 to vector<16xi32>
      %mul3A_692 = arith.muli %add3A_389, %mul3A_691 : vector<16xi32>
      %convert_element_type3A_693 = arith.sitofp %mul3A_692 : vector<16xi32> to vector<16xf32>
      %mul3A_694 = arith.constant 9.99999974E-6 : f32
      %mul3A_695 = vector.broadcast %mul3A_694 : f32 to vector<16xf32>
      %mul3A_696 = arith.mulf %convert_element_type3A_693, %mul3A_695 : vector<16xf32>
      %convert_element_type3A_697 = arith.fptosi %mul3A_696 : vector<16xf32> to vector<16xi32>
      %mul3A_698 = arith.constant 100000 : i32
      %mul3A_699 = vector.broadcast %mul3A_698 : i32 to vector<16xi32>
      %mul3A_700 = arith.muli %convert_element_type3A_697, %mul3A_699 : vector<16xi32>
      %sub3A_701 = arith.subi %mul3A_692, %mul3A_700 : vector<16xi32>
      %lt3A_702 = arith.constant 0 : i32
      %lt3A_703 = vector.broadcast %lt3A_702 : i32 to vector<16xi32>
      %lt3A_704 = arith.cmpi slt, %sub3A_701, %lt3A_703 : vector<16xi32>
      %add3A_705 = arith.constant 100000 : i32
      %add3A_706 = vector.broadcast %add3A_705 : i32 to vector<16xi32>
      %add3A_707 = arith.addi %sub3A_701, %add3A_706 : vector<16xi32>
      %select_n3A_708 = arith.select %lt3A_704, %add3A_707, %sub3A_701 : vector<16xi1>, vector<16xi32>
      %lt3A_709 = arith.constant 0 : i32
      %lt3A_710 = vector.broadcast %lt3A_709 : i32 to vector<16xi32>
      %lt3A_711 = arith.cmpi slt, %select_n3A_708, %lt3A_710 : vector<16xi32>
      %add3A_712 = arith.constant 100000 : i32
      %add3A_713 = vector.broadcast %add3A_712 : i32 to vector<16xi32>
      %add3A_714 = arith.addi %select_n3A_708, %add3A_713 : vector<16xi32>
      %select_n3A_715 = arith.select %lt3A_711, %add3A_714, %select_n3A_708 : vector<16xi1>, vector<16xi32>
      %ge3A_716 = arith.constant 100000 : i32
      %ge3A_717 = vector.broadcast %ge3A_716 : i32 to vector<16xi32>
      %ge3A_718 = arith.cmpi sge, %select_n3A_715, %ge3A_717 : vector<16xi32>
      %sub3A_719 = arith.constant 100000 : i32
      %sub3A_720 = vector.broadcast %sub3A_719 : i32 to vector<16xi32>
      %sub3A_721 = arith.subi %select_n3A_715, %sub3A_720 : vector<16xi32>
      %select_n3A_722 = arith.select %ge3A_718, %sub3A_721, %select_n3A_715 : vector<16xi1>, vector<16xi32>
      %add3A_723 = arith.constant 1500000 : i32
      %add3A_724 = vector.broadcast %add3A_723 : i32 to vector<16xi32>
      %add3A_725 = arith.addi %select_n3A_722, %add3A_724 : vector<16xi32>
      %add3A_726 = arith.constant 7 : i32
      %add3A_727 = vector.broadcast %add3A_726 : i32 to vector<16xi32>
      %add3A_728 = arith.addi %add3A_395, %add3A_727 : vector<16xi32>
      %scatter3A_729 = arith.constant 0 : i32
      %scatter3A_730 = tpu.memref_slice %arg6[%scan3A_4, %scatter3A_729] : memref<2x4992xi32, #tpu.memory_space<vmem>> -> memref<1x4992xi32, #tpu.memory_space<vmem>>
      %scatter3A_731 = tpu.memref_squeeze %scatter3A_730 : memref<1x4992xi32, #tpu.memory_space<vmem>> -> memref<4992xi32, #tpu.memory_space<vmem>>
      tpu.vector_store_idx %scatter3A_731[%add3A_728], %add3A_725 : memref<4992xi32, #tpu.memory_space<vmem>>[vector<16xi32>], vector<16xi32>,
      %add3A_732 = arith.constant 1 : i32
      %add3A_733 = vector.broadcast %add3A_732 : i32 to vector<16xi32>
      %add3A_734 = arith.addi %add3A_44, %add3A_733 : vector<16xi32>
      %add3A_735 = arith.constant 26 : i32
      %add3A_736 = arith.addi %add3A_735, %scan3A_16 : i32
      %mul3A_737 = arith.constant 128 : i32
      %mul3A_738 = arith.muli %add3A_736, %mul3A_737 : i32
      %add3A_739 = vector.broadcast %mul3A_738 : i32 to vector<16xi32>
      %add3A_740 = arith.addi %mul3A_47, %add3A_739 : vector<16xi32>
      %mul3A_741 = arith.constant 2 : i32
      %mul3A_742 = vector.broadcast %mul3A_741 : i32 to vector<16xi32>
      %mul3A_743 = arith.muli %add3A_734, %mul3A_742 : vector<16xi32>
      %convert_element_type3A_744 = arith.sitofp %mul3A_743 : vector<16xi32> to vector<16xf32>
      %mul3A_745 = arith.constant 9.99999974E-6 : f32
      %mul3A_746 = vector.broadcast %mul3A_745 : f32 to vector<16xf32>
      %mul3A_747 = arith.mulf %convert_element_type3A_744, %mul3A_746 : vector<16xf32>
      %convert_element_type3A_748 = arith.fptosi %mul3A_747 : vector<16xf32> to vector<16xi32>
      %mul3A_749 = arith.constant 100000 : i32
      %mul3A_750 = vector.broadcast %mul3A_749 : i32 to vector<16xi32>
      %mul3A_751 = arith.muli %convert_element_type3A_748, %mul3A_750 : vector<16xi32>
      %sub3A_752 = arith.subi %mul3A_743, %mul3A_751 : vector<16xi32>
      %lt3A_753 = arith.constant 0 : i32
      %lt3A_754 = vector.broadcast %lt3A_753 : i32 to vector<16xi32>
      %lt3A_755 = arith.cmpi slt, %sub3A_752, %lt3A_754 : vector<16xi32>
      %add3A_756 = arith.constant 100000 : i32
      %add3A_757 = vector.broadcast %add3A_756 : i32 to vector<16xi32>
      %add3A_758 = arith.addi %sub3A_752, %add3A_757 : vector<16xi32>
      %select_n3A_759 = arith.select %lt3A_755, %add3A_758, %sub3A_752 : vector<16xi1>, vector<16xi32>
      %lt3A_760 = arith.constant 0 : i32
      %lt3A_761 = vector.broadcast %lt3A_760 : i32 to vector<16xi32>
      %lt3A_762 = arith.cmpi slt, %select_n3A_759, %lt3A_761 : vector<16xi32>
      %add3A_763 = arith.constant 100000 : i32
      %add3A_764 = vector.broadcast %add3A_763 : i32 to vector<16xi32>
      %add3A_765 = arith.addi %select_n3A_759, %add3A_764 : vector<16xi32>
      %select_n3A_766 = arith.select %lt3A_762, %add3A_765, %select_n3A_759 : vector<16xi1>, vector<16xi32>
      %ge3A_767 = arith.constant 100000 : i32
      %ge3A_768 = vector.broadcast %ge3A_767 : i32 to vector<16xi32>
      %ge3A_769 = arith.cmpi sge, %select_n3A_766, %ge3A_768 : vector<16xi32>
      %sub3A_770 = arith.constant 100000 : i32
      %sub3A_771 = vector.broadcast %sub3A_770 : i32 to vector<16xi32>
      %sub3A_772 = arith.subi %select_n3A_766, %sub3A_771 : vector<16xi32>
      %select_n3A_773 = arith.select %ge3A_769, %sub3A_772, %select_n3A_766 : vector<16xi1>, vector<16xi32>
      %add3A_774 = arith.constant 1600000 : i32
      %add3A_775 = vector.broadcast %add3A_774 : i32 to vector<16xi32>
      %add3A_776 = arith.addi %select_n3A_773, %add3A_775 : vector<16xi32>
      %add3A_777 = arith.constant 0 : i32
      %add3A_778 = vector.broadcast %add3A_777 : i32 to vector<16xi32>
      %add3A_779 = arith.addi %add3A_740, %add3A_778 : vector<16xi32>
      %scatter3A_780 = arith.constant 0 : i32
      %scatter3A_781 = tpu.memref_slice %arg6[%scan3A_4, %scatter3A_780] : memref<2x4992xi32, #tpu.memory_space<vmem>> -> memref<1x4992xi32, #tpu.memory_space<vmem>>
      %scatter3A_782 = tpu.memref_squeeze %scatter3A_781 : memref<1x4992xi32, #tpu.memory_space<vmem>> -> memref<4992xi32, #tpu.memory_space<vmem>>
      tpu.vector_store_idx %scatter3A_782[%add3A_779], %add3A_776 : memref<4992xi32, #tpu.memory_space<vmem>>[vector<16xi32>], vector<16xi32>,
      %mul3A_783 = arith.constant 3 : i32
      %mul3A_784 = vector.broadcast %mul3A_783 : i32 to vector<16xi32>
      %mul3A_785 = arith.muli %add3A_734, %mul3A_784 : vector<16xi32>
      %convert_element_type3A_786 = arith.sitofp %mul3A_785 : vector<16xi32> to vector<16xf32>
      %mul3A_787 = arith.constant 9.99999974E-6 : f32
      %mul3A_788 = vector.broadcast %mul3A_787 : f32 to vector<16xf32>
      %mul3A_789 = arith.mulf %convert_element_type3A_786, %mul3A_788 : vector<16xf32>
      %convert_element_type3A_790 = arith.fptosi %mul3A_789 : vector<16xf32> to vector<16xi32>
      %mul3A_791 = arith.constant 100000 : i32
      %mul3A_792 = vector.broadcast %mul3A_791 : i32 to vector<16xi32>
      %mul3A_793 = arith.muli %convert_element_type3A_790, %mul3A_792 : vector<16xi32>
      %sub3A_794 = arith.subi %mul3A_785, %mul3A_793 : vector<16xi32>
      %lt3A_795 = arith.constant 0 : i32
      %lt3A_796 = vector.broadcast %lt3A_795 : i32 to vector<16xi32>
      %lt3A_797 = arith.cmpi slt, %sub3A_794, %lt3A_796 : vector<16xi32>
      %add3A_798 = arith.constant 100000 : i32
      %add3A_799 = vector.broadcast %add3A_798 : i32 to vector<16xi32>
      %add3A_800 = arith.addi %sub3A_794, %add3A_799 : vector<16xi32>
      %select_n3A_801 = arith.select %lt3A_797, %add3A_800, %sub3A_794 : vector<16xi1>, vector<16xi32>
      %lt3A_802 = arith.constant 0 : i32
      %lt3A_803 = vector.broadcast %lt3A_802 : i32 to vector<16xi32>
      %lt3A_804 = arith.cmpi slt, %select_n3A_801, %lt3A_803 : vector<16xi32>
      %add3A_805 = arith.constant 100000 : i32
      %add3A_806 = vector.broadcast %add3A_805 : i32 to vector<16xi32>
      %add3A_807 = arith.addi %select_n3A_801, %add3A_806 : vector<16xi32>
      %select_n3A_808 = arith.select %lt3A_804, %add3A_807, %select_n3A_801 : vector<16xi1>, vector<16xi32>
      %ge3A_809 = arith.constant 100000 : i32
      %ge3A_810 = vector.broadcast %ge3A_809 : i32 to vector<16xi32>
      %ge3A_811 = arith.cmpi sge, %select_n3A_808, %ge3A_810 : vector<16xi32>
      %sub3A_812 = arith.constant 100000 : i32
      %sub3A_813 = vector.broadcast %sub3A_812 : i32 to vector<16xi32>
      %sub3A_814 = arith.subi %select_n3A_808, %sub3A_813 : vector<16xi32>
      %select_n3A_815 = arith.select %ge3A_811, %sub3A_814, %select_n3A_808 : vector<16xi1>, vector<16xi32>
      %add3A_816 = arith.constant 1700000 : i32
      %add3A_817 = vector.broadcast %add3A_816 : i32 to vector<16xi32>
      %add3A_818 = arith.addi %select_n3A_815, %add3A_817 : vector<16xi32>
      %add3A_819 = arith.constant 1 : i32
      %add3A_820 = vector.broadcast %add3A_819 : i32 to vector<16xi32>
      %add3A_821 = arith.addi %add3A_740, %add3A_820 : vector<16xi32>
      %scatter3A_822 = arith.constant 0 : i32
      %scatter3A_823 = tpu.memref_slice %arg6[%scan3A_4, %scatter3A_822] : memref<2x4992xi32, #tpu.memory_space<vmem>> -> memref<1x4992xi32, #tpu.memory_space<vmem>>
      %scatter3A_824 = tpu.memref_squeeze %scatter3A_823 : memref<1x4992xi32, #tpu.memory_space<vmem>> -> memref<4992xi32, #tpu.memory_space<vmem>>
      tpu.vector_store_idx %scatter3A_824[%add3A_821], %add3A_818 : memref<4992xi32, #tpu.memory_space<vmem>>[vector<16xi32>], vector<16xi32>,
      %mul3A_825 = arith.constant 5 : i32
      %mul3A_826 = vector.broadcast %mul3A_825 : i32 to vector<16xi32>
      %mul3A_827 = arith.muli %add3A_734, %mul3A_826 : vector<16xi32>
      %convert_element_type3A_828 = arith.sitofp %mul3A_827 : vector<16xi32> to vector<16xf32>
      %mul3A_829 = arith.constant 9.99999974E-6 : f32
      %mul3A_830 = vector.broadcast %mul3A_829 : f32 to vector<16xf32>
      %mul3A_831 = arith.mulf %convert_element_type3A_828, %mul3A_830 : vector<16xf32>
      %convert_element_type3A_832 = arith.fptosi %mul3A_831 : vector<16xf32> to vector<16xi32>
      %mul3A_833 = arith.constant 100000 : i32
      %mul3A_834 = vector.broadcast %mul3A_833 : i32 to vector<16xi32>
      %mul3A_835 = arith.muli %convert_element_type3A_832, %mul3A_834 : vector<16xi32>
      %sub3A_836 = arith.subi %mul3A_827, %mul3A_835 : vector<16xi32>
      %lt3A_837 = arith.constant 0 : i32
      %lt3A_838 = vector.broadcast %lt3A_837 : i32 to vector<16xi32>
      %lt3A_839 = arith.cmpi slt, %sub3A_836, %lt3A_838 : vector<16xi32>
      %add3A_840 = arith.constant 100000 : i32
      %add3A_841 = vector.broadcast %add3A_840 : i32 to vector<16xi32>
      %add3A_842 = arith.addi %sub3A_836, %add3A_841 : vector<16xi32>
      %select_n3A_843 = arith.select %lt3A_839, %add3A_842, %sub3A_836 : vector<16xi1>, vector<16xi32>
      %lt3A_844 = arith.constant 0 : i32
      %lt3A_845 = vector.broadcast %lt3A_844 : i32 to vector<16xi32>
      %lt3A_846 = arith.cmpi slt, %select_n3A_843, %lt3A_845 : vector<16xi32>
      %add3A_847 = arith.constant 100000 : i32
      %add3A_848 = vector.broadcast %add3A_847 : i32 to vector<16xi32>
      %add3A_849 = arith.addi %select_n3A_843, %add3A_848 : vector<16xi32>
      %select_n3A_850 = arith.select %lt3A_846, %add3A_849, %select_n3A_843 : vector<16xi1>, vector<16xi32>
      %ge3A_851 = arith.constant 100000 : i32
      %ge3A_852 = vector.broadcast %ge3A_851 : i32 to vector<16xi32>
      %ge3A_853 = arith.cmpi sge, %select_n3A_850, %ge3A_852 : vector<16xi32>
      %sub3A_854 = arith.constant 100000 : i32
      %sub3A_855 = vector.broadcast %sub3A_854 : i32 to vector<16xi32>
      %sub3A_856 = arith.subi %select_n3A_850, %sub3A_855 : vector<16xi32>
      %select_n3A_857 = arith.select %ge3A_853, %sub3A_856, %select_n3A_850 : vector<16xi1>, vector<16xi32>
      %add3A_858 = arith.constant 1800000 : i32
      %add3A_859 = vector.broadcast %add3A_858 : i32 to vector<16xi32>
      %add3A_860 = arith.addi %select_n3A_857, %add3A_859 : vector<16xi32>
      %add3A_861 = arith.constant 2 : i32
      %add3A_862 = vector.broadcast %add3A_861 : i32 to vector<16xi32>
      %add3A_863 = arith.addi %add3A_740, %add3A_862 : vector<16xi32>
      %scatter3A_864 = arith.constant 0 : i32
      %scatter3A_865 = tpu.memref_slice %arg6[%scan3A_4, %scatter3A_864] : memref<2x4992xi32, #tpu.memory_space<vmem>> -> memref<1x4992xi32, #tpu.memory_space<vmem>>
      %scatter3A_866 = tpu.memref_squeeze %scatter3A_865 : memref<1x4992xi32, #tpu.memory_space<vmem>> -> memref<4992xi32, #tpu.memory_space<vmem>>
      tpu.vector_store_idx %scatter3A_866[%add3A_863], %add3A_860 : memref<4992xi32, #tpu.memory_space<vmem>>[vector<16xi32>], vector<16xi32>,
      %mul3A_867 = arith.constant 7 : i32
      %mul3A_868 = vector.broadcast %mul3A_867 : i32 to vector<16xi32>
      %mul3A_869 = arith.muli %add3A_734, %mul3A_868 : vector<16xi32>
      %convert_element_type3A_870 = arith.sitofp %mul3A_869 : vector<16xi32> to vector<16xf32>
      %mul3A_871 = arith.constant 9.99999974E-6 : f32
      %mul3A_872 = vector.broadcast %mul3A_871 : f32 to vector<16xf32>
      %mul3A_873 = arith.mulf %convert_element_type3A_870, %mul3A_872 : vector<16xf32>
      %convert_element_type3A_874 = arith.fptosi %mul3A_873 : vector<16xf32> to vector<16xi32>
      %mul3A_875 = arith.constant 100000 : i32
      %mul3A_876 = vector.broadcast %mul3A_875 : i32 to vector<16xi32>
      %mul3A_877 = arith.muli %convert_element_type3A_874, %mul3A_876 : vector<16xi32>
      %sub3A_878 = arith.subi %mul3A_869, %mul3A_877 : vector<16xi32>
      %lt3A_879 = arith.constant 0 : i32
      %lt3A_880 = vector.broadcast %lt3A_879 : i32 to vector<16xi32>
      %lt3A_881 = arith.cmpi slt, %sub3A_878, %lt3A_880 : vector<16xi32>
      %add3A_882 = arith.constant 100000 : i32
      %add3A_883 = vector.broadcast %add3A_882 : i32 to vector<16xi32>
      %add3A_884 = arith.addi %sub3A_878, %add3A_883 : vector<16xi32>
      %select_n3A_885 = arith.select %lt3A_881, %add3A_884, %sub3A_878 : vector<16xi1>, vector<16xi32>
      %lt3A_886 = arith.constant 0 : i32
      %lt3A_887 = vector.broadcast %lt3A_886 : i32 to vector<16xi32>
      %lt3A_888 = arith.cmpi slt, %select_n3A_885, %lt3A_887 : vector<16xi32>
      %add3A_889 = arith.constant 100000 : i32
      %add3A_890 = vector.broadcast %add3A_889 : i32 to vector<16xi32>
      %add3A_891 = arith.addi %select_n3A_885, %add3A_890 : vector<16xi32>
      %select_n3A_892 = arith.select %lt3A_888, %add3A_891, %select_n3A_885 : vector<16xi1>, vector<16xi32>
      %ge3A_893 = arith.constant 100000 : i32
      %ge3A_894 = vector.broadcast %ge3A_893 : i32 to vector<16xi32>
      %ge3A_895 = arith.cmpi sge, %select_n3A_892, %ge3A_894 : vector<16xi32>
      %sub3A_896 = arith.constant 100000 : i32
      %sub3A_897 = vector.broadcast %sub3A_896 : i32 to vector<16xi32>
      %sub3A_898 = arith.subi %select_n3A_892, %sub3A_897 : vector<16xi32>
      %select_n3A_899 = arith.select %ge3A_895, %sub3A_898, %select_n3A_892 : vector<16xi1>, vector<16xi32>
      %add3A_900 = arith.constant 1900000 : i32
      %add3A_901 = vector.broadcast %add3A_900 : i32 to vector<16xi32>
      %add3A_902 = arith.addi %select_n3A_899, %add3A_901 : vector<16xi32>
      %add3A_903 = arith.constant 3 : i32
      %add3A_904 = vector.broadcast %add3A_903 : i32 to vector<16xi32>
      %add3A_905 = arith.addi %add3A_740, %add3A_904 : vector<16xi32>
      %scatter3A_906 = arith.constant 0 : i32
      %scatter3A_907 = tpu.memref_slice %arg6[%scan3A_4, %scatter3A_906] : memref<2x4992xi32, #tpu.memory_space<vmem>> -> memref<1x4992xi32, #tpu.memory_space<vmem>>
      %scatter3A_908 = tpu.memref_squeeze %scatter3A_907 : memref<1x4992xi32, #tpu.memory_space<vmem>> -> memref<4992xi32, #tpu.memory_space<vmem>>
      tpu.vector_store_idx %scatter3A_908[%add3A_905], %add3A_902 : memref<4992xi32, #tpu.memory_space<vmem>>[vector<16xi32>], vector<16xi32>,
      %mul3A_909 = arith.constant 11 : i32
      %mul3A_910 = vector.broadcast %mul3A_909 : i32 to vector<16xi32>
      %mul3A_911 = arith.muli %add3A_734, %mul3A_910 : vector<16xi32>
      %convert_element_type3A_912 = arith.sitofp %mul3A_911 : vector<16xi32> to vector<16xf32>
      %mul3A_913 = arith.constant 9.99999974E-6 : f32
      %mul3A_914 = vector.broadcast %mul3A_913 : f32 to vector<16xf32>
      %mul3A_915 = arith.mulf %convert_element_type3A_912, %mul3A_914 : vector<16xf32>
      %convert_element_type3A_916 = arith.fptosi %mul3A_915 : vector<16xf32> to vector<16xi32>
      %mul3A_917 = arith.constant 100000 : i32
      %mul3A_918 = vector.broadcast %mul3A_917 : i32 to vector<16xi32>
      %mul3A_919 = arith.muli %convert_element_type3A_916, %mul3A_918 : vector<16xi32>
      %sub3A_920 = arith.subi %mul3A_911, %mul3A_919 : vector<16xi32>
      %lt3A_921 = arith.constant 0 : i32
      %lt3A_922 = vector.broadcast %lt3A_921 : i32 to vector<16xi32>
      %lt3A_923 = arith.cmpi slt, %sub3A_920, %lt3A_922 : vector<16xi32>
      %add3A_924 = arith.constant 100000 : i32
      %add3A_925 = vector.broadcast %add3A_924 : i32 to vector<16xi32>
      %add3A_926 = arith.addi %sub3A_920, %add3A_925 : vector<16xi32>
      %select_n3A_927 = arith.select %lt3A_923, %add3A_926, %sub3A_920 : vector<16xi1>, vector<16xi32>
      %lt3A_928 = arith.constant 0 : i32
      %lt3A_929 = vector.broadcast %lt3A_928 : i32 to vector<16xi32>
      %lt3A_930 = arith.cmpi slt, %select_n3A_927, %lt3A_929 : vector<16xi32>
      %add3A_931 = arith.constant 100000 : i32
      %add3A_932 = vector.broadcast %add3A_931 : i32 to vector<16xi32>
      %add3A_933 = arith.addi %select_n3A_927, %add3A_932 : vector<16xi32>
      %select_n3A_934 = arith.select %lt3A_930, %add3A_933, %select_n3A_927 : vector<16xi1>, vector<16xi32>
      %ge3A_935 = arith.constant 100000 : i32
      %ge3A_936 = vector.broadcast %ge3A_935 : i32 to vector<16xi32>
      %ge3A_937 = arith.cmpi sge, %select_n3A_934, %ge3A_936 : vector<16xi32>
      %sub3A_938 = arith.constant 100000 : i32
      %sub3A_939 = vector.broadcast %sub3A_938 : i32 to vector<16xi32>
      %sub3A_940 = arith.subi %select_n3A_934, %sub3A_939 : vector<16xi32>
      %select_n3A_941 = arith.select %ge3A_937, %sub3A_940, %select_n3A_934 : vector<16xi1>, vector<16xi32>
      %add3A_942 = arith.constant 2000000 : i32
      %add3A_943 = vector.broadcast %add3A_942 : i32 to vector<16xi32>
      %add3A_944 = arith.addi %select_n3A_941, %add3A_943 : vector<16xi32>
      %add3A_945 = arith.constant 4 : i32
      %add3A_946 = vector.broadcast %add3A_945 : i32 to vector<16xi32>
      %add3A_947 = arith.addi %add3A_740, %add3A_946 : vector<16xi32>
      %scatter3A_948 = arith.constant 0 : i32
      %scatter3A_949 = tpu.memref_slice %arg6[%scan3A_4, %scatter3A_948] : memref<2x4992xi32, #tpu.memory_space<vmem>> -> memref<1x4992xi32, #tpu.memory_space<vmem>>
      %scatter3A_950 = tpu.memref_squeeze %scatter3A_949 : memref<1x4992xi32, #tpu.memory_space<vmem>> -> memref<4992xi32, #tpu.memory_space<vmem>>
      tpu.vector_store_idx %scatter3A_950[%add3A_947], %add3A_944 : memref<4992xi32, #tpu.memory_space<vmem>>[vector<16xi32>], vector<16xi32>,
      %mul3A_951 = arith.constant 13 : i32
      %mul3A_952 = vector.broadcast %mul3A_951 : i32 to vector<16xi32>
      %mul3A_953 = arith.muli %add3A_734, %mul3A_952 : vector<16xi32>
      %convert_element_type3A_954 = arith.sitofp %mul3A_953 : vector<16xi32> to vector<16xf32>
      %mul3A_955 = arith.constant 9.99999974E-6 : f32
      %mul3A_956 = vector.broadcast %mul3A_955 : f32 to vector<16xf32>
      %mul3A_957 = arith.mulf %convert_element_type3A_954, %mul3A_956 : vector<16xf32>
      %convert_element_type3A_958 = arith.fptosi %mul3A_957 : vector<16xf32> to vector<16xi32>
      %mul3A_959 = arith.constant 100000 : i32
      %mul3A_960 = vector.broadcast %mul3A_959 : i32 to vector<16xi32>
      %mul3A_961 = arith.muli %convert_element_type3A_958, %mul3A_960 : vector<16xi32>
      %sub3A_962 = arith.subi %mul3A_953, %mul3A_961 : vector<16xi32>
      %lt3A_963 = arith.constant 0 : i32
      %lt3A_964 = vector.broadcast %lt3A_963 : i32 to vector<16xi32>
      %lt3A_965 = arith.cmpi slt, %sub3A_962, %lt3A_964 : vector<16xi32>
      %add3A_966 = arith.constant 100000 : i32
      %add3A_967 = vector.broadcast %add3A_966 : i32 to vector<16xi32>
      %add3A_968 = arith.addi %sub3A_962, %add3A_967 : vector<16xi32>
      %select_n3A_969 = arith.select %lt3A_965, %add3A_968, %sub3A_962 : vector<16xi1>, vector<16xi32>
      %lt3A_970 = arith.constant 0 : i32
      %lt3A_971 = vector.broadcast %lt3A_970 : i32 to vector<16xi32>
      %lt3A_972 = arith.cmpi slt, %select_n3A_969, %lt3A_971 : vector<16xi32>
      %add3A_973 = arith.constant 100000 : i32
      %add3A_974 = vector.broadcast %add3A_973 : i32 to vector<16xi32>
      %add3A_975 = arith.addi %select_n3A_969, %add3A_974 : vector<16xi32>
      %select_n3A_976 = arith.select %lt3A_972, %add3A_975, %select_n3A_969 : vector<16xi1>, vector<16xi32>
      %ge3A_977 = arith.constant 100000 : i32
      %ge3A_978 = vector.broadcast %ge3A_977 : i32 to vector<16xi32>
      %ge3A_979 = arith.cmpi sge, %select_n3A_976, %ge3A_978 : vector<16xi32>
      %sub3A_980 = arith.constant 100000 : i32
      %sub3A_981 = vector.broadcast %sub3A_980 : i32 to vector<16xi32>
      %sub3A_982 = arith.subi %select_n3A_976, %sub3A_981 : vector<16xi32>
      %select_n3A_983 = arith.select %ge3A_979, %sub3A_982, %select_n3A_976 : vector<16xi1>, vector<16xi32>
      %add3A_984 = arith.constant 2100000 : i32
      %add3A_985 = vector.broadcast %add3A_984 : i32 to vector<16xi32>
      %add3A_986 = arith.addi %select_n3A_983, %add3A_985 : vector<16xi32>
      %add3A_987 = arith.constant 5 : i32
      %add3A_988 = vector.broadcast %add3A_987 : i32 to vector<16xi32>
      %add3A_989 = arith.addi %add3A_740, %add3A_988 : vector<16xi32>
      %scatter3A_990 = arith.constant 0 : i32
      %scatter3A_991 = tpu.memref_slice %arg6[%scan3A_4, %scatter3A_990] : memref<2x4992xi32, #tpu.memory_space<vmem>> -> memref<1x4992xi32, #tpu.memory_space<vmem>>
      %scatter3A_992 = tpu.memref_squeeze %scatter3A_991 : memref<1x4992xi32, #tpu.memory_space<vmem>> -> memref<4992xi32, #tpu.memory_space<vmem>>
      tpu.vector_store_idx %scatter3A_992[%add3A_989], %add3A_986 : memref<4992xi32, #tpu.memory_space<vmem>>[vector<16xi32>], vector<16xi32>,
      %mul3A_993 = arith.constant 17 : i32
      %mul3A_994 = vector.broadcast %mul3A_993 : i32 to vector<16xi32>
      %mul3A_995 = arith.muli %add3A_734, %mul3A_994 : vector<16xi32>
      %convert_element_type3A_996 = arith.sitofp %mul3A_995 : vector<16xi32> to vector<16xf32>
      %mul3A_997 = arith.constant 9.99999974E-6 : f32
      %mul3A_998 = vector.broadcast %mul3A_997 : f32 to vector<16xf32>
      %mul3A_999 = arith.mulf %convert_element_type3A_996, %mul3A_998 : vector<16xf32>
      %convert_element_type3A_1000 = arith.fptosi %mul3A_999 : vector<16xf32> to vector<16xi32>
      %mul3A_1001 = arith.constant 100000 : i32
      %mul3A_1002 = vector.broadcast %mul3A_1001 : i32 to vector<16xi32>
      %mul3A_1003 = arith.muli %convert_element_type3A_1000, %mul3A_1002 : vector<16xi32>
      %sub3A_1004 = arith.subi %mul3A_995, %mul3A_1003 : vector<16xi32>
      %lt3A_1005 = arith.constant 0 : i32
      %lt3A_1006 = vector.broadcast %lt3A_1005 : i32 to vector<16xi32>
      %lt3A_1007 = arith.cmpi slt, %sub3A_1004, %lt3A_1006 : vector<16xi32>
      %add3A_1008 = arith.constant 100000 : i32
      %add3A_1009 = vector.broadcast %add3A_1008 : i32 to vector<16xi32>
      %add3A_1010 = arith.addi %sub3A_1004, %add3A_1009 : vector<16xi32>
      %select_n3A_1011 = arith.select %lt3A_1007, %add3A_1010, %sub3A_1004 : vector<16xi1>, vector<16xi32>
      %lt3A_1012 = arith.constant 0 : i32
      %lt3A_1013 = vector.broadcast %lt3A_1012 : i32 to vector<16xi32>
      %lt3A_1014 = arith.cmpi slt, %select_n3A_1011, %lt3A_1013 : vector<16xi32>
      %add3A_1015 = arith.constant 100000 : i32
      %add3A_1016 = vector.broadcast %add3A_1015 : i32 to vector<16xi32>
      %add3A_1017 = arith.addi %select_n3A_1011, %add3A_1016 : vector<16xi32>
      %select_n3A_1018 = arith.select %lt3A_1014, %add3A_1017, %select_n3A_1011 : vector<16xi1>, vector<16xi32>
      %ge3A_1019 = arith.constant 100000 : i32
      %ge3A_1020 = vector.broadcast %ge3A_1019 : i32 to vector<16xi32>
      %ge3A_1021 = arith.cmpi sge, %select_n3A_1018, %ge3A_1020 : vector<16xi32>
      %sub3A_1022 = arith.constant 100000 : i32
      %sub3A_1023 = vector.broadcast %sub3A_1022 : i32 to vector<16xi32>
      %sub3A_1024 = arith.subi %select_n3A_1018, %sub3A_1023 : vector<16xi32>
      %select_n3A_1025 = arith.select %ge3A_1021, %sub3A_1024, %select_n3A_1018 : vector<16xi1>, vector<16xi32>
      %add3A_1026 = arith.constant 2200000 : i32
      %add3A_1027 = vector.broadcast %add3A_1026 : i32 to vector<16xi32>
      %add3A_1028 = arith.addi %select_n3A_1025, %add3A_1027 : vector<16xi32>
      %add3A_1029 = arith.constant 6 : i32
      %add3A_1030 = vector.broadcast %add3A_1029 : i32 to vector<16xi32>
      %add3A_1031 = arith.addi %add3A_740, %add3A_1030 : vector<16xi32>
      %scatter3A_1032 = arith.constant 0 : i32
      %scatter3A_1033 = tpu.memref_slice %arg6[%scan3A_4, %scatter3A_1032] : memref<2x4992xi32, #tpu.memory_space<vmem>> -> memref<1x4992xi32, #tpu.memory_space<vmem>>
      %scatter3A_1034 = tpu.memref_squeeze %scatter3A_1033 : memref<1x4992xi32, #tpu.memory_space<vmem>> -> memref<4992xi32, #tpu.memory_space<vmem>>
      tpu.vector_store_idx %scatter3A_1034[%add3A_1031], %add3A_1028 : memref<4992xi32, #tpu.memory_space<vmem>>[vector<16xi32>], vector<16xi32>,
      %mul3A_1035 = arith.constant 19 : i32
      %mul3A_1036 = vector.broadcast %mul3A_1035 : i32 to vector<16xi32>
      %mul3A_1037 = arith.muli %add3A_734, %mul3A_1036 : vector<16xi32>
      %convert_element_type3A_1038 = arith.sitofp %mul3A_1037 : vector<16xi32> to vector<16xf32>
      %mul3A_1039 = arith.constant 9.99999974E-6 : f32
      %mul3A_1040 = vector.broadcast %mul3A_1039 : f32 to vector<16xf32>
      %mul3A_1041 = arith.mulf %convert_element_type3A_1038, %mul3A_1040 : vector<16xf32>
      %convert_element_type3A_1042 = arith.fptosi %mul3A_1041 : vector<16xf32> to vector<16xi32>
      %mul3A_1043 = arith.constant 100000 : i32
      %mul3A_1044 = vector.broadcast %mul3A_1043 : i32 to vector<16xi32>
      %mul3A_1045 = arith.muli %convert_element_type3A_1042, %mul3A_1044 : vector<16xi32>
      %sub3A_1046 = arith.subi %mul3A_1037, %mul3A_1045 : vector<16xi32>
      %lt3A_1047 = arith.constant 0 : i32
      %lt3A_1048 = vector.broadcast %lt3A_1047 : i32 to vector<16xi32>
      %lt3A_1049 = arith.cmpi slt, %sub3A_1046, %lt3A_1048 : vector<16xi32>
      %add3A_1050 = arith.constant 100000 : i32
      %add3A_1051 = vector.broadcast %add3A_1050 : i32 to vector<16xi32>
      %add3A_1052 = arith.addi %sub3A_1046, %add3A_1051 : vector<16xi32>
      %select_n3A_1053 = arith.select %lt3A_1049, %add3A_1052, %sub3A_1046 : vector<16xi1>, vector<16xi32>
      %lt3A_1054 = arith.constant 0 : i32
      %lt3A_1055 = vector.broadcast %lt3A_1054 : i32 to vector<16xi32>
      %lt3A_1056 = arith.cmpi slt, %select_n3A_1053, %lt3A_1055 : vector<16xi32>
      %add3A_1057 = arith.constant 100000 : i32
      %add3A_1058 = vector.broadcast %add3A_1057 : i32 to vector<16xi32>
      %add3A_1059 = arith.addi %select_n3A_1053, %add3A_1058 : vector<16xi32>
      %select_n3A_1060 = arith.select %lt3A_1056, %add3A_1059, %select_n3A_1053 : vector<16xi1>, vector<16xi32>
      %ge3A_1061 = arith.constant 100000 : i32
      %ge3A_1062 = vector.broadcast %ge3A_1061 : i32 to vector<16xi32>
      %ge3A_1063 = arith.cmpi sge, %select_n3A_1060, %ge3A_1062 : vector<16xi32>
      %sub3A_1064 = arith.constant 100000 : i32
      %sub3A_1065 = vector.broadcast %sub3A_1064 : i32 to vector<16xi32>
      %sub3A_1066 = arith.subi %select_n3A_1060, %sub3A_1065 : vector<16xi32>
      %select_n3A_1067 = arith.select %ge3A_1063, %sub3A_1066, %select_n3A_1060 : vector<16xi1>, vector<16xi32>
      %add3A_1068 = arith.constant 2300000 : i32
      %add3A_1069 = vector.broadcast %add3A_1068 : i32 to vector<16xi32>
      %add3A_1070 = arith.addi %select_n3A_1067, %add3A_1069 : vector<16xi32>
      %add3A_1071 = arith.constant 7 : i32
      %add3A_1072 = vector.broadcast %add3A_1071 : i32 to vector<16xi32>
      %add3A_1073 = arith.addi %add3A_740, %add3A_1072 : vector<16xi32>
      %scatter3A_1074 = arith.constant 0 : i32
      %scatter3A_1075 = tpu.memref_slice %arg6[%scan3A_4, %scatter3A_1074] : memref<2x4992xi32, #tpu.memory_space<vmem>> -> memref<1x4992xi32, #tpu.memory_space<vmem>>
      %scatter3A_1076 = tpu.memref_squeeze %scatter3A_1075 : memref<1x4992xi32, #tpu.memory_space<vmem>> -> memref<4992xi32, #tpu.memory_space<vmem>>
      tpu.vector_store_idx %scatter3A_1076[%add3A_1073], %add3A_1070 : memref<4992xi32, #tpu.memory_space<vmem>>[vector<16xi32>], vector<16xi32>,
    }
    %scan3A_9 = arith.constant 13 : i32
    %scan3A_10 = arith.constant 0 : i32
    %scan3A_11 = arith.constant 0 : i32
    %scan3A_12 = arith.constant 16 : i32
    %scan3A_13 = arith.addi %scan3A_11, %scan3A_12 : i32
    %scan3A_14 = arith.constant 1 : i32
    scf.for %scan3A_16 = %scan3A_11 to %scan3A_13 step %scan3A_14  : i32 {
      %mul3A_17 = arith.constant 2 : i32
      %mul3A_18 = arith.muli %mul3A_17, %scan3A_16 : i32
      %dma_start3A = arith.constant 0 : i32
      %dma_start3A_19 = arith.constant 0 : i32
      %dma_start3A_20 = tpu.memref_slice %arg6[%dma_start3A, %dma_start3A_19] : memref<2x4992xi32, #tpu.memory_space<vmem>> -> memref<1x4992xi32, #tpu.memory_space<vmem>>
      %dma_start3A_21 = tpu.memref_squeeze %dma_start3A_20 : memref<1x4992xi32, #tpu.memory_space<vmem>> -> memref<4992xi32, #tpu.memory_space<vmem>>
      %dma_start3A_22 = arith.constant 0 : i32
      %dma_start3A_23 = arith.constant 0 : i32
      %dma_start3A_24 = tpu.memref_slice %arg3[%dma_start3A_22, %dma_start3A_23] : memref<2400000x16xf32, #tpu.memory_space<hbm>> -> memref<2400000x16xf32, #tpu.memory_space<hbm>>
      tpu.enqueue_indirect_dma source(%dma_start3A_24 : memref<2400000x16xf32, #tpu.memory_space<hbm>>) target(%arg7 : memref<4992x16xf32, #tpu.memory_space<vmem>>) offsets(%dma_start3A_21 : memref<4992xi32, #tpu.memory_space<vmem>>) semaphore(%arg8 : memref<!tpu.dma_semaphore, #tpu.memory_space<semaphore_mem>>)
      %add3A_25 = arith.constant 1 : i32
      %add3A_26 = arith.addi %mul3A_18, %add3A_25 : i32
      %scan3A_27 = arith.constant 0 : i32
      %scan3A_28 = arith.constant 1 : i32
      %scan3A_29 = arith.constant 0 : i32
      %scan3A_30 = arith.constant 13 : i32
      %scan3A_31 = arith.addi %scan3A_29, %scan3A_30 : i32
      %scan3A_32 = arith.constant 1 : i32
      scf.for %scan3A_84 = %scan3A_29 to %scan3A_31 step %scan3A_32  : i32 {
        %mul3A_85 = arith.constant 16 : i32
        %mul3A_86 = arith.muli %scan3A_84, %mul3A_85 : i32
        %multiple_of3A = tpu.assume_multiple %mul3A_86, 16 : i32
        %get3A = arith.constant 0 : i32
        %get3A_87 = tpu.memref_slice %arg5[%add3A_26, %get3A] : memref<32x256xi32, #tpu.memory_space<vmem>> -> memref<1x256xi32, #tpu.memory_space<vmem>>
        %get3A_88 = tpu.memref_squeeze %get3A_87 : memref<1x256xi32, #tpu.memory_space<vmem>> -> memref<256xi32, #tpu.memory_space<vmem>>
        %get3A_89 = arith.index_cast %multiple_of3A : i32 to index
        %get3A_90 = tpu.vector_load %get3A_88[%get3A_89] {strides = array<i32>} : memref<256xi32, #tpu.memory_space<vmem>>, vector<16xi32>,
        %add3A_91 = arith.constant 1 : i32
        %add3A_92 = arith.addi %multiple_of3A, %add3A_91 : i32
        %get3A_93 = arith.constant 0 : i32
        %get3A_94 = tpu.memref_slice %arg5[%add3A_26, %get3A_93] : memref<32x256xi32, #tpu.memory_space<vmem>> -> memref<1x256xi32, #tpu.memory_space<vmem>>
        %get3A_95 = tpu.memref_squeeze %get3A_94 : memref<1x256xi32, #tpu.memory_space<vmem>> -> memref<256xi32, #tpu.memory_space<vmem>>
        %get3A_96 = arith.index_cast %add3A_92 : i32 to index
        %get3A_97 = tpu.vector_load %get3A_95[%get3A_96] {strides = array<i32>} : memref<256xi32, #tpu.memory_space<vmem>>, vector<16xi32>,
        %add3A_98 = arith.constant 2 : i32
        %add3A_99 = arith.addi %multiple_of3A, %add3A_98 : i32
        %get3A_100 = arith.constant 0 : i32
        %get3A_101 = tpu.memref_slice %arg5[%add3A_26, %get3A_100] : memref<32x256xi32, #tpu.memory_space<vmem>> -> memref<1x256xi32, #tpu.memory_space<vmem>>
        %get3A_102 = tpu.memref_squeeze %get3A_101 : memref<1x256xi32, #tpu.memory_space<vmem>> -> memref<256xi32, #tpu.memory_space<vmem>>
        %get3A_103 = arith.index_cast %add3A_99 : i32 to index
        %get3A_104 = tpu.vector_load %get3A_102[%get3A_103] {strides = array<i32>} : memref<256xi32, #tpu.memory_space<vmem>>, vector<16xi32>,
        %mul3A_105 = arith.constant 1000003 : i32
        %mul3A_106 = vector.broadcast %mul3A_105 : i32 to vector<16xi32>
        %mul3A_107 = arith.muli %get3A_90, %mul3A_106 : vector<16xi32>
        %add3A_108 = arith.addi %mul3A_107, %get3A_97 : vector<16xi32>
        %mul3A_109 = arith.constant 1000003 : i32
        %mul3A_110 = vector.broadcast %mul3A_109 : i32 to vector<16xi32>
        %mul3A_111 = arith.muli %add3A_108, %mul3A_110 : vector<16xi32>
        %add3A_112 = arith.addi %mul3A_111, %get3A_104 : vector<16xi32>
        %mul3A_113 = arith.constant 8 : i32
        %mul3A_114 = vector.broadcast %mul3A_113 : i32 to vector<16xi32>
        %mul3A_115 = arith.muli %iota3A, %mul3A_114 : vector<16xi32>
        %add3A_116 = arith.constant 1 : i32
        %add3A_117 = vector.broadcast %add3A_116 : i32 to vector<16xi32>
        %add3A_118 = arith.addi %get3A_90, %add3A_117 : vector<16xi32>
        %add3A_119 = arith.constant 0 : i32
        %add3A_120 = arith.addi %add3A_119, %scan3A_84 : i32
        %mul3A_121 = arith.constant 128 : i32
        %mul3A_122 = arith.muli %add3A_120, %mul3A_121 : i32
        %add3A_123 = vector.broadcast %mul3A_122 : i32 to vector<16xi32>
        %add3A_124 = arith.addi %mul3A_115, %add3A_123 : vector<16xi32>
        %mul3A_125 = arith.constant 2 : i32
        %mul3A_126 = vector.broadcast %mul3A_125 : i32 to vector<16xi32>
        %mul3A_127 = arith.muli %add3A_118, %mul3A_126 : vector<16xi32>
        %convert_element_type3A = arith.sitofp %mul3A_127 : vector<16xi32> to vector<16xf32>
        %mul3A_128 = arith.constant 9.99999974E-6 : f32
        %mul3A_129 = vector.broadcast %mul3A_128 : f32 to vector<16xf32>
        %mul3A_130 = arith.mulf %convert_element_type3A, %mul3A_129 : vector<16xf32>
        %convert_element_type3A_131 = arith.fptosi %mul3A_130 : vector<16xf32> to vector<16xi32>
        %mul3A_132 = arith.constant 100000 : i32
        %mul3A_133 = vector.broadcast %mul3A_132 : i32 to vector<16xi32>
        %mul3A_134 = arith.muli %convert_element_type3A_131, %mul3A_133 : vector<16xi32>
        %sub3A = arith.subi %mul3A_127, %mul3A_134 : vector<16xi32>
        %lt3A = arith.constant 0 : i32
        %lt3A_135 = vector.broadcast %lt3A : i32 to vector<16xi32>
        %lt3A_136 = arith.cmpi slt, %sub3A, %lt3A_135 : vector<16xi32>
        %add3A_137 = arith.constant 100000 : i32
        %add3A_138 = vector.broadcast %add3A_137 : i32 to vector<16xi32>
        %add3A_139 = arith.addi %sub3A, %add3A_138 : vector<16xi32>
        %select_n3A = arith.select %lt3A_136, %add3A_139, %sub3A : vector<16xi1>, vector<16xi32>
        %lt3A_140 = arith.constant 0 : i32
        %lt3A_141 = vector.broadcast %lt3A_140 : i32 to vector<16xi32>
        %lt3A_142 = arith.cmpi slt, %select_n3A, %lt3A_141 : vector<16xi32>
        %add3A_143 = arith.constant 100000 : i32
        %add3A_144 = vector.broadcast %add3A_143 : i32 to vector<16xi32>
        %add3A_145 = arith.addi %select_n3A, %add3A_144 : vector<16xi32>
        %select_n3A_146 = arith.select %lt3A_142, %add3A_145, %select_n3A : vector<16xi1>, vector<16xi32>
        %ge3A = arith.constant 100000 : i32
        %ge3A_147 = vector.broadcast %ge3A : i32 to vector<16xi32>
        %ge3A_148 = arith.cmpi sge, %select_n3A_146, %ge3A_147 : vector<16xi32>
        %sub3A_149 = arith.constant 100000 : i32
        %sub3A_150 = vector.broadcast %sub3A_149 : i32 to vector<16xi32>
        %sub3A_151 = arith.subi %select_n3A_146, %sub3A_150 : vector<16xi32>
        %select_n3A_152 = arith.select %ge3A_148, %sub3A_151, %select_n3A_146 : vector<16xi1>, vector<16xi32>
        %add3A_153 = arith.constant 0 : i32
        %add3A_154 = vector.broadcast %add3A_153 : i32 to vector<16xi32>
        %add3A_155 = arith.addi %select_n3A_152, %add3A_154 : vector<16xi32>
        %add3A_156 = arith.constant 0 : i32
        %add3A_157 = vector.broadcast %add3A_156 : i32 to vector<16xi32>
        %add3A_158 = arith.addi %add3A_124, %add3A_157 : vector<16xi32>
        %scatter3A = arith.constant 0 : i32
        %scatter3A_159 = tpu.memref_slice %arg6[%scan3A_28, %scatter3A] : memref<2x4992xi32, #tpu.memory_space<vmem>> -> memref<1x4992xi32, #tpu.memory_space<vmem>>
        %scatter3A_160 = tpu.memref_squeeze %scatter3A_159 : memref<1x4992xi32, #tpu.memory_space<vmem>> -> memref<4992xi32, #tpu.memory_space<vmem>>
        tpu.vector_store_idx %scatter3A_160[%add3A_158], %add3A_155 : memref<4992xi32, #tpu.memory_space<vmem>>[vector<16xi32>], vector<16xi32>,
        %mul3A_161 = arith.constant 3 : i32
        %mul3A_162 = vector.broadcast %mul3A_161 : i32 to vector<16xi32>
        %mul3A_163 = arith.muli %add3A_118, %mul3A_162 : vector<16xi32>
        %convert_element_type3A_164 = arith.sitofp %mul3A_163 : vector<16xi32> to vector<16xf32>
        %mul3A_165 = arith.constant 9.99999974E-6 : f32
        %mul3A_166 = vector.broadcast %mul3A_165 : f32 to vector<16xf32>
        %mul3A_167 = arith.mulf %convert_element_type3A_164, %mul3A_166 : vector<16xf32>
        %convert_element_type3A_168 = arith.fptosi %mul3A_167 : vector<16xf32> to vector<16xi32>
        %mul3A_169 = arith.constant 100000 : i32
        %mul3A_170 = vector.broadcast %mul3A_169 : i32 to vector<16xi32>
        %mul3A_171 = arith.muli %convert_element_type3A_168, %mul3A_170 : vector<16xi32>
        %sub3A_172 = arith.subi %mul3A_163, %mul3A_171 : vector<16xi32>
        %lt3A_173 = arith.constant 0 : i32
        %lt3A_174 = vector.broadcast %lt3A_173 : i32 to vector<16xi32>
        %lt3A_175 = arith.cmpi slt, %sub3A_172, %lt3A_174 : vector<16xi32>
        %add3A_176 = arith.constant 100000 : i32
        %add3A_177 = vector.broadcast %add3A_176 : i32 to vector<16xi32>
        %add3A_178 = arith.addi %sub3A_172, %add3A_177 : vector<16xi32>
        %select_n3A_179 = arith.select %lt3A_175, %add3A_178, %sub3A_172 : vector<16xi1>, vector<16xi32>
        %lt3A_180 = arith.constant 0 : i32
        %lt3A_181 = vector.broadcast %lt3A_180 : i32 to vector<16xi32>
        %lt3A_182 = arith.cmpi slt, %select_n3A_179, %lt3A_181 : vector<16xi32>
        %add3A_183 = arith.constant 100000 : i32
        %add3A_184 = vector.broadcast %add3A_183 : i32 to vector<16xi32>
        %add3A_185 = arith.addi %select_n3A_179, %add3A_184 : vector<16xi32>
        %select_n3A_186 = arith.select %lt3A_182, %add3A_185, %select_n3A_179 : vector<16xi1>, vector<16xi32>
        %ge3A_187 = arith.constant 100000 : i32
        %ge3A_188 = vector.broadcast %ge3A_187 : i32 to vector<16xi32>
        %ge3A_189 = arith.cmpi sge, %select_n3A_186, %ge3A_188 : vector<16xi32>
        %sub3A_190 = arith.constant 100000 : i32
        %sub3A_191 = vector.broadcast %sub3A_190 : i32 to vector<16xi32>
        %sub3A_192 = arith.subi %select_n3A_186, %sub3A_191 : vector<16xi32>
        %select_n3A_193 = arith.select %ge3A_189, %sub3A_192, %select_n3A_186 : vector<16xi1>, vector<16xi32>
        %add3A_194 = arith.constant 100000 : i32
        %add3A_195 = vector.broadcast %add3A_194 : i32 to vector<16xi32>
        %add3A_196 = arith.addi %select_n3A_193, %add3A_195 : vector<16xi32>
        %add3A_197 = arith.constant 1 : i32
        %add3A_198 = vector.broadcast %add3A_197 : i32 to vector<16xi32>
        %add3A_199 = arith.addi %add3A_124, %add3A_198 : vector<16xi32>
        %scatter3A_200 = arith.constant 0 : i32
        %scatter3A_201 = tpu.memref_slice %arg6[%scan3A_28, %scatter3A_200] : memref<2x4992xi32, #tpu.memory_space<vmem>> -> memref<1x4992xi32, #tpu.memory_space<vmem>>
        %scatter3A_202 = tpu.memref_squeeze %scatter3A_201 : memref<1x4992xi32, #tpu.memory_space<vmem>> -> memref<4992xi32, #tpu.memory_space<vmem>>
        tpu.vector_store_idx %scatter3A_202[%add3A_199], %add3A_196 : memref<4992xi32, #tpu.memory_space<vmem>>[vector<16xi32>], vector<16xi32>,
        %mul3A_203 = arith.constant 5 : i32
        %mul3A_204 = vector.broadcast %mul3A_203 : i32 to vector<16xi32>
        %mul3A_205 = arith.muli %add3A_118, %mul3A_204 : vector<16xi32>
        %convert_element_type3A_206 = arith.sitofp %mul3A_205 : vector<16xi32> to vector<16xf32>
        %mul3A_207 = arith.constant 9.99999974E-6 : f32
        %mul3A_208 = vector.broadcast %mul3A_207 : f32 to vector<16xf32>
        %mul3A_209 = arith.mulf %convert_element_type3A_206, %mul3A_208 : vector<16xf32>
        %convert_element_type3A_210 = arith.fptosi %mul3A_209 : vector<16xf32> to vector<16xi32>
        %mul3A_211 = arith.constant 100000 : i32
        %mul3A_212 = vector.broadcast %mul3A_211 : i32 to vector<16xi32>
        %mul3A_213 = arith.muli %convert_element_type3A_210, %mul3A_212 : vector<16xi32>
        %sub3A_214 = arith.subi %mul3A_205, %mul3A_213 : vector<16xi32>
        %lt3A_215 = arith.constant 0 : i32
        %lt3A_216 = vector.broadcast %lt3A_215 : i32 to vector<16xi32>
        %lt3A_217 = arith.cmpi slt, %sub3A_214, %lt3A_216 : vector<16xi32>
        %add3A_218 = arith.constant 100000 : i32
        %add3A_219 = vector.broadcast %add3A_218 : i32 to vector<16xi32>
        %add3A_220 = arith.addi %sub3A_214, %add3A_219 : vector<16xi32>
        %select_n3A_221 = arith.select %lt3A_217, %add3A_220, %sub3A_214 : vector<16xi1>, vector<16xi32>
        %lt3A_222 = arith.constant 0 : i32
        %lt3A_223 = vector.broadcast %lt3A_222 : i32 to vector<16xi32>
        %lt3A_224 = arith.cmpi slt, %select_n3A_221, %lt3A_223 : vector<16xi32>
        %add3A_225 = arith.constant 100000 : i32
        %add3A_226 = vector.broadcast %add3A_225 : i32 to vector<16xi32>
        %add3A_227 = arith.addi %select_n3A_221, %add3A_226 : vector<16xi32>
        %select_n3A_228 = arith.select %lt3A_224, %add3A_227, %select_n3A_221 : vector<16xi1>, vector<16xi32>
        %ge3A_229 = arith.constant 100000 : i32
        %ge3A_230 = vector.broadcast %ge3A_229 : i32 to vector<16xi32>
        %ge3A_231 = arith.cmpi sge, %select_n3A_228, %ge3A_230 : vector<16xi32>
        %sub3A_232 = arith.constant 100000 : i32
        %sub3A_233 = vector.broadcast %sub3A_232 : i32 to vector<16xi32>
        %sub3A_234 = arith.subi %select_n3A_228, %sub3A_233 : vector<16xi32>
        %select_n3A_235 = arith.select %ge3A_231, %sub3A_234, %select_n3A_228 : vector<16xi1>, vector<16xi32>
        %add3A_236 = arith.constant 200000 : i32
        %add3A_237 = vector.broadcast %add3A_236 : i32 to vector<16xi32>
        %add3A_238 = arith.addi %select_n3A_235, %add3A_237 : vector<16xi32>
        %add3A_239 = arith.constant 2 : i32
        %add3A_240 = vector.broadcast %add3A_239 : i32 to vector<16xi32>
        %add3A_241 = arith.addi %add3A_124, %add3A_240 : vector<16xi32>
        %scatter3A_242 = arith.constant 0 : i32
        %scatter3A_243 = tpu.memref_slice %arg6[%scan3A_28, %scatter3A_242] : memref<2x4992xi32, #tpu.memory_space<vmem>> -> memref<1x4992xi32, #tpu.memory_space<vmem>>
        %scatter3A_244 = tpu.memref_squeeze %scatter3A_243 : memref<1x4992xi32, #tpu.memory_space<vmem>> -> memref<4992xi32, #tpu.memory_space<vmem>>
        tpu.vector_store_idx %scatter3A_244[%add3A_241], %add3A_238 : memref<4992xi32, #tpu.memory_space<vmem>>[vector<16xi32>], vector<16xi32>,
        %mul3A_245 = arith.constant 7 : i32
        %mul3A_246 = vector.broadcast %mul3A_245 : i32 to vector<16xi32>
        %mul3A_247 = arith.muli %add3A_118, %mul3A_246 : vector<16xi32>
        %convert_element_type3A_248 = arith.sitofp %mul3A_247 : vector<16xi32> to vector<16xf32>
        %mul3A_249 = arith.constant 9.99999974E-6 : f32
        %mul3A_250 = vector.broadcast %mul3A_249 : f32 to vector<16xf32>
        %mul3A_251 = arith.mulf %convert_element_type3A_248, %mul3A_250 : vector<16xf32>
        %convert_element_type3A_252 = arith.fptosi %mul3A_251 : vector<16xf32> to vector<16xi32>
        %mul3A_253 = arith.constant 100000 : i32
        %mul3A_254 = vector.broadcast %mul3A_253 : i32 to vector<16xi32>
        %mul3A_255 = arith.muli %convert_element_type3A_252, %mul3A_254 : vector<16xi32>
        %sub3A_256 = arith.subi %mul3A_247, %mul3A_255 : vector<16xi32>
        %lt3A_257 = arith.constant 0 : i32
        %lt3A_258 = vector.broadcast %lt3A_257 : i32 to vector<16xi32>
        %lt3A_259 = arith.cmpi slt, %sub3A_256, %lt3A_258 : vector<16xi32>
        %add3A_260 = arith.constant 100000 : i32
        %add3A_261 = vector.broadcast %add3A_260 : i32 to vector<16xi32>
        %add3A_262 = arith.addi %sub3A_256, %add3A_261 : vector<16xi32>
        %select_n3A_263 = arith.select %lt3A_259, %add3A_262, %sub3A_256 : vector<16xi1>, vector<16xi32>
        %lt3A_264 = arith.constant 0 : i32
        %lt3A_265 = vector.broadcast %lt3A_264 : i32 to vector<16xi32>
        %lt3A_266 = arith.cmpi slt, %select_n3A_263, %lt3A_265 : vector<16xi32>
        %add3A_267 = arith.constant 100000 : i32
        %add3A_268 = vector.broadcast %add3A_267 : i32 to vector<16xi32>
        %add3A_269 = arith.addi %select_n3A_263, %add3A_268 : vector<16xi32>
        %select_n3A_270 = arith.select %lt3A_266, %add3A_269, %select_n3A_263 : vector<16xi1>, vector<16xi32>
        %ge3A_271 = arith.constant 100000 : i32
        %ge3A_272 = vector.broadcast %ge3A_271 : i32 to vector<16xi32>
        %ge3A_273 = arith.cmpi sge, %select_n3A_270, %ge3A_272 : vector<16xi32>
        %sub3A_274 = arith.constant 100000 : i32
        %sub3A_275 = vector.broadcast %sub3A_274 : i32 to vector<16xi32>
        %sub3A_276 = arith.subi %select_n3A_270, %sub3A_275 : vector<16xi32>
        %select_n3A_277 = arith.select %ge3A_273, %sub3A_276, %select_n3A_270 : vector<16xi1>, vector<16xi32>
        %add3A_278 = arith.constant 300000 : i32
        %add3A_279 = vector.broadcast %add3A_278 : i32 to vector<16xi32>
        %add3A_280 = arith.addi %select_n3A_277, %add3A_279 : vector<16xi32>
        %add3A_281 = arith.constant 3 : i32
        %add3A_282 = vector.broadcast %add3A_281 : i32 to vector<16xi32>
        %add3A_283 = arith.addi %add3A_124, %add3A_282 : vector<16xi32>
        %scatter3A_284 = arith.constant 0 : i32
        %scatter3A_285 = tpu.memref_slice %arg6[%scan3A_28, %scatter3A_284] : memref<2x4992xi32, #tpu.memory_space<vmem>> -> memref<1x4992xi32, #tpu.memory_space<vmem>>
        %scatter3A_286 = tpu.memref_squeeze %scatter3A_285 : memref<1x4992xi32, #tpu.memory_space<vmem>> -> memref<4992xi32, #tpu.memory_space<vmem>>
        tpu.vector_store_idx %scatter3A_286[%add3A_283], %add3A_280 : memref<4992xi32, #tpu.memory_space<vmem>>[vector<16xi32>], vector<16xi32>,
        %mul3A_287 = arith.constant 11 : i32
        %mul3A_288 = vector.broadcast %mul3A_287 : i32 to vector<16xi32>
        %mul3A_289 = arith.muli %add3A_118, %mul3A_288 : vector<16xi32>
        %convert_element_type3A_290 = arith.sitofp %mul3A_289 : vector<16xi32> to vector<16xf32>
        %mul3A_291 = arith.constant 9.99999974E-6 : f32
        %mul3A_292 = vector.broadcast %mul3A_291 : f32 to vector<16xf32>
        %mul3A_293 = arith.mulf %convert_element_type3A_290, %mul3A_292 : vector<16xf32>
        %convert_element_type3A_294 = arith.fptosi %mul3A_293 : vector<16xf32> to vector<16xi32>
        %mul3A_295 = arith.constant 100000 : i32
        %mul3A_296 = vector.broadcast %mul3A_295 : i32 to vector<16xi32>
        %mul3A_297 = arith.muli %convert_element_type3A_294, %mul3A_296 : vector<16xi32>
        %sub3A_298 = arith.subi %mul3A_289, %mul3A_297 : vector<16xi32>
        %lt3A_299 = arith.constant 0 : i32
        %lt3A_300 = vector.broadcast %lt3A_299 : i32 to vector<16xi32>
        %lt3A_301 = arith.cmpi slt, %sub3A_298, %lt3A_300 : vector<16xi32>
        %add3A_302 = arith.constant 100000 : i32
        %add3A_303 = vector.broadcast %add3A_302 : i32 to vector<16xi32>
        %add3A_304 = arith.addi %sub3A_298, %add3A_303 : vector<16xi32>
        %select_n3A_305 = arith.select %lt3A_301, %add3A_304, %sub3A_298 : vector<16xi1>, vector<16xi32>
        %lt3A_306 = arith.constant 0 : i32
        %lt3A_307 = vector.broadcast %lt3A_306 : i32 to vector<16xi32>
        %lt3A_308 = arith.cmpi slt, %select_n3A_305, %lt3A_307 : vector<16xi32>
        %add3A_309 = arith.constant 100000 : i32
        %add3A_310 = vector.broadcast %add3A_309 : i32 to vector<16xi32>
        %add3A_311 = arith.addi %select_n3A_305, %add3A_310 : vector<16xi32>
        %select_n3A_312 = arith.select %lt3A_308, %add3A_311, %select_n3A_305 : vector<16xi1>, vector<16xi32>
        %ge3A_313 = arith.constant 100000 : i32
        %ge3A_314 = vector.broadcast %ge3A_313 : i32 to vector<16xi32>
        %ge3A_315 = arith.cmpi sge, %select_n3A_312, %ge3A_314 : vector<16xi32>
        %sub3A_316 = arith.constant 100000 : i32
        %sub3A_317 = vector.broadcast %sub3A_316 : i32 to vector<16xi32>
        %sub3A_318 = arith.subi %select_n3A_312, %sub3A_317 : vector<16xi32>
        %select_n3A_319 = arith.select %ge3A_315, %sub3A_318, %select_n3A_312 : vector<16xi1>, vector<16xi32>
        %add3A_320 = arith.constant 400000 : i32
        %add3A_321 = vector.broadcast %add3A_320 : i32 to vector<16xi32>
        %add3A_322 = arith.addi %select_n3A_319, %add3A_321 : vector<16xi32>
        %add3A_323 = arith.constant 4 : i32
        %add3A_324 = vector.broadcast %add3A_323 : i32 to vector<16xi32>
        %add3A_325 = arith.addi %add3A_124, %add3A_324 : vector<16xi32>
        %scatter3A_326 = arith.constant 0 : i32
        %scatter3A_327 = tpu.memref_slice %arg6[%scan3A_28, %scatter3A_326] : memref<2x4992xi32, #tpu.memory_space<vmem>> -> memref<1x4992xi32, #tpu.memory_space<vmem>>
        %scatter3A_328 = tpu.memref_squeeze %scatter3A_327 : memref<1x4992xi32, #tpu.memory_space<vmem>> -> memref<4992xi32, #tpu.memory_space<vmem>>
        tpu.vector_store_idx %scatter3A_328[%add3A_325], %add3A_322 : memref<4992xi32, #tpu.memory_space<vmem>>[vector<16xi32>], vector<16xi32>,
        %mul3A_329 = arith.constant 13 : i32
        %mul3A_330 = vector.broadcast %mul3A_329 : i32 to vector<16xi32>
        %mul3A_331 = arith.muli %add3A_118, %mul3A_330 : vector<16xi32>
        %convert_element_type3A_332 = arith.sitofp %mul3A_331 : vector<16xi32> to vector<16xf32>
        %mul3A_333 = arith.constant 9.99999974E-6 : f32
        %mul3A_334 = vector.broadcast %mul3A_333 : f32 to vector<16xf32>
        %mul3A_335 = arith.mulf %convert_element_type3A_332, %mul3A_334 : vector<16xf32>
        %convert_element_type3A_336 = arith.fptosi %mul3A_335 : vector<16xf32> to vector<16xi32>
        %mul3A_337 = arith.constant 100000 : i32
        %mul3A_338 = vector.broadcast %mul3A_337 : i32 to vector<16xi32>
        %mul3A_339 = arith.muli %convert_element_type3A_336, %mul3A_338 : vector<16xi32>
        %sub3A_340 = arith.subi %mul3A_331, %mul3A_339 : vector<16xi32>
        %lt3A_341 = arith.constant 0 : i32
        %lt3A_342 = vector.broadcast %lt3A_341 : i32 to vector<16xi32>
        %lt3A_343 = arith.cmpi slt, %sub3A_340, %lt3A_342 : vector<16xi32>
        %add3A_344 = arith.constant 100000 : i32
        %add3A_345 = vector.broadcast %add3A_344 : i32 to vector<16xi32>
        %add3A_346 = arith.addi %sub3A_340, %add3A_345 : vector<16xi32>
        %select_n3A_347 = arith.select %lt3A_343, %add3A_346, %sub3A_340 : vector<16xi1>, vector<16xi32>
        %lt3A_348 = arith.constant 0 : i32
        %lt3A_349 = vector.broadcast %lt3A_348 : i32 to vector<16xi32>
        %lt3A_350 = arith.cmpi slt, %select_n3A_347, %lt3A_349 : vector<16xi32>
        %add3A_351 = arith.constant 100000 : i32
        %add3A_352 = vector.broadcast %add3A_351 : i32 to vector<16xi32>
        %add3A_353 = arith.addi %select_n3A_347, %add3A_352 : vector<16xi32>
        %select_n3A_354 = arith.select %lt3A_350, %add3A_353, %select_n3A_347 : vector<16xi1>, vector<16xi32>
        %ge3A_355 = arith.constant 100000 : i32
        %ge3A_356 = vector.broadcast %ge3A_355 : i32 to vector<16xi32>
        %ge3A_357 = arith.cmpi sge, %select_n3A_354, %ge3A_356 : vector<16xi32>
        %sub3A_358 = arith.constant 100000 : i32
        %sub3A_359 = vector.broadcast %sub3A_358 : i32 to vector<16xi32>
        %sub3A_360 = arith.subi %select_n3A_354, %sub3A_359 : vector<16xi32>
        %select_n3A_361 = arith.select %ge3A_357, %sub3A_360, %select_n3A_354 : vector<16xi1>, vector<16xi32>
        %add3A_362 = arith.constant 500000 : i32
        %add3A_363 = vector.broadcast %add3A_362 : i32 to vector<16xi32>
        %add3A_364 = arith.addi %select_n3A_361, %add3A_363 : vector<16xi32>
        %add3A_365 = arith.constant 5 : i32
        %add3A_366 = vector.broadcast %add3A_365 : i32 to vector<16xi32>
        %add3A_367 = arith.addi %add3A_124, %add3A_366 : vector<16xi32>
        %scatter3A_368 = arith.constant 0 : i32
        %scatter3A_369 = tpu.memref_slice %arg6[%scan3A_28, %scatter3A_368] : memref<2x4992xi32, #tpu.memory_space<vmem>> -> memref<1x4992xi32, #tpu.memory_space<vmem>>
        %scatter3A_370 = tpu.memref_squeeze %scatter3A_369 : memref<1x4992xi32, #tpu.memory_space<vmem>> -> memref<4992xi32, #tpu.memory_space<vmem>>
        tpu.vector_store_idx %scatter3A_370[%add3A_367], %add3A_364 : memref<4992xi32, #tpu.memory_space<vmem>>[vector<16xi32>], vector<16xi32>,
        %mul3A_371 = arith.constant 17 : i32
        %mul3A_372 = vector.broadcast %mul3A_371 : i32 to vector<16xi32>
        %mul3A_373 = arith.muli %add3A_118, %mul3A_372 : vector<16xi32>
        %convert_element_type3A_374 = arith.sitofp %mul3A_373 : vector<16xi32> to vector<16xf32>
        %mul3A_375 = arith.constant 9.99999974E-6 : f32
        %mul3A_376 = vector.broadcast %mul3A_375 : f32 to vector<16xf32>
        %mul3A_377 = arith.mulf %convert_element_type3A_374, %mul3A_376 : vector<16xf32>
        %convert_element_type3A_378 = arith.fptosi %mul3A_377 : vector<16xf32> to vector<16xi32>
        %mul3A_379 = arith.constant 100000 : i32
        %mul3A_380 = vector.broadcast %mul3A_379 : i32 to vector<16xi32>
        %mul3A_381 = arith.muli %convert_element_type3A_378, %mul3A_380 : vector<16xi32>
        %sub3A_382 = arith.subi %mul3A_373, %mul3A_381 : vector<16xi32>
        %lt3A_383 = arith.constant 0 : i32
        %lt3A_384 = vector.broadcast %lt3A_383 : i32 to vector<16xi32>
        %lt3A_385 = arith.cmpi slt, %sub3A_382, %lt3A_384 : vector<16xi32>
        %add3A_386 = arith.constant 100000 : i32
        %add3A_387 = vector.broadcast %add3A_386 : i32 to vector<16xi32>
        %add3A_388 = arith.addi %sub3A_382, %add3A_387 : vector<16xi32>
        %select_n3A_389 = arith.select %lt3A_385, %add3A_388, %sub3A_382 : vector<16xi1>, vector<16xi32>
        %lt3A_390 = arith.constant 0 : i32
        %lt3A_391 = vector.broadcast %lt3A_390 : i32 to vector<16xi32>
        %lt3A_392 = arith.cmpi slt, %select_n3A_389, %lt3A_391 : vector<16xi32>
        %add3A_393 = arith.constant 100000 : i32
        %add3A_394 = vector.broadcast %add3A_393 : i32 to vector<16xi32>
        %add3A_395 = arith.addi %select_n3A_389, %add3A_394 : vector<16xi32>
        %select_n3A_396 = arith.select %lt3A_392, %add3A_395, %select_n3A_389 : vector<16xi1>, vector<16xi32>
        %ge3A_397 = arith.constant 100000 : i32
        %ge3A_398 = vector.broadcast %ge3A_397 : i32 to vector<16xi32>
        %ge3A_399 = arith.cmpi sge, %select_n3A_396, %ge3A_398 : vector<16xi32>
        %sub3A_400 = arith.constant 100000 : i32
        %sub3A_401 = vector.broadcast %sub3A_400 : i32 to vector<16xi32>
        %sub3A_402 = arith.subi %select_n3A_396, %sub3A_401 : vector<16xi32>
        %select_n3A_403 = arith.select %ge3A_399, %sub3A_402, %select_n3A_396 : vector<16xi1>, vector<16xi32>
        %add3A_404 = arith.constant 600000 : i32
        %add3A_405 = vector.broadcast %add3A_404 : i32 to vector<16xi32>
        %add3A_406 = arith.addi %select_n3A_403, %add3A_405 : vector<16xi32>
        %add3A_407 = arith.constant 6 : i32
        %add3A_408 = vector.broadcast %add3A_407 : i32 to vector<16xi32>
        %add3A_409 = arith.addi %add3A_124, %add3A_408 : vector<16xi32>
        %scatter3A_410 = arith.constant 0 : i32
        %scatter3A_411 = tpu.memref_slice %arg6[%scan3A_28, %scatter3A_410] : memref<2x4992xi32, #tpu.memory_space<vmem>> -> memref<1x4992xi32, #tpu.memory_space<vmem>>
        %scatter3A_412 = tpu.memref_squeeze %scatter3A_411 : memref<1x4992xi32, #tpu.memory_space<vmem>> -> memref<4992xi32, #tpu.memory_space<vmem>>
        tpu.vector_store_idx %scatter3A_412[%add3A_409], %add3A_406 : memref<4992xi32, #tpu.memory_space<vmem>>[vector<16xi32>], vector<16xi32>,
        %mul3A_413 = arith.constant 19 : i32
        %mul3A_414 = vector.broadcast %mul3A_413 : i32 to vector<16xi32>
        %mul3A_415 = arith.muli %add3A_118, %mul3A_414 : vector<16xi32>
        %convert_element_type3A_416 = arith.sitofp %mul3A_415 : vector<16xi32> to vector<16xf32>
        %mul3A_417 = arith.constant 9.99999974E-6 : f32
        %mul3A_418 = vector.broadcast %mul3A_417 : f32 to vector<16xf32>
        %mul3A_419 = arith.mulf %convert_element_type3A_416, %mul3A_418 : vector<16xf32>
        %convert_element_type3A_420 = arith.fptosi %mul3A_419 : vector<16xf32> to vector<16xi32>
        %mul3A_421 = arith.constant 100000 : i32
        %mul3A_422 = vector.broadcast %mul3A_421 : i32 to vector<16xi32>
        %mul3A_423 = arith.muli %convert_element_type3A_420, %mul3A_422 : vector<16xi32>
        %sub3A_424 = arith.subi %mul3A_415, %mul3A_423 : vector<16xi32>
        %lt3A_425 = arith.constant 0 : i32
        %lt3A_426 = vector.broadcast %lt3A_425 : i32 to vector<16xi32>
        %lt3A_427 = arith.cmpi slt, %sub3A_424, %lt3A_426 : vector<16xi32>
        %add3A_428 = arith.constant 100000 : i32
        %add3A_429 = vector.broadcast %add3A_428 : i32 to vector<16xi32>
        %add3A_430 = arith.addi %sub3A_424, %add3A_429 : vector<16xi32>
        %select_n3A_431 = arith.select %lt3A_427, %add3A_430, %sub3A_424 : vector<16xi1>, vector<16xi32>
        %lt3A_432 = arith.constant 0 : i32
        %lt3A_433 = vector.broadcast %lt3A_432 : i32 to vector<16xi32>
        %lt3A_434 = arith.cmpi slt, %select_n3A_431, %lt3A_433 : vector<16xi32>
        %add3A_435 = arith.constant 100000 : i32
        %add3A_436 = vector.broadcast %add3A_435 : i32 to vector<16xi32>
        %add3A_437 = arith.addi %select_n3A_431, %add3A_436 : vector<16xi32>
        %select_n3A_438 = arith.select %lt3A_434, %add3A_437, %select_n3A_431 : vector<16xi1>, vector<16xi32>
        %ge3A_439 = arith.constant 100000 : i32
        %ge3A_440 = vector.broadcast %ge3A_439 : i32 to vector<16xi32>
        %ge3A_441 = arith.cmpi sge, %select_n3A_438, %ge3A_440 : vector<16xi32>
        %sub3A_442 = arith.constant 100000 : i32
        %sub3A_443 = vector.broadcast %sub3A_442 : i32 to vector<16xi32>
        %sub3A_444 = arith.subi %select_n3A_438, %sub3A_443 : vector<16xi32>
        %select_n3A_445 = arith.select %ge3A_441, %sub3A_444, %select_n3A_438 : vector<16xi1>, vector<16xi32>
        %add3A_446 = arith.constant 700000 : i32
        %add3A_447 = vector.broadcast %add3A_446 : i32 to vector<16xi32>
        %add3A_448 = arith.addi %select_n3A_445, %add3A_447 : vector<16xi32>
        %add3A_449 = arith.constant 7 : i32
        %add3A_450 = vector.broadcast %add3A_449 : i32 to vector<16xi32>
        %add3A_451 = arith.addi %add3A_124, %add3A_450 : vector<16xi32>
        %scatter3A_452 = arith.constant 0 : i32
        %scatter3A_453 = tpu.memref_slice %arg6[%scan3A_28, %scatter3A_452] : memref<2x4992xi32, #tpu.memory_space<vmem>> -> memref<1x4992xi32, #tpu.memory_space<vmem>>
        %scatter3A_454 = tpu.memref_squeeze %scatter3A_453 : memref<1x4992xi32, #tpu.memory_space<vmem>> -> memref<4992xi32, #tpu.memory_space<vmem>>
        tpu.vector_store_idx %scatter3A_454[%add3A_451], %add3A_448 : memref<4992xi32, #tpu.memory_space<vmem>>[vector<16xi32>], vector<16xi32>,
        %add3A_455 = arith.constant 1 : i32
        %add3A_456 = vector.broadcast %add3A_455 : i32 to vector<16xi32>
        %add3A_457 = arith.addi %add3A_108, %add3A_456 : vector<16xi32>
        %add3A_458 = arith.constant 13 : i32
        %add3A_459 = arith.addi %add3A_458, %scan3A_84 : i32
        %mul3A_460 = arith.constant 128 : i32
        %mul3A_461 = arith.muli %add3A_459, %mul3A_460 : i32
        %add3A_462 = vector.broadcast %mul3A_461 : i32 to vector<16xi32>
        %add3A_463 = arith.addi %mul3A_115, %add3A_462 : vector<16xi32>
        %mul3A_464 = arith.constant 2 : i32
        %mul3A_465 = vector.broadcast %mul3A_464 : i32 to vector<16xi32>
        %mul3A_466 = arith.muli %add3A_457, %mul3A_465 : vector<16xi32>
        %convert_element_type3A_467 = arith.sitofp %mul3A_466 : vector<16xi32> to vector<16xf32>
        %mul3A_468 = arith.constant 9.99999974E-6 : f32
        %mul3A_469 = vector.broadcast %mul3A_468 : f32 to vector<16xf32>
        %mul3A_470 = arith.mulf %convert_element_type3A_467, %mul3A_469 : vector<16xf32>
        %convert_element_type3A_471 = arith.fptosi %mul3A_470 : vector<16xf32> to vector<16xi32>
        %mul3A_472 = arith.constant 100000 : i32
        %mul3A_473 = vector.broadcast %mul3A_472 : i32 to vector<16xi32>
        %mul3A_474 = arith.muli %convert_element_type3A_471, %mul3A_473 : vector<16xi32>
        %sub3A_475 = arith.subi %mul3A_466, %mul3A_474 : vector<16xi32>
        %lt3A_476 = arith.constant 0 : i32
        %lt3A_477 = vector.broadcast %lt3A_476 : i32 to vector<16xi32>
        %lt3A_478 = arith.cmpi slt, %sub3A_475, %lt3A_477 : vector<16xi32>
        %add3A_479 = arith.constant 100000 : i32
        %add3A_480 = vector.broadcast %add3A_479 : i32 to vector<16xi32>
        %add3A_481 = arith.addi %sub3A_475, %add3A_480 : vector<16xi32>
        %select_n3A_482 = arith.select %lt3A_478, %add3A_481, %sub3A_475 : vector<16xi1>, vector<16xi32>
        %lt3A_483 = arith.constant 0 : i32
        %lt3A_484 = vector.broadcast %lt3A_483 : i32 to vector<16xi32>
        %lt3A_485 = arith.cmpi slt, %select_n3A_482, %lt3A_484 : vector<16xi32>
        %add3A_486 = arith.constant 100000 : i32
        %add3A_487 = vector.broadcast %add3A_486 : i32 to vector<16xi32>
        %add3A_488 = arith.addi %select_n3A_482, %add3A_487 : vector<16xi32>
        %select_n3A_489 = arith.select %lt3A_485, %add3A_488, %select_n3A_482 : vector<16xi1>, vector<16xi32>
        %ge3A_490 = arith.constant 100000 : i32
        %ge3A_491 = vector.broadcast %ge3A_490 : i32 to vector<16xi32>
        %ge3A_492 = arith.cmpi sge, %select_n3A_489, %ge3A_491 : vector<16xi32>
        %sub3A_493 = arith.constant 100000 : i32
        %sub3A_494 = vector.broadcast %sub3A_493 : i32 to vector<16xi32>
        %sub3A_495 = arith.subi %select_n3A_489, %sub3A_494 : vector<16xi32>
        %select_n3A_496 = arith.select %ge3A_492, %sub3A_495, %select_n3A_489 : vector<16xi1>, vector<16xi32>
        %add3A_497 = arith.constant 800000 : i32
        %add3A_498 = vector.broadcast %add3A_497 : i32 to vector<16xi32>
        %add3A_499 = arith.addi %select_n3A_496, %add3A_498 : vector<16xi32>
        %add3A_500 = arith.constant 0 : i32
        %add3A_501 = vector.broadcast %add3A_500 : i32 to vector<16xi32>
        %add3A_502 = arith.addi %add3A_463, %add3A_501 : vector<16xi32>
        %scatter3A_503 = arith.constant 0 : i32
        %scatter3A_504 = tpu.memref_slice %arg6[%scan3A_28, %scatter3A_503] : memref<2x4992xi32, #tpu.memory_space<vmem>> -> memref<1x4992xi32, #tpu.memory_space<vmem>>
        %scatter3A_505 = tpu.memref_squeeze %scatter3A_504 : memref<1x4992xi32, #tpu.memory_space<vmem>> -> memref<4992xi32, #tpu.memory_space<vmem>>
        tpu.vector_store_idx %scatter3A_505[%add3A_502], %add3A_499 : memref<4992xi32, #tpu.memory_space<vmem>>[vector<16xi32>], vector<16xi32>,
        %mul3A_506 = arith.constant 3 : i32
        %mul3A_507 = vector.broadcast %mul3A_506 : i32 to vector<16xi32>
        %mul3A_508 = arith.muli %add3A_457, %mul3A_507 : vector<16xi32>
        %convert_element_type3A_509 = arith.sitofp %mul3A_508 : vector<16xi32> to vector<16xf32>
        %mul3A_510 = arith.constant 9.99999974E-6 : f32
        %mul3A_511 = vector.broadcast %mul3A_510 : f32 to vector<16xf32>
        %mul3A_512 = arith.mulf %convert_element_type3A_509, %mul3A_511 : vector<16xf32>
        %convert_element_type3A_513 = arith.fptosi %mul3A_512 : vector<16xf32> to vector<16xi32>
        %mul3A_514 = arith.constant 100000 : i32
        %mul3A_515 = vector.broadcast %mul3A_514 : i32 to vector<16xi32>
        %mul3A_516 = arith.muli %convert_element_type3A_513, %mul3A_515 : vector<16xi32>
        %sub3A_517 = arith.subi %mul3A_508, %mul3A_516 : vector<16xi32>
        %lt3A_518 = arith.constant 0 : i32
        %lt3A_519 = vector.broadcast %lt3A_518 : i32 to vector<16xi32>
        %lt3A_520 = arith.cmpi slt, %sub3A_517, %lt3A_519 : vector<16xi32>
        %add3A_521 = arith.constant 100000 : i32
        %add3A_522 = vector.broadcast %add3A_521 : i32 to vector<16xi32>
        %add3A_523 = arith.addi %sub3A_517, %add3A_522 : vector<16xi32>
        %select_n3A_524 = arith.select %lt3A_520, %add3A_523, %sub3A_517 : vector<16xi1>, vector<16xi32>
        %lt3A_525 = arith.constant 0 : i32
        %lt3A_526 = vector.broadcast %lt3A_525 : i32 to vector<16xi32>
        %lt3A_527 = arith.cmpi slt, %select_n3A_524, %lt3A_526 : vector<16xi32>
        %add3A_528 = arith.constant 100000 : i32
        %add3A_529 = vector.broadcast %add3A_528 : i32 to vector<16xi32>
        %add3A_530 = arith.addi %select_n3A_524, %add3A_529 : vector<16xi32>
        %select_n3A_531 = arith.select %lt3A_527, %add3A_530, %select_n3A_524 : vector<16xi1>, vector<16xi32>
        %ge3A_532 = arith.constant 100000 : i32
        %ge3A_533 = vector.broadcast %ge3A_532 : i32 to vector<16xi32>
        %ge3A_534 = arith.cmpi sge, %select_n3A_531, %ge3A_533 : vector<16xi32>
        %sub3A_535 = arith.constant 100000 : i32
        %sub3A_536 = vector.broadcast %sub3A_535 : i32 to vector<16xi32>
        %sub3A_537 = arith.subi %select_n3A_531, %sub3A_536 : vector<16xi32>
        %select_n3A_538 = arith.select %ge3A_534, %sub3A_537, %select_n3A_531 : vector<16xi1>, vector<16xi32>
        %add3A_539 = arith.constant 900000 : i32
        %add3A_540 = vector.broadcast %add3A_539 : i32 to vector<16xi32>
        %add3A_541 = arith.addi %select_n3A_538, %add3A_540 : vector<16xi32>
        %add3A_542 = arith.constant 1 : i32
        %add3A_543 = vector.broadcast %add3A_542 : i32 to vector<16xi32>
        %add3A_544 = arith.addi %add3A_463, %add3A_543 : vector<16xi32>
        %scatter3A_545 = arith.constant 0 : i32
        %scatter3A_546 = tpu.memref_slice %arg6[%scan3A_28, %scatter3A_545] : memref<2x4992xi32, #tpu.memory_space<vmem>> -> memref<1x4992xi32, #tpu.memory_space<vmem>>
        %scatter3A_547 = tpu.memref_squeeze %scatter3A_546 : memref<1x4992xi32, #tpu.memory_space<vmem>> -> memref<4992xi32, #tpu.memory_space<vmem>>
        tpu.vector_store_idx %scatter3A_547[%add3A_544], %add3A_541 : memref<4992xi32, #tpu.memory_space<vmem>>[vector<16xi32>], vector<16xi32>,
        %mul3A_548 = arith.constant 5 : i32
        %mul3A_549 = vector.broadcast %mul3A_548 : i32 to vector<16xi32>
        %mul3A_550 = arith.muli %add3A_457, %mul3A_549 : vector<16xi32>
        %convert_element_type3A_551 = arith.sitofp %mul3A_550 : vector<16xi32> to vector<16xf32>
        %mul3A_552 = arith.constant 9.99999974E-6 : f32
        %mul3A_553 = vector.broadcast %mul3A_552 : f32 to vector<16xf32>
        %mul3A_554 = arith.mulf %convert_element_type3A_551, %mul3A_553 : vector<16xf32>
        %convert_element_type3A_555 = arith.fptosi %mul3A_554 : vector<16xf32> to vector<16xi32>
        %mul3A_556 = arith.constant 100000 : i32
        %mul3A_557 = vector.broadcast %mul3A_556 : i32 to vector<16xi32>
        %mul3A_558 = arith.muli %convert_element_type3A_555, %mul3A_557 : vector<16xi32>
        %sub3A_559 = arith.subi %mul3A_550, %mul3A_558 : vector<16xi32>
        %lt3A_560 = arith.constant 0 : i32
        %lt3A_561 = vector.broadcast %lt3A_560 : i32 to vector<16xi32>
        %lt3A_562 = arith.cmpi slt, %sub3A_559, %lt3A_561 : vector<16xi32>
        %add3A_563 = arith.constant 100000 : i32
        %add3A_564 = vector.broadcast %add3A_563 : i32 to vector<16xi32>
        %add3A_565 = arith.addi %sub3A_559, %add3A_564 : vector<16xi32>
        %select_n3A_566 = arith.select %lt3A_562, %add3A_565, %sub3A_559 : vector<16xi1>, vector<16xi32>
        %lt3A_567 = arith.constant 0 : i32
        %lt3A_568 = vector.broadcast %lt3A_567 : i32 to vector<16xi32>
        %lt3A_569 = arith.cmpi slt, %select_n3A_566, %lt3A_568 : vector<16xi32>
        %add3A_570 = arith.constant 100000 : i32
        %add3A_571 = vector.broadcast %add3A_570 : i32 to vector<16xi32>
        %add3A_572 = arith.addi %select_n3A_566, %add3A_571 : vector<16xi32>
        %select_n3A_573 = arith.select %lt3A_569, %add3A_572, %select_n3A_566 : vector<16xi1>, vector<16xi32>
        %ge3A_574 = arith.constant 100000 : i32
        %ge3A_575 = vector.broadcast %ge3A_574 : i32 to vector<16xi32>
        %ge3A_576 = arith.cmpi sge, %select_n3A_573, %ge3A_575 : vector<16xi32>
        %sub3A_577 = arith.constant 100000 : i32
        %sub3A_578 = vector.broadcast %sub3A_577 : i32 to vector<16xi32>
        %sub3A_579 = arith.subi %select_n3A_573, %sub3A_578 : vector<16xi32>
        %select_n3A_580 = arith.select %ge3A_576, %sub3A_579, %select_n3A_573 : vector<16xi1>, vector<16xi32>
        %add3A_581 = arith.constant 1000000 : i32
        %add3A_582 = vector.broadcast %add3A_581 : i32 to vector<16xi32>
        %add3A_583 = arith.addi %select_n3A_580, %add3A_582 : vector<16xi32>
        %add3A_584 = arith.constant 2 : i32
        %add3A_585 = vector.broadcast %add3A_584 : i32 to vector<16xi32>
        %add3A_586 = arith.addi %add3A_463, %add3A_585 : vector<16xi32>
        %scatter3A_587 = arith.constant 0 : i32
        %scatter3A_588 = tpu.memref_slice %arg6[%scan3A_28, %scatter3A_587] : memref<2x4992xi32, #tpu.memory_space<vmem>> -> memref<1x4992xi32, #tpu.memory_space<vmem>>
        %scatter3A_589 = tpu.memref_squeeze %scatter3A_588 : memref<1x4992xi32, #tpu.memory_space<vmem>> -> memref<4992xi32, #tpu.memory_space<vmem>>
        tpu.vector_store_idx %scatter3A_589[%add3A_586], %add3A_583 : memref<4992xi32, #tpu.memory_space<vmem>>[vector<16xi32>], vector<16xi32>,
        %mul3A_590 = arith.constant 7 : i32
        %mul3A_591 = vector.broadcast %mul3A_590 : i32 to vector<16xi32>
        %mul3A_592 = arith.muli %add3A_457, %mul3A_591 : vector<16xi32>
        %convert_element_type3A_593 = arith.sitofp %mul3A_592 : vector<16xi32> to vector<16xf32>
        %mul3A_594 = arith.constant 9.99999974E-6 : f32
        %mul3A_595 = vector.broadcast %mul3A_594 : f32 to vector<16xf32>
        %mul3A_596 = arith.mulf %convert_element_type3A_593, %mul3A_595 : vector<16xf32>
        %convert_element_type3A_597 = arith.fptosi %mul3A_596 : vector<16xf32> to vector<16xi32>
        %mul3A_598 = arith.constant 100000 : i32
        %mul3A_599 = vector.broadcast %mul3A_598 : i32 to vector<16xi32>
        %mul3A_600 = arith.muli %convert_element_type3A_597, %mul3A_599 : vector<16xi32>
        %sub3A_601 = arith.subi %mul3A_592, %mul3A_600 : vector<16xi32>
        %lt3A_602 = arith.constant 0 : i32
        %lt3A_603 = vector.broadcast %lt3A_602 : i32 to vector<16xi32>
        %lt3A_604 = arith.cmpi slt, %sub3A_601, %lt3A_603 : vector<16xi32>
        %add3A_605 = arith.constant 100000 : i32
        %add3A_606 = vector.broadcast %add3A_605 : i32 to vector<16xi32>
        %add3A_607 = arith.addi %sub3A_601, %add3A_606 : vector<16xi32>
        %select_n3A_608 = arith.select %lt3A_604, %add3A_607, %sub3A_601 : vector<16xi1>, vector<16xi32>
        %lt3A_609 = arith.constant 0 : i32
        %lt3A_610 = vector.broadcast %lt3A_609 : i32 to vector<16xi32>
        %lt3A_611 = arith.cmpi slt, %select_n3A_608, %lt3A_610 : vector<16xi32>
        %add3A_612 = arith.constant 100000 : i32
        %add3A_613 = vector.broadcast %add3A_612 : i32 to vector<16xi32>
        %add3A_614 = arith.addi %select_n3A_608, %add3A_613 : vector<16xi32>
        %select_n3A_615 = arith.select %lt3A_611, %add3A_614, %select_n3A_608 : vector<16xi1>, vector<16xi32>
        %ge3A_616 = arith.constant 100000 : i32
        %ge3A_617 = vector.broadcast %ge3A_616 : i32 to vector<16xi32>
        %ge3A_618 = arith.cmpi sge, %select_n3A_615, %ge3A_617 : vector<16xi32>
        %sub3A_619 = arith.constant 100000 : i32
        %sub3A_620 = vector.broadcast %sub3A_619 : i32 to vector<16xi32>
        %sub3A_621 = arith.subi %select_n3A_615, %sub3A_620 : vector<16xi32>
        %select_n3A_622 = arith.select %ge3A_618, %sub3A_621, %select_n3A_615 : vector<16xi1>, vector<16xi32>
        %add3A_623 = arith.constant 1100000 : i32
        %add3A_624 = vector.broadcast %add3A_623 : i32 to vector<16xi32>
        %add3A_625 = arith.addi %select_n3A_622, %add3A_624 : vector<16xi32>
        %add3A_626 = arith.constant 3 : i32
        %add3A_627 = vector.broadcast %add3A_626 : i32 to vector<16xi32>
        %add3A_628 = arith.addi %add3A_463, %add3A_627 : vector<16xi32>
        %scatter3A_629 = arith.constant 0 : i32
        %scatter3A_630 = tpu.memref_slice %arg6[%scan3A_28, %scatter3A_629] : memref<2x4992xi32, #tpu.memory_space<vmem>> -> memref<1x4992xi32, #tpu.memory_space<vmem>>
        %scatter3A_631 = tpu.memref_squeeze %scatter3A_630 : memref<1x4992xi32, #tpu.memory_space<vmem>> -> memref<4992xi32, #tpu.memory_space<vmem>>
        tpu.vector_store_idx %scatter3A_631[%add3A_628], %add3A_625 : memref<4992xi32, #tpu.memory_space<vmem>>[vector<16xi32>], vector<16xi32>,
        %mul3A_632 = arith.constant 11 : i32
        %mul3A_633 = vector.broadcast %mul3A_632 : i32 to vector<16xi32>
        %mul3A_634 = arith.muli %add3A_457, %mul3A_633 : vector<16xi32>
        %convert_element_type3A_635 = arith.sitofp %mul3A_634 : vector<16xi32> to vector<16xf32>
        %mul3A_636 = arith.constant 9.99999974E-6 : f32
        %mul3A_637 = vector.broadcast %mul3A_636 : f32 to vector<16xf32>
        %mul3A_638 = arith.mulf %convert_element_type3A_635, %mul3A_637 : vector<16xf32>
        %convert_element_type3A_639 = arith.fptosi %mul3A_638 : vector<16xf32> to vector<16xi32>
        %mul3A_640 = arith.constant 100000 : i32
        %mul3A_641 = vector.broadcast %mul3A_640 : i32 to vector<16xi32>
        %mul3A_642 = arith.muli %convert_element_type3A_639, %mul3A_641 : vector<16xi32>
        %sub3A_643 = arith.subi %mul3A_634, %mul3A_642 : vector<16xi32>
        %lt3A_644 = arith.constant 0 : i32
        %lt3A_645 = vector.broadcast %lt3A_644 : i32 to vector<16xi32>
        %lt3A_646 = arith.cmpi slt, %sub3A_643, %lt3A_645 : vector<16xi32>
        %add3A_647 = arith.constant 100000 : i32
        %add3A_648 = vector.broadcast %add3A_647 : i32 to vector<16xi32>
        %add3A_649 = arith.addi %sub3A_643, %add3A_648 : vector<16xi32>
        %select_n3A_650 = arith.select %lt3A_646, %add3A_649, %sub3A_643 : vector<16xi1>, vector<16xi32>
        %lt3A_651 = arith.constant 0 : i32
        %lt3A_652 = vector.broadcast %lt3A_651 : i32 to vector<16xi32>
        %lt3A_653 = arith.cmpi slt, %select_n3A_650, %lt3A_652 : vector<16xi32>
        %add3A_654 = arith.constant 100000 : i32
        %add3A_655 = vector.broadcast %add3A_654 : i32 to vector<16xi32>
        %add3A_656 = arith.addi %select_n3A_650, %add3A_655 : vector<16xi32>
        %select_n3A_657 = arith.select %lt3A_653, %add3A_656, %select_n3A_650 : vector<16xi1>, vector<16xi32>
        %ge3A_658 = arith.constant 100000 : i32
        %ge3A_659 = vector.broadcast %ge3A_658 : i32 to vector<16xi32>
        %ge3A_660 = arith.cmpi sge, %select_n3A_657, %ge3A_659 : vector<16xi32>
        %sub3A_661 = arith.constant 100000 : i32
        %sub3A_662 = vector.broadcast %sub3A_661 : i32 to vector<16xi32>
        %sub3A_663 = arith.subi %select_n3A_657, %sub3A_662 : vector<16xi32>
        %select_n3A_664 = arith.select %ge3A_660, %sub3A_663, %select_n3A_657 : vector<16xi1>, vector<16xi32>
        %add3A_665 = arith.constant 1200000 : i32
        %add3A_666 = vector.broadcast %add3A_665 : i32 to vector<16xi32>
        %add3A_667 = arith.addi %select_n3A_664, %add3A_666 : vector<16xi32>
        %add3A_668 = arith.constant 4 : i32
        %add3A_669 = vector.broadcast %add3A_668 : i32 to vector<16xi32>
        %add3A_670 = arith.addi %add3A_463, %add3A_669 : vector<16xi32>
        %scatter3A_671 = arith.constant 0 : i32
        %scatter3A_672 = tpu.memref_slice %arg6[%scan3A_28, %scatter3A_671] : memref<2x4992xi32, #tpu.memory_space<vmem>> -> memref<1x4992xi32, #tpu.memory_space<vmem>>
        %scatter3A_673 = tpu.memref_squeeze %scatter3A_672 : memref<1x4992xi32, #tpu.memory_space<vmem>> -> memref<4992xi32, #tpu.memory_space<vmem>>
        tpu.vector_store_idx %scatter3A_673[%add3A_670], %add3A_667 : memref<4992xi32, #tpu.memory_space<vmem>>[vector<16xi32>], vector<16xi32>,
        %mul3A_674 = arith.constant 13 : i32
        %mul3A_675 = vector.broadcast %mul3A_674 : i32 to vector<16xi32>
        %mul3A_676 = arith.muli %add3A_457, %mul3A_675 : vector<16xi32>
        %convert_element_type3A_677 = arith.sitofp %mul3A_676 : vector<16xi32> to vector<16xf32>
        %mul3A_678 = arith.constant 9.99999974E-6 : f32
        %mul3A_679 = vector.broadcast %mul3A_678 : f32 to vector<16xf32>
        %mul3A_680 = arith.mulf %convert_element_type3A_677, %mul3A_679 : vector<16xf32>
        %convert_element_type3A_681 = arith.fptosi %mul3A_680 : vector<16xf32> to vector<16xi32>
        %mul3A_682 = arith.constant 100000 : i32
        %mul3A_683 = vector.broadcast %mul3A_682 : i32 to vector<16xi32>
        %mul3A_684 = arith.muli %convert_element_type3A_681, %mul3A_683 : vector<16xi32>
        %sub3A_685 = arith.subi %mul3A_676, %mul3A_684 : vector<16xi32>
        %lt3A_686 = arith.constant 0 : i32
        %lt3A_687 = vector.broadcast %lt3A_686 : i32 to vector<16xi32>
        %lt3A_688 = arith.cmpi slt, %sub3A_685, %lt3A_687 : vector<16xi32>
        %add3A_689 = arith.constant 100000 : i32
        %add3A_690 = vector.broadcast %add3A_689 : i32 to vector<16xi32>
        %add3A_691 = arith.addi %sub3A_685, %add3A_690 : vector<16xi32>
        %select_n3A_692 = arith.select %lt3A_688, %add3A_691, %sub3A_685 : vector<16xi1>, vector<16xi32>
        %lt3A_693 = arith.constant 0 : i32
        %lt3A_694 = vector.broadcast %lt3A_693 : i32 to vector<16xi32>
        %lt3A_695 = arith.cmpi slt, %select_n3A_692, %lt3A_694 : vector<16xi32>
        %add3A_696 = arith.constant 100000 : i32
        %add3A_697 = vector.broadcast %add3A_696 : i32 to vector<16xi32>
        %add3A_698 = arith.addi %select_n3A_692, %add3A_697 : vector<16xi32>
        %select_n3A_699 = arith.select %lt3A_695, %add3A_698, %select_n3A_692 : vector<16xi1>, vector<16xi32>
        %ge3A_700 = arith.constant 100000 : i32
        %ge3A_701 = vector.broadcast %ge3A_700 : i32 to vector<16xi32>
        %ge3A_702 = arith.cmpi sge, %select_n3A_699, %ge3A_701 : vector<16xi32>
        %sub3A_703 = arith.constant 100000 : i32
        %sub3A_704 = vector.broadcast %sub3A_703 : i32 to vector<16xi32>
        %sub3A_705 = arith.subi %select_n3A_699, %sub3A_704 : vector<16xi32>
        %select_n3A_706 = arith.select %ge3A_702, %sub3A_705, %select_n3A_699 : vector<16xi1>, vector<16xi32>
        %add3A_707 = arith.constant 1300000 : i32
        %add3A_708 = vector.broadcast %add3A_707 : i32 to vector<16xi32>
        %add3A_709 = arith.addi %select_n3A_706, %add3A_708 : vector<16xi32>
        %add3A_710 = arith.constant 5 : i32
        %add3A_711 = vector.broadcast %add3A_710 : i32 to vector<16xi32>
        %add3A_712 = arith.addi %add3A_463, %add3A_711 : vector<16xi32>
        %scatter3A_713 = arith.constant 0 : i32
        %scatter3A_714 = tpu.memref_slice %arg6[%scan3A_28, %scatter3A_713] : memref<2x4992xi32, #tpu.memory_space<vmem>> -> memref<1x4992xi32, #tpu.memory_space<vmem>>
        %scatter3A_715 = tpu.memref_squeeze %scatter3A_714 : memref<1x4992xi32, #tpu.memory_space<vmem>> -> memref<4992xi32, #tpu.memory_space<vmem>>
        tpu.vector_store_idx %scatter3A_715[%add3A_712], %add3A_709 : memref<4992xi32, #tpu.memory_space<vmem>>[vector<16xi32>], vector<16xi32>,
        %mul3A_716 = arith.constant 17 : i32
        %mul3A_717 = vector.broadcast %mul3A_716 : i32 to vector<16xi32>
        %mul3A_718 = arith.muli %add3A_457, %mul3A_717 : vector<16xi32>
        %convert_element_type3A_719 = arith.sitofp %mul3A_718 : vector<16xi32> to vector<16xf32>
        %mul3A_720 = arith.constant 9.99999974E-6 : f32
        %mul3A_721 = vector.broadcast %mul3A_720 : f32 to vector<16xf32>
        %mul3A_722 = arith.mulf %convert_element_type3A_719, %mul3A_721 : vector<16xf32>
        %convert_element_type3A_723 = arith.fptosi %mul3A_722 : vector<16xf32> to vector<16xi32>
        %mul3A_724 = arith.constant 100000 : i32
        %mul3A_725 = vector.broadcast %mul3A_724 : i32 to vector<16xi32>
        %mul3A_726 = arith.muli %convert_element_type3A_723, %mul3A_725 : vector<16xi32>
        %sub3A_727 = arith.subi %mul3A_718, %mul3A_726 : vector<16xi32>
        %lt3A_728 = arith.constant 0 : i32
        %lt3A_729 = vector.broadcast %lt3A_728 : i32 to vector<16xi32>
        %lt3A_730 = arith.cmpi slt, %sub3A_727, %lt3A_729 : vector<16xi32>
        %add3A_731 = arith.constant 100000 : i32
        %add3A_732 = vector.broadcast %add3A_731 : i32 to vector<16xi32>
        %add3A_733 = arith.addi %sub3A_727, %add3A_732 : vector<16xi32>
        %select_n3A_734 = arith.select %lt3A_730, %add3A_733, %sub3A_727 : vector<16xi1>, vector<16xi32>
        %lt3A_735 = arith.constant 0 : i32
        %lt3A_736 = vector.broadcast %lt3A_735 : i32 to vector<16xi32>
        %lt3A_737 = arith.cmpi slt, %select_n3A_734, %lt3A_736 : vector<16xi32>
        %add3A_738 = arith.constant 100000 : i32
        %add3A_739 = vector.broadcast %add3A_738 : i32 to vector<16xi32>
        %add3A_740 = arith.addi %select_n3A_734, %add3A_739 : vector<16xi32>
        %select_n3A_741 = arith.select %lt3A_737, %add3A_740, %select_n3A_734 : vector<16xi1>, vector<16xi32>
        %ge3A_742 = arith.constant 100000 : i32
        %ge3A_743 = vector.broadcast %ge3A_742 : i32 to vector<16xi32>
        %ge3A_744 = arith.cmpi sge, %select_n3A_741, %ge3A_743 : vector<16xi32>
        %sub3A_745 = arith.constant 100000 : i32
        %sub3A_746 = vector.broadcast %sub3A_745 : i32 to vector<16xi32>
        %sub3A_747 = arith.subi %select_n3A_741, %sub3A_746 : vector<16xi32>
        %select_n3A_748 = arith.select %ge3A_744, %sub3A_747, %select_n3A_741 : vector<16xi1>, vector<16xi32>
        %add3A_749 = arith.constant 1400000 : i32
        %add3A_750 = vector.broadcast %add3A_749 : i32 to vector<16xi32>
        %add3A_751 = arith.addi %select_n3A_748, %add3A_750 : vector<16xi32>
        %add3A_752 = arith.constant 6 : i32
        %add3A_753 = vector.broadcast %add3A_752 : i32 to vector<16xi32>
        %add3A_754 = arith.addi %add3A_463, %add3A_753 : vector<16xi32>
        %scatter3A_755 = arith.constant 0 : i32
        %scatter3A_756 = tpu.memref_slice %arg6[%scan3A_28, %scatter3A_755] : memref<2x4992xi32, #tpu.memory_space<vmem>> -> memref<1x4992xi32, #tpu.memory_space<vmem>>
        %scatter3A_757 = tpu.memref_squeeze %scatter3A_756 : memref<1x4992xi32, #tpu.memory_space<vmem>> -> memref<4992xi32, #tpu.memory_space<vmem>>
        tpu.vector_store_idx %scatter3A_757[%add3A_754], %add3A_751 : memref<4992xi32, #tpu.memory_space<vmem>>[vector<16xi32>], vector<16xi32>,
        %mul3A_758 = arith.constant 19 : i32
        %mul3A_759 = vector.broadcast %mul3A_758 : i32 to vector<16xi32>
        %mul3A_760 = arith.muli %add3A_457, %mul3A_759 : vector<16xi32>
        %convert_element_type3A_761 = arith.sitofp %mul3A_760 : vector<16xi32> to vector<16xf32>
        %mul3A_762 = arith.constant 9.99999974E-6 : f32
        %mul3A_763 = vector.broadcast %mul3A_762 : f32 to vector<16xf32>
        %mul3A_764 = arith.mulf %convert_element_type3A_761, %mul3A_763 : vector<16xf32>
        %convert_element_type3A_765 = arith.fptosi %mul3A_764 : vector<16xf32> to vector<16xi32>
        %mul3A_766 = arith.constant 100000 : i32
        %mul3A_767 = vector.broadcast %mul3A_766 : i32 to vector<16xi32>
        %mul3A_768 = arith.muli %convert_element_type3A_765, %mul3A_767 : vector<16xi32>
        %sub3A_769 = arith.subi %mul3A_760, %mul3A_768 : vector<16xi32>
        %lt3A_770 = arith.constant 0 : i32
        %lt3A_771 = vector.broadcast %lt3A_770 : i32 to vector<16xi32>
        %lt3A_772 = arith.cmpi slt, %sub3A_769, %lt3A_771 : vector<16xi32>
        %add3A_773 = arith.constant 100000 : i32
        %add3A_774 = vector.broadcast %add3A_773 : i32 to vector<16xi32>
        %add3A_775 = arith.addi %sub3A_769, %add3A_774 : vector<16xi32>
        %select_n3A_776 = arith.select %lt3A_772, %add3A_775, %sub3A_769 : vector<16xi1>, vector<16xi32>
        %lt3A_777 = arith.constant 0 : i32
        %lt3A_778 = vector.broadcast %lt3A_777 : i32 to vector<16xi32>
        %lt3A_779 = arith.cmpi slt, %select_n3A_776, %lt3A_778 : vector<16xi32>
        %add3A_780 = arith.constant 100000 : i32
        %add3A_781 = vector.broadcast %add3A_780 : i32 to vector<16xi32>
        %add3A_782 = arith.addi %select_n3A_776, %add3A_781 : vector<16xi32>
        %select_n3A_783 = arith.select %lt3A_779, %add3A_782, %select_n3A_776 : vector<16xi1>, vector<16xi32>
        %ge3A_784 = arith.constant 100000 : i32
        %ge3A_785 = vector.broadcast %ge3A_784 : i32 to vector<16xi32>
        %ge3A_786 = arith.cmpi sge, %select_n3A_783, %ge3A_785 : vector<16xi32>
        %sub3A_787 = arith.constant 100000 : i32
        %sub3A_788 = vector.broadcast %sub3A_787 : i32 to vector<16xi32>
        %sub3A_789 = arith.subi %select_n3A_783, %sub3A_788 : vector<16xi32>
        %select_n3A_790 = arith.select %ge3A_786, %sub3A_789, %select_n3A_783 : vector<16xi1>, vector<16xi32>
        %add3A_791 = arith.constant 1500000 : i32
        %add3A_792 = vector.broadcast %add3A_791 : i32 to vector<16xi32>
        %add3A_793 = arith.addi %select_n3A_790, %add3A_792 : vector<16xi32>
        %add3A_794 = arith.constant 7 : i32
        %add3A_795 = vector.broadcast %add3A_794 : i32 to vector<16xi32>
        %add3A_796 = arith.addi %add3A_463, %add3A_795 : vector<16xi32>
        %scatter3A_797 = arith.constant 0 : i32
        %scatter3A_798 = tpu.memref_slice %arg6[%scan3A_28, %scatter3A_797] : memref<2x4992xi32, #tpu.memory_space<vmem>> -> memref<1x4992xi32, #tpu.memory_space<vmem>>
        %scatter3A_799 = tpu.memref_squeeze %scatter3A_798 : memref<1x4992xi32, #tpu.memory_space<vmem>> -> memref<4992xi32, #tpu.memory_space<vmem>>
        tpu.vector_store_idx %scatter3A_799[%add3A_796], %add3A_793 : memref<4992xi32, #tpu.memory_space<vmem>>[vector<16xi32>], vector<16xi32>,
        %add3A_800 = arith.constant 1 : i32
        %add3A_801 = vector.broadcast %add3A_800 : i32 to vector<16xi32>
        %add3A_802 = arith.addi %add3A_112, %add3A_801 : vector<16xi32>
        %add3A_803 = arith.constant 26 : i32
        %add3A_804 = arith.addi %add3A_803, %scan3A_84 : i32
        %mul3A_805 = arith.constant 128 : i32
        %mul3A_806 = arith.muli %add3A_804, %mul3A_805 : i32
        %add3A_807 = vector.broadcast %mul3A_806 : i32 to vector<16xi32>
        %add3A_808 = arith.addi %mul3A_115, %add3A_807 : vector<16xi32>
        %mul3A_809 = arith.constant 2 : i32
        %mul3A_810 = vector.broadcast %mul3A_809 : i32 to vector<16xi32>
        %mul3A_811 = arith.muli %add3A_802, %mul3A_810 : vector<16xi32>
        %convert_element_type3A_812 = arith.sitofp %mul3A_811 : vector<16xi32> to vector<16xf32>
        %mul3A_813 = arith.constant 9.99999974E-6 : f32
        %mul3A_814 = vector.broadcast %mul3A_813 : f32 to vector<16xf32>
        %mul3A_815 = arith.mulf %convert_element_type3A_812, %mul3A_814 : vector<16xf32>
        %convert_element_type3A_816 = arith.fptosi %mul3A_815 : vector<16xf32> to vector<16xi32>
        %mul3A_817 = arith.constant 100000 : i32
        %mul3A_818 = vector.broadcast %mul3A_817 : i32 to vector<16xi32>
        %mul3A_819 = arith.muli %convert_element_type3A_816, %mul3A_818 : vector<16xi32>
        %sub3A_820 = arith.subi %mul3A_811, %mul3A_819 : vector<16xi32>
        %lt3A_821 = arith.constant 0 : i32
        %lt3A_822 = vector.broadcast %lt3A_821 : i32 to vector<16xi32>
        %lt3A_823 = arith.cmpi slt, %sub3A_820, %lt3A_822 : vector<16xi32>
        %add3A_824 = arith.constant 100000 : i32
        %add3A_825 = vector.broadcast %add3A_824 : i32 to vector<16xi32>
        %add3A_826 = arith.addi %sub3A_820, %add3A_825 : vector<16xi32>
        %select_n3A_827 = arith.select %lt3A_823, %add3A_826, %sub3A_820 : vector<16xi1>, vector<16xi32>
        %lt3A_828 = arith.constant 0 : i32
        %lt3A_829 = vector.broadcast %lt3A_828 : i32 to vector<16xi32>
        %lt3A_830 = arith.cmpi slt, %select_n3A_827, %lt3A_829 : vector<16xi32>
        %add3A_831 = arith.constant 100000 : i32
        %add3A_832 = vector.broadcast %add3A_831 : i32 to vector<16xi32>
        %add3A_833 = arith.addi %select_n3A_827, %add3A_832 : vector<16xi32>
        %select_n3A_834 = arith.select %lt3A_830, %add3A_833, %select_n3A_827 : vector<16xi1>, vector<16xi32>
        %ge3A_835 = arith.constant 100000 : i32
        %ge3A_836 = vector.broadcast %ge3A_835 : i32 to vector<16xi32>
        %ge3A_837 = arith.cmpi sge, %select_n3A_834, %ge3A_836 : vector<16xi32>
        %sub3A_838 = arith.constant 100000 : i32
        %sub3A_839 = vector.broadcast %sub3A_838 : i32 to vector<16xi32>
        %sub3A_840 = arith.subi %select_n3A_834, %sub3A_839 : vector<16xi32>
        %select_n3A_841 = arith.select %ge3A_837, %sub3A_840, %select_n3A_834 : vector<16xi1>, vector<16xi32>
        %add3A_842 = arith.constant 1600000 : i32
        %add3A_843 = vector.broadcast %add3A_842 : i32 to vector<16xi32>
        %add3A_844 = arith.addi %select_n3A_841, %add3A_843 : vector<16xi32>
        %add3A_845 = arith.constant 0 : i32
        %add3A_846 = vector.broadcast %add3A_845 : i32 to vector<16xi32>
        %add3A_847 = arith.addi %add3A_808, %add3A_846 : vector<16xi32>
        %scatter3A_848 = arith.constant 0 : i32
        %scatter3A_849 = tpu.memref_slice %arg6[%scan3A_28, %scatter3A_848] : memref<2x4992xi32, #tpu.memory_space<vmem>> -> memref<1x4992xi32, #tpu.memory_space<vmem>>
        %scatter3A_850 = tpu.memref_squeeze %scatter3A_849 : memref<1x4992xi32, #tpu.memory_space<vmem>> -> memref<4992xi32, #tpu.memory_space<vmem>>
        tpu.vector_store_idx %scatter3A_850[%add3A_847], %add3A_844 : memref<4992xi32, #tpu.memory_space<vmem>>[vector<16xi32>], vector<16xi32>,
        %mul3A_851 = arith.constant 3 : i32
        %mul3A_852 = vector.broadcast %mul3A_851 : i32 to vector<16xi32>
        %mul3A_853 = arith.muli %add3A_802, %mul3A_852 : vector<16xi32>
        %convert_element_type3A_854 = arith.sitofp %mul3A_853 : vector<16xi32> to vector<16xf32>
        %mul3A_855 = arith.constant 9.99999974E-6 : f32
        %mul3A_856 = vector.broadcast %mul3A_855 : f32 to vector<16xf32>
        %mul3A_857 = arith.mulf %convert_element_type3A_854, %mul3A_856 : vector<16xf32>
        %convert_element_type3A_858 = arith.fptosi %mul3A_857 : vector<16xf32> to vector<16xi32>
        %mul3A_859 = arith.constant 100000 : i32
        %mul3A_860 = vector.broadcast %mul3A_859 : i32 to vector<16xi32>
        %mul3A_861 = arith.muli %convert_element_type3A_858, %mul3A_860 : vector<16xi32>
        %sub3A_862 = arith.subi %mul3A_853, %mul3A_861 : vector<16xi32>
        %lt3A_863 = arith.constant 0 : i32
        %lt3A_864 = vector.broadcast %lt3A_863 : i32 to vector<16xi32>
        %lt3A_865 = arith.cmpi slt, %sub3A_862, %lt3A_864 : vector<16xi32>
        %add3A_866 = arith.constant 100000 : i32
        %add3A_867 = vector.broadcast %add3A_866 : i32 to vector<16xi32>
        %add3A_868 = arith.addi %sub3A_862, %add3A_867 : vector<16xi32>
        %select_n3A_869 = arith.select %lt3A_865, %add3A_868, %sub3A_862 : vector<16xi1>, vector<16xi32>
        %lt3A_870 = arith.constant 0 : i32
        %lt3A_871 = vector.broadcast %lt3A_870 : i32 to vector<16xi32>
        %lt3A_872 = arith.cmpi slt, %select_n3A_869, %lt3A_871 : vector<16xi32>
        %add3A_873 = arith.constant 100000 : i32
        %add3A_874 = vector.broadcast %add3A_873 : i32 to vector<16xi32>
        %add3A_875 = arith.addi %select_n3A_869, %add3A_874 : vector<16xi32>
        %select_n3A_876 = arith.select %lt3A_872, %add3A_875, %select_n3A_869 : vector<16xi1>, vector<16xi32>
        %ge3A_877 = arith.constant 100000 : i32
        %ge3A_878 = vector.broadcast %ge3A_877 : i32 to vector<16xi32>
        %ge3A_879 = arith.cmpi sge, %select_n3A_876, %ge3A_878 : vector<16xi32>
        %sub3A_880 = arith.constant 100000 : i32
        %sub3A_881 = vector.broadcast %sub3A_880 : i32 to vector<16xi32>
        %sub3A_882 = arith.subi %select_n3A_876, %sub3A_881 : vector<16xi32>
        %select_n3A_883 = arith.select %ge3A_879, %sub3A_882, %select_n3A_876 : vector<16xi1>, vector<16xi32>
        %add3A_884 = arith.constant 1700000 : i32
        %add3A_885 = vector.broadcast %add3A_884 : i32 to vector<16xi32>
        %add3A_886 = arith.addi %select_n3A_883, %add3A_885 : vector<16xi32>
        %add3A_887 = arith.constant 1 : i32
        %add3A_888 = vector.broadcast %add3A_887 : i32 to vector<16xi32>
        %add3A_889 = arith.addi %add3A_808, %add3A_888 : vector<16xi32>
        %scatter3A_890 = arith.constant 0 : i32
        %scatter3A_891 = tpu.memref_slice %arg6[%scan3A_28, %scatter3A_890] : memref<2x4992xi32, #tpu.memory_space<vmem>> -> memref<1x4992xi32, #tpu.memory_space<vmem>>
        %scatter3A_892 = tpu.memref_squeeze %scatter3A_891 : memref<1x4992xi32, #tpu.memory_space<vmem>> -> memref<4992xi32, #tpu.memory_space<vmem>>
        tpu.vector_store_idx %scatter3A_892[%add3A_889], %add3A_886 : memref<4992xi32, #tpu.memory_space<vmem>>[vector<16xi32>], vector<16xi32>,
        %mul3A_893 = arith.constant 5 : i32
        %mul3A_894 = vector.broadcast %mul3A_893 : i32 to vector<16xi32>
        %mul3A_895 = arith.muli %add3A_802, %mul3A_894 : vector<16xi32>
        %convert_element_type3A_896 = arith.sitofp %mul3A_895 : vector<16xi32> to vector<16xf32>
        %mul3A_897 = arith.constant 9.99999974E-6 : f32
        %mul3A_898 = vector.broadcast %mul3A_897 : f32 to vector<16xf32>
        %mul3A_899 = arith.mulf %convert_element_type3A_896, %mul3A_898 : vector<16xf32>
        %convert_element_type3A_900 = arith.fptosi %mul3A_899 : vector<16xf32> to vector<16xi32>
        %mul3A_901 = arith.constant 100000 : i32
        %mul3A_902 = vector.broadcast %mul3A_901 : i32 to vector<16xi32>
        %mul3A_903 = arith.muli %convert_element_type3A_900, %mul3A_902 : vector<16xi32>
        %sub3A_904 = arith.subi %mul3A_895, %mul3A_903 : vector<16xi32>
        %lt3A_905 = arith.constant 0 : i32
        %lt3A_906 = vector.broadcast %lt3A_905 : i32 to vector<16xi32>
        %lt3A_907 = arith.cmpi slt, %sub3A_904, %lt3A_906 : vector<16xi32>
        %add3A_908 = arith.constant 100000 : i32
        %add3A_909 = vector.broadcast %add3A_908 : i32 to vector<16xi32>
        %add3A_910 = arith.addi %sub3A_904, %add3A_909 : vector<16xi32>
        %select_n3A_911 = arith.select %lt3A_907, %add3A_910, %sub3A_904 : vector<16xi1>, vector<16xi32>
        %lt3A_912 = arith.constant 0 : i32
        %lt3A_913 = vector.broadcast %lt3A_912 : i32 to vector<16xi32>
        %lt3A_914 = arith.cmpi slt, %select_n3A_911, %lt3A_913 : vector<16xi32>
        %add3A_915 = arith.constant 100000 : i32
        %add3A_916 = vector.broadcast %add3A_915 : i32 to vector<16xi32>
        %add3A_917 = arith.addi %select_n3A_911, %add3A_916 : vector<16xi32>
        %select_n3A_918 = arith.select %lt3A_914, %add3A_917, %select_n3A_911 : vector<16xi1>, vector<16xi32>
        %ge3A_919 = arith.constant 100000 : i32
        %ge3A_920 = vector.broadcast %ge3A_919 : i32 to vector<16xi32>
        %ge3A_921 = arith.cmpi sge, %select_n3A_918, %ge3A_920 : vector<16xi32>
        %sub3A_922 = arith.constant 100000 : i32
        %sub3A_923 = vector.broadcast %sub3A_922 : i32 to vector<16xi32>
        %sub3A_924 = arith.subi %select_n3A_918, %sub3A_923 : vector<16xi32>
        %select_n3A_925 = arith.select %ge3A_921, %sub3A_924, %select_n3A_918 : vector<16xi1>, vector<16xi32>
        %add3A_926 = arith.constant 1800000 : i32
        %add3A_927 = vector.broadcast %add3A_926 : i32 to vector<16xi32>
        %add3A_928 = arith.addi %select_n3A_925, %add3A_927 : vector<16xi32>
        %add3A_929 = arith.constant 2 : i32
        %add3A_930 = vector.broadcast %add3A_929 : i32 to vector<16xi32>
        %add3A_931 = arith.addi %add3A_808, %add3A_930 : vector<16xi32>
        %scatter3A_932 = arith.constant 0 : i32
        %scatter3A_933 = tpu.memref_slice %arg6[%scan3A_28, %scatter3A_932] : memref<2x4992xi32, #tpu.memory_space<vmem>> -> memref<1x4992xi32, #tpu.memory_space<vmem>>
        %scatter3A_934 = tpu.memref_squeeze %scatter3A_933 : memref<1x4992xi32, #tpu.memory_space<vmem>> -> memref<4992xi32, #tpu.memory_space<vmem>>
        tpu.vector_store_idx %scatter3A_934[%add3A_931], %add3A_928 : memref<4992xi32, #tpu.memory_space<vmem>>[vector<16xi32>], vector<16xi32>,
        %mul3A_935 = arith.constant 7 : i32
        %mul3A_936 = vector.broadcast %mul3A_935 : i32 to vector<16xi32>
        %mul3A_937 = arith.muli %add3A_802, %mul3A_936 : vector<16xi32>
        %convert_element_type3A_938 = arith.sitofp %mul3A_937 : vector<16xi32> to vector<16xf32>
        %mul3A_939 = arith.constant 9.99999974E-6 : f32
        %mul3A_940 = vector.broadcast %mul3A_939 : f32 to vector<16xf32>
        %mul3A_941 = arith.mulf %convert_element_type3A_938, %mul3A_940 : vector<16xf32>
        %convert_element_type3A_942 = arith.fptosi %mul3A_941 : vector<16xf32> to vector<16xi32>
        %mul3A_943 = arith.constant 100000 : i32
        %mul3A_944 = vector.broadcast %mul3A_943 : i32 to vector<16xi32>
        %mul3A_945 = arith.muli %convert_element_type3A_942, %mul3A_944 : vector<16xi32>
        %sub3A_946 = arith.subi %mul3A_937, %mul3A_945 : vector<16xi32>
        %lt3A_947 = arith.constant 0 : i32
        %lt3A_948 = vector.broadcast %lt3A_947 : i32 to vector<16xi32>
        %lt3A_949 = arith.cmpi slt, %sub3A_946, %lt3A_948 : vector<16xi32>
        %add3A_950 = arith.constant 100000 : i32
        %add3A_951 = vector.broadcast %add3A_950 : i32 to vector<16xi32>
        %add3A_952 = arith.addi %sub3A_946, %add3A_951 : vector<16xi32>
        %select_n3A_953 = arith.select %lt3A_949, %add3A_952, %sub3A_946 : vector<16xi1>, vector<16xi32>
        %lt3A_954 = arith.constant 0 : i32
        %lt3A_955 = vector.broadcast %lt3A_954 : i32 to vector<16xi32>
        %lt3A_956 = arith.cmpi slt, %select_n3A_953, %lt3A_955 : vector<16xi32>
        %add3A_957 = arith.constant 100000 : i32
        %add3A_958 = vector.broadcast %add3A_957 : i32 to vector<16xi32>
        %add3A_959 = arith.addi %select_n3A_953, %add3A_958 : vector<16xi32>
        %select_n3A_960 = arith.select %lt3A_956, %add3A_959, %select_n3A_953 : vector<16xi1>, vector<16xi32>
        %ge3A_961 = arith.constant 100000 : i32
        %ge3A_962 = vector.broadcast %ge3A_961 : i32 to vector<16xi32>
        %ge3A_963 = arith.cmpi sge, %select_n3A_960, %ge3A_962 : vector<16xi32>
        %sub3A_964 = arith.constant 100000 : i32
        %sub3A_965 = vector.broadcast %sub3A_964 : i32 to vector<16xi32>
        %sub3A_966 = arith.subi %select_n3A_960, %sub3A_965 : vector<16xi32>
        %select_n3A_967 = arith.select %ge3A_963, %sub3A_966, %select_n3A_960 : vector<16xi1>, vector<16xi32>
        %add3A_968 = arith.constant 1900000 : i32
        %add3A_969 = vector.broadcast %add3A_968 : i32 to vector<16xi32>
        %add3A_970 = arith.addi %select_n3A_967, %add3A_969 : vector<16xi32>
        %add3A_971 = arith.constant 3 : i32
        %add3A_972 = vector.broadcast %add3A_971 : i32 to vector<16xi32>
        %add3A_973 = arith.addi %add3A_808, %add3A_972 : vector<16xi32>
        %scatter3A_974 = arith.constant 0 : i32
        %scatter3A_975 = tpu.memref_slice %arg6[%scan3A_28, %scatter3A_974] : memref<2x4992xi32, #tpu.memory_space<vmem>> -> memref<1x4992xi32, #tpu.memory_space<vmem>>
        %scatter3A_976 = tpu.memref_squeeze %scatter3A_975 : memref<1x4992xi32, #tpu.memory_space<vmem>> -> memref<4992xi32, #tpu.memory_space<vmem>>
        tpu.vector_store_idx %scatter3A_976[%add3A_973], %add3A_970 : memref<4992xi32, #tpu.memory_space<vmem>>[vector<16xi32>], vector<16xi32>,
        %mul3A_977 = arith.constant 11 : i32
        %mul3A_978 = vector.broadcast %mul3A_977 : i32 to vector<16xi32>
        %mul3A_979 = arith.muli %add3A_802, %mul3A_978 : vector<16xi32>
        %convert_element_type3A_980 = arith.sitofp %mul3A_979 : vector<16xi32> to vector<16xf32>
        %mul3A_981 = arith.constant 9.99999974E-6 : f32
        %mul3A_982 = vector.broadcast %mul3A_981 : f32 to vector<16xf32>
        %mul3A_983 = arith.mulf %convert_element_type3A_980, %mul3A_982 : vector<16xf32>
        %convert_element_type3A_984 = arith.fptosi %mul3A_983 : vector<16xf32> to vector<16xi32>
        %mul3A_985 = arith.constant 100000 : i32
        %mul3A_986 = vector.broadcast %mul3A_985 : i32 to vector<16xi32>
        %mul3A_987 = arith.muli %convert_element_type3A_984, %mul3A_986 : vector<16xi32>
        %sub3A_988 = arith.subi %mul3A_979, %mul3A_987 : vector<16xi32>
        %lt3A_989 = arith.constant 0 : i32
        %lt3A_990 = vector.broadcast %lt3A_989 : i32 to vector<16xi32>
        %lt3A_991 = arith.cmpi slt, %sub3A_988, %lt3A_990 : vector<16xi32>
        %add3A_992 = arith.constant 100000 : i32
        %add3A_993 = vector.broadcast %add3A_992 : i32 to vector<16xi32>
        %add3A_994 = arith.addi %sub3A_988, %add3A_993 : vector<16xi32>
        %select_n3A_995 = arith.select %lt3A_991, %add3A_994, %sub3A_988 : vector<16xi1>, vector<16xi32>
        %lt3A_996 = arith.constant 0 : i32
        %lt3A_997 = vector.broadcast %lt3A_996 : i32 to vector<16xi32>
        %lt3A_998 = arith.cmpi slt, %select_n3A_995, %lt3A_997 : vector<16xi32>
        %add3A_999 = arith.constant 100000 : i32
        %add3A_1000 = vector.broadcast %add3A_999 : i32 to vector<16xi32>
        %add3A_1001 = arith.addi %select_n3A_995, %add3A_1000 : vector<16xi32>
        %select_n3A_1002 = arith.select %lt3A_998, %add3A_1001, %select_n3A_995 : vector<16xi1>, vector<16xi32>
        %ge3A_1003 = arith.constant 100000 : i32
        %ge3A_1004 = vector.broadcast %ge3A_1003 : i32 to vector<16xi32>
        %ge3A_1005 = arith.cmpi sge, %select_n3A_1002, %ge3A_1004 : vector<16xi32>
        %sub3A_1006 = arith.constant 100000 : i32
        %sub3A_1007 = vector.broadcast %sub3A_1006 : i32 to vector<16xi32>
        %sub3A_1008 = arith.subi %select_n3A_1002, %sub3A_1007 : vector<16xi32>
        %select_n3A_1009 = arith.select %ge3A_1005, %sub3A_1008, %select_n3A_1002 : vector<16xi1>, vector<16xi32>
        %add3A_1010 = arith.constant 2000000 : i32
        %add3A_1011 = vector.broadcast %add3A_1010 : i32 to vector<16xi32>
        %add3A_1012 = arith.addi %select_n3A_1009, %add3A_1011 : vector<16xi32>
        %add3A_1013 = arith.constant 4 : i32
        %add3A_1014 = vector.broadcast %add3A_1013 : i32 to vector<16xi32>
        %add3A_1015 = arith.addi %add3A_808, %add3A_1014 : vector<16xi32>
        %scatter3A_1016 = arith.constant 0 : i32
        %scatter3A_1017 = tpu.memref_slice %arg6[%scan3A_28, %scatter3A_1016] : memref<2x4992xi32, #tpu.memory_space<vmem>> -> memref<1x4992xi32, #tpu.memory_space<vmem>>
        %scatter3A_1018 = tpu.memref_squeeze %scatter3A_1017 : memref<1x4992xi32, #tpu.memory_space<vmem>> -> memref<4992xi32, #tpu.memory_space<vmem>>
        tpu.vector_store_idx %scatter3A_1018[%add3A_1015], %add3A_1012 : memref<4992xi32, #tpu.memory_space<vmem>>[vector<16xi32>], vector<16xi32>,
        %mul3A_1019 = arith.constant 13 : i32
        %mul3A_1020 = vector.broadcast %mul3A_1019 : i32 to vector<16xi32>
        %mul3A_1021 = arith.muli %add3A_802, %mul3A_1020 : vector<16xi32>
        %convert_element_type3A_1022 = arith.sitofp %mul3A_1021 : vector<16xi32> to vector<16xf32>
        %mul3A_1023 = arith.constant 9.99999974E-6 : f32
        %mul3A_1024 = vector.broadcast %mul3A_1023 : f32 to vector<16xf32>
        %mul3A_1025 = arith.mulf %convert_element_type3A_1022, %mul3A_1024 : vector<16xf32>
        %convert_element_type3A_1026 = arith.fptosi %mul3A_1025 : vector<16xf32> to vector<16xi32>
        %mul3A_1027 = arith.constant 100000 : i32
        %mul3A_1028 = vector.broadcast %mul3A_1027 : i32 to vector<16xi32>
        %mul3A_1029 = arith.muli %convert_element_type3A_1026, %mul3A_1028 : vector<16xi32>
        %sub3A_1030 = arith.subi %mul3A_1021, %mul3A_1029 : vector<16xi32>
        %lt3A_1031 = arith.constant 0 : i32
        %lt3A_1032 = vector.broadcast %lt3A_1031 : i32 to vector<16xi32>
        %lt3A_1033 = arith.cmpi slt, %sub3A_1030, %lt3A_1032 : vector<16xi32>
        %add3A_1034 = arith.constant 100000 : i32
        %add3A_1035 = vector.broadcast %add3A_1034 : i32 to vector<16xi32>
        %add3A_1036 = arith.addi %sub3A_1030, %add3A_1035 : vector<16xi32>
        %select_n3A_1037 = arith.select %lt3A_1033, %add3A_1036, %sub3A_1030 : vector<16xi1>, vector<16xi32>
        %lt3A_1038 = arith.constant 0 : i32
        %lt3A_1039 = vector.broadcast %lt3A_1038 : i32 to vector<16xi32>
        %lt3A_1040 = arith.cmpi slt, %select_n3A_1037, %lt3A_1039 : vector<16xi32>
        %add3A_1041 = arith.constant 100000 : i32
        %add3A_1042 = vector.broadcast %add3A_1041 : i32 to vector<16xi32>
        %add3A_1043 = arith.addi %select_n3A_1037, %add3A_1042 : vector<16xi32>
        %select_n3A_1044 = arith.select %lt3A_1040, %add3A_1043, %select_n3A_1037 : vector<16xi1>, vector<16xi32>
        %ge3A_1045 = arith.constant 100000 : i32
        %ge3A_1046 = vector.broadcast %ge3A_1045 : i32 to vector<16xi32>
        %ge3A_1047 = arith.cmpi sge, %select_n3A_1044, %ge3A_1046 : vector<16xi32>
        %sub3A_1048 = arith.constant 100000 : i32
        %sub3A_1049 = vector.broadcast %sub3A_1048 : i32 to vector<16xi32>
        %sub3A_1050 = arith.subi %select_n3A_1044, %sub3A_1049 : vector<16xi32>
        %select_n3A_1051 = arith.select %ge3A_1047, %sub3A_1050, %select_n3A_1044 : vector<16xi1>, vector<16xi32>
        %add3A_1052 = arith.constant 2100000 : i32
        %add3A_1053 = vector.broadcast %add3A_1052 : i32 to vector<16xi32>
        %add3A_1054 = arith.addi %select_n3A_1051, %add3A_1053 : vector<16xi32>
        %add3A_1055 = arith.constant 5 : i32
        %add3A_1056 = vector.broadcast %add3A_1055 : i32 to vector<16xi32>
        %add3A_1057 = arith.addi %add3A_808, %add3A_1056 : vector<16xi32>
        %scatter3A_1058 = arith.constant 0 : i32
        %scatter3A_1059 = tpu.memref_slice %arg6[%scan3A_28, %scatter3A_1058] : memref<2x4992xi32, #tpu.memory_space<vmem>> -> memref<1x4992xi32, #tpu.memory_space<vmem>>
        %scatter3A_1060 = tpu.memref_squeeze %scatter3A_1059 : memref<1x4992xi32, #tpu.memory_space<vmem>> -> memref<4992xi32, #tpu.memory_space<vmem>>
        tpu.vector_store_idx %scatter3A_1060[%add3A_1057], %add3A_1054 : memref<4992xi32, #tpu.memory_space<vmem>>[vector<16xi32>], vector<16xi32>,
        %mul3A_1061 = arith.constant 17 : i32
        %mul3A_1062 = vector.broadcast %mul3A_1061 : i32 to vector<16xi32>
        %mul3A_1063 = arith.muli %add3A_802, %mul3A_1062 : vector<16xi32>
        %convert_element_type3A_1064 = arith.sitofp %mul3A_1063 : vector<16xi32> to vector<16xf32>
        %mul3A_1065 = arith.constant 9.99999974E-6 : f32
        %mul3A_1066 = vector.broadcast %mul3A_1065 : f32 to vector<16xf32>
        %mul3A_1067 = arith.mulf %convert_element_type3A_1064, %mul3A_1066 : vector<16xf32>
        %convert_element_type3A_1068 = arith.fptosi %mul3A_1067 : vector<16xf32> to vector<16xi32>
        %mul3A_1069 = arith.constant 100000 : i32
        %mul3A_1070 = vector.broadcast %mul3A_1069 : i32 to vector<16xi32>
        %mul3A_1071 = arith.muli %convert_element_type3A_1068, %mul3A_1070 : vector<16xi32>
        %sub3A_1072 = arith.subi %mul3A_1063, %mul3A_1071 : vector<16xi32>
        %lt3A_1073 = arith.constant 0 : i32
        %lt3A_1074 = vector.broadcast %lt3A_1073 : i32 to vector<16xi32>
        %lt3A_1075 = arith.cmpi slt, %sub3A_1072, %lt3A_1074 : vector<16xi32>
        %add3A_1076 = arith.constant 100000 : i32
        %add3A_1077 = vector.broadcast %add3A_1076 : i32 to vector<16xi32>
        %add3A_1078 = arith.addi %sub3A_1072, %add3A_1077 : vector<16xi32>
        %select_n3A_1079 = arith.select %lt3A_1075, %add3A_1078, %sub3A_1072 : vector<16xi1>, vector<16xi32>
        %lt3A_1080 = arith.constant 0 : i32
        %lt3A_1081 = vector.broadcast %lt3A_1080 : i32 to vector<16xi32>
        %lt3A_1082 = arith.cmpi slt, %select_n3A_1079, %lt3A_1081 : vector<16xi32>
        %add3A_1083 = arith.constant 100000 : i32
        %add3A_1084 = vector.broadcast %add3A_1083 : i32 to vector<16xi32>
        %add3A_1085 = arith.addi %select_n3A_1079, %add3A_1084 : vector<16xi32>
        %select_n3A_1086 = arith.select %lt3A_1082, %add3A_1085, %select_n3A_1079 : vector<16xi1>, vector<16xi32>
        %ge3A_1087 = arith.constant 100000 : i32
        %ge3A_1088 = vector.broadcast %ge3A_1087 : i32 to vector<16xi32>
        %ge3A_1089 = arith.cmpi sge, %select_n3A_1086, %ge3A_1088 : vector<16xi32>
        %sub3A_1090 = arith.constant 100000 : i32
        %sub3A_1091 = vector.broadcast %sub3A_1090 : i32 to vector<16xi32>
        %sub3A_1092 = arith.subi %select_n3A_1086, %sub3A_1091 : vector<16xi32>
        %select_n3A_1093 = arith.select %ge3A_1089, %sub3A_1092, %select_n3A_1086 : vector<16xi1>, vector<16xi32>
        %add3A_1094 = arith.constant 2200000 : i32
        %add3A_1095 = vector.broadcast %add3A_1094 : i32 to vector<16xi32>
        %add3A_1096 = arith.addi %select_n3A_1093, %add3A_1095 : vector<16xi32>
        %add3A_1097 = arith.constant 6 : i32
        %add3A_1098 = vector.broadcast %add3A_1097 : i32 to vector<16xi32>
        %add3A_1099 = arith.addi %add3A_808, %add3A_1098 : vector<16xi32>
        %scatter3A_1100 = arith.constant 0 : i32
        %scatter3A_1101 = tpu.memref_slice %arg6[%scan3A_28, %scatter3A_1100] : memref<2x4992xi32, #tpu.memory_space<vmem>> -> memref<1x4992xi32, #tpu.memory_space<vmem>>
        %scatter3A_1102 = tpu.memref_squeeze %scatter3A_1101 : memref<1x4992xi32, #tpu.memory_space<vmem>> -> memref<4992xi32, #tpu.memory_space<vmem>>
        tpu.vector_store_idx %scatter3A_1102[%add3A_1099], %add3A_1096 : memref<4992xi32, #tpu.memory_space<vmem>>[vector<16xi32>], vector<16xi32>,
        %mul3A_1103 = arith.constant 19 : i32
        %mul3A_1104 = vector.broadcast %mul3A_1103 : i32 to vector<16xi32>
        %mul3A_1105 = arith.muli %add3A_802, %mul3A_1104 : vector<16xi32>
        %convert_element_type3A_1106 = arith.sitofp %mul3A_1105 : vector<16xi32> to vector<16xf32>
        %mul3A_1107 = arith.constant 9.99999974E-6 : f32
        %mul3A_1108 = vector.broadcast %mul3A_1107 : f32 to vector<16xf32>
        %mul3A_1109 = arith.mulf %convert_element_type3A_1106, %mul3A_1108 : vector<16xf32>
        %convert_element_type3A_1110 = arith.fptosi %mul3A_1109 : vector<16xf32> to vector<16xi32>
        %mul3A_1111 = arith.constant 100000 : i32
        %mul3A_1112 = vector.broadcast %mul3A_1111 : i32 to vector<16xi32>
        %mul3A_1113 = arith.muli %convert_element_type3A_1110, %mul3A_1112 : vector<16xi32>
        %sub3A_1114 = arith.subi %mul3A_1105, %mul3A_1113 : vector<16xi32>
        %lt3A_1115 = arith.constant 0 : i32
        %lt3A_1116 = vector.broadcast %lt3A_1115 : i32 to vector<16xi32>
        %lt3A_1117 = arith.cmpi slt, %sub3A_1114, %lt3A_1116 : vector<16xi32>
        %add3A_1118 = arith.constant 100000 : i32
        %add3A_1119 = vector.broadcast %add3A_1118 : i32 to vector<16xi32>
        %add3A_1120 = arith.addi %sub3A_1114, %add3A_1119 : vector<16xi32>
        %select_n3A_1121 = arith.select %lt3A_1117, %add3A_1120, %sub3A_1114 : vector<16xi1>, vector<16xi32>
        %lt3A_1122 = arith.constant 0 : i32
        %lt3A_1123 = vector.broadcast %lt3A_1122 : i32 to vector<16xi32>
        %lt3A_1124 = arith.cmpi slt, %select_n3A_1121, %lt3A_1123 : vector<16xi32>
        %add3A_1125 = arith.constant 100000 : i32
        %add3A_1126 = vector.broadcast %add3A_1125 : i32 to vector<16xi32>
        %add3A_1127 = arith.addi %select_n3A_1121, %add3A_1126 : vector<16xi32>
        %select_n3A_1128 = arith.select %lt3A_1124, %add3A_1127, %select_n3A_1121 : vector<16xi1>, vector<16xi32>
        %ge3A_1129 = arith.constant 100000 : i32
        %ge3A_1130 = vector.broadcast %ge3A_1129 : i32 to vector<16xi32>
        %ge3A_1131 = arith.cmpi sge, %select_n3A_1128, %ge3A_1130 : vector<16xi32>
        %sub3A_1132 = arith.constant 100000 : i32
        %sub3A_1133 = vector.broadcast %sub3A_1132 : i32 to vector<16xi32>
        %sub3A_1134 = arith.subi %select_n3A_1128, %sub3A_1133 : vector<16xi32>
        %select_n3A_1135 = arith.select %ge3A_1131, %sub3A_1134, %select_n3A_1128 : vector<16xi1>, vector<16xi32>
        %add3A_1136 = arith.constant 2300000 : i32
        %add3A_1137 = vector.broadcast %add3A_1136 : i32 to vector<16xi32>
        %add3A_1138 = arith.addi %select_n3A_1135, %add3A_1137 : vector<16xi32>
        %add3A_1139 = arith.constant 7 : i32
        %add3A_1140 = vector.broadcast %add3A_1139 : i32 to vector<16xi32>
        %add3A_1141 = arith.addi %add3A_808, %add3A_1140 : vector<16xi32>
        %scatter3A_1142 = arith.constant 0 : i32
        %scatter3A_1143 = tpu.memref_slice %arg6[%scan3A_28, %scatter3A_1142] : memref<2x4992xi32, #tpu.memory_space<vmem>> -> memref<1x4992xi32, #tpu.memory_space<vmem>>
        %scatter3A_1144 = tpu.memref_squeeze %scatter3A_1143 : memref<1x4992xi32, #tpu.memory_space<vmem>> -> memref<4992xi32, #tpu.memory_space<vmem>>
        tpu.vector_store_idx %scatter3A_1144[%add3A_1141], %add3A_1138 : memref<4992xi32, #tpu.memory_space<vmem>>[vector<16xi32>], vector<16xi32>,
      }
      %scan3A_33 = arith.constant 13 : i32
      %dma_wait3A = arith.constant 0 : i32
      %dma_wait3A_34 = arith.constant 0 : i32
      %dma_wait3A_35 = tpu.memref_slice %arg6[%dma_wait3A, %dma_wait3A_34] : memref<2x4992xi32, #tpu.memory_space<vmem>> -> memref<1x4992xi32, #tpu.memory_space<vmem>>
      %dma_wait3A_36 = tpu.memref_squeeze %dma_wait3A_35 : memref<1x4992xi32, #tpu.memory_space<vmem>> -> memref<4992xi32, #tpu.memory_space<vmem>>
      %dma_wait3A_37 = arith.constant 0 : i32
      %dma_wait3A_38 = arith.constant 0 : i32
      %dma_wait3A_39 = tpu.memref_slice %arg3[%dma_wait3A_37, %dma_wait3A_38] : memref<2400000x16xf32, #tpu.memory_space<hbm>> -> memref<2400000x16xf32, #tpu.memory_space<hbm>>
      tpu.wait_indirect_dma semaphore(%arg8 : memref<!tpu.dma_semaphore, #tpu.memory_space<semaphore_mem>>) src(%dma_wait3A_39 : memref<2400000x16xf32, #tpu.memory_space<hbm>>) dst(%arg7 : memref<4992x16xf32, #tpu.memory_space<vmem>>)
      %add3A_40 = arith.addi %mul3A_2, %mul3A_18 : i32
      %scan3A_41 = arith.constant 0 : i32
      %scan3A_42 = arith.constant 0 : i32
      %scan3A_43 = arith.constant 200 : i32
      %scan3A_44 = arith.addi %scan3A_42, %scan3A_43 : i32
      %scan3A_45 = arith.constant 1 : i32
      scf.for %scan3A_84 = %scan3A_42 to %scan3A_44 step %scan3A_45  : i32 {
        %mul3A_85 = arith.constant 8 : i32
        %mul3A_86 = arith.muli %scan3A_84, %mul3A_85 : i32
        %add3A_87 = arith.constant 0 : i32
        %add3A_88 = arith.addi %mul3A_86, %add3A_87 : i32
        %get3A = arith.index_cast %add3A_88 : i32 to index
        %get3A_89 = arith.constant 0 : index
        %get3A_90 = tpu.vector_load %arg7[%get3A, %get3A_89] {strides = array<i32>} : memref<4992x16xf32, #tpu.memory_space<vmem>>, vector<16xf32>,
        %add3A_91 = arith.constant 1664 : i32
        %add3A_92 = arith.addi %add3A_91, %mul3A_86 : i32
        %add3A_93 = arith.constant 0 : i32
        %add3A_94 = arith.addi %add3A_92, %add3A_93 : i32
        %get3A_95 = arith.index_cast %add3A_94 : i32 to index
        %get3A_96 = arith.constant 0 : index
        %get3A_97 = tpu.vector_load %arg7[%get3A_95, %get3A_96] {strides = array<i32>} : memref<4992x16xf32, #tpu.memory_space<vmem>>, vector<16xf32>,
        %add3A_98 = arith.addf %get3A_90, %get3A_97 : vector<16xf32>
        %add3A_99 = arith.constant 3328 : i32
        %add3A_100 = arith.addi %add3A_99, %mul3A_86 : i32
        %add3A_101 = arith.constant 0 : i32
        %add3A_102 = arith.addi %add3A_100, %add3A_101 : i32
        %get3A_103 = arith.index_cast %add3A_102 : i32 to index
        %get3A_104 = arith.constant 0 : index
        %get3A_105 = tpu.vector_load %arg7[%get3A_103, %get3A_104] {strides = array<i32>} : memref<4992x16xf32, #tpu.memory_space<vmem>>, vector<16xf32>,
        %add3A_106 = arith.addf %add3A_98, %get3A_105 : vector<16xf32>
        %add3A_107 = arith.constant 0 : i32
        %add3A_108 = arith.addi %mul3A_86, %add3A_107 : i32
        %swap3A = arith.index_cast %add3A_108 : i32 to index
        %swap3A_109 = arith.constant 0 : index
        %swap3A_110 = tpu.vector_load %arg7[%swap3A, %swap3A_109] {strides = array<i32>} : memref<4992x16xf32, #tpu.memory_space<vmem>>, vector<16xf32>,
        tpu.vector_store %arg7[%swap3A, %swap3A_109], %add3A_106 {strides = array<i32>} : memref<4992x16xf32, #tpu.memory_space<vmem>>, vector<16xf32>,
        %add3A_111 = arith.constant 1 : i32
        %add3A_112 = arith.addi %mul3A_86, %add3A_111 : i32
        %get3A_113 = arith.index_cast %add3A_112 : i32 to index
        %get3A_114 = arith.constant 0 : index
        %get3A_115 = tpu.vector_load %arg7[%get3A_113, %get3A_114] {strides = array<i32>} : memref<4992x16xf32, #tpu.memory_space<vmem>>, vector<16xf32>,
        %add3A_116 = arith.constant 1664 : i32
        %add3A_117 = arith.addi %add3A_116, %mul3A_86 : i32
        %add3A_118 = arith.constant 1 : i32
        %add3A_119 = arith.addi %add3A_117, %add3A_118 : i32
        %get3A_120 = arith.index_cast %add3A_119 : i32 to index
        %get3A_121 = arith.constant 0 : index
        %get3A_122 = tpu.vector_load %arg7[%get3A_120, %get3A_121] {strides = array<i32>} : memref<4992x16xf32, #tpu.memory_space<vmem>>, vector<16xf32>,
        %add3A_123 = arith.addf %get3A_115, %get3A_122 : vector<16xf32>
        %add3A_124 = arith.constant 3328 : i32
        %add3A_125 = arith.addi %add3A_124, %mul3A_86 : i32
        %add3A_126 = arith.constant 1 : i32
        %add3A_127 = arith.addi %add3A_125, %add3A_126 : i32
        %get3A_128 = arith.index_cast %add3A_127 : i32 to index
        %get3A_129 = arith.constant 0 : index
        %get3A_130 = tpu.vector_load %arg7[%get3A_128, %get3A_129] {strides = array<i32>} : memref<4992x16xf32, #tpu.memory_space<vmem>>, vector<16xf32>,
        %add3A_131 = arith.addf %add3A_123, %get3A_130 : vector<16xf32>
        %add3A_132 = arith.constant 1 : i32
        %add3A_133 = arith.addi %mul3A_86, %add3A_132 : i32
        %swap3A_134 = arith.index_cast %add3A_133 : i32 to index
        %swap3A_135 = arith.constant 0 : index
        %swap3A_136 = tpu.vector_load %arg7[%swap3A_134, %swap3A_135] {strides = array<i32>} : memref<4992x16xf32, #tpu.memory_space<vmem>>, vector<16xf32>,
        tpu.vector_store %arg7[%swap3A_134, %swap3A_135], %add3A_131 {strides = array<i32>} : memref<4992x16xf32, #tpu.memory_space<vmem>>, vector<16xf32>,
        %add3A_137 = arith.constant 2 : i32
        %add3A_138 = arith.addi %mul3A_86, %add3A_137 : i32
        %get3A_139 = arith.index_cast %add3A_138 : i32 to index
        %get3A_140 = arith.constant 0 : index
        %get3A_141 = tpu.vector_load %arg7[%get3A_139, %get3A_140] {strides = array<i32>} : memref<4992x16xf32, #tpu.memory_space<vmem>>, vector<16xf32>,
        %add3A_142 = arith.constant 1664 : i32
        %add3A_143 = arith.addi %add3A_142, %mul3A_86 : i32
        %add3A_144 = arith.constant 2 : i32
        %add3A_145 = arith.addi %add3A_143, %add3A_144 : i32
        %get3A_146 = arith.index_cast %add3A_145 : i32 to index
        %get3A_147 = arith.constant 0 : index
        %get3A_148 = tpu.vector_load %arg7[%get3A_146, %get3A_147] {strides = array<i32>} : memref<4992x16xf32, #tpu.memory_space<vmem>>, vector<16xf32>,
        %add3A_149 = arith.addf %get3A_141, %get3A_148 : vector<16xf32>
        %add3A_150 = arith.constant 3328 : i32
        %add3A_151 = arith.addi %add3A_150, %mul3A_86 : i32
        %add3A_152 = arith.constant 2 : i32
        %add3A_153 = arith.addi %add3A_151, %add3A_152 : i32
        %get3A_154 = arith.index_cast %add3A_153 : i32 to index
        %get3A_155 = arith.constant 0 : index
        %get3A_156 = tpu.vector_load %arg7[%get3A_154, %get3A_155] {strides = array<i32>} : memref<4992x16xf32, #tpu.memory_space<vmem>>, vector<16xf32>,
        %add3A_157 = arith.addf %add3A_149, %get3A_156 : vector<16xf32>
        %add3A_158 = arith.constant 2 : i32
        %add3A_159 = arith.addi %mul3A_86, %add3A_158 : i32
        %swap3A_160 = arith.index_cast %add3A_159 : i32 to index
        %swap3A_161 = arith.constant 0 : index
        %swap3A_162 = tpu.vector_load %arg7[%swap3A_160, %swap3A_161] {strides = array<i32>} : memref<4992x16xf32, #tpu.memory_space<vmem>>, vector<16xf32>,
        tpu.vector_store %arg7[%swap3A_160, %swap3A_161], %add3A_157 {strides = array<i32>} : memref<4992x16xf32, #tpu.memory_space<vmem>>, vector<16xf32>,
        %add3A_163 = arith.constant 3 : i32
        %add3A_164 = arith.addi %mul3A_86, %add3A_163 : i32
        %get3A_165 = arith.index_cast %add3A_164 : i32 to index
        %get3A_166 = arith.constant 0 : index
        %get3A_167 = tpu.vector_load %arg7[%get3A_165, %get3A_166] {strides = array<i32>} : memref<4992x16xf32, #tpu.memory_space<vmem>>, vector<16xf32>,
        %add3A_168 = arith.constant 1664 : i32
        %add3A_169 = arith.addi %add3A_168, %mul3A_86 : i32
        %add3A_170 = arith.constant 3 : i32
        %add3A_171 = arith.addi %add3A_169, %add3A_170 : i32
        %get3A_172 = arith.index_cast %add3A_171 : i32 to index
        %get3A_173 = arith.constant 0 : index
        %get3A_174 = tpu.vector_load %arg7[%get3A_172, %get3A_173] {strides = array<i32>} : memref<4992x16xf32, #tpu.memory_space<vmem>>, vector<16xf32>,
        %add3A_175 = arith.addf %get3A_167, %get3A_174 : vector<16xf32>
        %add3A_176 = arith.constant 3328 : i32
        %add3A_177 = arith.addi %add3A_176, %mul3A_86 : i32
        %add3A_178 = arith.constant 3 : i32
        %add3A_179 = arith.addi %add3A_177, %add3A_178 : i32
        %get3A_180 = arith.index_cast %add3A_179 : i32 to index
        %get3A_181 = arith.constant 0 : index
        %get3A_182 = tpu.vector_load %arg7[%get3A_180, %get3A_181] {strides = array<i32>} : memref<4992x16xf32, #tpu.memory_space<vmem>>, vector<16xf32>,
        %add3A_183 = arith.addf %add3A_175, %get3A_182 : vector<16xf32>
        %add3A_184 = arith.constant 3 : i32
        %add3A_185 = arith.addi %mul3A_86, %add3A_184 : i32
        %swap3A_186 = arith.index_cast %add3A_185 : i32 to index
        %swap3A_187 = arith.constant 0 : index
        %swap3A_188 = tpu.vector_load %arg7[%swap3A_186, %swap3A_187] {strides = array<i32>} : memref<4992x16xf32, #tpu.memory_space<vmem>>, vector<16xf32>,
        tpu.vector_store %arg7[%swap3A_186, %swap3A_187], %add3A_183 {strides = array<i32>} : memref<4992x16xf32, #tpu.memory_space<vmem>>, vector<16xf32>,
        %add3A_189 = arith.constant 4 : i32
        %add3A_190 = arith.addi %mul3A_86, %add3A_189 : i32
        %get3A_191 = arith.index_cast %add3A_190 : i32 to index
        %get3A_192 = arith.constant 0 : index
        %get3A_193 = tpu.vector_load %arg7[%get3A_191, %get3A_192] {strides = array<i32>} : memref<4992x16xf32, #tpu.memory_space<vmem>>, vector<16xf32>,
        %add3A_194 = arith.constant 1664 : i32
        %add3A_195 = arith.addi %add3A_194, %mul3A_86 : i32
        %add3A_196 = arith.constant 4 : i32
        %add3A_197 = arith.addi %add3A_195, %add3A_196 : i32
        %get3A_198 = arith.index_cast %add3A_197 : i32 to index
        %get3A_199 = arith.constant 0 : index
        %get3A_200 = tpu.vector_load %arg7[%get3A_198, %get3A_199] {strides = array<i32>} : memref<4992x16xf32, #tpu.memory_space<vmem>>, vector<16xf32>,
        %add3A_201 = arith.addf %get3A_193, %get3A_200 : vector<16xf32>
        %add3A_202 = arith.constant 3328 : i32
        %add3A_203 = arith.addi %add3A_202, %mul3A_86 : i32
        %add3A_204 = arith.constant 4 : i32
        %add3A_205 = arith.addi %add3A_203, %add3A_204 : i32
        %get3A_206 = arith.index_cast %add3A_205 : i32 to index
        %get3A_207 = arith.constant 0 : index
        %get3A_208 = tpu.vector_load %arg7[%get3A_206, %get3A_207] {strides = array<i32>} : memref<4992x16xf32, #tpu.memory_space<vmem>>, vector<16xf32>,
        %add3A_209 = arith.addf %add3A_201, %get3A_208 : vector<16xf32>
        %add3A_210 = arith.constant 4 : i32
        %add3A_211 = arith.addi %mul3A_86, %add3A_210 : i32
        %swap3A_212 = arith.index_cast %add3A_211 : i32 to index
        %swap3A_213 = arith.constant 0 : index
        %swap3A_214 = tpu.vector_load %arg7[%swap3A_212, %swap3A_213] {strides = array<i32>} : memref<4992x16xf32, #tpu.memory_space<vmem>>, vector<16xf32>,
        tpu.vector_store %arg7[%swap3A_212, %swap3A_213], %add3A_209 {strides = array<i32>} : memref<4992x16xf32, #tpu.memory_space<vmem>>, vector<16xf32>,
        %add3A_215 = arith.constant 5 : i32
        %add3A_216 = arith.addi %mul3A_86, %add3A_215 : i32
        %get3A_217 = arith.index_cast %add3A_216 : i32 to index
        %get3A_218 = arith.constant 0 : index
        %get3A_219 = tpu.vector_load %arg7[%get3A_217, %get3A_218] {strides = array<i32>} : memref<4992x16xf32, #tpu.memory_space<vmem>>, vector<16xf32>,
        %add3A_220 = arith.constant 1664 : i32
        %add3A_221 = arith.addi %add3A_220, %mul3A_86 : i32
        %add3A_222 = arith.constant 5 : i32
        %add3A_223 = arith.addi %add3A_221, %add3A_222 : i32
        %get3A_224 = arith.index_cast %add3A_223 : i32 to index
        %get3A_225 = arith.constant 0 : index
        %get3A_226 = tpu.vector_load %arg7[%get3A_224, %get3A_225] {strides = array<i32>} : memref<4992x16xf32, #tpu.memory_space<vmem>>, vector<16xf32>,
        %add3A_227 = arith.addf %get3A_219, %get3A_226 : vector<16xf32>
        %add3A_228 = arith.constant 3328 : i32
        %add3A_229 = arith.addi %add3A_228, %mul3A_86 : i32
        %add3A_230 = arith.constant 5 : i32
        %add3A_231 = arith.addi %add3A_229, %add3A_230 : i32
        %get3A_232 = arith.index_cast %add3A_231 : i32 to index
        %get3A_233 = arith.constant 0 : index
        %get3A_234 = tpu.vector_load %arg7[%get3A_232, %get3A_233] {strides = array<i32>} : memref<4992x16xf32, #tpu.memory_space<vmem>>, vector<16xf32>,
        %add3A_235 = arith.addf %add3A_227, %get3A_234 : vector<16xf32>
        %add3A_236 = arith.constant 5 : i32
        %add3A_237 = arith.addi %mul3A_86, %add3A_236 : i32
        %swap3A_238 = arith.index_cast %add3A_237 : i32 to index
        %swap3A_239 = arith.constant 0 : index
        %swap3A_240 = tpu.vector_load %arg7[%swap3A_238, %swap3A_239] {strides = array<i32>} : memref<4992x16xf32, #tpu.memory_space<vmem>>, vector<16xf32>,
        tpu.vector_store %arg7[%swap3A_238, %swap3A_239], %add3A_235 {strides = array<i32>} : memref<4992x16xf32, #tpu.memory_space<vmem>>, vector<16xf32>,
        %add3A_241 = arith.constant 6 : i32
        %add3A_242 = arith.addi %mul3A_86, %add3A_241 : i32
        %get3A_243 = arith.index_cast %add3A_242 : i32 to index
        %get3A_244 = arith.constant 0 : index
        %get3A_245 = tpu.vector_load %arg7[%get3A_243, %get3A_244] {strides = array<i32>} : memref<4992x16xf32, #tpu.memory_space<vmem>>, vector<16xf32>,
        %add3A_246 = arith.constant 1664 : i32
        %add3A_247 = arith.addi %add3A_246, %mul3A_86 : i32
        %add3A_248 = arith.constant 6 : i32
        %add3A_249 = arith.addi %add3A_247, %add3A_248 : i32
        %get3A_250 = arith.index_cast %add3A_249 : i32 to index
        %get3A_251 = arith.constant 0 : index
        %get3A_252 = tpu.vector_load %arg7[%get3A_250, %get3A_251] {strides = array<i32>} : memref<4992x16xf32, #tpu.memory_space<vmem>>, vector<16xf32>,
        %add3A_253 = arith.addf %get3A_245, %get3A_252 : vector<16xf32>
        %add3A_254 = arith.constant 3328 : i32
        %add3A_255 = arith.addi %add3A_254, %mul3A_86 : i32
        %add3A_256 = arith.constant 6 : i32
        %add3A_257 = arith.addi %add3A_255, %add3A_256 : i32
        %get3A_258 = arith.index_cast %add3A_257 : i32 to index
        %get3A_259 = arith.constant 0 : index
        %get3A_260 = tpu.vector_load %arg7[%get3A_258, %get3A_259] {strides = array<i32>} : memref<4992x16xf32, #tpu.memory_space<vmem>>, vector<16xf32>,
        %add3A_261 = arith.addf %add3A_253, %get3A_260 : vector<16xf32>
        %add3A_262 = arith.constant 6 : i32
        %add3A_263 = arith.addi %mul3A_86, %add3A_262 : i32
        %swap3A_264 = arith.index_cast %add3A_263 : i32 to index
        %swap3A_265 = arith.constant 0 : index
        %swap3A_266 = tpu.vector_load %arg7[%swap3A_264, %swap3A_265] {strides = array<i32>} : memref<4992x16xf32, #tpu.memory_space<vmem>>, vector<16xf32>,
        tpu.vector_store %arg7[%swap3A_264, %swap3A_265], %add3A_261 {strides = array<i32>} : memref<4992x16xf32, #tpu.memory_space<vmem>>, vector<16xf32>,
        %add3A_267 = arith.constant 7 : i32
        %add3A_268 = arith.addi %mul3A_86, %add3A_267 : i32
        %get3A_269 = arith.index_cast %add3A_268 : i32 to index
        %get3A_270 = arith.constant 0 : index
        %get3A_271 = tpu.vector_load %arg7[%get3A_269, %get3A_270] {strides = array<i32>} : memref<4992x16xf32, #tpu.memory_space<vmem>>, vector<16xf32>,
        %add3A_272 = arith.constant 1664 : i32
        %add3A_273 = arith.addi %add3A_272, %mul3A_86 : i32
        %add3A_274 = arith.constant 7 : i32
        %add3A_275 = arith.addi %add3A_273, %add3A_274 : i32
        %get3A_276 = arith.index_cast %add3A_275 : i32 to index
        %get3A_277 = arith.constant 0 : index
        %get3A_278 = tpu.vector_load %arg7[%get3A_276, %get3A_277] {strides = array<i32>} : memref<4992x16xf32, #tpu.memory_space<vmem>>, vector<16xf32>,
        %add3A_279 = arith.addf %get3A_271, %get3A_278 : vector<16xf32>
        %add3A_280 = arith.constant 3328 : i32
        %add3A_281 = arith.addi %add3A_280, %mul3A_86 : i32
        %add3A_282 = arith.constant 7 : i32
        %add3A_283 = arith.addi %add3A_281, %add3A_282 : i32
        %get3A_284 = arith.index_cast %add3A_283 : i32 to index
        %get3A_285 = arith.constant 0 : index
        %get3A_286 = tpu.vector_load %arg7[%get3A_284, %get3A_285] {strides = array<i32>} : memref<4992x16xf32, #tpu.memory_space<vmem>>, vector<16xf32>,
        %add3A_287 = arith.addf %add3A_279, %get3A_286 : vector<16xf32>
        %add3A_288 = arith.constant 7 : i32
        %add3A_289 = arith.addi %mul3A_86, %add3A_288 : i32
        %swap3A_290 = arith.index_cast %add3A_289 : i32 to index
        %swap3A_291 = arith.constant 0 : index
        %swap3A_292 = tpu.vector_load %arg7[%swap3A_290, %swap3A_291] {strides = array<i32>} : memref<4992x16xf32, #tpu.memory_space<vmem>>, vector<16xf32>,
        tpu.vector_store %arg7[%swap3A_290, %swap3A_291], %add3A_287 {strides = array<i32>} : memref<4992x16xf32, #tpu.memory_space<vmem>>, vector<16xf32>,
      }
      %scan3A_46 = arith.constant 200 : i32
      %mul3A_47 = arith.constant 1600 : i32
      %mul3A_48 = arith.muli %add3A_40, %mul3A_47 : i32
      "tpu.region"() ({
        %run_scoped3A = tpu.sem_alloc : memref<!tpu.dma_semaphore, #tpu.memory_space<semaphore_mem>>
        %dma_start3A_84 = arith.constant 0 : i32
        %dma_start3A_85 = arith.constant 0 : i32
        %dma_start3A_86 = tpu.memref_slice %arg7[%dma_start3A_84, %dma_start3A_85] : memref<4992x16xf32, #tpu.memory_space<vmem>> -> memref<1600x16xf32, #tpu.memory_space<vmem>>
        %dma_start3A_87 = arith.constant 0 : i32
        %dma_start3A_88 = tpu.memref_slice %arg4[%mul3A_48, %dma_start3A_87] : memref<1638400x16xf32, #tpu.memory_space<hbm>> -> memref<1600x16xf32, #tpu.memory_space<hbm>>
        %dma_start3A_89 = arith.constant 0 : i32
        %dma_start3A_90 = tpu.memref_slice %arg4[%mul3A_48, %dma_start3A_89] : memref<1638400x16xf32, #tpu.memory_space<hbm>> -> memref<1600x16xf32, #tpu.memory_space<hbm>>
        %dma_start3A_91 = arith.constant 0 : i32
        %dma_start3A_92 = arith.constant 0 : i32
        %dma_start3A_93 = tpu.memref_slice %arg7[%dma_start3A_91, %dma_start3A_92] : memref<4992x16xf32, #tpu.memory_space<vmem>> -> memref<1600x16xf32, #tpu.memory_space<vmem>>
        tpu.enqueue_dma source(%dma_start3A_93 : memref<1600x16xf32, #tpu.memory_space<vmem>>) target(%dma_start3A_90 : memref<1600x16xf32, #tpu.memory_space<hbm>>) target_semaphore(%run_scoped3A : memref<!tpu.dma_semaphore, #tpu.memory_space<semaphore_mem>>)
        %dma_wait3A_94 = arith.constant 0 : i32
        %dma_wait3A_95 = arith.constant 0 : i32
        %dma_wait3A_96 = tpu.memref_slice %arg7[%dma_wait3A_94, %dma_wait3A_95] : memref<4992x16xf32, #tpu.memory_space<vmem>> -> memref<1600x16xf32, #tpu.memory_space<vmem>>
        %dma_wait3A_97 = arith.constant 0 : i32
        %dma_wait3A_98 = tpu.memref_slice %arg4[%mul3A_48, %dma_wait3A_97] : memref<1638400x16xf32, #tpu.memory_space<hbm>> -> memref<1600x16xf32, #tpu.memory_space<hbm>>
        %dma_wait3A_99 = arith.constant 0 : i32
        %dma_wait3A_100 = tpu.memref_slice %arg4[%mul3A_48, %dma_wait3A_99] : memref<1638400x16xf32, #tpu.memory_space<hbm>> -> memref<1600x16xf32, #tpu.memory_space<hbm>>
        %dma_wait3A_101 = arith.constant 0 : i32
        %dma_wait3A_102 = arith.constant 0 : i32
        %dma_wait3A_103 = tpu.memref_slice %arg7[%dma_wait3A_101, %dma_wait3A_102] : memref<4992x16xf32, #tpu.memory_space<vmem>> -> memref<1600x16xf32, #tpu.memory_space<vmem>>
        tpu.wait_dma2 semaphore(%run_scoped3A : memref<!tpu.dma_semaphore, #tpu.memory_space<semaphore_mem>>) src(%dma_wait3A_103 : memref<1600x16xf32, #tpu.memory_space<vmem>>) dst(%dma_wait3A_100 : memref<1600x16xf32, #tpu.memory_space<hbm>>)
        tpu.yield
      }) : () -> ()
      %dma_start3A_49 = arith.constant 1 : i32
      %dma_start3A_50 = arith.constant 0 : i32
      %dma_start3A_51 = tpu.memref_slice %arg6[%dma_start3A_49, %dma_start3A_50] : memref<2x4992xi32, #tpu.memory_space<vmem>> -> memref<1x4992xi32, #tpu.memory_space<vmem>>
      %dma_start3A_52 = tpu.memref_squeeze %dma_start3A_51 : memref<1x4992xi32, #tpu.memory_space<vmem>> -> memref<4992xi32, #tpu.memory_space<vmem>>
      %dma_start3A_53 = arith.constant 0 : i32
      %dma_start3A_54 = arith.constant 0 : i32
      %dma_start3A_55 = tpu.memref_slice %arg3[%dma_start3A_53, %dma_start3A_54] : memref<2400000x16xf32, #tpu.memory_space<hbm>> -> memref<2400000x16xf32, #tpu.memory_space<hbm>>
      tpu.enqueue_indirect_dma source(%dma_start3A_55 : memref<2400000x16xf32, #tpu.memory_space<hbm>>) target(%arg7 : memref<4992x16xf32, #tpu.memory_space<vmem>>) offsets(%dma_start3A_52 : memref<4992xi32, #tpu.memory_space<vmem>>) semaphore(%arg8 : memref<!tpu.dma_semaphore, #tpu.memory_space<semaphore_mem>>)
      %add3A_56 = arith.constant 2 : i32
      %add3A_57 = arith.addi %mul3A_18, %add3A_56 : i32
      %min3A = arith.constant 31 : i32
      %min3A_58 = arith.minsi %add3A_57, %min3A : i32
      %scan3A_59 = arith.constant 0 : i32
      %scan3A_60 = arith.constant 0 : i32
      %scan3A_61 = arith.constant 0 : i32
      %scan3A_62 = arith.constant 13 : i32
      %scan3A_63 = arith.addi %scan3A_61, %scan3A_62 : i32
      %scan3A_64 = arith.constant 1 : i32
      scf.for %scan3A_84 = %scan3A_61 to %scan3A_63 step %scan3A_64  : i32 {
        %mul3A_85 = arith.constant 16 : i32
        %mul3A_86 = arith.muli %scan3A_84, %mul3A_85 : i32
        %multiple_of3A = tpu.assume_multiple %mul3A_86, 16 : i32
        %get3A = arith.constant 0 : i32
        %get3A_87 = tpu.memref_slice %arg5[%min3A_58, %get3A] : memref<32x256xi32, #tpu.memory_space<vmem>> -> memref<1x256xi32, #tpu.memory_space<vmem>>
        %get3A_88 = tpu.memref_squeeze %get3A_87 : memref<1x256xi32, #tpu.memory_space<vmem>> -> memref<256xi32, #tpu.memory_space<vmem>>
        %get3A_89 = arith.index_cast %multiple_of3A : i32 to index
        %get3A_90 = tpu.vector_load %get3A_88[%get3A_89] {strides = array<i32>} : memref<256xi32, #tpu.memory_space<vmem>>, vector<16xi32>,
        %add3A_91 = arith.constant 1 : i32
        %add3A_92 = arith.addi %multiple_of3A, %add3A_91 : i32
        %get3A_93 = arith.constant 0 : i32
        %get3A_94 = tpu.memref_slice %arg5[%min3A_58, %get3A_93] : memref<32x256xi32, #tpu.memory_space<vmem>> -> memref<1x256xi32, #tpu.memory_space<vmem>>
        %get3A_95 = tpu.memref_squeeze %get3A_94 : memref<1x256xi32, #tpu.memory_space<vmem>> -> memref<256xi32, #tpu.memory_space<vmem>>
        %get3A_96 = arith.index_cast %add3A_92 : i32 to index
        %get3A_97 = tpu.vector_load %get3A_95[%get3A_96] {strides = array<i32>} : memref<256xi32, #tpu.memory_space<vmem>>, vector<16xi32>,
        %add3A_98 = arith.constant 2 : i32
        %add3A_99 = arith.addi %multiple_of3A, %add3A_98 : i32
        %get3A_100 = arith.constant 0 : i32
        %get3A_101 = tpu.memref_slice %arg5[%min3A_58, %get3A_100] : memref<32x256xi32, #tpu.memory_space<vmem>> -> memref<1x256xi32, #tpu.memory_space<vmem>>
        %get3A_102 = tpu.memref_squeeze %get3A_101 : memref<1x256xi32, #tpu.memory_space<vmem>> -> memref<256xi32, #tpu.memory_space<vmem>>
        %get3A_103 = arith.index_cast %add3A_99 : i32 to index
        %get3A_104 = tpu.vector_load %get3A_102[%get3A_103] {strides = array<i32>} : memref<256xi32, #tpu.memory_space<vmem>>, vector<16xi32>,
        %mul3A_105 = arith.constant 1000003 : i32
        %mul3A_106 = vector.broadcast %mul3A_105 : i32 to vector<16xi32>
        %mul3A_107 = arith.muli %get3A_90, %mul3A_106 : vector<16xi32>
        %add3A_108 = arith.addi %mul3A_107, %get3A_97 : vector<16xi32>
        %mul3A_109 = arith.constant 1000003 : i32
        %mul3A_110 = vector.broadcast %mul3A_109 : i32 to vector<16xi32>
        %mul3A_111 = arith.muli %add3A_108, %mul3A_110 : vector<16xi32>
        %add3A_112 = arith.addi %mul3A_111, %get3A_104 : vector<16xi32>
        %mul3A_113 = arith.constant 8 : i32
        %mul3A_114 = vector.broadcast %mul3A_113 : i32 to vector<16xi32>
        %mul3A_115 = arith.muli %iota3A, %mul3A_114 : vector<16xi32>
        %add3A_116 = arith.constant 1 : i32
        %add3A_117 = vector.broadcast %add3A_116 : i32 to vector<16xi32>
        %add3A_118 = arith.addi %get3A_90, %add3A_117 : vector<16xi32>
        %add3A_119 = arith.constant 0 : i32
        %add3A_120 = arith.addi %add3A_119, %scan3A_84 : i32
        %mul3A_121 = arith.constant 128 : i32
        %mul3A_122 = arith.muli %add3A_120, %mul3A_121 : i32
        %add3A_123 = vector.broadcast %mul3A_122 : i32 to vector<16xi32>
        %add3A_124 = arith.addi %mul3A_115, %add3A_123 : vector<16xi32>
        %mul3A_125 = arith.constant 2 : i32
        %mul3A_126 = vector.broadcast %mul3A_125 : i32 to vector<16xi32>
        %mul3A_127 = arith.muli %add3A_118, %mul3A_126 : vector<16xi32>
        %convert_element_type3A = arith.sitofp %mul3A_127 : vector<16xi32> to vector<16xf32>
        %mul3A_128 = arith.constant 9.99999974E-6 : f32
        %mul3A_129 = vector.broadcast %mul3A_128 : f32 to vector<16xf32>
        %mul3A_130 = arith.mulf %convert_element_type3A, %mul3A_129 : vector<16xf32>
        %convert_element_type3A_131 = arith.fptosi %mul3A_130 : vector<16xf32> to vector<16xi32>
        %mul3A_132 = arith.constant 100000 : i32
        %mul3A_133 = vector.broadcast %mul3A_132 : i32 to vector<16xi32>
        %mul3A_134 = arith.muli %convert_element_type3A_131, %mul3A_133 : vector<16xi32>
        %sub3A = arith.subi %mul3A_127, %mul3A_134 : vector<16xi32>
        %lt3A = arith.constant 0 : i32
        %lt3A_135 = vector.broadcast %lt3A : i32 to vector<16xi32>
        %lt3A_136 = arith.cmpi slt, %sub3A, %lt3A_135 : vector<16xi32>
        %add3A_137 = arith.constant 100000 : i32
        %add3A_138 = vector.broadcast %add3A_137 : i32 to vector<16xi32>
        %add3A_139 = arith.addi %sub3A, %add3A_138 : vector<16xi32>
        %select_n3A = arith.select %lt3A_136, %add3A_139, %sub3A : vector<16xi1>, vector<16xi32>
        %lt3A_140 = arith.constant 0 : i32
        %lt3A_141 = vector.broadcast %lt3A_140 : i32 to vector<16xi32>
        %lt3A_142 = arith.cmpi slt, %select_n3A, %lt3A_141 : vector<16xi32>
        %add3A_143 = arith.constant 100000 : i32
        %add3A_144 = vector.broadcast %add3A_143 : i32 to vector<16xi32>
        %add3A_145 = arith.addi %select_n3A, %add3A_144 : vector<16xi32>
        %select_n3A_146 = arith.select %lt3A_142, %add3A_145, %select_n3A : vector<16xi1>, vector<16xi32>
        %ge3A = arith.constant 100000 : i32
        %ge3A_147 = vector.broadcast %ge3A : i32 to vector<16xi32>
        %ge3A_148 = arith.cmpi sge, %select_n3A_146, %ge3A_147 : vector<16xi32>
        %sub3A_149 = arith.constant 100000 : i32
        %sub3A_150 = vector.broadcast %sub3A_149 : i32 to vector<16xi32>
        %sub3A_151 = arith.subi %select_n3A_146, %sub3A_150 : vector<16xi32>
        %select_n3A_152 = arith.select %ge3A_148, %sub3A_151, %select_n3A_146 : vector<16xi1>, vector<16xi32>
        %add3A_153 = arith.constant 0 : i32
        %add3A_154 = vector.broadcast %add3A_153 : i32 to vector<16xi32>
        %add3A_155 = arith.addi %select_n3A_152, %add3A_154 : vector<16xi32>
        %add3A_156 = arith.constant 0 : i32
        %add3A_157 = vector.broadcast %add3A_156 : i32 to vector<16xi32>
        %add3A_158 = arith.addi %add3A_124, %add3A_157 : vector<16xi32>
        %scatter3A = arith.constant 0 : i32
        %scatter3A_159 = tpu.memref_slice %arg6[%scan3A_60, %scatter3A] : memref<2x4992xi32, #tpu.memory_space<vmem>> -> memref<1x4992xi32, #tpu.memory_space<vmem>>
        %scatter3A_160 = tpu.memref_squeeze %scatter3A_159 : memref<1x4992xi32, #tpu.memory_space<vmem>> -> memref<4992xi32, #tpu.memory_space<vmem>>
        tpu.vector_store_idx %scatter3A_160[%add3A_158], %add3A_155 : memref<4992xi32, #tpu.memory_space<vmem>>[vector<16xi32>], vector<16xi32>,
        %mul3A_161 = arith.constant 3 : i32
        %mul3A_162 = vector.broadcast %mul3A_161 : i32 to vector<16xi32>
        %mul3A_163 = arith.muli %add3A_118, %mul3A_162 : vector<16xi32>
        %convert_element_type3A_164 = arith.sitofp %mul3A_163 : vector<16xi32> to vector<16xf32>
        %mul3A_165 = arith.constant 9.99999974E-6 : f32
        %mul3A_166 = vector.broadcast %mul3A_165 : f32 to vector<16xf32>
        %mul3A_167 = arith.mulf %convert_element_type3A_164, %mul3A_166 : vector<16xf32>
        %convert_element_type3A_168 = arith.fptosi %mul3A_167 : vector<16xf32> to vector<16xi32>
        %mul3A_169 = arith.constant 100000 : i32
        %mul3A_170 = vector.broadcast %mul3A_169 : i32 to vector<16xi32>
        %mul3A_171 = arith.muli %convert_element_type3A_168, %mul3A_170 : vector<16xi32>
        %sub3A_172 = arith.subi %mul3A_163, %mul3A_171 : vector<16xi32>
        %lt3A_173 = arith.constant 0 : i32
        %lt3A_174 = vector.broadcast %lt3A_173 : i32 to vector<16xi32>
        %lt3A_175 = arith.cmpi slt, %sub3A_172, %lt3A_174 : vector<16xi32>
        %add3A_176 = arith.constant 100000 : i32
        %add3A_177 = vector.broadcast %add3A_176 : i32 to vector<16xi32>
        %add3A_178 = arith.addi %sub3A_172, %add3A_177 : vector<16xi32>
        %select_n3A_179 = arith.select %lt3A_175, %add3A_178, %sub3A_172 : vector<16xi1>, vector<16xi32>
        %lt3A_180 = arith.constant 0 : i32
        %lt3A_181 = vector.broadcast %lt3A_180 : i32 to vector<16xi32>
        %lt3A_182 = arith.cmpi slt, %select_n3A_179, %lt3A_181 : vector<16xi32>
        %add3A_183 = arith.constant 100000 : i32
        %add3A_184 = vector.broadcast %add3A_183 : i32 to vector<16xi32>
        %add3A_185 = arith.addi %select_n3A_179, %add3A_184 : vector<16xi32>
        %select_n3A_186 = arith.select %lt3A_182, %add3A_185, %select_n3A_179 : vector<16xi1>, vector<16xi32>
        %ge3A_187 = arith.constant 100000 : i32
        %ge3A_188 = vector.broadcast %ge3A_187 : i32 to vector<16xi32>
        %ge3A_189 = arith.cmpi sge, %select_n3A_186, %ge3A_188 : vector<16xi32>
        %sub3A_190 = arith.constant 100000 : i32
        %sub3A_191 = vector.broadcast %sub3A_190 : i32 to vector<16xi32>
        %sub3A_192 = arith.subi %select_n3A_186, %sub3A_191 : vector<16xi32>
        %select_n3A_193 = arith.select %ge3A_189, %sub3A_192, %select_n3A_186 : vector<16xi1>, vector<16xi32>
        %add3A_194 = arith.constant 100000 : i32
        %add3A_195 = vector.broadcast %add3A_194 : i32 to vector<16xi32>
        %add3A_196 = arith.addi %select_n3A_193, %add3A_195 : vector<16xi32>
        %add3A_197 = arith.constant 1 : i32
        %add3A_198 = vector.broadcast %add3A_197 : i32 to vector<16xi32>
        %add3A_199 = arith.addi %add3A_124, %add3A_198 : vector<16xi32>
        %scatter3A_200 = arith.constant 0 : i32
        %scatter3A_201 = tpu.memref_slice %arg6[%scan3A_60, %scatter3A_200] : memref<2x4992xi32, #tpu.memory_space<vmem>> -> memref<1x4992xi32, #tpu.memory_space<vmem>>
        %scatter3A_202 = tpu.memref_squeeze %scatter3A_201 : memref<1x4992xi32, #tpu.memory_space<vmem>> -> memref<4992xi32, #tpu.memory_space<vmem>>
        tpu.vector_store_idx %scatter3A_202[%add3A_199], %add3A_196 : memref<4992xi32, #tpu.memory_space<vmem>>[vector<16xi32>], vector<16xi32>,
        %mul3A_203 = arith.constant 5 : i32
        %mul3A_204 = vector.broadcast %mul3A_203 : i32 to vector<16xi32>
        %mul3A_205 = arith.muli %add3A_118, %mul3A_204 : vector<16xi32>
        %convert_element_type3A_206 = arith.sitofp %mul3A_205 : vector<16xi32> to vector<16xf32>
        %mul3A_207 = arith.constant 9.99999974E-6 : f32
        %mul3A_208 = vector.broadcast %mul3A_207 : f32 to vector<16xf32>
        %mul3A_209 = arith.mulf %convert_element_type3A_206, %mul3A_208 : vector<16xf32>
        %convert_element_type3A_210 = arith.fptosi %mul3A_209 : vector<16xf32> to vector<16xi32>
        %mul3A_211 = arith.constant 100000 : i32
        %mul3A_212 = vector.broadcast %mul3A_211 : i32 to vector<16xi32>
        %mul3A_213 = arith.muli %convert_element_type3A_210, %mul3A_212 : vector<16xi32>
        %sub3A_214 = arith.subi %mul3A_205, %mul3A_213 : vector<16xi32>
        %lt3A_215 = arith.constant 0 : i32
        %lt3A_216 = vector.broadcast %lt3A_215 : i32 to vector<16xi32>
        %lt3A_217 = arith.cmpi slt, %sub3A_214, %lt3A_216 : vector<16xi32>
        %add3A_218 = arith.constant 100000 : i32
        %add3A_219 = vector.broadcast %add3A_218 : i32 to vector<16xi32>
        %add3A_220 = arith.addi %sub3A_214, %add3A_219 : vector<16xi32>
        %select_n3A_221 = arith.select %lt3A_217, %add3A_220, %sub3A_214 : vector<16xi1>, vector<16xi32>
        %lt3A_222 = arith.constant 0 : i32
        %lt3A_223 = vector.broadcast %lt3A_222 : i32 to vector<16xi32>
        %lt3A_224 = arith.cmpi slt, %select_n3A_221, %lt3A_223 : vector<16xi32>
        %add3A_225 = arith.constant 100000 : i32
        %add3A_226 = vector.broadcast %add3A_225 : i32 to vector<16xi32>
        %add3A_227 = arith.addi %select_n3A_221, %add3A_226 : vector<16xi32>
        %select_n3A_228 = arith.select %lt3A_224, %add3A_227, %select_n3A_221 : vector<16xi1>, vector<16xi32>
        %ge3A_229 = arith.constant 100000 : i32
        %ge3A_230 = vector.broadcast %ge3A_229 : i32 to vector<16xi32>
        %ge3A_231 = arith.cmpi sge, %select_n3A_228, %ge3A_230 : vector<16xi32>
        %sub3A_232 = arith.constant 100000 : i32
        %sub3A_233 = vector.broadcast %sub3A_232 : i32 to vector<16xi32>
        %sub3A_234 = arith.subi %select_n3A_228, %sub3A_233 : vector<16xi32>
        %select_n3A_235 = arith.select %ge3A_231, %sub3A_234, %select_n3A_228 : vector<16xi1>, vector<16xi32>
        %add3A_236 = arith.constant 200000 : i32
        %add3A_237 = vector.broadcast %add3A_236 : i32 to vector<16xi32>
        %add3A_238 = arith.addi %select_n3A_235, %add3A_237 : vector<16xi32>
        %add3A_239 = arith.constant 2 : i32
        %add3A_240 = vector.broadcast %add3A_239 : i32 to vector<16xi32>
        %add3A_241 = arith.addi %add3A_124, %add3A_240 : vector<16xi32>
        %scatter3A_242 = arith.constant 0 : i32
        %scatter3A_243 = tpu.memref_slice %arg6[%scan3A_60, %scatter3A_242] : memref<2x4992xi32, #tpu.memory_space<vmem>> -> memref<1x4992xi32, #tpu.memory_space<vmem>>
        %scatter3A_244 = tpu.memref_squeeze %scatter3A_243 : memref<1x4992xi32, #tpu.memory_space<vmem>> -> memref<4992xi32, #tpu.memory_space<vmem>>
        tpu.vector_store_idx %scatter3A_244[%add3A_241], %add3A_238 : memref<4992xi32, #tpu.memory_space<vmem>>[vector<16xi32>], vector<16xi32>,
        %mul3A_245 = arith.constant 7 : i32
        %mul3A_246 = vector.broadcast %mul3A_245 : i32 to vector<16xi32>
        %mul3A_247 = arith.muli %add3A_118, %mul3A_246 : vector<16xi32>
        %convert_element_type3A_248 = arith.sitofp %mul3A_247 : vector<16xi32> to vector<16xf32>
        %mul3A_249 = arith.constant 9.99999974E-6 : f32
        %mul3A_250 = vector.broadcast %mul3A_249 : f32 to vector<16xf32>
        %mul3A_251 = arith.mulf %convert_element_type3A_248, %mul3A_250 : vector<16xf32>
        %convert_element_type3A_252 = arith.fptosi %mul3A_251 : vector<16xf32> to vector<16xi32>
        %mul3A_253 = arith.constant 100000 : i32
        %mul3A_254 = vector.broadcast %mul3A_253 : i32 to vector<16xi32>
        %mul3A_255 = arith.muli %convert_element_type3A_252, %mul3A_254 : vector<16xi32>
        %sub3A_256 = arith.subi %mul3A_247, %mul3A_255 : vector<16xi32>
        %lt3A_257 = arith.constant 0 : i32
        %lt3A_258 = vector.broadcast %lt3A_257 : i32 to vector<16xi32>
        %lt3A_259 = arith.cmpi slt, %sub3A_256, %lt3A_258 : vector<16xi32>
        %add3A_260 = arith.constant 100000 : i32
        %add3A_261 = vector.broadcast %add3A_260 : i32 to vector<16xi32>
        %add3A_262 = arith.addi %sub3A_256, %add3A_261 : vector<16xi32>
        %select_n3A_263 = arith.select %lt3A_259, %add3A_262, %sub3A_256 : vector<16xi1>, vector<16xi32>
        %lt3A_264 = arith.constant 0 : i32
        %lt3A_265 = vector.broadcast %lt3A_264 : i32 to vector<16xi32>
        %lt3A_266 = arith.cmpi slt, %select_n3A_263, %lt3A_265 : vector<16xi32>
        %add3A_267 = arith.constant 100000 : i32
        %add3A_268 = vector.broadcast %add3A_267 : i32 to vector<16xi32>
        %add3A_269 = arith.addi %select_n3A_263, %add3A_268 : vector<16xi32>
        %select_n3A_270 = arith.select %lt3A_266, %add3A_269, %select_n3A_263 : vector<16xi1>, vector<16xi32>
        %ge3A_271 = arith.constant 100000 : i32
        %ge3A_272 = vector.broadcast %ge3A_271 : i32 to vector<16xi32>
        %ge3A_273 = arith.cmpi sge, %select_n3A_270, %ge3A_272 : vector<16xi32>
        %sub3A_274 = arith.constant 100000 : i32
        %sub3A_275 = vector.broadcast %sub3A_274 : i32 to vector<16xi32>
        %sub3A_276 = arith.subi %select_n3A_270, %sub3A_275 : vector<16xi32>
        %select_n3A_277 = arith.select %ge3A_273, %sub3A_276, %select_n3A_270 : vector<16xi1>, vector<16xi32>
        %add3A_278 = arith.constant 300000 : i32
        %add3A_279 = vector.broadcast %add3A_278 : i32 to vector<16xi32>
        %add3A_280 = arith.addi %select_n3A_277, %add3A_279 : vector<16xi32>
        %add3A_281 = arith.constant 3 : i32
        %add3A_282 = vector.broadcast %add3A_281 : i32 to vector<16xi32>
        %add3A_283 = arith.addi %add3A_124, %add3A_282 : vector<16xi32>
        %scatter3A_284 = arith.constant 0 : i32
        %scatter3A_285 = tpu.memref_slice %arg6[%scan3A_60, %scatter3A_284] : memref<2x4992xi32, #tpu.memory_space<vmem>> -> memref<1x4992xi32, #tpu.memory_space<vmem>>
        %scatter3A_286 = tpu.memref_squeeze %scatter3A_285 : memref<1x4992xi32, #tpu.memory_space<vmem>> -> memref<4992xi32, #tpu.memory_space<vmem>>
        tpu.vector_store_idx %scatter3A_286[%add3A_283], %add3A_280 : memref<4992xi32, #tpu.memory_space<vmem>>[vector<16xi32>], vector<16xi32>,
        %mul3A_287 = arith.constant 11 : i32
        %mul3A_288 = vector.broadcast %mul3A_287 : i32 to vector<16xi32>
        %mul3A_289 = arith.muli %add3A_118, %mul3A_288 : vector<16xi32>
        %convert_element_type3A_290 = arith.sitofp %mul3A_289 : vector<16xi32> to vector<16xf32>
        %mul3A_291 = arith.constant 9.99999974E-6 : f32
        %mul3A_292 = vector.broadcast %mul3A_291 : f32 to vector<16xf32>
        %mul3A_293 = arith.mulf %convert_element_type3A_290, %mul3A_292 : vector<16xf32>
        %convert_element_type3A_294 = arith.fptosi %mul3A_293 : vector<16xf32> to vector<16xi32>
        %mul3A_295 = arith.constant 100000 : i32
        %mul3A_296 = vector.broadcast %mul3A_295 : i32 to vector<16xi32>
        %mul3A_297 = arith.muli %convert_element_type3A_294, %mul3A_296 : vector<16xi32>
        %sub3A_298 = arith.subi %mul3A_289, %mul3A_297 : vector<16xi32>
        %lt3A_299 = arith.constant 0 : i32
        %lt3A_300 = vector.broadcast %lt3A_299 : i32 to vector<16xi32>
        %lt3A_301 = arith.cmpi slt, %sub3A_298, %lt3A_300 : vector<16xi32>
        %add3A_302 = arith.constant 100000 : i32
        %add3A_303 = vector.broadcast %add3A_302 : i32 to vector<16xi32>
        %add3A_304 = arith.addi %sub3A_298, %add3A_303 : vector<16xi32>
        %select_n3A_305 = arith.select %lt3A_301, %add3A_304, %sub3A_298 : vector<16xi1>, vector<16xi32>
        %lt3A_306 = arith.constant 0 : i32
        %lt3A_307 = vector.broadcast %lt3A_306 : i32 to vector<16xi32>
        %lt3A_308 = arith.cmpi slt, %select_n3A_305, %lt3A_307 : vector<16xi32>
        %add3A_309 = arith.constant 100000 : i32
        %add3A_310 = vector.broadcast %add3A_309 : i32 to vector<16xi32>
        %add3A_311 = arith.addi %select_n3A_305, %add3A_310 : vector<16xi32>
        %select_n3A_312 = arith.select %lt3A_308, %add3A_311, %select_n3A_305 : vector<16xi1>, vector<16xi32>
        %ge3A_313 = arith.constant 100000 : i32
        %ge3A_314 = vector.broadcast %ge3A_313 : i32 to vector<16xi32>
        %ge3A_315 = arith.cmpi sge, %select_n3A_312, %ge3A_314 : vector<16xi32>
        %sub3A_316 = arith.constant 100000 : i32
        %sub3A_317 = vector.broadcast %sub3A_316 : i32 to vector<16xi32>
        %sub3A_318 = arith.subi %select_n3A_312, %sub3A_317 : vector<16xi32>
        %select_n3A_319 = arith.select %ge3A_315, %sub3A_318, %select_n3A_312 : vector<16xi1>, vector<16xi32>
        %add3A_320 = arith.constant 400000 : i32
        %add3A_321 = vector.broadcast %add3A_320 : i32 to vector<16xi32>
        %add3A_322 = arith.addi %select_n3A_319, %add3A_321 : vector<16xi32>
        %add3A_323 = arith.constant 4 : i32
        %add3A_324 = vector.broadcast %add3A_323 : i32 to vector<16xi32>
        %add3A_325 = arith.addi %add3A_124, %add3A_324 : vector<16xi32>
        %scatter3A_326 = arith.constant 0 : i32
        %scatter3A_327 = tpu.memref_slice %arg6[%scan3A_60, %scatter3A_326] : memref<2x4992xi32, #tpu.memory_space<vmem>> -> memref<1x4992xi32, #tpu.memory_space<vmem>>
        %scatter3A_328 = tpu.memref_squeeze %scatter3A_327 : memref<1x4992xi32, #tpu.memory_space<vmem>> -> memref<4992xi32, #tpu.memory_space<vmem>>
        tpu.vector_store_idx %scatter3A_328[%add3A_325], %add3A_322 : memref<4992xi32, #tpu.memory_space<vmem>>[vector<16xi32>], vector<16xi32>,
        %mul3A_329 = arith.constant 13 : i32
        %mul3A_330 = vector.broadcast %mul3A_329 : i32 to vector<16xi32>
        %mul3A_331 = arith.muli %add3A_118, %mul3A_330 : vector<16xi32>
        %convert_element_type3A_332 = arith.sitofp %mul3A_331 : vector<16xi32> to vector<16xf32>
        %mul3A_333 = arith.constant 9.99999974E-6 : f32
        %mul3A_334 = vector.broadcast %mul3A_333 : f32 to vector<16xf32>
        %mul3A_335 = arith.mulf %convert_element_type3A_332, %mul3A_334 : vector<16xf32>
        %convert_element_type3A_336 = arith.fptosi %mul3A_335 : vector<16xf32> to vector<16xi32>
        %mul3A_337 = arith.constant 100000 : i32
        %mul3A_338 = vector.broadcast %mul3A_337 : i32 to vector<16xi32>
        %mul3A_339 = arith.muli %convert_element_type3A_336, %mul3A_338 : vector<16xi32>
        %sub3A_340 = arith.subi %mul3A_331, %mul3A_339 : vector<16xi32>
        %lt3A_341 = arith.constant 0 : i32
        %lt3A_342 = vector.broadcast %lt3A_341 : i32 to vector<16xi32>
        %lt3A_343 = arith.cmpi slt, %sub3A_340, %lt3A_342 : vector<16xi32>
        %add3A_344 = arith.constant 100000 : i32
        %add3A_345 = vector.broadcast %add3A_344 : i32 to vector<16xi32>
        %add3A_346 = arith.addi %sub3A_340, %add3A_345 : vector<16xi32>
        %select_n3A_347 = arith.select %lt3A_343, %add3A_346, %sub3A_340 : vector<16xi1>, vector<16xi32>
        %lt3A_348 = arith.constant 0 : i32
        %lt3A_349 = vector.broadcast %lt3A_348 : i32 to vector<16xi32>
        %lt3A_350 = arith.cmpi slt, %select_n3A_347, %lt3A_349 : vector<16xi32>
        %add3A_351 = arith.constant 100000 : i32
        %add3A_352 = vector.broadcast %add3A_351 : i32 to vector<16xi32>
        %add3A_353 = arith.addi %select_n3A_347, %add3A_352 : vector<16xi32>
        %select_n3A_354 = arith.select %lt3A_350, %add3A_353, %select_n3A_347 : vector<16xi1>, vector<16xi32>
        %ge3A_355 = arith.constant 100000 : i32
        %ge3A_356 = vector.broadcast %ge3A_355 : i32 to vector<16xi32>
        %ge3A_357 = arith.cmpi sge, %select_n3A_354, %ge3A_356 : vector<16xi32>
        %sub3A_358 = arith.constant 100000 : i32
        %sub3A_359 = vector.broadcast %sub3A_358 : i32 to vector<16xi32>
        %sub3A_360 = arith.subi %select_n3A_354, %sub3A_359 : vector<16xi32>
        %select_n3A_361 = arith.select %ge3A_357, %sub3A_360, %select_n3A_354 : vector<16xi1>, vector<16xi32>
        %add3A_362 = arith.constant 500000 : i32
        %add3A_363 = vector.broadcast %add3A_362 : i32 to vector<16xi32>
        %add3A_364 = arith.addi %select_n3A_361, %add3A_363 : vector<16xi32>
        %add3A_365 = arith.constant 5 : i32
        %add3A_366 = vector.broadcast %add3A_365 : i32 to vector<16xi32>
        %add3A_367 = arith.addi %add3A_124, %add3A_366 : vector<16xi32>
        %scatter3A_368 = arith.constant 0 : i32
        %scatter3A_369 = tpu.memref_slice %arg6[%scan3A_60, %scatter3A_368] : memref<2x4992xi32, #tpu.memory_space<vmem>> -> memref<1x4992xi32, #tpu.memory_space<vmem>>
        %scatter3A_370 = tpu.memref_squeeze %scatter3A_369 : memref<1x4992xi32, #tpu.memory_space<vmem>> -> memref<4992xi32, #tpu.memory_space<vmem>>
        tpu.vector_store_idx %scatter3A_370[%add3A_367], %add3A_364 : memref<4992xi32, #tpu.memory_space<vmem>>[vector<16xi32>], vector<16xi32>,
        %mul3A_371 = arith.constant 17 : i32
        %mul3A_372 = vector.broadcast %mul3A_371 : i32 to vector<16xi32>
        %mul3A_373 = arith.muli %add3A_118, %mul3A_372 : vector<16xi32>
        %convert_element_type3A_374 = arith.sitofp %mul3A_373 : vector<16xi32> to vector<16xf32>
        %mul3A_375 = arith.constant 9.99999974E-6 : f32
        %mul3A_376 = vector.broadcast %mul3A_375 : f32 to vector<16xf32>
        %mul3A_377 = arith.mulf %convert_element_type3A_374, %mul3A_376 : vector<16xf32>
        %convert_element_type3A_378 = arith.fptosi %mul3A_377 : vector<16xf32> to vector<16xi32>
        %mul3A_379 = arith.constant 100000 : i32
        %mul3A_380 = vector.broadcast %mul3A_379 : i32 to vector<16xi32>
        %mul3A_381 = arith.muli %convert_element_type3A_378, %mul3A_380 : vector<16xi32>
        %sub3A_382 = arith.subi %mul3A_373, %mul3A_381 : vector<16xi32>
        %lt3A_383 = arith.constant 0 : i32
        %lt3A_384 = vector.broadcast %lt3A_383 : i32 to vector<16xi32>
        %lt3A_385 = arith.cmpi slt, %sub3A_382, %lt3A_384 : vector<16xi32>
        %add3A_386 = arith.constant 100000 : i32
        %add3A_387 = vector.broadcast %add3A_386 : i32 to vector<16xi32>
        %add3A_388 = arith.addi %sub3A_382, %add3A_387 : vector<16xi32>
        %select_n3A_389 = arith.select %lt3A_385, %add3A_388, %sub3A_382 : vector<16xi1>, vector<16xi32>
        %lt3A_390 = arith.constant 0 : i32
        %lt3A_391 = vector.broadcast %lt3A_390 : i32 to vector<16xi32>
        %lt3A_392 = arith.cmpi slt, %select_n3A_389, %lt3A_391 : vector<16xi32>
        %add3A_393 = arith.constant 100000 : i32
        %add3A_394 = vector.broadcast %add3A_393 : i32 to vector<16xi32>
        %add3A_395 = arith.addi %select_n3A_389, %add3A_394 : vector<16xi32>
        %select_n3A_396 = arith.select %lt3A_392, %add3A_395, %select_n3A_389 : vector<16xi1>, vector<16xi32>
        %ge3A_397 = arith.constant 100000 : i32
        %ge3A_398 = vector.broadcast %ge3A_397 : i32 to vector<16xi32>
        %ge3A_399 = arith.cmpi sge, %select_n3A_396, %ge3A_398 : vector<16xi32>
        %sub3A_400 = arith.constant 100000 : i32
        %sub3A_401 = vector.broadcast %sub3A_400 : i32 to vector<16xi32>
        %sub3A_402 = arith.subi %select_n3A_396, %sub3A_401 : vector<16xi32>
        %select_n3A_403 = arith.select %ge3A_399, %sub3A_402, %select_n3A_396 : vector<16xi1>, vector<16xi32>
        %add3A_404 = arith.constant 600000 : i32
        %add3A_405 = vector.broadcast %add3A_404 : i32 to vector<16xi32>
        %add3A_406 = arith.addi %select_n3A_403, %add3A_405 : vector<16xi32>
        %add3A_407 = arith.constant 6 : i32
        %add3A_408 = vector.broadcast %add3A_407 : i32 to vector<16xi32>
        %add3A_409 = arith.addi %add3A_124, %add3A_408 : vector<16xi32>
        %scatter3A_410 = arith.constant 0 : i32
        %scatter3A_411 = tpu.memref_slice %arg6[%scan3A_60, %scatter3A_410] : memref<2x4992xi32, #tpu.memory_space<vmem>> -> memref<1x4992xi32, #tpu.memory_space<vmem>>
        %scatter3A_412 = tpu.memref_squeeze %scatter3A_411 : memref<1x4992xi32, #tpu.memory_space<vmem>> -> memref<4992xi32, #tpu.memory_space<vmem>>
        tpu.vector_store_idx %scatter3A_412[%add3A_409], %add3A_406 : memref<4992xi32, #tpu.memory_space<vmem>>[vector<16xi32>], vector<16xi32>,
        %mul3A_413 = arith.constant 19 : i32
        %mul3A_414 = vector.broadcast %mul3A_413 : i32 to vector<16xi32>
        %mul3A_415 = arith.muli %add3A_118, %mul3A_414 : vector<16xi32>
        %convert_element_type3A_416 = arith.sitofp %mul3A_415 : vector<16xi32> to vector<16xf32>
        %mul3A_417 = arith.constant 9.99999974E-6 : f32
        %mul3A_418 = vector.broadcast %mul3A_417 : f32 to vector<16xf32>
        %mul3A_419 = arith.mulf %convert_element_type3A_416, %mul3A_418 : vector<16xf32>
        %convert_element_type3A_420 = arith.fptosi %mul3A_419 : vector<16xf32> to vector<16xi32>
        %mul3A_421 = arith.constant 100000 : i32
        %mul3A_422 = vector.broadcast %mul3A_421 : i32 to vector<16xi32>
        %mul3A_423 = arith.muli %convert_element_type3A_420, %mul3A_422 : vector<16xi32>
        %sub3A_424 = arith.subi %mul3A_415, %mul3A_423 : vector<16xi32>
        %lt3A_425 = arith.constant 0 : i32
        %lt3A_426 = vector.broadcast %lt3A_425 : i32 to vector<16xi32>
        %lt3A_427 = arith.cmpi slt, %sub3A_424, %lt3A_426 : vector<16xi32>
        %add3A_428 = arith.constant 100000 : i32
        %add3A_429 = vector.broadcast %add3A_428 : i32 to vector<16xi32>
        %add3A_430 = arith.addi %sub3A_424, %add3A_429 : vector<16xi32>
        %select_n3A_431 = arith.select %lt3A_427, %add3A_430, %sub3A_424 : vector<16xi1>, vector<16xi32>
        %lt3A_432 = arith.constant 0 : i32
        %lt3A_433 = vector.broadcast %lt3A_432 : i32 to vector<16xi32>
        %lt3A_434 = arith.cmpi slt, %select_n3A_431, %lt3A_433 : vector<16xi32>
        %add3A_435 = arith.constant 100000 : i32
        %add3A_436 = vector.broadcast %add3A_435 : i32 to vector<16xi32>
        %add3A_437 = arith.addi %select_n3A_431, %add3A_436 : vector<16xi32>
        %select_n3A_438 = arith.select %lt3A_434, %add3A_437, %select_n3A_431 : vector<16xi1>, vector<16xi32>
        %ge3A_439 = arith.constant 100000 : i32
        %ge3A_440 = vector.broadcast %ge3A_439 : i32 to vector<16xi32>
        %ge3A_441 = arith.cmpi sge, %select_n3A_438, %ge3A_440 : vector<16xi32>
        %sub3A_442 = arith.constant 100000 : i32
        %sub3A_443 = vector.broadcast %sub3A_442 : i32 to vector<16xi32>
        %sub3A_444 = arith.subi %select_n3A_438, %sub3A_443 : vector<16xi32>
        %select_n3A_445 = arith.select %ge3A_441, %sub3A_444, %select_n3A_438 : vector<16xi1>, vector<16xi32>
        %add3A_446 = arith.constant 700000 : i32
        %add3A_447 = vector.broadcast %add3A_446 : i32 to vector<16xi32>
        %add3A_448 = arith.addi %select_n3A_445, %add3A_447 : vector<16xi32>
        %add3A_449 = arith.constant 7 : i32
        %add3A_450 = vector.broadcast %add3A_449 : i32 to vector<16xi32>
        %add3A_451 = arith.addi %add3A_124, %add3A_450 : vector<16xi32>
        %scatter3A_452 = arith.constant 0 : i32
        %scatter3A_453 = tpu.memref_slice %arg6[%scan3A_60, %scatter3A_452] : memref<2x4992xi32, #tpu.memory_space<vmem>> -> memref<1x4992xi32, #tpu.memory_space<vmem>>
        %scatter3A_454 = tpu.memref_squeeze %scatter3A_453 : memref<1x4992xi32, #tpu.memory_space<vmem>> -> memref<4992xi32, #tpu.memory_space<vmem>>
        tpu.vector_store_idx %scatter3A_454[%add3A_451], %add3A_448 : memref<4992xi32, #tpu.memory_space<vmem>>[vector<16xi32>], vector<16xi32>,
        %add3A_455 = arith.constant 1 : i32
        %add3A_456 = vector.broadcast %add3A_455 : i32 to vector<16xi32>
        %add3A_457 = arith.addi %add3A_108, %add3A_456 : vector<16xi32>
        %add3A_458 = arith.constant 13 : i32
        %add3A_459 = arith.addi %add3A_458, %scan3A_84 : i32
        %mul3A_460 = arith.constant 128 : i32
        %mul3A_461 = arith.muli %add3A_459, %mul3A_460 : i32
        %add3A_462 = vector.broadcast %mul3A_461 : i32 to vector<16xi32>
        %add3A_463 = arith.addi %mul3A_115, %add3A_462 : vector<16xi32>
        %mul3A_464 = arith.constant 2 : i32
        %mul3A_465 = vector.broadcast %mul3A_464 : i32 to vector<16xi32>
        %mul3A_466 = arith.muli %add3A_457, %mul3A_465 : vector<16xi32>
        %convert_element_type3A_467 = arith.sitofp %mul3A_466 : vector<16xi32> to vector<16xf32>
        %mul3A_468 = arith.constant 9.99999974E-6 : f32
        %mul3A_469 = vector.broadcast %mul3A_468 : f32 to vector<16xf32>
        %mul3A_470 = arith.mulf %convert_element_type3A_467, %mul3A_469 : vector<16xf32>
        %convert_element_type3A_471 = arith.fptosi %mul3A_470 : vector<16xf32> to vector<16xi32>
        %mul3A_472 = arith.constant 100000 : i32
        %mul3A_473 = vector.broadcast %mul3A_472 : i32 to vector<16xi32>
        %mul3A_474 = arith.muli %convert_element_type3A_471, %mul3A_473 : vector<16xi32>
        %sub3A_475 = arith.subi %mul3A_466, %mul3A_474 : vector<16xi32>
        %lt3A_476 = arith.constant 0 : i32
        %lt3A_477 = vector.broadcast %lt3A_476 : i32 to vector<16xi32>
        %lt3A_478 = arith.cmpi slt, %sub3A_475, %lt3A_477 : vector<16xi32>
        %add3A_479 = arith.constant 100000 : i32
        %add3A_480 = vector.broadcast %add3A_479 : i32 to vector<16xi32>
        %add3A_481 = arith.addi %sub3A_475, %add3A_480 : vector<16xi32>
        %select_n3A_482 = arith.select %lt3A_478, %add3A_481, %sub3A_475 : vector<16xi1>, vector<16xi32>
        %lt3A_483 = arith.constant 0 : i32
        %lt3A_484 = vector.broadcast %lt3A_483 : i32 to vector<16xi32>
        %lt3A_485 = arith.cmpi slt, %select_n3A_482, %lt3A_484 : vector<16xi32>
        %add3A_486 = arith.constant 100000 : i32
        %add3A_487 = vector.broadcast %add3A_486 : i32 to vector<16xi32>
        %add3A_488 = arith.addi %select_n3A_482, %add3A_487 : vector<16xi32>
        %select_n3A_489 = arith.select %lt3A_485, %add3A_488, %select_n3A_482 : vector<16xi1>, vector<16xi32>
        %ge3A_490 = arith.constant 100000 : i32
        %ge3A_491 = vector.broadcast %ge3A_490 : i32 to vector<16xi32>
        %ge3A_492 = arith.cmpi sge, %select_n3A_489, %ge3A_491 : vector<16xi32>
        %sub3A_493 = arith.constant 100000 : i32
        %sub3A_494 = vector.broadcast %sub3A_493 : i32 to vector<16xi32>
        %sub3A_495 = arith.subi %select_n3A_489, %sub3A_494 : vector<16xi32>
        %select_n3A_496 = arith.select %ge3A_492, %sub3A_495, %select_n3A_489 : vector<16xi1>, vector<16xi32>
        %add3A_497 = arith.constant 800000 : i32
        %add3A_498 = vector.broadcast %add3A_497 : i32 to vector<16xi32>
        %add3A_499 = arith.addi %select_n3A_496, %add3A_498 : vector<16xi32>
        %add3A_500 = arith.constant 0 : i32
        %add3A_501 = vector.broadcast %add3A_500 : i32 to vector<16xi32>
        %add3A_502 = arith.addi %add3A_463, %add3A_501 : vector<16xi32>
        %scatter3A_503 = arith.constant 0 : i32
        %scatter3A_504 = tpu.memref_slice %arg6[%scan3A_60, %scatter3A_503] : memref<2x4992xi32, #tpu.memory_space<vmem>> -> memref<1x4992xi32, #tpu.memory_space<vmem>>
        %scatter3A_505 = tpu.memref_squeeze %scatter3A_504 : memref<1x4992xi32, #tpu.memory_space<vmem>> -> memref<4992xi32, #tpu.memory_space<vmem>>
        tpu.vector_store_idx %scatter3A_505[%add3A_502], %add3A_499 : memref<4992xi32, #tpu.memory_space<vmem>>[vector<16xi32>], vector<16xi32>,
        %mul3A_506 = arith.constant 3 : i32
        %mul3A_507 = vector.broadcast %mul3A_506 : i32 to vector<16xi32>
        %mul3A_508 = arith.muli %add3A_457, %mul3A_507 : vector<16xi32>
        %convert_element_type3A_509 = arith.sitofp %mul3A_508 : vector<16xi32> to vector<16xf32>
        %mul3A_510 = arith.constant 9.99999974E-6 : f32
        %mul3A_511 = vector.broadcast %mul3A_510 : f32 to vector<16xf32>
        %mul3A_512 = arith.mulf %convert_element_type3A_509, %mul3A_511 : vector<16xf32>
        %convert_element_type3A_513 = arith.fptosi %mul3A_512 : vector<16xf32> to vector<16xi32>
        %mul3A_514 = arith.constant 100000 : i32
        %mul3A_515 = vector.broadcast %mul3A_514 : i32 to vector<16xi32>
        %mul3A_516 = arith.muli %convert_element_type3A_513, %mul3A_515 : vector<16xi32>
        %sub3A_517 = arith.subi %mul3A_508, %mul3A_516 : vector<16xi32>
        %lt3A_518 = arith.constant 0 : i32
        %lt3A_519 = vector.broadcast %lt3A_518 : i32 to vector<16xi32>
        %lt3A_520 = arith.cmpi slt, %sub3A_517, %lt3A_519 : vector<16xi32>
        %add3A_521 = arith.constant 100000 : i32
        %add3A_522 = vector.broadcast %add3A_521 : i32 to vector<16xi32>
        %add3A_523 = arith.addi %sub3A_517, %add3A_522 : vector<16xi32>
        %select_n3A_524 = arith.select %lt3A_520, %add3A_523, %sub3A_517 : vector<16xi1>, vector<16xi32>
        %lt3A_525 = arith.constant 0 : i32
        %lt3A_526 = vector.broadcast %lt3A_525 : i32 to vector<16xi32>
        %lt3A_527 = arith.cmpi slt, %select_n3A_524, %lt3A_526 : vector<16xi32>
        %add3A_528 = arith.constant 100000 : i32
        %add3A_529 = vector.broadcast %add3A_528 : i32 to vector<16xi32>
        %add3A_530 = arith.addi %select_n3A_524, %add3A_529 : vector<16xi32>
        %select_n3A_531 = arith.select %lt3A_527, %add3A_530, %select_n3A_524 : vector<16xi1>, vector<16xi32>
        %ge3A_532 = arith.constant 100000 : i32
        %ge3A_533 = vector.broadcast %ge3A_532 : i32 to vector<16xi32>
        %ge3A_534 = arith.cmpi sge, %select_n3A_531, %ge3A_533 : vector<16xi32>
        %sub3A_535 = arith.constant 100000 : i32
        %sub3A_536 = vector.broadcast %sub3A_535 : i32 to vector<16xi32>
        %sub3A_537 = arith.subi %select_n3A_531, %sub3A_536 : vector<16xi32>
        %select_n3A_538 = arith.select %ge3A_534, %sub3A_537, %select_n3A_531 : vector<16xi1>, vector<16xi32>
        %add3A_539 = arith.constant 900000 : i32
        %add3A_540 = vector.broadcast %add3A_539 : i32 to vector<16xi32>
        %add3A_541 = arith.addi %select_n3A_538, %add3A_540 : vector<16xi32>
        %add3A_542 = arith.constant 1 : i32
        %add3A_543 = vector.broadcast %add3A_542 : i32 to vector<16xi32>
        %add3A_544 = arith.addi %add3A_463, %add3A_543 : vector<16xi32>
        %scatter3A_545 = arith.constant 0 : i32
        %scatter3A_546 = tpu.memref_slice %arg6[%scan3A_60, %scatter3A_545] : memref<2x4992xi32, #tpu.memory_space<vmem>> -> memref<1x4992xi32, #tpu.memory_space<vmem>>
        %scatter3A_547 = tpu.memref_squeeze %scatter3A_546 : memref<1x4992xi32, #tpu.memory_space<vmem>> -> memref<4992xi32, #tpu.memory_space<vmem>>
        tpu.vector_store_idx %scatter3A_547[%add3A_544], %add3A_541 : memref<4992xi32, #tpu.memory_space<vmem>>[vector<16xi32>], vector<16xi32>,
        %mul3A_548 = arith.constant 5 : i32
        %mul3A_549 = vector.broadcast %mul3A_548 : i32 to vector<16xi32>
        %mul3A_550 = arith.muli %add3A_457, %mul3A_549 : vector<16xi32>
        %convert_element_type3A_551 = arith.sitofp %mul3A_550 : vector<16xi32> to vector<16xf32>
        %mul3A_552 = arith.constant 9.99999974E-6 : f32
        %mul3A_553 = vector.broadcast %mul3A_552 : f32 to vector<16xf32>
        %mul3A_554 = arith.mulf %convert_element_type3A_551, %mul3A_553 : vector<16xf32>
        %convert_element_type3A_555 = arith.fptosi %mul3A_554 : vector<16xf32> to vector<16xi32>
        %mul3A_556 = arith.constant 100000 : i32
        %mul3A_557 = vector.broadcast %mul3A_556 : i32 to vector<16xi32>
        %mul3A_558 = arith.muli %convert_element_type3A_555, %mul3A_557 : vector<16xi32>
        %sub3A_559 = arith.subi %mul3A_550, %mul3A_558 : vector<16xi32>
        %lt3A_560 = arith.constant 0 : i32
        %lt3A_561 = vector.broadcast %lt3A_560 : i32 to vector<16xi32>
        %lt3A_562 = arith.cmpi slt, %sub3A_559, %lt3A_561 : vector<16xi32>
        %add3A_563 = arith.constant 100000 : i32
        %add3A_564 = vector.broadcast %add3A_563 : i32 to vector<16xi32>
        %add3A_565 = arith.addi %sub3A_559, %add3A_564 : vector<16xi32>
        %select_n3A_566 = arith.select %lt3A_562, %add3A_565, %sub3A_559 : vector<16xi1>, vector<16xi32>
        %lt3A_567 = arith.constant 0 : i32
        %lt3A_568 = vector.broadcast %lt3A_567 : i32 to vector<16xi32>
        %lt3A_569 = arith.cmpi slt, %select_n3A_566, %lt3A_568 : vector<16xi32>
        %add3A_570 = arith.constant 100000 : i32
        %add3A_571 = vector.broadcast %add3A_570 : i32 to vector<16xi32>
        %add3A_572 = arith.addi %select_n3A_566, %add3A_571 : vector<16xi32>
        %select_n3A_573 = arith.select %lt3A_569, %add3A_572, %select_n3A_566 : vector<16xi1>, vector<16xi32>
        %ge3A_574 = arith.constant 100000 : i32
        %ge3A_575 = vector.broadcast %ge3A_574 : i32 to vector<16xi32>
        %ge3A_576 = arith.cmpi sge, %select_n3A_573, %ge3A_575 : vector<16xi32>
        %sub3A_577 = arith.constant 100000 : i32
        %sub3A_578 = vector.broadcast %sub3A_577 : i32 to vector<16xi32>
        %sub3A_579 = arith.subi %select_n3A_573, %sub3A_578 : vector<16xi32>
        %select_n3A_580 = arith.select %ge3A_576, %sub3A_579, %select_n3A_573 : vector<16xi1>, vector<16xi32>
        %add3A_581 = arith.constant 1000000 : i32
        %add3A_582 = vector.broadcast %add3A_581 : i32 to vector<16xi32>
        %add3A_583 = arith.addi %select_n3A_580, %add3A_582 : vector<16xi32>
        %add3A_584 = arith.constant 2 : i32
        %add3A_585 = vector.broadcast %add3A_584 : i32 to vector<16xi32>
        %add3A_586 = arith.addi %add3A_463, %add3A_585 : vector<16xi32>
        %scatter3A_587 = arith.constant 0 : i32
        %scatter3A_588 = tpu.memref_slice %arg6[%scan3A_60, %scatter3A_587] : memref<2x4992xi32, #tpu.memory_space<vmem>> -> memref<1x4992xi32, #tpu.memory_space<vmem>>
        %scatter3A_589 = tpu.memref_squeeze %scatter3A_588 : memref<1x4992xi32, #tpu.memory_space<vmem>> -> memref<4992xi32, #tpu.memory_space<vmem>>
        tpu.vector_store_idx %scatter3A_589[%add3A_586], %add3A_583 : memref<4992xi32, #tpu.memory_space<vmem>>[vector<16xi32>], vector<16xi32>,
        %mul3A_590 = arith.constant 7 : i32
        %mul3A_591 = vector.broadcast %mul3A_590 : i32 to vector<16xi32>
        %mul3A_592 = arith.muli %add3A_457, %mul3A_591 : vector<16xi32>
        %convert_element_type3A_593 = arith.sitofp %mul3A_592 : vector<16xi32> to vector<16xf32>
        %mul3A_594 = arith.constant 9.99999974E-6 : f32
        %mul3A_595 = vector.broadcast %mul3A_594 : f32 to vector<16xf32>
        %mul3A_596 = arith.mulf %convert_element_type3A_593, %mul3A_595 : vector<16xf32>
        %convert_element_type3A_597 = arith.fptosi %mul3A_596 : vector<16xf32> to vector<16xi32>
        %mul3A_598 = arith.constant 100000 : i32
        %mul3A_599 = vector.broadcast %mul3A_598 : i32 to vector<16xi32>
        %mul3A_600 = arith.muli %convert_element_type3A_597, %mul3A_599 : vector<16xi32>
        %sub3A_601 = arith.subi %mul3A_592, %mul3A_600 : vector<16xi32>
        %lt3A_602 = arith.constant 0 : i32
        %lt3A_603 = vector.broadcast %lt3A_602 : i32 to vector<16xi32>
        %lt3A_604 = arith.cmpi slt, %sub3A_601, %lt3A_603 : vector<16xi32>
        %add3A_605 = arith.constant 100000 : i32
        %add3A_606 = vector.broadcast %add3A_605 : i32 to vector<16xi32>
        %add3A_607 = arith.addi %sub3A_601, %add3A_606 : vector<16xi32>
        %select_n3A_608 = arith.select %lt3A_604, %add3A_607, %sub3A_601 : vector<16xi1>, vector<16xi32>
        %lt3A_609 = arith.constant 0 : i32
        %lt3A_610 = vector.broadcast %lt3A_609 : i32 to vector<16xi32>
        %lt3A_611 = arith.cmpi slt, %select_n3A_608, %lt3A_610 : vector<16xi32>
        %add3A_612 = arith.constant 100000 : i32
        %add3A_613 = vector.broadcast %add3A_612 : i32 to vector<16xi32>
        %add3A_614 = arith.addi %select_n3A_608, %add3A_613 : vector<16xi32>
        %select_n3A_615 = arith.select %lt3A_611, %add3A_614, %select_n3A_608 : vector<16xi1>, vector<16xi32>
        %ge3A_616 = arith.constant 100000 : i32
        %ge3A_617 = vector.broadcast %ge3A_616 : i32 to vector<16xi32>
        %ge3A_618 = arith.cmpi sge, %select_n3A_615, %ge3A_617 : vector<16xi32>
        %sub3A_619 = arith.constant 100000 : i32
        %sub3A_620 = vector.broadcast %sub3A_619 : i32 to vector<16xi32>
        %sub3A_621 = arith.subi %select_n3A_615, %sub3A_620 : vector<16xi32>
        %select_n3A_622 = arith.select %ge3A_618, %sub3A_621, %select_n3A_615 : vector<16xi1>, vector<16xi32>
        %add3A_623 = arith.constant 1100000 : i32
        %add3A_624 = vector.broadcast %add3A_623 : i32 to vector<16xi32>
        %add3A_625 = arith.addi %select_n3A_622, %add3A_624 : vector<16xi32>
        %add3A_626 = arith.constant 3 : i32
        %add3A_627 = vector.broadcast %add3A_626 : i32 to vector<16xi32>
        %add3A_628 = arith.addi %add3A_463, %add3A_627 : vector<16xi32>
        %scatter3A_629 = arith.constant 0 : i32
        %scatter3A_630 = tpu.memref_slice %arg6[%scan3A_60, %scatter3A_629] : memref<2x4992xi32, #tpu.memory_space<vmem>> -> memref<1x4992xi32, #tpu.memory_space<vmem>>
        %scatter3A_631 = tpu.memref_squeeze %scatter3A_630 : memref<1x4992xi32, #tpu.memory_space<vmem>> -> memref<4992xi32, #tpu.memory_space<vmem>>
        tpu.vector_store_idx %scatter3A_631[%add3A_628], %add3A_625 : memref<4992xi32, #tpu.memory_space<vmem>>[vector<16xi32>], vector<16xi32>,
        %mul3A_632 = arith.constant 11 : i32
        %mul3A_633 = vector.broadcast %mul3A_632 : i32 to vector<16xi32>
        %mul3A_634 = arith.muli %add3A_457, %mul3A_633 : vector<16xi32>
        %convert_element_type3A_635 = arith.sitofp %mul3A_634 : vector<16xi32> to vector<16xf32>
        %mul3A_636 = arith.constant 9.99999974E-6 : f32
        %mul3A_637 = vector.broadcast %mul3A_636 : f32 to vector<16xf32>
        %mul3A_638 = arith.mulf %convert_element_type3A_635, %mul3A_637 : vector<16xf32>
        %convert_element_type3A_639 = arith.fptosi %mul3A_638 : vector<16xf32> to vector<16xi32>
        %mul3A_640 = arith.constant 100000 : i32
        %mul3A_641 = vector.broadcast %mul3A_640 : i32 to vector<16xi32>
        %mul3A_642 = arith.muli %convert_element_type3A_639, %mul3A_641 : vector<16xi32>
        %sub3A_643 = arith.subi %mul3A_634, %mul3A_642 : vector<16xi32>
        %lt3A_644 = arith.constant 0 : i32
        %lt3A_645 = vector.broadcast %lt3A_644 : i32 to vector<16xi32>
        %lt3A_646 = arith.cmpi slt, %sub3A_643, %lt3A_645 : vector<16xi32>
        %add3A_647 = arith.constant 100000 : i32
        %add3A_648 = vector.broadcast %add3A_647 : i32 to vector<16xi32>
        %add3A_649 = arith.addi %sub3A_643, %add3A_648 : vector<16xi32>
        %select_n3A_650 = arith.select %lt3A_646, %add3A_649, %sub3A_643 : vector<16xi1>, vector<16xi32>
        %lt3A_651 = arith.constant 0 : i32
        %lt3A_652 = vector.broadcast %lt3A_651 : i32 to vector<16xi32>
        %lt3A_653 = arith.cmpi slt, %select_n3A_650, %lt3A_652 : vector<16xi32>
        %add3A_654 = arith.constant 100000 : i32
        %add3A_655 = vector.broadcast %add3A_654 : i32 to vector<16xi32>
        %add3A_656 = arith.addi %select_n3A_650, %add3A_655 : vector<16xi32>
        %select_n3A_657 = arith.select %lt3A_653, %add3A_656, %select_n3A_650 : vector<16xi1>, vector<16xi32>
        %ge3A_658 = arith.constant 100000 : i32
        %ge3A_659 = vector.broadcast %ge3A_658 : i32 to vector<16xi32>
        %ge3A_660 = arith.cmpi sge, %select_n3A_657, %ge3A_659 : vector<16xi32>
        %sub3A_661 = arith.constant 100000 : i32
        %sub3A_662 = vector.broadcast %sub3A_661 : i32 to vector<16xi32>
        %sub3A_663 = arith.subi %select_n3A_657, %sub3A_662 : vector<16xi32>
        %select_n3A_664 = arith.select %ge3A_660, %sub3A_663, %select_n3A_657 : vector<16xi1>, vector<16xi32>
        %add3A_665 = arith.constant 1200000 : i32
        %add3A_666 = vector.broadcast %add3A_665 : i32 to vector<16xi32>
        %add3A_667 = arith.addi %select_n3A_664, %add3A_666 : vector<16xi32>
        %add3A_668 = arith.constant 4 : i32
        %add3A_669 = vector.broadcast %add3A_668 : i32 to vector<16xi32>
        %add3A_670 = arith.addi %add3A_463, %add3A_669 : vector<16xi32>
        %scatter3A_671 = arith.constant 0 : i32
        %scatter3A_672 = tpu.memref_slice %arg6[%scan3A_60, %scatter3A_671] : memref<2x4992xi32, #tpu.memory_space<vmem>> -> memref<1x4992xi32, #tpu.memory_space<vmem>>
        %scatter3A_673 = tpu.memref_squeeze %scatter3A_672 : memref<1x4992xi32, #tpu.memory_space<vmem>> -> memref<4992xi32, #tpu.memory_space<vmem>>
        tpu.vector_store_idx %scatter3A_673[%add3A_670], %add3A_667 : memref<4992xi32, #tpu.memory_space<vmem>>[vector<16xi32>], vector<16xi32>,
        %mul3A_674 = arith.constant 13 : i32
        %mul3A_675 = vector.broadcast %mul3A_674 : i32 to vector<16xi32>
        %mul3A_676 = arith.muli %add3A_457, %mul3A_675 : vector<16xi32>
        %convert_element_type3A_677 = arith.sitofp %mul3A_676 : vector<16xi32> to vector<16xf32>
        %mul3A_678 = arith.constant 9.99999974E-6 : f32
        %mul3A_679 = vector.broadcast %mul3A_678 : f32 to vector<16xf32>
        %mul3A_680 = arith.mulf %convert_element_type3A_677, %mul3A_679 : vector<16xf32>
        %convert_element_type3A_681 = arith.fptosi %mul3A_680 : vector<16xf32> to vector<16xi32>
        %mul3A_682 = arith.constant 100000 : i32
        %mul3A_683 = vector.broadcast %mul3A_682 : i32 to vector<16xi32>
        %mul3A_684 = arith.muli %convert_element_type3A_681, %mul3A_683 : vector<16xi32>
        %sub3A_685 = arith.subi %mul3A_676, %mul3A_684 : vector<16xi32>
        %lt3A_686 = arith.constant 0 : i32
        %lt3A_687 = vector.broadcast %lt3A_686 : i32 to vector<16xi32>
        %lt3A_688 = arith.cmpi slt, %sub3A_685, %lt3A_687 : vector<16xi32>
        %add3A_689 = arith.constant 100000 : i32
        %add3A_690 = vector.broadcast %add3A_689 : i32 to vector<16xi32>
        %add3A_691 = arith.addi %sub3A_685, %add3A_690 : vector<16xi32>
        %select_n3A_692 = arith.select %lt3A_688, %add3A_691, %sub3A_685 : vector<16xi1>, vector<16xi32>
        %lt3A_693 = arith.constant 0 : i32
        %lt3A_694 = vector.broadcast %lt3A_693 : i32 to vector<16xi32>
        %lt3A_695 = arith.cmpi slt, %select_n3A_692, %lt3A_694 : vector<16xi32>
        %add3A_696 = arith.constant 100000 : i32
        %add3A_697 = vector.broadcast %add3A_696 : i32 to vector<16xi32>
        %add3A_698 = arith.addi %select_n3A_692, %add3A_697 : vector<16xi32>
        %select_n3A_699 = arith.select %lt3A_695, %add3A_698, %select_n3A_692 : vector<16xi1>, vector<16xi32>
        %ge3A_700 = arith.constant 100000 : i32
        %ge3A_701 = vector.broadcast %ge3A_700 : i32 to vector<16xi32>
        %ge3A_702 = arith.cmpi sge, %select_n3A_699, %ge3A_701 : vector<16xi32>
        %sub3A_703 = arith.constant 100000 : i32
        %sub3A_704 = vector.broadcast %sub3A_703 : i32 to vector<16xi32>
        %sub3A_705 = arith.subi %select_n3A_699, %sub3A_704 : vector<16xi32>
        %select_n3A_706 = arith.select %ge3A_702, %sub3A_705, %select_n3A_699 : vector<16xi1>, vector<16xi32>
        %add3A_707 = arith.constant 1300000 : i32
        %add3A_708 = vector.broadcast %add3A_707 : i32 to vector<16xi32>
        %add3A_709 = arith.addi %select_n3A_706, %add3A_708 : vector<16xi32>
        %add3A_710 = arith.constant 5 : i32
        %add3A_711 = vector.broadcast %add3A_710 : i32 to vector<16xi32>
        %add3A_712 = arith.addi %add3A_463, %add3A_711 : vector<16xi32>
        %scatter3A_713 = arith.constant 0 : i32
        %scatter3A_714 = tpu.memref_slice %arg6[%scan3A_60, %scatter3A_713] : memref<2x4992xi32, #tpu.memory_space<vmem>> -> memref<1x4992xi32, #tpu.memory_space<vmem>>
        %scatter3A_715 = tpu.memref_squeeze %scatter3A_714 : memref<1x4992xi32, #tpu.memory_space<vmem>> -> memref<4992xi32, #tpu.memory_space<vmem>>
        tpu.vector_store_idx %scatter3A_715[%add3A_712], %add3A_709 : memref<4992xi32, #tpu.memory_space<vmem>>[vector<16xi32>], vector<16xi32>,
        %mul3A_716 = arith.constant 17 : i32
        %mul3A_717 = vector.broadcast %mul3A_716 : i32 to vector<16xi32>
        %mul3A_718 = arith.muli %add3A_457, %mul3A_717 : vector<16xi32>
        %convert_element_type3A_719 = arith.sitofp %mul3A_718 : vector<16xi32> to vector<16xf32>
        %mul3A_720 = arith.constant 9.99999974E-6 : f32
        %mul3A_721 = vector.broadcast %mul3A_720 : f32 to vector<16xf32>
        %mul3A_722 = arith.mulf %convert_element_type3A_719, %mul3A_721 : vector<16xf32>
        %convert_element_type3A_723 = arith.fptosi %mul3A_722 : vector<16xf32> to vector<16xi32>
        %mul3A_724 = arith.constant 100000 : i32
        %mul3A_725 = vector.broadcast %mul3A_724 : i32 to vector<16xi32>
        %mul3A_726 = arith.muli %convert_element_type3A_723, %mul3A_725 : vector<16xi32>
        %sub3A_727 = arith.subi %mul3A_718, %mul3A_726 : vector<16xi32>
        %lt3A_728 = arith.constant 0 : i32
        %lt3A_729 = vector.broadcast %lt3A_728 : i32 to vector<16xi32>
        %lt3A_730 = arith.cmpi slt, %sub3A_727, %lt3A_729 : vector<16xi32>
        %add3A_731 = arith.constant 100000 : i32
        %add3A_732 = vector.broadcast %add3A_731 : i32 to vector<16xi32>
        %add3A_733 = arith.addi %sub3A_727, %add3A_732 : vector<16xi32>
        %select_n3A_734 = arith.select %lt3A_730, %add3A_733, %sub3A_727 : vector<16xi1>, vector<16xi32>
        %lt3A_735 = arith.constant 0 : i32
        %lt3A_736 = vector.broadcast %lt3A_735 : i32 to vector<16xi32>
        %lt3A_737 = arith.cmpi slt, %select_n3A_734, %lt3A_736 : vector<16xi32>
        %add3A_738 = arith.constant 100000 : i32
        %add3A_739 = vector.broadcast %add3A_738 : i32 to vector<16xi32>
        %add3A_740 = arith.addi %select_n3A_734, %add3A_739 : vector<16xi32>
        %select_n3A_741 = arith.select %lt3A_737, %add3A_740, %select_n3A_734 : vector<16xi1>, vector<16xi32>
        %ge3A_742 = arith.constant 100000 : i32
        %ge3A_743 = vector.broadcast %ge3A_742 : i32 to vector<16xi32>
        %ge3A_744 = arith.cmpi sge, %select_n3A_741, %ge3A_743 : vector<16xi32>
        %sub3A_745 = arith.constant 100000 : i32
        %sub3A_746 = vector.broadcast %sub3A_745 : i32 to vector<16xi32>
        %sub3A_747 = arith.subi %select_n3A_741, %sub3A_746 : vector<16xi32>
        %select_n3A_748 = arith.select %ge3A_744, %sub3A_747, %select_n3A_741 : vector<16xi1>, vector<16xi32>
        %add3A_749 = arith.constant 1400000 : i32
        %add3A_750 = vector.broadcast %add3A_749 : i32 to vector<16xi32>
        %add3A_751 = arith.addi %select_n3A_748, %add3A_750 : vector<16xi32>
        %add3A_752 = arith.constant 6 : i32
        %add3A_753 = vector.broadcast %add3A_752 : i32 to vector<16xi32>
        %add3A_754 = arith.addi %add3A_463, %add3A_753 : vector<16xi32>
        %scatter3A_755 = arith.constant 0 : i32
        %scatter3A_756 = tpu.memref_slice %arg6[%scan3A_60, %scatter3A_755] : memref<2x4992xi32, #tpu.memory_space<vmem>> -> memref<1x4992xi32, #tpu.memory_space<vmem>>
        %scatter3A_757 = tpu.memref_squeeze %scatter3A_756 : memref<1x4992xi32, #tpu.memory_space<vmem>> -> memref<4992xi32, #tpu.memory_space<vmem>>
        tpu.vector_store_idx %scatter3A_757[%add3A_754], %add3A_751 : memref<4992xi32, #tpu.memory_space<vmem>>[vector<16xi32>], vector<16xi32>,
        %mul3A_758 = arith.constant 19 : i32
        %mul3A_759 = vector.broadcast %mul3A_758 : i32 to vector<16xi32>
        %mul3A_760 = arith.muli %add3A_457, %mul3A_759 : vector<16xi32>
        %convert_element_type3A_761 = arith.sitofp %mul3A_760 : vector<16xi32> to vector<16xf32>
        %mul3A_762 = arith.constant 9.99999974E-6 : f32
        %mul3A_763 = vector.broadcast %mul3A_762 : f32 to vector<16xf32>
        %mul3A_764 = arith.mulf %convert_element_type3A_761, %mul3A_763 : vector<16xf32>
        %convert_element_type3A_765 = arith.fptosi %mul3A_764 : vector<16xf32> to vector<16xi32>
        %mul3A_766 = arith.constant 100000 : i32
        %mul3A_767 = vector.broadcast %mul3A_766 : i32 to vector<16xi32>
        %mul3A_768 = arith.muli %convert_element_type3A_765, %mul3A_767 : vector<16xi32>
        %sub3A_769 = arith.subi %mul3A_760, %mul3A_768 : vector<16xi32>
        %lt3A_770 = arith.constant 0 : i32
        %lt3A_771 = vector.broadcast %lt3A_770 : i32 to vector<16xi32>
        %lt3A_772 = arith.cmpi slt, %sub3A_769, %lt3A_771 : vector<16xi32>
        %add3A_773 = arith.constant 100000 : i32
        %add3A_774 = vector.broadcast %add3A_773 : i32 to vector<16xi32>
        %add3A_775 = arith.addi %sub3A_769, %add3A_774 : vector<16xi32>
        %select_n3A_776 = arith.select %lt3A_772, %add3A_775, %sub3A_769 : vector<16xi1>, vector<16xi32>
        %lt3A_777 = arith.constant 0 : i32
        %lt3A_778 = vector.broadcast %lt3A_777 : i32 to vector<16xi32>
        %lt3A_779 = arith.cmpi slt, %select_n3A_776, %lt3A_778 : vector<16xi32>
        %add3A_780 = arith.constant 100000 : i32
        %add3A_781 = vector.broadcast %add3A_780 : i32 to vector<16xi32>
        %add3A_782 = arith.addi %select_n3A_776, %add3A_781 : vector<16xi32>
        %select_n3A_783 = arith.select %lt3A_779, %add3A_782, %select_n3A_776 : vector<16xi1>, vector<16xi32>
        %ge3A_784 = arith.constant 100000 : i32
        %ge3A_785 = vector.broadcast %ge3A_784 : i32 to vector<16xi32>
        %ge3A_786 = arith.cmpi sge, %select_n3A_783, %ge3A_785 : vector<16xi32>
        %sub3A_787 = arith.constant 100000 : i32
        %sub3A_788 = vector.broadcast %sub3A_787 : i32 to vector<16xi32>
        %sub3A_789 = arith.subi %select_n3A_783, %sub3A_788 : vector<16xi32>
        %select_n3A_790 = arith.select %ge3A_786, %sub3A_789, %select_n3A_783 : vector<16xi1>, vector<16xi32>
        %add3A_791 = arith.constant 1500000 : i32
        %add3A_792 = vector.broadcast %add3A_791 : i32 to vector<16xi32>
        %add3A_793 = arith.addi %select_n3A_790, %add3A_792 : vector<16xi32>
        %add3A_794 = arith.constant 7 : i32
        %add3A_795 = vector.broadcast %add3A_794 : i32 to vector<16xi32>
        %add3A_796 = arith.addi %add3A_463, %add3A_795 : vector<16xi32>
        %scatter3A_797 = arith.constant 0 : i32
        %scatter3A_798 = tpu.memref_slice %arg6[%scan3A_60, %scatter3A_797] : memref<2x4992xi32, #tpu.memory_space<vmem>> -> memref<1x4992xi32, #tpu.memory_space<vmem>>
        %scatter3A_799 = tpu.memref_squeeze %scatter3A_798 : memref<1x4992xi32, #tpu.memory_space<vmem>> -> memref<4992xi32, #tpu.memory_space<vmem>>
        tpu.vector_store_idx %scatter3A_799[%add3A_796], %add3A_793 : memref<4992xi32, #tpu.memory_space<vmem>>[vector<16xi32>], vector<16xi32>,
        %add3A_800 = arith.constant 1 : i32
        %add3A_801 = vector.broadcast %add3A_800 : i32 to vector<16xi32>
        %add3A_802 = arith.addi %add3A_112, %add3A_801 : vector<16xi32>
        %add3A_803 = arith.constant 26 : i32
        %add3A_804 = arith.addi %add3A_803, %scan3A_84 : i32
        %mul3A_805 = arith.constant 128 : i32
        %mul3A_806 = arith.muli %add3A_804, %mul3A_805 : i32
        %add3A_807 = vector.broadcast %mul3A_806 : i32 to vector<16xi32>
        %add3A_808 = arith.addi %mul3A_115, %add3A_807 : vector<16xi32>
        %mul3A_809 = arith.constant 2 : i32
        %mul3A_810 = vector.broadcast %mul3A_809 : i32 to vector<16xi32>
        %mul3A_811 = arith.muli %add3A_802, %mul3A_810 : vector<16xi32>
        %convert_element_type3A_812 = arith.sitofp %mul3A_811 : vector<16xi32> to vector<16xf32>
        %mul3A_813 = arith.constant 9.99999974E-6 : f32
        %mul3A_814 = vector.broadcast %mul3A_813 : f32 to vector<16xf32>
        %mul3A_815 = arith.mulf %convert_element_type3A_812, %mul3A_814 : vector<16xf32>
        %convert_element_type3A_816 = arith.fptosi %mul3A_815 : vector<16xf32> to vector<16xi32>
        %mul3A_817 = arith.constant 100000 : i32
        %mul3A_818 = vector.broadcast %mul3A_817 : i32 to vector<16xi32>
        %mul3A_819 = arith.muli %convert_element_type3A_816, %mul3A_818 : vector<16xi32>
        %sub3A_820 = arith.subi %mul3A_811, %mul3A_819 : vector<16xi32>
        %lt3A_821 = arith.constant 0 : i32
        %lt3A_822 = vector.broadcast %lt3A_821 : i32 to vector<16xi32>
        %lt3A_823 = arith.cmpi slt, %sub3A_820, %lt3A_822 : vector<16xi32>
        %add3A_824 = arith.constant 100000 : i32
        %add3A_825 = vector.broadcast %add3A_824 : i32 to vector<16xi32>
        %add3A_826 = arith.addi %sub3A_820, %add3A_825 : vector<16xi32>
        %select_n3A_827 = arith.select %lt3A_823, %add3A_826, %sub3A_820 : vector<16xi1>, vector<16xi32>
        %lt3A_828 = arith.constant 0 : i32
        %lt3A_829 = vector.broadcast %lt3A_828 : i32 to vector<16xi32>
        %lt3A_830 = arith.cmpi slt, %select_n3A_827, %lt3A_829 : vector<16xi32>
        %add3A_831 = arith.constant 100000 : i32
        %add3A_832 = vector.broadcast %add3A_831 : i32 to vector<16xi32>
        %add3A_833 = arith.addi %select_n3A_827, %add3A_832 : vector<16xi32>
        %select_n3A_834 = arith.select %lt3A_830, %add3A_833, %select_n3A_827 : vector<16xi1>, vector<16xi32>
        %ge3A_835 = arith.constant 100000 : i32
        %ge3A_836 = vector.broadcast %ge3A_835 : i32 to vector<16xi32>
        %ge3A_837 = arith.cmpi sge, %select_n3A_834, %ge3A_836 : vector<16xi32>
        %sub3A_838 = arith.constant 100000 : i32
        %sub3A_839 = vector.broadcast %sub3A_838 : i32 to vector<16xi32>
        %sub3A_840 = arith.subi %select_n3A_834, %sub3A_839 : vector<16xi32>
        %select_n3A_841 = arith.select %ge3A_837, %sub3A_840, %select_n3A_834 : vector<16xi1>, vector<16xi32>
        %add3A_842 = arith.constant 1600000 : i32
        %add3A_843 = vector.broadcast %add3A_842 : i32 to vector<16xi32>
        %add3A_844 = arith.addi %select_n3A_841, %add3A_843 : vector<16xi32>
        %add3A_845 = arith.constant 0 : i32
        %add3A_846 = vector.broadcast %add3A_845 : i32 to vector<16xi32>
        %add3A_847 = arith.addi %add3A_808, %add3A_846 : vector<16xi32>
        %scatter3A_848 = arith.constant 0 : i32
        %scatter3A_849 = tpu.memref_slice %arg6[%scan3A_60, %scatter3A_848] : memref<2x4992xi32, #tpu.memory_space<vmem>> -> memref<1x4992xi32, #tpu.memory_space<vmem>>
        %scatter3A_850 = tpu.memref_squeeze %scatter3A_849 : memref<1x4992xi32, #tpu.memory_space<vmem>> -> memref<4992xi32, #tpu.memory_space<vmem>>
        tpu.vector_store_idx %scatter3A_850[%add3A_847], %add3A_844 : memref<4992xi32, #tpu.memory_space<vmem>>[vector<16xi32>], vector<16xi32>,
        %mul3A_851 = arith.constant 3 : i32
        %mul3A_852 = vector.broadcast %mul3A_851 : i32 to vector<16xi32>
        %mul3A_853 = arith.muli %add3A_802, %mul3A_852 : vector<16xi32>
        %convert_element_type3A_854 = arith.sitofp %mul3A_853 : vector<16xi32> to vector<16xf32>
        %mul3A_855 = arith.constant 9.99999974E-6 : f32
        %mul3A_856 = vector.broadcast %mul3A_855 : f32 to vector<16xf32>
        %mul3A_857 = arith.mulf %convert_element_type3A_854, %mul3A_856 : vector<16xf32>
        %convert_element_type3A_858 = arith.fptosi %mul3A_857 : vector<16xf32> to vector<16xi32>
        %mul3A_859 = arith.constant 100000 : i32
        %mul3A_860 = vector.broadcast %mul3A_859 : i32 to vector<16xi32>
        %mul3A_861 = arith.muli %convert_element_type3A_858, %mul3A_860 : vector<16xi32>
        %sub3A_862 = arith.subi %mul3A_853, %mul3A_861 : vector<16xi32>
        %lt3A_863 = arith.constant 0 : i32
        %lt3A_864 = vector.broadcast %lt3A_863 : i32 to vector<16xi32>
        %lt3A_865 = arith.cmpi slt, %sub3A_862, %lt3A_864 : vector<16xi32>
        %add3A_866 = arith.constant 100000 : i32
        %add3A_867 = vector.broadcast %add3A_866 : i32 to vector<16xi32>
        %add3A_868 = arith.addi %sub3A_862, %add3A_867 : vector<16xi32>
        %select_n3A_869 = arith.select %lt3A_865, %add3A_868, %sub3A_862 : vector<16xi1>, vector<16xi32>
        %lt3A_870 = arith.constant 0 : i32
        %lt3A_871 = vector.broadcast %lt3A_870 : i32 to vector<16xi32>
        %lt3A_872 = arith.cmpi slt, %select_n3A_869, %lt3A_871 : vector<16xi32>
        %add3A_873 = arith.constant 100000 : i32
        %add3A_874 = vector.broadcast %add3A_873 : i32 to vector<16xi32>
        %add3A_875 = arith.addi %select_n3A_869, %add3A_874 : vector<16xi32>
        %select_n3A_876 = arith.select %lt3A_872, %add3A_875, %select_n3A_869 : vector<16xi1>, vector<16xi32>
        %ge3A_877 = arith.constant 100000 : i32
        %ge3A_878 = vector.broadcast %ge3A_877 : i32 to vector<16xi32>
        %ge3A_879 = arith.cmpi sge, %select_n3A_876, %ge3A_878 : vector<16xi32>
        %sub3A_880 = arith.constant 100000 : i32
        %sub3A_881 = vector.broadcast %sub3A_880 : i32 to vector<16xi32>
        %sub3A_882 = arith.subi %select_n3A_876, %sub3A_881 : vector<16xi32>
        %select_n3A_883 = arith.select %ge3A_879, %sub3A_882, %select_n3A_876 : vector<16xi1>, vector<16xi32>
        %add3A_884 = arith.constant 1700000 : i32
        %add3A_885 = vector.broadcast %add3A_884 : i32 to vector<16xi32>
        %add3A_886 = arith.addi %select_n3A_883, %add3A_885 : vector<16xi32>
        %add3A_887 = arith.constant 1 : i32
        %add3A_888 = vector.broadcast %add3A_887 : i32 to vector<16xi32>
        %add3A_889 = arith.addi %add3A_808, %add3A_888 : vector<16xi32>
        %scatter3A_890 = arith.constant 0 : i32
        %scatter3A_891 = tpu.memref_slice %arg6[%scan3A_60, %scatter3A_890] : memref<2x4992xi32, #tpu.memory_space<vmem>> -> memref<1x4992xi32, #tpu.memory_space<vmem>>
        %scatter3A_892 = tpu.memref_squeeze %scatter3A_891 : memref<1x4992xi32, #tpu.memory_space<vmem>> -> memref<4992xi32, #tpu.memory_space<vmem>>
        tpu.vector_store_idx %scatter3A_892[%add3A_889], %add3A_886 : memref<4992xi32, #tpu.memory_space<vmem>>[vector<16xi32>], vector<16xi32>,
        %mul3A_893 = arith.constant 5 : i32
        %mul3A_894 = vector.broadcast %mul3A_893 : i32 to vector<16xi32>
        %mul3A_895 = arith.muli %add3A_802, %mul3A_894 : vector<16xi32>
        %convert_element_type3A_896 = arith.sitofp %mul3A_895 : vector<16xi32> to vector<16xf32>
        %mul3A_897 = arith.constant 9.99999974E-6 : f32
        %mul3A_898 = vector.broadcast %mul3A_897 : f32 to vector<16xf32>
        %mul3A_899 = arith.mulf %convert_element_type3A_896, %mul3A_898 : vector<16xf32>
        %convert_element_type3A_900 = arith.fptosi %mul3A_899 : vector<16xf32> to vector<16xi32>
        %mul3A_901 = arith.constant 100000 : i32
        %mul3A_902 = vector.broadcast %mul3A_901 : i32 to vector<16xi32>
        %mul3A_903 = arith.muli %convert_element_type3A_900, %mul3A_902 : vector<16xi32>
        %sub3A_904 = arith.subi %mul3A_895, %mul3A_903 : vector<16xi32>
        %lt3A_905 = arith.constant 0 : i32
        %lt3A_906 = vector.broadcast %lt3A_905 : i32 to vector<16xi32>
        %lt3A_907 = arith.cmpi slt, %sub3A_904, %lt3A_906 : vector<16xi32>
        %add3A_908 = arith.constant 100000 : i32
        %add3A_909 = vector.broadcast %add3A_908 : i32 to vector<16xi32>
        %add3A_910 = arith.addi %sub3A_904, %add3A_909 : vector<16xi32>
        %select_n3A_911 = arith.select %lt3A_907, %add3A_910, %sub3A_904 : vector<16xi1>, vector<16xi32>
        %lt3A_912 = arith.constant 0 : i32
        %lt3A_913 = vector.broadcast %lt3A_912 : i32 to vector<16xi32>
        %lt3A_914 = arith.cmpi slt, %select_n3A_911, %lt3A_913 : vector<16xi32>
        %add3A_915 = arith.constant 100000 : i32
        %add3A_916 = vector.broadcast %add3A_915 : i32 to vector<16xi32>
        %add3A_917 = arith.addi %select_n3A_911, %add3A_916 : vector<16xi32>
        %select_n3A_918 = arith.select %lt3A_914, %add3A_917, %select_n3A_911 : vector<16xi1>, vector<16xi32>
        %ge3A_919 = arith.constant 100000 : i32
        %ge3A_920 = vector.broadcast %ge3A_919 : i32 to vector<16xi32>
        %ge3A_921 = arith.cmpi sge, %select_n3A_918, %ge3A_920 : vector<16xi32>
        %sub3A_922 = arith.constant 100000 : i32
        %sub3A_923 = vector.broadcast %sub3A_922 : i32 to vector<16xi32>
        %sub3A_924 = arith.subi %select_n3A_918, %sub3A_923 : vector<16xi32>
        %select_n3A_925 = arith.select %ge3A_921, %sub3A_924, %select_n3A_918 : vector<16xi1>, vector<16xi32>
        %add3A_926 = arith.constant 1800000 : i32
        %add3A_927 = vector.broadcast %add3A_926 : i32 to vector<16xi32>
        %add3A_928 = arith.addi %select_n3A_925, %add3A_927 : vector<16xi32>
        %add3A_929 = arith.constant 2 : i32
        %add3A_930 = vector.broadcast %add3A_929 : i32 to vector<16xi32>
        %add3A_931 = arith.addi %add3A_808, %add3A_930 : vector<16xi32>
        %scatter3A_932 = arith.constant 0 : i32
        %scatter3A_933 = tpu.memref_slice %arg6[%scan3A_60, %scatter3A_932] : memref<2x4992xi32, #tpu.memory_space<vmem>> -> memref<1x4992xi32, #tpu.memory_space<vmem>>
        %scatter3A_934 = tpu.memref_squeeze %scatter3A_933 : memref<1x4992xi32, #tpu.memory_space<vmem>> -> memref<4992xi32, #tpu.memory_space<vmem>>
        tpu.vector_store_idx %scatter3A_934[%add3A_931], %add3A_928 : memref<4992xi32, #tpu.memory_space<vmem>>[vector<16xi32>], vector<16xi32>,
        %mul3A_935 = arith.constant 7 : i32
        %mul3A_936 = vector.broadcast %mul3A_935 : i32 to vector<16xi32>
        %mul3A_937 = arith.muli %add3A_802, %mul3A_936 : vector<16xi32>
        %convert_element_type3A_938 = arith.sitofp %mul3A_937 : vector<16xi32> to vector<16xf32>
        %mul3A_939 = arith.constant 9.99999974E-6 : f32
        %mul3A_940 = vector.broadcast %mul3A_939 : f32 to vector<16xf32>
        %mul3A_941 = arith.mulf %convert_element_type3A_938, %mul3A_940 : vector<16xf32>
        %convert_element_type3A_942 = arith.fptosi %mul3A_941 : vector<16xf32> to vector<16xi32>
        %mul3A_943 = arith.constant 100000 : i32
        %mul3A_944 = vector.broadcast %mul3A_943 : i32 to vector<16xi32>
        %mul3A_945 = arith.muli %convert_element_type3A_942, %mul3A_944 : vector<16xi32>
        %sub3A_946 = arith.subi %mul3A_937, %mul3A_945 : vector<16xi32>
        %lt3A_947 = arith.constant 0 : i32
        %lt3A_948 = vector.broadcast %lt3A_947 : i32 to vector<16xi32>
        %lt3A_949 = arith.cmpi slt, %sub3A_946, %lt3A_948 : vector<16xi32>
        %add3A_950 = arith.constant 100000 : i32
        %add3A_951 = vector.broadcast %add3A_950 : i32 to vector<16xi32>
        %add3A_952 = arith.addi %sub3A_946, %add3A_951 : vector<16xi32>
        %select_n3A_953 = arith.select %lt3A_949, %add3A_952, %sub3A_946 : vector<16xi1>, vector<16xi32>
        %lt3A_954 = arith.constant 0 : i32
        %lt3A_955 = vector.broadcast %lt3A_954 : i32 to vector<16xi32>
        %lt3A_956 = arith.cmpi slt, %select_n3A_953, %lt3A_955 : vector<16xi32>
        %add3A_957 = arith.constant 100000 : i32
        %add3A_958 = vector.broadcast %add3A_957 : i32 to vector<16xi32>
        %add3A_959 = arith.addi %select_n3A_953, %add3A_958 : vector<16xi32>
        %select_n3A_960 = arith.select %lt3A_956, %add3A_959, %select_n3A_953 : vector<16xi1>, vector<16xi32>
        %ge3A_961 = arith.constant 100000 : i32
        %ge3A_962 = vector.broadcast %ge3A_961 : i32 to vector<16xi32>
        %ge3A_963 = arith.cmpi sge, %select_n3A_960, %ge3A_962 : vector<16xi32>
        %sub3A_964 = arith.constant 100000 : i32
        %sub3A_965 = vector.broadcast %sub3A_964 : i32 to vector<16xi32>
        %sub3A_966 = arith.subi %select_n3A_960, %sub3A_965 : vector<16xi32>
        %select_n3A_967 = arith.select %ge3A_963, %sub3A_966, %select_n3A_960 : vector<16xi1>, vector<16xi32>
        %add3A_968 = arith.constant 1900000 : i32
        %add3A_969 = vector.broadcast %add3A_968 : i32 to vector<16xi32>
        %add3A_970 = arith.addi %select_n3A_967, %add3A_969 : vector<16xi32>
        %add3A_971 = arith.constant 3 : i32
        %add3A_972 = vector.broadcast %add3A_971 : i32 to vector<16xi32>
        %add3A_973 = arith.addi %add3A_808, %add3A_972 : vector<16xi32>
        %scatter3A_974 = arith.constant 0 : i32
        %scatter3A_975 = tpu.memref_slice %arg6[%scan3A_60, %scatter3A_974] : memref<2x4992xi32, #tpu.memory_space<vmem>> -> memref<1x4992xi32, #tpu.memory_space<vmem>>
        %scatter3A_976 = tpu.memref_squeeze %scatter3A_975 : memref<1x4992xi32, #tpu.memory_space<vmem>> -> memref<4992xi32, #tpu.memory_space<vmem>>
        tpu.vector_store_idx %scatter3A_976[%add3A_973], %add3A_970 : memref<4992xi32, #tpu.memory_space<vmem>>[vector<16xi32>], vector<16xi32>,
        %mul3A_977 = arith.constant 11 : i32
        %mul3A_978 = vector.broadcast %mul3A_977 : i32 to vector<16xi32>
        %mul3A_979 = arith.muli %add3A_802, %mul3A_978 : vector<16xi32>
        %convert_element_type3A_980 = arith.sitofp %mul3A_979 : vector<16xi32> to vector<16xf32>
        %mul3A_981 = arith.constant 9.99999974E-6 : f32
        %mul3A_982 = vector.broadcast %mul3A_981 : f32 to vector<16xf32>
        %mul3A_983 = arith.mulf %convert_element_type3A_980, %mul3A_982 : vector<16xf32>
        %convert_element_type3A_984 = arith.fptosi %mul3A_983 : vector<16xf32> to vector<16xi32>
        %mul3A_985 = arith.constant 100000 : i32
        %mul3A_986 = vector.broadcast %mul3A_985 : i32 to vector<16xi32>
        %mul3A_987 = arith.muli %convert_element_type3A_984, %mul3A_986 : vector<16xi32>
        %sub3A_988 = arith.subi %mul3A_979, %mul3A_987 : vector<16xi32>
        %lt3A_989 = arith.constant 0 : i32
        %lt3A_990 = vector.broadcast %lt3A_989 : i32 to vector<16xi32>
        %lt3A_991 = arith.cmpi slt, %sub3A_988, %lt3A_990 : vector<16xi32>
        %add3A_992 = arith.constant 100000 : i32
        %add3A_993 = vector.broadcast %add3A_992 : i32 to vector<16xi32>
        %add3A_994 = arith.addi %sub3A_988, %add3A_993 : vector<16xi32>
        %select_n3A_995 = arith.select %lt3A_991, %add3A_994, %sub3A_988 : vector<16xi1>, vector<16xi32>
        %lt3A_996 = arith.constant 0 : i32
        %lt3A_997 = vector.broadcast %lt3A_996 : i32 to vector<16xi32>
        %lt3A_998 = arith.cmpi slt, %select_n3A_995, %lt3A_997 : vector<16xi32>
        %add3A_999 = arith.constant 100000 : i32
        %add3A_1000 = vector.broadcast %add3A_999 : i32 to vector<16xi32>
        %add3A_1001 = arith.addi %select_n3A_995, %add3A_1000 : vector<16xi32>
        %select_n3A_1002 = arith.select %lt3A_998, %add3A_1001, %select_n3A_995 : vector<16xi1>, vector<16xi32>
        %ge3A_1003 = arith.constant 100000 : i32
        %ge3A_1004 = vector.broadcast %ge3A_1003 : i32 to vector<16xi32>
        %ge3A_1005 = arith.cmpi sge, %select_n3A_1002, %ge3A_1004 : vector<16xi32>
        %sub3A_1006 = arith.constant 100000 : i32
        %sub3A_1007 = vector.broadcast %sub3A_1006 : i32 to vector<16xi32>
        %sub3A_1008 = arith.subi %select_n3A_1002, %sub3A_1007 : vector<16xi32>
        %select_n3A_1009 = arith.select %ge3A_1005, %sub3A_1008, %select_n3A_1002 : vector<16xi1>, vector<16xi32>
        %add3A_1010 = arith.constant 2000000 : i32
        %add3A_1011 = vector.broadcast %add3A_1010 : i32 to vector<16xi32>
        %add3A_1012 = arith.addi %select_n3A_1009, %add3A_1011 : vector<16xi32>
        %add3A_1013 = arith.constant 4 : i32
        %add3A_1014 = vector.broadcast %add3A_1013 : i32 to vector<16xi32>
        %add3A_1015 = arith.addi %add3A_808, %add3A_1014 : vector<16xi32>
        %scatter3A_1016 = arith.constant 0 : i32
        %scatter3A_1017 = tpu.memref_slice %arg6[%scan3A_60, %scatter3A_1016] : memref<2x4992xi32, #tpu.memory_space<vmem>> -> memref<1x4992xi32, #tpu.memory_space<vmem>>
        %scatter3A_1018 = tpu.memref_squeeze %scatter3A_1017 : memref<1x4992xi32, #tpu.memory_space<vmem>> -> memref<4992xi32, #tpu.memory_space<vmem>>
        tpu.vector_store_idx %scatter3A_1018[%add3A_1015], %add3A_1012 : memref<4992xi32, #tpu.memory_space<vmem>>[vector<16xi32>], vector<16xi32>,
        %mul3A_1019 = arith.constant 13 : i32
        %mul3A_1020 = vector.broadcast %mul3A_1019 : i32 to vector<16xi32>
        %mul3A_1021 = arith.muli %add3A_802, %mul3A_1020 : vector<16xi32>
        %convert_element_type3A_1022 = arith.sitofp %mul3A_1021 : vector<16xi32> to vector<16xf32>
        %mul3A_1023 = arith.constant 9.99999974E-6 : f32
        %mul3A_1024 = vector.broadcast %mul3A_1023 : f32 to vector<16xf32>
        %mul3A_1025 = arith.mulf %convert_element_type3A_1022, %mul3A_1024 : vector<16xf32>
        %convert_element_type3A_1026 = arith.fptosi %mul3A_1025 : vector<16xf32> to vector<16xi32>
        %mul3A_1027 = arith.constant 100000 : i32
        %mul3A_1028 = vector.broadcast %mul3A_1027 : i32 to vector<16xi32>
        %mul3A_1029 = arith.muli %convert_element_type3A_1026, %mul3A_1028 : vector<16xi32>
        %sub3A_1030 = arith.subi %mul3A_1021, %mul3A_1029 : vector<16xi32>
        %lt3A_1031 = arith.constant 0 : i32
        %lt3A_1032 = vector.broadcast %lt3A_1031 : i32 to vector<16xi32>
        %lt3A_1033 = arith.cmpi slt, %sub3A_1030, %lt3A_1032 : vector<16xi32>
        %add3A_1034 = arith.constant 100000 : i32
        %add3A_1035 = vector.broadcast %add3A_1034 : i32 to vector<16xi32>
        %add3A_1036 = arith.addi %sub3A_1030, %add3A_1035 : vector<16xi32>
        %select_n3A_1037 = arith.select %lt3A_1033, %add3A_1036, %sub3A_1030 : vector<16xi1>, vector<16xi32>
        %lt3A_1038 = arith.constant 0 : i32
        %lt3A_1039 = vector.broadcast %lt3A_1038 : i32 to vector<16xi32>
        %lt3A_1040 = arith.cmpi slt, %select_n3A_1037, %lt3A_1039 : vector<16xi32>
        %add3A_1041 = arith.constant 100000 : i32
        %add3A_1042 = vector.broadcast %add3A_1041 : i32 to vector<16xi32>
        %add3A_1043 = arith.addi %select_n3A_1037, %add3A_1042 : vector<16xi32>
        %select_n3A_1044 = arith.select %lt3A_1040, %add3A_1043, %select_n3A_1037 : vector<16xi1>, vector<16xi32>
        %ge3A_1045 = arith.constant 100000 : i32
        %ge3A_1046 = vector.broadcast %ge3A_1045 : i32 to vector<16xi32>
        %ge3A_1047 = arith.cmpi sge, %select_n3A_1044, %ge3A_1046 : vector<16xi32>
        %sub3A_1048 = arith.constant 100000 : i32
        %sub3A_1049 = vector.broadcast %sub3A_1048 : i32 to vector<16xi32>
        %sub3A_1050 = arith.subi %select_n3A_1044, %sub3A_1049 : vector<16xi32>
        %select_n3A_1051 = arith.select %ge3A_1047, %sub3A_1050, %select_n3A_1044 : vector<16xi1>, vector<16xi32>
        %add3A_1052 = arith.constant 2100000 : i32
        %add3A_1053 = vector.broadcast %add3A_1052 : i32 to vector<16xi32>
        %add3A_1054 = arith.addi %select_n3A_1051, %add3A_1053 : vector<16xi32>
        %add3A_1055 = arith.constant 5 : i32
        %add3A_1056 = vector.broadcast %add3A_1055 : i32 to vector<16xi32>
        %add3A_1057 = arith.addi %add3A_808, %add3A_1056 : vector<16xi32>
        %scatter3A_1058 = arith.constant 0 : i32
        %scatter3A_1059 = tpu.memref_slice %arg6[%scan3A_60, %scatter3A_1058] : memref<2x4992xi32, #tpu.memory_space<vmem>> -> memref<1x4992xi32, #tpu.memory_space<vmem>>
        %scatter3A_1060 = tpu.memref_squeeze %scatter3A_1059 : memref<1x4992xi32, #tpu.memory_space<vmem>> -> memref<4992xi32, #tpu.memory_space<vmem>>
        tpu.vector_store_idx %scatter3A_1060[%add3A_1057], %add3A_1054 : memref<4992xi32, #tpu.memory_space<vmem>>[vector<16xi32>], vector<16xi32>,
        %mul3A_1061 = arith.constant 17 : i32
        %mul3A_1062 = vector.broadcast %mul3A_1061 : i32 to vector<16xi32>
        %mul3A_1063 = arith.muli %add3A_802, %mul3A_1062 : vector<16xi32>
        %convert_element_type3A_1064 = arith.sitofp %mul3A_1063 : vector<16xi32> to vector<16xf32>
        %mul3A_1065 = arith.constant 9.99999974E-6 : f32
        %mul3A_1066 = vector.broadcast %mul3A_1065 : f32 to vector<16xf32>
        %mul3A_1067 = arith.mulf %convert_element_type3A_1064, %mul3A_1066 : vector<16xf32>
        %convert_element_type3A_1068 = arith.fptosi %mul3A_1067 : vector<16xf32> to vector<16xi32>
        %mul3A_1069 = arith.constant 100000 : i32
        %mul3A_1070 = vector.broadcast %mul3A_1069 : i32 to vector<16xi32>
        %mul3A_1071 = arith.muli %convert_element_type3A_1068, %mul3A_1070 : vector<16xi32>
        %sub3A_1072 = arith.subi %mul3A_1063, %mul3A_1071 : vector<16xi32>
        %lt3A_1073 = arith.constant 0 : i32
        %lt3A_1074 = vector.broadcast %lt3A_1073 : i32 to vector<16xi32>
        %lt3A_1075 = arith.cmpi slt, %sub3A_1072, %lt3A_1074 : vector<16xi32>
        %add3A_1076 = arith.constant 100000 : i32
        %add3A_1077 = vector.broadcast %add3A_1076 : i32 to vector<16xi32>
        %add3A_1078 = arith.addi %sub3A_1072, %add3A_1077 : vector<16xi32>
        %select_n3A_1079 = arith.select %lt3A_1075, %add3A_1078, %sub3A_1072 : vector<16xi1>, vector<16xi32>
        %lt3A_1080 = arith.constant 0 : i32
        %lt3A_1081 = vector.broadcast %lt3A_1080 : i32 to vector<16xi32>
        %lt3A_1082 = arith.cmpi slt, %select_n3A_1079, %lt3A_1081 : vector<16xi32>
        %add3A_1083 = arith.constant 100000 : i32
        %add3A_1084 = vector.broadcast %add3A_1083 : i32 to vector<16xi32>
        %add3A_1085 = arith.addi %select_n3A_1079, %add3A_1084 : vector<16xi32>
        %select_n3A_1086 = arith.select %lt3A_1082, %add3A_1085, %select_n3A_1079 : vector<16xi1>, vector<16xi32>
        %ge3A_1087 = arith.constant 100000 : i32
        %ge3A_1088 = vector.broadcast %ge3A_1087 : i32 to vector<16xi32>
        %ge3A_1089 = arith.cmpi sge, %select_n3A_1086, %ge3A_1088 : vector<16xi32>
        %sub3A_1090 = arith.constant 100000 : i32
        %sub3A_1091 = vector.broadcast %sub3A_1090 : i32 to vector<16xi32>
        %sub3A_1092 = arith.subi %select_n3A_1086, %sub3A_1091 : vector<16xi32>
        %select_n3A_1093 = arith.select %ge3A_1089, %sub3A_1092, %select_n3A_1086 : vector<16xi1>, vector<16xi32>
        %add3A_1094 = arith.constant 2200000 : i32
        %add3A_1095 = vector.broadcast %add3A_1094 : i32 to vector<16xi32>
        %add3A_1096 = arith.addi %select_n3A_1093, %add3A_1095 : vector<16xi32>
        %add3A_1097 = arith.constant 6 : i32
        %add3A_1098 = vector.broadcast %add3A_1097 : i32 to vector<16xi32>
        %add3A_1099 = arith.addi %add3A_808, %add3A_1098 : vector<16xi32>
        %scatter3A_1100 = arith.constant 0 : i32
        %scatter3A_1101 = tpu.memref_slice %arg6[%scan3A_60, %scatter3A_1100] : memref<2x4992xi32, #tpu.memory_space<vmem>> -> memref<1x4992xi32, #tpu.memory_space<vmem>>
        %scatter3A_1102 = tpu.memref_squeeze %scatter3A_1101 : memref<1x4992xi32, #tpu.memory_space<vmem>> -> memref<4992xi32, #tpu.memory_space<vmem>>
        tpu.vector_store_idx %scatter3A_1102[%add3A_1099], %add3A_1096 : memref<4992xi32, #tpu.memory_space<vmem>>[vector<16xi32>], vector<16xi32>,
        %mul3A_1103 = arith.constant 19 : i32
        %mul3A_1104 = vector.broadcast %mul3A_1103 : i32 to vector<16xi32>
        %mul3A_1105 = arith.muli %add3A_802, %mul3A_1104 : vector<16xi32>
        %convert_element_type3A_1106 = arith.sitofp %mul3A_1105 : vector<16xi32> to vector<16xf32>
        %mul3A_1107 = arith.constant 9.99999974E-6 : f32
        %mul3A_1108 = vector.broadcast %mul3A_1107 : f32 to vector<16xf32>
        %mul3A_1109 = arith.mulf %convert_element_type3A_1106, %mul3A_1108 : vector<16xf32>
        %convert_element_type3A_1110 = arith.fptosi %mul3A_1109 : vector<16xf32> to vector<16xi32>
        %mul3A_1111 = arith.constant 100000 : i32
        %mul3A_1112 = vector.broadcast %mul3A_1111 : i32 to vector<16xi32>
        %mul3A_1113 = arith.muli %convert_element_type3A_1110, %mul3A_1112 : vector<16xi32>
        %sub3A_1114 = arith.subi %mul3A_1105, %mul3A_1113 : vector<16xi32>
        %lt3A_1115 = arith.constant 0 : i32
        %lt3A_1116 = vector.broadcast %lt3A_1115 : i32 to vector<16xi32>
        %lt3A_1117 = arith.cmpi slt, %sub3A_1114, %lt3A_1116 : vector<16xi32>
        %add3A_1118 = arith.constant 100000 : i32
        %add3A_1119 = vector.broadcast %add3A_1118 : i32 to vector<16xi32>
        %add3A_1120 = arith.addi %sub3A_1114, %add3A_1119 : vector<16xi32>
        %select_n3A_1121 = arith.select %lt3A_1117, %add3A_1120, %sub3A_1114 : vector<16xi1>, vector<16xi32>
        %lt3A_1122 = arith.constant 0 : i32
        %lt3A_1123 = vector.broadcast %lt3A_1122 : i32 to vector<16xi32>
        %lt3A_1124 = arith.cmpi slt, %select_n3A_1121, %lt3A_1123 : vector<16xi32>
        %add3A_1125 = arith.constant 100000 : i32
        %add3A_1126 = vector.broadcast %add3A_1125 : i32 to vector<16xi32>
        %add3A_1127 = arith.addi %select_n3A_1121, %add3A_1126 : vector<16xi32>
        %select_n3A_1128 = arith.select %lt3A_1124, %add3A_1127, %select_n3A_1121 : vector<16xi1>, vector<16xi32>
        %ge3A_1129 = arith.constant 100000 : i32
        %ge3A_1130 = vector.broadcast %ge3A_1129 : i32 to vector<16xi32>
        %ge3A_1131 = arith.cmpi sge, %select_n3A_1128, %ge3A_1130 : vector<16xi32>
        %sub3A_1132 = arith.constant 100000 : i32
        %sub3A_1133 = vector.broadcast %sub3A_1132 : i32 to vector<16xi32>
        %sub3A_1134 = arith.subi %select_n3A_1128, %sub3A_1133 : vector<16xi32>
        %select_n3A_1135 = arith.select %ge3A_1131, %sub3A_1134, %select_n3A_1128 : vector<16xi1>, vector<16xi32>
        %add3A_1136 = arith.constant 2300000 : i32
        %add3A_1137 = vector.broadcast %add3A_1136 : i32 to vector<16xi32>
        %add3A_1138 = arith.addi %select_n3A_1135, %add3A_1137 : vector<16xi32>
        %add3A_1139 = arith.constant 7 : i32
        %add3A_1140 = vector.broadcast %add3A_1139 : i32 to vector<16xi32>
        %add3A_1141 = arith.addi %add3A_808, %add3A_1140 : vector<16xi32>
        %scatter3A_1142 = arith.constant 0 : i32
        %scatter3A_1143 = tpu.memref_slice %arg6[%scan3A_60, %scatter3A_1142] : memref<2x4992xi32, #tpu.memory_space<vmem>> -> memref<1x4992xi32, #tpu.memory_space<vmem>>
        %scatter3A_1144 = tpu.memref_squeeze %scatter3A_1143 : memref<1x4992xi32, #tpu.memory_space<vmem>> -> memref<4992xi32, #tpu.memory_space<vmem>>
        tpu.vector_store_idx %scatter3A_1144[%add3A_1141], %add3A_1138 : memref<4992xi32, #tpu.memory_space<vmem>>[vector<16xi32>], vector<16xi32>,
      }
      %scan3A_65 = arith.constant 13 : i32
      %dma_wait3A_66 = arith.constant 1 : i32
      %dma_wait3A_67 = arith.constant 0 : i32
      %dma_wait3A_68 = tpu.memref_slice %arg6[%dma_wait3A_66, %dma_wait3A_67] : memref<2x4992xi32, #tpu.memory_space<vmem>> -> memref<1x4992xi32, #tpu.memory_space<vmem>>
      %dma_wait3A_69 = tpu.memref_squeeze %dma_wait3A_68 : memref<1x4992xi32, #tpu.memory_space<vmem>> -> memref<4992xi32, #tpu.memory_space<vmem>>
      %dma_wait3A_70 = arith.constant 0 : i32
      %dma_wait3A_71 = arith.constant 0 : i32
      %dma_wait3A_72 = tpu.memref_slice %arg3[%dma_wait3A_70, %dma_wait3A_71] : memref<2400000x16xf32, #tpu.memory_space<hbm>> -> memref<2400000x16xf32, #tpu.memory_space<hbm>>
      tpu.wait_indirect_dma semaphore(%arg8 : memref<!tpu.dma_semaphore, #tpu.memory_space<semaphore_mem>>) src(%dma_wait3A_72 : memref<2400000x16xf32, #tpu.memory_space<hbm>>) dst(%arg7 : memref<4992x16xf32, #tpu.memory_space<vmem>>)
      %add3A_73 = arith.addi %mul3A_2, %mul3A_18 : i32
      %add3A_74 = arith.constant 1 : i32
      %add3A_75 = arith.addi %add3A_73, %add3A_74 : i32
      %scan3A_76 = arith.constant 0 : i32
      %scan3A_77 = arith.constant 0 : i32
      %scan3A_78 = arith.constant 200 : i32
      %scan3A_79 = arith.addi %scan3A_77, %scan3A_78 : i32
      %scan3A_80 = arith.constant 1 : i32
      scf.for %scan3A_84 = %scan3A_77 to %scan3A_79 step %scan3A_80  : i32 {
        %mul3A_85 = arith.constant 8 : i32
        %mul3A_86 = arith.muli %scan3A_84, %mul3A_85 : i32
        %add3A_87 = arith.constant 0 : i32
        %add3A_88 = arith.addi %mul3A_86, %add3A_87 : i32
        %get3A = arith.index_cast %add3A_88 : i32 to index
        %get3A_89 = arith.constant 0 : index
        %get3A_90 = tpu.vector_load %arg7[%get3A, %get3A_89] {strides = array<i32>} : memref<4992x16xf32, #tpu.memory_space<vmem>>, vector<16xf32>,
        %add3A_91 = arith.constant 1664 : i32
        %add3A_92 = arith.addi %add3A_91, %mul3A_86 : i32
        %add3A_93 = arith.constant 0 : i32
        %add3A_94 = arith.addi %add3A_92, %add3A_93 : i32
        %get3A_95 = arith.index_cast %add3A_94 : i32 to index
        %get3A_96 = arith.constant 0 : index
        %get3A_97 = tpu.vector_load %arg7[%get3A_95, %get3A_96] {strides = array<i32>} : memref<4992x16xf32, #tpu.memory_space<vmem>>, vector<16xf32>,
        %add3A_98 = arith.addf %get3A_90, %get3A_97 : vector<16xf32>
        %add3A_99 = arith.constant 3328 : i32
        %add3A_100 = arith.addi %add3A_99, %mul3A_86 : i32
        %add3A_101 = arith.constant 0 : i32
        %add3A_102 = arith.addi %add3A_100, %add3A_101 : i32
        %get3A_103 = arith.index_cast %add3A_102 : i32 to index
        %get3A_104 = arith.constant 0 : index
        %get3A_105 = tpu.vector_load %arg7[%get3A_103, %get3A_104] {strides = array<i32>} : memref<4992x16xf32, #tpu.memory_space<vmem>>, vector<16xf32>,
        %add3A_106 = arith.addf %add3A_98, %get3A_105 : vector<16xf32>
        %add3A_107 = arith.constant 0 : i32
        %add3A_108 = arith.addi %mul3A_86, %add3A_107 : i32
        %swap3A = arith.index_cast %add3A_108 : i32 to index
        %swap3A_109 = arith.constant 0 : index
        %swap3A_110 = tpu.vector_load %arg7[%swap3A, %swap3A_109] {strides = array<i32>} : memref<4992x16xf32, #tpu.memory_space<vmem>>, vector<16xf32>,
        tpu.vector_store %arg7[%swap3A, %swap3A_109], %add3A_106 {strides = array<i32>} : memref<4992x16xf32, #tpu.memory_space<vmem>>, vector<16xf32>,
        %add3A_111 = arith.constant 1 : i32
        %add3A_112 = arith.addi %mul3A_86, %add3A_111 : i32
        %get3A_113 = arith.index_cast %add3A_112 : i32 to index
        %get3A_114 = arith.constant 0 : index
        %get3A_115 = tpu.vector_load %arg7[%get3A_113, %get3A_114] {strides = array<i32>} : memref<4992x16xf32, #tpu.memory_space<vmem>>, vector<16xf32>,
        %add3A_116 = arith.constant 1664 : i32
        %add3A_117 = arith.addi %add3A_116, %mul3A_86 : i32
        %add3A_118 = arith.constant 1 : i32
        %add3A_119 = arith.addi %add3A_117, %add3A_118 : i32
        %get3A_120 = arith.index_cast %add3A_119 : i32 to index
        %get3A_121 = arith.constant 0 : index
        %get3A_122 = tpu.vector_load %arg7[%get3A_120, %get3A_121] {strides = array<i32>} : memref<4992x16xf32, #tpu.memory_space<vmem>>, vector<16xf32>,
        %add3A_123 = arith.addf %get3A_115, %get3A_122 : vector<16xf32>
        %add3A_124 = arith.constant 3328 : i32
        %add3A_125 = arith.addi %add3A_124, %mul3A_86 : i32
        %add3A_126 = arith.constant 1 : i32
        %add3A_127 = arith.addi %add3A_125, %add3A_126 : i32
        %get3A_128 = arith.index_cast %add3A_127 : i32 to index
        %get3A_129 = arith.constant 0 : index
        %get3A_130 = tpu.vector_load %arg7[%get3A_128, %get3A_129] {strides = array<i32>} : memref<4992x16xf32, #tpu.memory_space<vmem>>, vector<16xf32>,
        %add3A_131 = arith.addf %add3A_123, %get3A_130 : vector<16xf32>
        %add3A_132 = arith.constant 1 : i32
        %add3A_133 = arith.addi %mul3A_86, %add3A_132 : i32
        %swap3A_134 = arith.index_cast %add3A_133 : i32 to index
        %swap3A_135 = arith.constant 0 : index
        %swap3A_136 = tpu.vector_load %arg7[%swap3A_134, %swap3A_135] {strides = array<i32>} : memref<4992x16xf32, #tpu.memory_space<vmem>>, vector<16xf32>,
        tpu.vector_store %arg7[%swap3A_134, %swap3A_135], %add3A_131 {strides = array<i32>} : memref<4992x16xf32, #tpu.memory_space<vmem>>, vector<16xf32>,
        %add3A_137 = arith.constant 2 : i32
        %add3A_138 = arith.addi %mul3A_86, %add3A_137 : i32
        %get3A_139 = arith.index_cast %add3A_138 : i32 to index
        %get3A_140 = arith.constant 0 : index
        %get3A_141 = tpu.vector_load %arg7[%get3A_139, %get3A_140] {strides = array<i32>} : memref<4992x16xf32, #tpu.memory_space<vmem>>, vector<16xf32>,
        %add3A_142 = arith.constant 1664 : i32
        %add3A_143 = arith.addi %add3A_142, %mul3A_86 : i32
        %add3A_144 = arith.constant 2 : i32
        %add3A_145 = arith.addi %add3A_143, %add3A_144 : i32
        %get3A_146 = arith.index_cast %add3A_145 : i32 to index
        %get3A_147 = arith.constant 0 : index
        %get3A_148 = tpu.vector_load %arg7[%get3A_146, %get3A_147] {strides = array<i32>} : memref<4992x16xf32, #tpu.memory_space<vmem>>, vector<16xf32>,
        %add3A_149 = arith.addf %get3A_141, %get3A_148 : vector<16xf32>
        %add3A_150 = arith.constant 3328 : i32
        %add3A_151 = arith.addi %add3A_150, %mul3A_86 : i32
        %add3A_152 = arith.constant 2 : i32
        %add3A_153 = arith.addi %add3A_151, %add3A_152 : i32
        %get3A_154 = arith.index_cast %add3A_153 : i32 to index
        %get3A_155 = arith.constant 0 : index
        %get3A_156 = tpu.vector_load %arg7[%get3A_154, %get3A_155] {strides = array<i32>} : memref<4992x16xf32, #tpu.memory_space<vmem>>, vector<16xf32>,
        %add3A_157 = arith.addf %add3A_149, %get3A_156 : vector<16xf32>
        %add3A_158 = arith.constant 2 : i32
        %add3A_159 = arith.addi %mul3A_86, %add3A_158 : i32
        %swap3A_160 = arith.index_cast %add3A_159 : i32 to index
        %swap3A_161 = arith.constant 0 : index
        %swap3A_162 = tpu.vector_load %arg7[%swap3A_160, %swap3A_161] {strides = array<i32>} : memref<4992x16xf32, #tpu.memory_space<vmem>>, vector<16xf32>,
        tpu.vector_store %arg7[%swap3A_160, %swap3A_161], %add3A_157 {strides = array<i32>} : memref<4992x16xf32, #tpu.memory_space<vmem>>, vector<16xf32>,
        %add3A_163 = arith.constant 3 : i32
        %add3A_164 = arith.addi %mul3A_86, %add3A_163 : i32
        %get3A_165 = arith.index_cast %add3A_164 : i32 to index
        %get3A_166 = arith.constant 0 : index
        %get3A_167 = tpu.vector_load %arg7[%get3A_165, %get3A_166] {strides = array<i32>} : memref<4992x16xf32, #tpu.memory_space<vmem>>, vector<16xf32>,
        %add3A_168 = arith.constant 1664 : i32
        %add3A_169 = arith.addi %add3A_168, %mul3A_86 : i32
        %add3A_170 = arith.constant 3 : i32
        %add3A_171 = arith.addi %add3A_169, %add3A_170 : i32
        %get3A_172 = arith.index_cast %add3A_171 : i32 to index
        %get3A_173 = arith.constant 0 : index
        %get3A_174 = tpu.vector_load %arg7[%get3A_172, %get3A_173] {strides = array<i32>} : memref<4992x16xf32, #tpu.memory_space<vmem>>, vector<16xf32>,
        %add3A_175 = arith.addf %get3A_167, %get3A_174 : vector<16xf32>
        %add3A_176 = arith.constant 3328 : i32
        %add3A_177 = arith.addi %add3A_176, %mul3A_86 : i32
        %add3A_178 = arith.constant 3 : i32
        %add3A_179 = arith.addi %add3A_177, %add3A_178 : i32
        %get3A_180 = arith.index_cast %add3A_179 : i32 to index
        %get3A_181 = arith.constant 0 : index
        %get3A_182 = tpu.vector_load %arg7[%get3A_180, %get3A_181] {strides = array<i32>} : memref<4992x16xf32, #tpu.memory_space<vmem>>, vector<16xf32>,
        %add3A_183 = arith.addf %add3A_175, %get3A_182 : vector<16xf32>
        %add3A_184 = arith.constant 3 : i32
        %add3A_185 = arith.addi %mul3A_86, %add3A_184 : i32
        %swap3A_186 = arith.index_cast %add3A_185 : i32 to index
        %swap3A_187 = arith.constant 0 : index
        %swap3A_188 = tpu.vector_load %arg7[%swap3A_186, %swap3A_187] {strides = array<i32>} : memref<4992x16xf32, #tpu.memory_space<vmem>>, vector<16xf32>,
        tpu.vector_store %arg7[%swap3A_186, %swap3A_187], %add3A_183 {strides = array<i32>} : memref<4992x16xf32, #tpu.memory_space<vmem>>, vector<16xf32>,
        %add3A_189 = arith.constant 4 : i32
        %add3A_190 = arith.addi %mul3A_86, %add3A_189 : i32
        %get3A_191 = arith.index_cast %add3A_190 : i32 to index
        %get3A_192 = arith.constant 0 : index
        %get3A_193 = tpu.vector_load %arg7[%get3A_191, %get3A_192] {strides = array<i32>} : memref<4992x16xf32, #tpu.memory_space<vmem>>, vector<16xf32>,
        %add3A_194 = arith.constant 1664 : i32
        %add3A_195 = arith.addi %add3A_194, %mul3A_86 : i32
        %add3A_196 = arith.constant 4 : i32
        %add3A_197 = arith.addi %add3A_195, %add3A_196 : i32
        %get3A_198 = arith.index_cast %add3A_197 : i32 to index
        %get3A_199 = arith.constant 0 : index
        %get3A_200 = tpu.vector_load %arg7[%get3A_198, %get3A_199] {strides = array<i32>} : memref<4992x16xf32, #tpu.memory_space<vmem>>, vector<16xf32>,
        %add3A_201 = arith.addf %get3A_193, %get3A_200 : vector<16xf32>
        %add3A_202 = arith.constant 3328 : i32
        %add3A_203 = arith.addi %add3A_202, %mul3A_86 : i32
        %add3A_204 = arith.constant 4 : i32
        %add3A_205 = arith.addi %add3A_203, %add3A_204 : i32
        %get3A_206 = arith.index_cast %add3A_205 : i32 to index
        %get3A_207 = arith.constant 0 : index
        %get3A_208 = tpu.vector_load %arg7[%get3A_206, %get3A_207] {strides = array<i32>} : memref<4992x16xf32, #tpu.memory_space<vmem>>, vector<16xf32>,
        %add3A_209 = arith.addf %add3A_201, %get3A_208 : vector<16xf32>
        %add3A_210 = arith.constant 4 : i32
        %add3A_211 = arith.addi %mul3A_86, %add3A_210 : i32
        %swap3A_212 = arith.index_cast %add3A_211 : i32 to index
        %swap3A_213 = arith.constant 0 : index
        %swap3A_214 = tpu.vector_load %arg7[%swap3A_212, %swap3A_213] {strides = array<i32>} : memref<4992x16xf32, #tpu.memory_space<vmem>>, vector<16xf32>,
        tpu.vector_store %arg7[%swap3A_212, %swap3A_213], %add3A_209 {strides = array<i32>} : memref<4992x16xf32, #tpu.memory_space<vmem>>, vector<16xf32>,
        %add3A_215 = arith.constant 5 : i32
        %add3A_216 = arith.addi %mul3A_86, %add3A_215 : i32
        %get3A_217 = arith.index_cast %add3A_216 : i32 to index
        %get3A_218 = arith.constant 0 : index
        %get3A_219 = tpu.vector_load %arg7[%get3A_217, %get3A_218] {strides = array<i32>} : memref<4992x16xf32, #tpu.memory_space<vmem>>, vector<16xf32>,
        %add3A_220 = arith.constant 1664 : i32
        %add3A_221 = arith.addi %add3A_220, %mul3A_86 : i32
        %add3A_222 = arith.constant 5 : i32
        %add3A_223 = arith.addi %add3A_221, %add3A_222 : i32
        %get3A_224 = arith.index_cast %add3A_223 : i32 to index
        %get3A_225 = arith.constant 0 : index
        %get3A_226 = tpu.vector_load %arg7[%get3A_224, %get3A_225] {strides = array<i32>} : memref<4992x16xf32, #tpu.memory_space<vmem>>, vector<16xf32>,
        %add3A_227 = arith.addf %get3A_219, %get3A_226 : vector<16xf32>
        %add3A_228 = arith.constant 3328 : i32
        %add3A_229 = arith.addi %add3A_228, %mul3A_86 : i32
        %add3A_230 = arith.constant 5 : i32
        %add3A_231 = arith.addi %add3A_229, %add3A_230 : i32
        %get3A_232 = arith.index_cast %add3A_231 : i32 to index
        %get3A_233 = arith.constant 0 : index
        %get3A_234 = tpu.vector_load %arg7[%get3A_232, %get3A_233] {strides = array<i32>} : memref<4992x16xf32, #tpu.memory_space<vmem>>, vector<16xf32>,
        %add3A_235 = arith.addf %add3A_227, %get3A_234 : vector<16xf32>
        %add3A_236 = arith.constant 5 : i32
        %add3A_237 = arith.addi %mul3A_86, %add3A_236 : i32
        %swap3A_238 = arith.index_cast %add3A_237 : i32 to index
        %swap3A_239 = arith.constant 0 : index
        %swap3A_240 = tpu.vector_load %arg7[%swap3A_238, %swap3A_239] {strides = array<i32>} : memref<4992x16xf32, #tpu.memory_space<vmem>>, vector<16xf32>,
        tpu.vector_store %arg7[%swap3A_238, %swap3A_239], %add3A_235 {strides = array<i32>} : memref<4992x16xf32, #tpu.memory_space<vmem>>, vector<16xf32>,
        %add3A_241 = arith.constant 6 : i32
        %add3A_242 = arith.addi %mul3A_86, %add3A_241 : i32
        %get3A_243 = arith.index_cast %add3A_242 : i32 to index
        %get3A_244 = arith.constant 0 : index
        %get3A_245 = tpu.vector_load %arg7[%get3A_243, %get3A_244] {strides = array<i32>} : memref<4992x16xf32, #tpu.memory_space<vmem>>, vector<16xf32>,
        %add3A_246 = arith.constant 1664 : i32
        %add3A_247 = arith.addi %add3A_246, %mul3A_86 : i32
        %add3A_248 = arith.constant 6 : i32
        %add3A_249 = arith.addi %add3A_247, %add3A_248 : i32
        %get3A_250 = arith.index_cast %add3A_249 : i32 to index
        %get3A_251 = arith.constant 0 : index
        %get3A_252 = tpu.vector_load %arg7[%get3A_250, %get3A_251] {strides = array<i32>} : memref<4992x16xf32, #tpu.memory_space<vmem>>, vector<16xf32>,
        %add3A_253 = arith.addf %get3A_245, %get3A_252 : vector<16xf32>
        %add3A_254 = arith.constant 3328 : i32
        %add3A_255 = arith.addi %add3A_254, %mul3A_86 : i32
        %add3A_256 = arith.constant 6 : i32
        %add3A_257 = arith.addi %add3A_255, %add3A_256 : i32
        %get3A_258 = arith.index_cast %add3A_257 : i32 to index
        %get3A_259 = arith.constant 0 : index
        %get3A_260 = tpu.vector_load %arg7[%get3A_258, %get3A_259] {strides = array<i32>} : memref<4992x16xf32, #tpu.memory_space<vmem>>, vector<16xf32>,
        %add3A_261 = arith.addf %add3A_253, %get3A_260 : vector<16xf32>
        %add3A_262 = arith.constant 6 : i32
        %add3A_263 = arith.addi %mul3A_86, %add3A_262 : i32
        %swap3A_264 = arith.index_cast %add3A_263 : i32 to index
        %swap3A_265 = arith.constant 0 : index
        %swap3A_266 = tpu.vector_load %arg7[%swap3A_264, %swap3A_265] {strides = array<i32>} : memref<4992x16xf32, #tpu.memory_space<vmem>>, vector<16xf32>,
        tpu.vector_store %arg7[%swap3A_264, %swap3A_265], %add3A_261 {strides = array<i32>} : memref<4992x16xf32, #tpu.memory_space<vmem>>, vector<16xf32>,
        %add3A_267 = arith.constant 7 : i32
        %add3A_268 = arith.addi %mul3A_86, %add3A_267 : i32
        %get3A_269 = arith.index_cast %add3A_268 : i32 to index
        %get3A_270 = arith.constant 0 : index
        %get3A_271 = tpu.vector_load %arg7[%get3A_269, %get3A_270] {strides = array<i32>} : memref<4992x16xf32, #tpu.memory_space<vmem>>, vector<16xf32>,
        %add3A_272 = arith.constant 1664 : i32
        %add3A_273 = arith.addi %add3A_272, %mul3A_86 : i32
        %add3A_274 = arith.constant 7 : i32
        %add3A_275 = arith.addi %add3A_273, %add3A_274 : i32
        %get3A_276 = arith.index_cast %add3A_275 : i32 to index
        %get3A_277 = arith.constant 0 : index
        %get3A_278 = tpu.vector_load %arg7[%get3A_276, %get3A_277] {strides = array<i32>} : memref<4992x16xf32, #tpu.memory_space<vmem>>, vector<16xf32>,
        %add3A_279 = arith.addf %get3A_271, %get3A_278 : vector<16xf32>
        %add3A_280 = arith.constant 3328 : i32
        %add3A_281 = arith.addi %add3A_280, %mul3A_86 : i32
        %add3A_282 = arith.constant 7 : i32
        %add3A_283 = arith.addi %add3A_281, %add3A_282 : i32
        %get3A_284 = arith.index_cast %add3A_283 : i32 to index
        %get3A_285 = arith.constant 0 : index
        %get3A_286 = tpu.vector_load %arg7[%get3A_284, %get3A_285] {strides = array<i32>} : memref<4992x16xf32, #tpu.memory_space<vmem>>, vector<16xf32>,
        %add3A_287 = arith.addf %add3A_279, %get3A_286 : vector<16xf32>
        %add3A_288 = arith.constant 7 : i32
        %add3A_289 = arith.addi %mul3A_86, %add3A_288 : i32
        %swap3A_290 = arith.index_cast %add3A_289 : i32 to index
        %swap3A_291 = arith.constant 0 : index
        %swap3A_292 = tpu.vector_load %arg7[%swap3A_290, %swap3A_291] {strides = array<i32>} : memref<4992x16xf32, #tpu.memory_space<vmem>>, vector<16xf32>,
        tpu.vector_store %arg7[%swap3A_290, %swap3A_291], %add3A_287 {strides = array<i32>} : memref<4992x16xf32, #tpu.memory_space<vmem>>, vector<16xf32>,
      }
      %scan3A_81 = arith.constant 200 : i32
      %mul3A_82 = arith.constant 1600 : i32
      %mul3A_83 = arith.muli %add3A_75, %mul3A_82 : i32
      "tpu.region"() ({
        %run_scoped3A = tpu.sem_alloc : memref<!tpu.dma_semaphore, #tpu.memory_space<semaphore_mem>>
        %dma_start3A_84 = arith.constant 0 : i32
        %dma_start3A_85 = arith.constant 0 : i32
        %dma_start3A_86 = tpu.memref_slice %arg7[%dma_start3A_84, %dma_start3A_85] : memref<4992x16xf32, #tpu.memory_space<vmem>> -> memref<1600x16xf32, #tpu.memory_space<vmem>>
        %dma_start3A_87 = arith.constant 0 : i32
        %dma_start3A_88 = tpu.memref_slice %arg4[%mul3A_83, %dma_start3A_87] : memref<1638400x16xf32, #tpu.memory_space<hbm>> -> memref<1600x16xf32, #tpu.memory_space<hbm>>
        %dma_start3A_89 = arith.constant 0 : i32
        %dma_start3A_90 = tpu.memref_slice %arg4[%mul3A_83, %dma_start3A_89] : memref<1638400x16xf32, #tpu.memory_space<hbm>> -> memref<1600x16xf32, #tpu.memory_space<hbm>>
        %dma_start3A_91 = arith.constant 0 : i32
        %dma_start3A_92 = arith.constant 0 : i32
        %dma_start3A_93 = tpu.memref_slice %arg7[%dma_start3A_91, %dma_start3A_92] : memref<4992x16xf32, #tpu.memory_space<vmem>> -> memref<1600x16xf32, #tpu.memory_space<vmem>>
        tpu.enqueue_dma source(%dma_start3A_93 : memref<1600x16xf32, #tpu.memory_space<vmem>>) target(%dma_start3A_90 : memref<1600x16xf32, #tpu.memory_space<hbm>>) target_semaphore(%run_scoped3A : memref<!tpu.dma_semaphore, #tpu.memory_space<semaphore_mem>>)
        %dma_wait3A_94 = arith.constant 0 : i32
        %dma_wait3A_95 = arith.constant 0 : i32
        %dma_wait3A_96 = tpu.memref_slice %arg7[%dma_wait3A_94, %dma_wait3A_95] : memref<4992x16xf32, #tpu.memory_space<vmem>> -> memref<1600x16xf32, #tpu.memory_space<vmem>>
        %dma_wait3A_97 = arith.constant 0 : i32
        %dma_wait3A_98 = tpu.memref_slice %arg4[%mul3A_83, %dma_wait3A_97] : memref<1638400x16xf32, #tpu.memory_space<hbm>> -> memref<1600x16xf32, #tpu.memory_space<hbm>>
        %dma_wait3A_99 = arith.constant 0 : i32
        %dma_wait3A_100 = tpu.memref_slice %arg4[%mul3A_83, %dma_wait3A_99] : memref<1638400x16xf32, #tpu.memory_space<hbm>> -> memref<1600x16xf32, #tpu.memory_space<hbm>>
        %dma_wait3A_101 = arith.constant 0 : i32
        %dma_wait3A_102 = arith.constant 0 : i32
        %dma_wait3A_103 = tpu.memref_slice %arg7[%dma_wait3A_101, %dma_wait3A_102] : memref<4992x16xf32, #tpu.memory_space<vmem>> -> memref<1600x16xf32, #tpu.memory_space<vmem>>
        tpu.wait_dma2 semaphore(%run_scoped3A : memref<!tpu.dma_semaphore, #tpu.memory_space<semaphore_mem>>) src(%dma_wait3A_103 : memref<1600x16xf32, #tpu.memory_space<vmem>>) dst(%dma_wait3A_100 : memref<1600x16xf32, #tpu.memory_space<hbm>>)
        tpu.yield
      }) : () -> ()
    }
    %scan3A_15 = arith.constant 16 : i32
    return
  }
}

</mosaic_0001>

<sc_bundles>
// kernel: _ngram_embed_sc.3.cloned.1.call-start
scs
__scs_entry_jumppad:
0x0: {  	(pc) =	sbr.rel $0x88, $3  }
0x1: {  	(tag) =	ssettag $0x0;
	lr =	simm.s32 $0x1  }
0x2: {  	[smem:$0x3F9F] =	sst lr;
	_ =	strace $0xD0000000  }
0x3: {  	_ = 	snop  }
0x4: {  	_ = 	snop  }
0x5: {  	_ = 	snop  }
0x6: {  	_ = 	snop  }
0x7: {  	_ = 	snop  }
__scs_overlays_trampoline_lowered:
0x8: {  	[smem:$0x3FAE] =	sst s0  }
0x9: {  	[smem:$0x3FAF] =	sst s1  }
0xa: {  	[smem:$0x3FB0] =	sst s2  }
0xb: {  	[smem:$0x3FB1] =	sst s3  }
0xc: {  	[smem:$0x3FB2] =	sst s4  }
0xd: {  	[smem:$0x3FB3] =	sst s5  }
0xe: {  	[smem:$0x3FB4] =	sst s6  }
0xf: {  	[smem:$0x3FB5] =	sst s7  }
0x10: {  	[smem:$0x3FB6] =	sst s8  }
0x11: {  	[smem:$0x3FB7] =	sst s9;
	s0 =	simm.s32 @!p0 $0x0  }
0x12: {  	s1 =	sld [smem:$0x3F9D];
	s0 =	simm.s32 @p0 $0x1  }
0x13: {  	[smem:$0x3FB8] =	sst s0;
	s0 =	simm.s32 @!p1 $0x0  }
0x14: {  	s2 =	sld [smem:$0x3F9C];
	s0 =	simm.s32 @p1 $0x1  }
0x15: {  	[smem:$0x3FB9] =	sst s0;
	s0 =	simm.s32 @!p2 $0x0  }
0x16: {  	s3 =	sld [smem:$0x3FDB];
	s0 =	simm.s32 @p2 $0x1  }
0x17: {  	s4 =	simm.s32 $0x1BF5;
	[smem:$0x3FBB] =	sst s0  }
0x18: {  	s0 =	sld [smem:$0x3F9E];
	_ =	swait.ge [sflag:s4], $0x0  }
0x19: {  	s7 =	sld [smem:$0x3F9F]  }
0x1a: {  	s8 =	sadd.s32 $0xFFFFE003, lr  }
0x1b: {  	s9 =	sadd.s32 $0xFFFFFEF7, lr;
	s5 =	simm.s32 $0xFFFFFFFF;
	p2 =	slt.u32 s8, $0xFFFFF086  }
0x1c: {  	p1 =	slt.u32 s9, $0xF7A;
	s5 =	simm.s32 @!p2 $0x0  }
0x1d: {  	s5 =	simm.s32 @p1 $0x1;
	p0 =	seq.s32 s7, s2  }
0x1e: {  	s7 =	smul.u32 @!p0 $0xF7A, s2;
	p2 =	seq.s32 @!p0 s5, $0x0  }
0x1f: {  	s9 =	smul.u32 $0xF7A, s1;
	s8 =	simm.s32 @!p0 $0x1BF5;
	p2 =	por !p2, p0  }
0x20: {  	[sflag:s8] =	ssyncset.s32 @!p0 $0xFFFFF086;
	s6 =	sadd.s32 @!p0 s3, s7;
	s7 =	simm.s32 @!p0 $0x108  }
0x21: {  	s3 =	sadd.s32 s3, s9;
	s6 =	sadd.s32 @!p0 $0x88, s6;
	s7 =	simm.s32 @p2 $0x1082  }
0x22: {  	[simem:s7], [sflag:s8] =	dma.local @!p0 [hbm:s6], $0xF7A  }
0x23: {  	s9 =	sor.u32 $0xD0000000, s2;
	s6 =	simm.s32 $0x108;
	_ =	swait.ge @!p0 [sflag:s8], $0x0  }
0x24: {  	s3 =	sadd.s32 $0x88, s3;
	s6 =	simm.s32 @!p1 $0x1082;
	[sflag:s4] =	ssyncset.s32 $0xFFFFF086  }
0x25: {  	[simem:s6], [sflag:s4] =	dma.local [hbm:s3], $0xF7A  }
0x26: {  	[smem:$0x3F9F] =	sst s1;
	(tag) =	ssettag s2;
	_ =	strace s9  }
0x27: {  	s1 =	sld [smem:$0x3FAF]  }
0x28: {  	s2 =	sld [smem:$0x3FB0]  }
0x29: {  	s4 =	sld [smem:$0x3FB2]  }
0x2a: {  	p0 =	seq.s32 s5, $0x0;
	s5 =	sld [smem:$0x3FB3]  }
0x2b: {  	s6 =	sld [smem:$0x3FB4]  }
0x2c: {  	s7 =	sld [smem:$0x3FB5]  }
0x2d: {  	s3 =	simm.s32 $0x108;
	s8 =	sld [smem:$0x3FB6]  }
0x2e: {  	s3 =	simm.s32 @!p0 $0x1082;
	s9 =	sld [smem:$0x3FB7]  }
0x2f: {  	lr =	sadd.s32 s0, s3;
	s0 =	sld [smem:$0x3FAE]  }
0x30: {  	s3 =	sld [smem:$0x3FB1]  }
0x31: {  	[smem:$0x3FBA] =	sst s10  }
0x32: {  	s10 =	sld [smem:$0x3FB8];
	_ =	sdelay $0x3  }
0x33: {  	p0 =	seq.s32 s10, $0x1;
	s10 =	sld [smem:$0x3FBA];
	_ =	sdelay $0x3  }
0x34: {  	[smem:$0x3FBA] =	sst s10  }
0x35: {  	s10 =	sld [smem:$0x3FB9];
	_ =	sdelay $0x3  }
0x36: {  	p1 =	seq.s32 s10, $0x1;
	s10 =	sld [smem:$0x3FBA];
	_ =	sdelay $0x3  }
0x37: {  	[smem:$0x3FBA] =	sst s10  }
0x38: {  	s10 =	sld [smem:$0x3FBB]  }
0x39: {  	_ = 	snop;
	(pc) =	sbr.ind lr, $3  }
0x3a: {  	_ = 	snop  }
0x3b: {  	_ = 	snop  }
0x3c: {  	p2 =	seq.s32 s10, $0x1;
	s10 =	sld [smem:$0x3FBA]  }
0x3d: {  	_ =	shalt  }
0x3e: {  	_ =	shalt  }
0x3f: {  	_ =	shalt  }
0x40: {  	_ =	shalt  }
0x41: {  	_ =	shalt  }
0x42: {  	_ =	shalt  }
0x43: {  	_ =	shalt  }
0x44: {  	_ =	shalt  }
0x45: {  	_ =	shalt  }
0x46: {  	_ =	shalt  }
0x47: {  	_ =	shalt  }
0x48: {  	_ =	shalt  }
0x49: {  	_ =	shalt  }
0x4a: {  	_ =	shalt  }
0x4b: {  	_ =	shalt  }
0x4c: {  	_ =	shalt  }
0x4d: {  	_ =	shalt  }
0x4e: {  	_ =	shalt  }
0x4f: {  	_ =	shalt  }
0x50: {  	_ =	shalt  }
0x51: {  	_ =	shalt  }
0x52: {  	_ =	shalt  }
0x53: {  	_ =	shalt  }
0x54: {  	_ =	shalt  }
0x55: {  	_ =	shalt  }
0x56: {  	_ =	shalt  }
0x57: {  	_ =	shalt  }
0x58: {  	_ =	shalt  }
0x59: {  	_ =	shalt  }
0x5a: {  	_ =	shalt  }
0x5b: {  	_ =	shalt  }
0x5c: {  	_ =	shalt  }
0x5d: {  	_ =	shalt  }
0x5e: {  	_ =	shalt  }
0x5f: {  	_ =	shalt  }
0x60: {  	_ =	shalt  }
0x61: {  	_ =	shalt  }
0x62: {  	_ =	shalt  }
0x63: {  	_ =	shalt  }
0x64: {  	_ =	shalt  }
0x65: {  	_ =	shalt  }
0x66: {  	_ =	shalt  }
0x67: {  	_ =	shalt  }
0x68: {  	_ =	shalt  }
0x69: {  	_ =	shalt  }
0x6a: {  	_ =	shalt  }
0x6b: {  	_ =	shalt  }
0x6c: {  	_ =	shalt  }
0x6d: {  	_ =	shalt  }
0x6e: {  	_ =	shalt  }
0x6f: {  	_ =	shalt  }
0x70: {  	_ =	shalt  }
0x71: {  	_ =	shalt  }
0x72: {  	_ =	shalt  }
0x73: {  	_ =	shalt  }
0x74: {  	_ =	shalt  }
0x75: {  	_ =	shalt  }
0x76: {  	_ =	shalt  }
0x77: {  	_ =	shalt  }
0x78: {  	_ =	shalt  }
0x79: {  	_ =	shalt  }
0x7a: {  	_ =	shalt  }
0x7b: {  	_ =	shalt  }
0x7c: {  	_ =	shalt  }
0x7d: {  	_ =	shalt  }
0x7e: {  	_ =	shalt  }
0x7f: {  	_ =	shalt  }
0x80: {  	_ =	shalt  }
0x81: {  	_ =	shalt  }
0x82: {  	_ =	shalt  }
0x83: {  	_ =	shalt  }
0x84: {  	_ =	shalt  }
0x85: {  	_ =	shalt  }
0x86: {  	_ =	shalt  }
0x87: {  	_ =	shalt  }
.Lfunc_end0:
.L_simem_size_0:
called_computation.1_lowered:
.L_overlay_start_0:
0x88: {  	s2 =	sld [smem:$0x3FD9]  }
0x89: {  	s3 =	sld [smem:$0x3FFE];
	_ =	sdelay $0x1  }
0x8a: {  	s1 =	srdreg.scid  }
0x8b: {  	s0 =	sand.u32 $0x1, s1  }
0x8c: {  	s17 =	sshll.u32 s0, $0xA;
	s2 =	sadd.s32 s3, s2  }
0x8d: {  	s2 =	sadd.s32 s2, s17  }
0x8e: {  	[smem:$0x3FC6] =	sst s2  }
0x8f: {  	_ = 	snop  }
0x90: {  	s2 =	sld [smem:$0x3FD0];
	(tm) =	ssettm $0x1  }
0x91: {  	s18 =	sld [smem:$0x3FFB];
	_ =	sdelay $0x3  }
0x92: {  	_ =	strace s18  }
0x93: {  	s3 =	sld [smem:$0x3FFC];
	_ =	sdelay $0x3  }
0x94: {  	_ =	strace s3  }
0x95: {  	s3 =	sld [smem:$0x3FFD];
	_ =	sdelay $0x3  }
0x96: {  	_ =	strace s3  }
0x97: {  	_ =	strace $0x8FFFFFFF  }
0x98: {  	s19 =	sld [smem:$0x3FDB];
	_ =	sdelay $0x1  }
0x99: {  	s4 =	simm.s32 $_scs_section_size  }
0x9a: {  	s5 =	simm.s32 $_size__tile_overlayer_lowered;
	s6 =	simm.s32 $_tile_overlayer_lowered  }
0x9b: {  	s22 =	simm.s32 $0x1BFF;
	s21 =	sshll.u32 s6, $0x1;
	s3 =	sadd.s32 s4, s19  }
0x9c: {  	s7 =	simm.s32 $0x0;
	s20 =	sshll.u32 s5, $0x1;
	s5 =	sadd.s32 s21, s3  }
0x9d: {  	[timem:s7], [sflag:s22] =	dma.local [hbm:s5], s20  }
0x9e: {  	_ =	swait.ge [sflag:s22], s20  }
0x9f: {  	s4 =	ssub.s32 $0x0, s20;
	[sflag:s22] =	ssyncset.done $0x0  }
0xa0: {  	[sflag:s22] =	ssyncadd.s32 s4;
	_ =	sdelay $0x1  }
0xa1: {  	s23 =	simm.s32 $0x1B8B  }
0xa2: {  	_ =	swait.ge [sflag:s23], $0x1  }
0xa3: {  	[sflag:s23] =	ssyncset.done $0x0  }
0xa4: {  	s25 =	simm.s32 $0x1B8E;
	s24 =	sld [smem:$0x3FFE];
	[sflag:s23] =	ssyncadd.s32 $0xFFFFFFFF  }
0xa5: {  	s26 =	simm.s32 $execute0_lowered;
	[smem:$0x3FD2] =	sst s25  }
0xa6: {  	s5 =	sshll.u32 s26, $0x1;
	_ =	strace $0x80000046;
	[dreg:$0x1] =	wrdreg $0xFFFFFFFF  }
0xa7: {  	s28 =	simm.s32 $_size_execute0_lowered;
	s3 =	sadd.s32 s3, s5;
	[dreg:$0x0] =	wrdreg $0x0  }
0xa8: {  	s5 =	sshll.u32 s28, $0x1;
	[dreg:$0x2] =	wrdreg s3  }
0xa9: {  	[dreg:$0x3] =	wrdreg s5  }
0xaa: {  	[dreg:$0x4] =	wrdreg $0xC0  }
0xab: {  	_ =	task [dreg:s7], $0x5FFFF  }
0xac: {  	[dreg:$0x1] =	wrdreg $0xFFFFFFFF  }
0xad: {  	[dreg:$0x0] =	wrdreg $0x60  }
0xae: {  	[dreg:$0x2] =	wrdreg s24  }
0xaf: {  	[dreg:$0x3] =	wrdreg s2  }
0xb0: {  	[dreg:$0x4] =	wrdreg $0x9  }
0xb1: {  	_ =	task.clear_ibuf [dreg:s7], $0x5FFFF;
	_ =	strace $0x90000046  }
0xb2: {  	s29 =	simm.s32 $0x9;
	_ =	strace $0x80000048  }
0xb3: {  	_ =	swait.ge [sflag:s29], $0x1  }
0xb4: {  	[sflag:s29] =	ssyncadd.s32 $0xFFFFFFFF  }
0xb5: {  	_ =	strace $0x90000048  }
0xb6: {  	_ =	sfence  }
0xb7: {  	s30 =	sld [smem:$0x0];
	_ =	sdelay $0x2  }
0xb8: {  	s31 =	sshll.u32 s1, $0xD;
	s1 =	sshrl.u32 s1, $0x2  }
0xb9: {  	s3 =	sand.u32 $0x4000, s31;
	s1 =	sadd.s32 s1, s30  }
0xba: {  	s0 =	sor.u32 s3, s0;
	s1 =	sshll.u32 s1, $0x11  }
0xbb: {  	s0 =	sor.u32 s1, s0  }
0xbc: {  	s0 =	sadd.s32 $0x8F2B, s0  }
0xbd: {  	[sflag:s0] =	ssyncadd.remote.s32 $0x1  }
0xbe: {  	_ =	sfence.sel $0xFFFF  }
0xbf: {  	[dreg:$0x0] =	wrdreg $0xFFFFFFFF;
	(pc) =	sbr.abs _section_cstart, $3  }
0xc0: {  	[dreg:$0x1] =	wrdreg $0xFFFFFFFF  }
0xc1: {  	_ =	task.clear_ibuf [dreg:s7], $0x2FFFF;
	_ =	strace $0x9FFFFFFF  }
0xc2: {  	(tm) =	ssettm $0x7FFFFFFF  }
0xc3: {  	_ =	shalt  }
tec
execute0_lowered:
.L_overlay_start_1:
0x0: {  	(tag) =	ssettag $0x1  }
0x1: {  	s1 =	srdreg.scid;
	v4 =	vimm.s32 $0x186A0;
	v8 =	vimm.s32 $0x493E0  }
0x2: {  	s5 =	rddreg [dreg:$0x0];
	s0 =	stileid.u32;
	v10 =	vimm.s32 $0x61A80;
	v12 =	vimm.s32 $0x7A120;
	v13 =	vimm.s32 $0x927C0  }
0x3: {  	s2 =	rddreg [dreg:$0x1];
	s3 =	simm.s32 $0x0;
	v14 =	vimm.s32 $0xAAE60;
	v15 =	vimm.s32 $0xC3500;
	v17 =	vimm.s32 $0x10C8E0;
	s10 =	simm.s32 $0x1380  }
0x4: {  	v0 =	vlaneseq.u32;
	v18 =	vimm.s32 $0x124F80;
	v19 =	vimm.s32 $0x13D620;
	s11 =	simm.s32 $0x4700;
	s12 =	simm.s32 $0x3380;
	s13 =	simm.s32 $0x1  }
0x5: {  	v20 =	vimm.s32 $0x155CC0;
	v21 =	vimm.s32 $0x16E360;
	v22 =	vimm.s32 $0x186A00;
	s14 =	simm.s32 $0x0;
	s6 =	sand.u32 $0x1, s1;
	s7 =	sshll.u32 s0, $0x5  }
0x6: {  	v23 =	vimm.s32 $0x19F0A0;
	v25 =	vimm.s32 $0x1B7740;
	v0 =	vmul.u32 $0x8, v0;
	s1 =	rddreg [dreg:$0x2];
	s4 =	sshll.u32 s6, $0x9;
	s8 =	ssub.s32 $0x2, s6  }
0x7: {  	v16 =	vimm.s32 $0xDBBA0;
	v26 =	vimm.s32 $0x1CFDE0;
	v27 =	vimm.s32 $0x1E8480;
	[smem:$0x7FF] =	sst s3;
	s4 =	sor.u32 s7, s4;
	s9 =	sshrl.u32 s8, $0x1  }
0x8: {  	v28 =	vimm.s32 $0x200B20;
	v29 =	vimm.s32 $0xF4240;
	_ =	strace $0x80000047;
	v2 =	vor.u32 $0x1, v0;
	s7 =	sshll.u32 s4, $0x5;
	s8 =	ssub.s32 s8, s9  }
0x9: {  	v3 =	vor.u32 $0x2, v0;
	v5 =	vor.u32 $0x3, v0;
	v7 =	vor.u32 $0x4, v0;
	s9 =	simm.s32 $0x2;
	s7 =	sadd.s32 s7, s5;
	s5 =	sadd.s32 $0x249FA00, s5  }
0xa: {  	v9 =	vor.u32 $0x5, v0;
	v11 =	vor.u32 $0x6, v0;
	v24 =	vor.u32 $0x7, v0;
	s8 =	smax.u32 s8, $0x1;
	s6 =	sadd.s32 $0xA00, s7;
	s7 =	simm.s32 $0x2000  }
.LBB2_1:
0xb: {  	[tilespmem:s3], [sflag:$0x2] =	stream.linear.gather [hbm4b:s6+s3], $0x2000, $0x38;
	[tilespmem:$0x17F00] =	vst v63  }
0xc: {  	_ =	swait.ge [sflag:s9], $0x2000  }
0xd: {  	[sflag:s9] =	ssyncset.done $0x0  }
0xe: {  	s15 =	simm.s32 $0x1;
	s16 =	simm.s32 $0x0;
	[sflag:s9] =	ssyncadd.s32 $0xFFFFE000  }
.LBB2_2:
0xf: {  	v32 =	vld [tilespmem:s15+$0xFFFFFFFF];
	_ =	sdelay $0x4  }
0x10: {  	v33 =	vadd.s32 $0x1, v32  }
0x11: {  	v30 =	vshll.u32 v33, $0x1;
	v34 =	vmul.u32 $0x3, v33  }
0x12: {  	v31 =	vcvt.s32.f32 v30  }
0x13: {  	v47 =	vld [tilespmem:s15+$0x0];
	v35 =	vcvt.s32.f32 v34  }
0x14: {  	v31 =	vmul.f32 $9.999999740e-06, v31  }
0x15: {  	v32 =	vmul.u32 $0xF4243, v32;
	v53 =	vmul.u32 $0x7, v33;
	v35 =	vmul.f32 $9.999999740e-06, v35  }
0x16: {  	v56 =	vmul.u32 $0xB, v33;
	v61 =	vmul.u32 $0xD, v33;
	v31 =	vtrunc.f32 v31  }
0x17: {  	v63 =	vmul.u32 $0x11, v33;
	v31 =	vcvt.f32.s32 v31;
	v35 =	vtrunc.f32 v35  }
0x18: {  	v32 =	vadd.s32 v47, v32;
	v54 =	vcvt.s32.f32 v53;
	v35 =	vcvt.f32.s32 v35  }
0x19: {  	v40 =	vcvt.s32.f32 v56;
	v62 =	vcvt.s32.f32 v61;
	v31 =	vmul.u32 $0xFFFE7960, v31  }
0x1a: {  	v48 =	vcvt.s32.f32 v63;
	v45 =	vadd.s32 $0x1, v32;
	v35 =	vmul.u32 $0xFFFE7960, v35  }
0x1b: {  	v30 =	vadd.s32 v30, v31;
	v31 =	vmul.u32 $0x5, v33;
	v33 =	vmul.u32 $0x13, v33  }
0x1c: {  	vm0 =	vlt.s32 v30, $0x0;
	v36 =	vadd.s32 $0x186A0, v30;
	v34 =	vadd.s32 v34, v35  }
0x1d: {  	v30 =	vsel vm0, v36, v30;
	v52 =	vcvt.s32.f32 v31;
	vm1 =	vlt.s32 v34, $0x0  }
0x1e: {  	v37 =	vadd.s32 $0x186A0, v34;
	vm0 =	vlt.s32 v30, $0x0;
	v38 =	vadd.s32 $0x186A0, v30  }
0x1f: {  	v34 =	vsel vm1, v37, v34;
	v37 =	vmul.f32 $9.999999740e-06, v54;
	v36 =	vmul.f32 $9.999999740e-06, v52  }
0x20: {  	v30 =	vsel vm0, v38, v30;
	vm11 =	vlt.s32 v34, $0x0;
	v55 =	vadd.s32 $0x186A0, v34  }
0x21: {  	vm12 =	vgt.s32 v30, $0x1869F;
	v39 =	vadd.s32 $0xFFFE7960, v30;
	v34 =	vsel vm11, v55, v34  }
0x22: {  	v37 =	vtrunc.f32 v37;
	v36 =	vtrunc.f32 v36;
	v1 =	vsel vm12, v39, v30  }
0x23: {  	vm0 =	vgt.s32 v34, $0x1869F;
	v37 =	vcvt.f32.s32 v37;
	v57 =	vadd.s32 $0x186A0, v34  }
0x24: {  	v36 =	vcvt.f32.s32 v36;
	[tilespmem:$0x1FFE0] =	vst v1;
	v1 =	vsel vm0, v34, v57;
	v57 =	vshll.u32 v45, $0x1  }
0x25: {  	v51 =	vmul.f32 $9.999999740e-06, v48;
	v37 =	vmul.u32 $0xFFFE7960, v37;
	v46 =	vcvt.s32.f32 v57  }
0x26: {  	v59 =	vmul.f32 $9.999999740e-06, v40;
	v55 =	vcvt.s32.f32 v33;
	v36 =	vmul.u32 $0xFFFE7960, v36  }
0x27: {  	v35 =	vadd.s32 v53, v37;
	v53 =	vtrunc.f32 v51;
	v46 =	vmul.f32 $9.999999740e-06, v46  }
0x28: {  	s17 =	sadd.s32 $0x680, s16;
	v36 =	vadd.s32 v31, v36;
	vm15 =	vlt.s32 v35, $0x0;
	v37 =	vadd.s32 $0x186A0, v35  }
0x29: {  	v31 =	vor.u32 s17, v0;
	vm13 =	vlt.s32 v36, $0x0;
	v41 =	vadd.s32 $0x186A0, v36  }
0x2a: {  	v35 =	vsel vm15, v37, v35;
	v37 =	vmul.f32 $9.999999740e-06, v62;
	v62 =	vtrunc.f32 v46  }
0x2b: {  	v58 =	vsel vm13, v41, v36;
	v36 =	vtrunc.f32 v59;
	vm5 =	vlt.s32 v35, $0x0  }
0x2c: {  	v43 =	vadd.s32 $0x186A0, v35;
	v41 =	vmul.u32 $0xF4243, v32;
	v36 =	vcvt.f32.s32 v36  }
0x2d: {  	vm14 =	vlt.s32 v58, $0x0;
	v60 =	vadd.s32 $0x186A0, v58;
	v43 =	vsel vm5, v43, v35  }
0x2e: {  	v34 =	vsel vm14, v60, v58;
	vm7 =	vgt.s32 v43, $0x1869F;
	v36 =	vmul.u32 $0xFFFE7960, v36  }
0x2f: {  	v50 =	vtrunc.f32 v37;
	vm4 =	vlt.s32 v34, $0x186A0;
	v37 =	vsel vm7, $0x30D40, v8  }
0x30: {  	v42 =	vsel vm4, $0x30D40, v4;
	v36 =	vadd.s32 v56, v36;
	v56 =	vmul.f32 $9.999999740e-06, v55  }
0x31: {  	v34 =	vadd.s32 v34, v42;
	vm6 =	vlt.s32 v36, $0x0;
	v49 =	vadd.s32 $0x186A0, v36  }
0x32: {  	v35 =	vsel vm6, v49, v36;
	v36 =	vcvt.f32.s32 v50;
	v32 =	vtrunc.f32 v56  }
0x33: {  	vm0 =	vlt.s32 v35, $0x0;
	v52 =	vadd.s32 $0x186A0, v35;
	v60 =	vcvt.f32.s32 v32  }
0x34: {  	v44 =	vsel vm0, v52, v35;
	v36 =	vmul.u32 $0xFFFE7960, v36;
	v35 =	vcvt.f32.s32 v53  }
0x35: {  	v32 =	vor.u32 s16, v0;
	v52 =	vmul.u32 $0x5, v45;
	vm8 =	vgt.s32 v44, $0x1869F  }
0x36: {  	v36 =	vadd.s32 v61, v36;
	v35 =	vmul.u32 $0xFFFE7960, v35;
	v39 =	vsel vm8, $0x493E0, v10  }
0x37: {  	v61 =	vmul.u32 $0xFFFE7960, v60;
	vm9 =	vlt.s32 v36, $0x0;
	v54 =	vadd.s32 $0x186A0, v36  }
0x38: {  	v36 =	vsel vm9, v54, v36;
	v35 =	vadd.s32 v63, v35;
	v63 =	vmul.u32 $0x3, v45  }
0x39: {  	v54 =	vmul.u32 $0x7, v45;
	vm10 =	vlt.s32 v35, $0x0;
	v40 =	vadd.s32 $0x186A0, v35  }
0x3a: {  	vm11 =	vlt.s32 v36, $0x0;
	v58 =	vadd.s32 $0x186A0, v36;
	v35 =	vsel vm10, v40, v35  }
0x3b: {  	v47 =	vsel vm11, v58, v36;
	v36 =	vcvt.f32.s32 v62;
	v50 =	vcvt.s32.f32 v63  }
0x3c: {  	vm12 =	vlt.s32 v35, $0x0;
	v59 =	vadd.s32 $0x186A0, v35;
	vm13 =	vgt.s32 v47, $0x1869F  }
0x3d: {  	v48 =	vsel vm12, v59, v35;
	v46 =	vsel vm13, $0x61A80, v12;
	v35 =	vadd.s32 v33, v61  }
0x3e: {  	v36 =	vmul.u32 $0xFFFE7960, v36;
	v33 =	vor.u32 s16, v2;
	v50 =	vmul.f32 $9.999999740e-06, v50  }
0x3f: {  	vm14 =	vgt.s32 v48, $0x1869F;
	vm15 =	vlt.s32 v35, $0x0;
	v51 =	vadd.s32 $0x186A0, v35  }
0x40: {  	v61 =	vcvt.s32.f32 v54;
	v49 =	vsel vm14, $0x7A120, v13;
	v35 =	vsel vm15, v51, v35  }
0x41: {  	v36 =	vadd.s32 v57, v36;
	v55 =	vtrunc.f32 v50;
	v57 =	vcvt.s32.f32 v52  }
0x42: {  	vm0 =	vlt.s32 v35, $0x0;
	v51 =	vadd.s32 $0x186A0, v35;
	vm4 =	vlt.s32 v36, $0x0  }
0x43: {  	v38 =	vadd.s32 $0x186A0, v36;
	v50 =	vcvt.f32.s32 v55;
	v51 =	vsel vm0, v51, v35  }
0x44: {  	v35 =	vor.u32 s16, v3;
	v36 =	vsel vm4, v38, v36;
	v58 =	vmul.f32 $9.999999740e-06, v57  }
0x45: {  	v57 =	vmul.u32 $0xB, v45;
	vm5 =	vgt.s32 v51, $0x1869F;
	v56 =	vmul.u32 $0xFFFE7960, v50  }
0x46: {  	vm6 =	vlt.s32 v36, $0x0;
	v53 =	vadd.s32 $0x186A0, v36;
	v50 =	vsel vm5, $0x927C0, v14  }
0x47: {  	v53 =	vsel vm6, v53, v36;
	v36 =	vadd.s32 v43, v37;
	v60 =	vtrunc.f32 v58  }
0x48: {  	v38 =	vadd.s32 v63, v56;
	vm8 =	vgt.s32 v53, $0x1869F;
	v37 =	vcvt.f32.s32 v60  }
0x49: {  	v56 =	vmul.f32 $9.999999740e-06, v61;
	vm7 =	vlt.s32 v38, $0x0;
	v59 =	vadd.s32 $0x186A0, v38  }
0x4a: {  	v30 =	vsel vm8, $0xAAE60, v15;
	v42 =	vsel vm7, v59, v38;
	v63 =	vmul.u32 $0xFFFE7960, v37  }
0x4b: {  	v38 =	vor.u32 s16, v5;
	v37 =	vadd.s32 v44, v39;
	v56 =	vtrunc.f32 v56  }
0x4c: {  	v59 =	vcvt.s32.f32 v57;
	v44 =	vmul.u32 $0xD, v45;
	v30 =	vadd.s32 v53, v30  }
0x4d: {  	vm9 =	vlt.s32 v42, $0x0;
	v62 =	vadd.s32 $0x186A0, v42;
	v40 =	vcvt.f32.s32 v56  }
0x4e: {  	v58 =	vsel vm9, v62, v42;
	v55 =	vadd.s32 v52, v63;
	v42 =	vmul.f32 $9.999999740e-06, v59  }
0x4f: {  	v63 =	vcvt.s32.f32 v44;
	v59 =	vmul.u32 $0x11, v45;
	vm10 =	vlt.s32 v55, $0x0  }
0x50: {  	v43 =	vadd.s32 $0x186A0, v55;
	vm11 =	vgt.s32 v58, $0x1869F;
	v40 =	vmul.u32 $0xFFFE7960, v40  }
0x51: {  	v39 =	vsel vm10, v43, v55;
	v52 =	vsel vm11, $0xC3500, v16;
	v42 =	vtrunc.f32 v42  }
0x52: {  	v55 =	vmul.f32 $9.999999740e-06, v63;
	vm12 =	vlt.s32 v39, $0x0;
	v43 =	vadd.s32 $0x186A0, v39  }
0x53: {  	v60 =	vadd.s32 v54, v40;
	v61 =	vcvt.f32.s32 v42;
	v52 =	vadd.s32 v58, v52  }
0x54: {  	v56 =	vsel vm12, v43, v39;
	vm13 =	vlt.s32 v60, $0x0;
	v62 =	vadd.s32 $0x186A0, v60  }
0x55: {  	v63 =	vtrunc.f32 v55;
	v39 =	vsel vm13, v62, v60;
	vm14 =	vgt.s32 v56, $0x1869F  }
0x56: {  	v40 =	vmul.u32 $0xFFFE7960, v61;
	v55 =	vcvt.f32.s32 v63;
	v61 =	vcvt.s32.f32 v59  }
0x57: {  	v54 =	vsel vm14, $0xDBBA0, v29;
	vm15 =	vlt.s32 v39, $0x0;
	v62 =	vadd.s32 $0x186A0, v39  }
0x58: {  	v57 =	vadd.s32 v57, v40;
	v60 =	vsel vm15, v62, v39;
	v40 =	vor.u32 s16, v7  }
0x59: {  	v6 =	vld [tilespmem:$0x1FFE0];
	v39 =	vadd.s32 v47, v46;
	v43 =	vmul.u32 $0xFFFE7960, v55;
	v62 =	vmul.f32 $9.999999740e-06, v61  }
0x5a: {  	vm4 =	vlt.s32 v57, $0x0;
	v42 =	vadd.s32 $0x186A0, v57;
	vm5 =	vgt.s32 v60, $0x1869F  }
0x5b: {  	v54 =	vadd.s32 v56, v54;
	v42 =	vsel vm4, v42, v57;
	v47 =	vsel vm5, $0xF4240, v17  }
0x5c: {  	v44 =	vadd.s32 v44, v43;
	v63 =	vtrunc.f32 v62;
	v43 =	vor.u32 s16, v9  }
0x5d: {  	[tilespmem:$0x1FFF0] =	vst v1;
	vm6 =	vlt.s32 v42, $0x0;
	v57 =	vadd.s32 $0x186A0, v42;
	vm7 =	vlt.s32 v44, $0x0  }
0x5e: {  	v62 =	vld [tilespmem:s15+$0x1];
	[tilespmem:v32+s7+$0x0] =	vst.idx.msk $0xffff, v6;
	v46 =	vadd.s32 $0x186A0, v44;
	v55 =	vcvt.f32.s32 v63;
	v47 =	vadd.s32 v60, v47  }
0x5f: {  	v6 =	vld [tilespmem:$0x1FFF0];
	v57 =	vsel vm6, v57, v42;
	v42 =	vadd.s32 v48, v49;
	v46 =	vsel vm7, v46, v44  }
0x60: {  	v49 =	vmul.u32 $0x13, v45;
	v44 =	vor.u32 s16, v11;
	vm8 =	vgt.s32 v57, $0x1869F  }
0x61: {  	v55 =	vmul.u32 $0xFFFE7960, v55;
	vm9 =	vlt.s32 v46, $0x0;
	v63 =	vadd.s32 $0x186A0, v46  }
0x62: {  	v45 =	vadd.s32 v51, v50;
	v61 =	vsel vm8, $0x10C8E0, v18;
	v46 =	vsel vm9, v63, v46  }
0x63: {  	v48 =	vadd.s32 v59, v55;
	v55 =	vcvt.s32.f32 v49;
	vm11 =	vgt.s32 v46, $0x1869F  }
0x64: {  	v57 =	vadd.s32 v57, v61;
	[tilespmem:v33+s7+$0x0] =	vst.idx.msk $0xffff, v6;
	vm10 =	vlt.s32 v48, $0x0;
	v50 =	vadd.s32 $0x186A0, v48  }
0x65: {  	v1 =	vsel vm11, $0x124F80, v19;
	[tilespmem:v35+s7+$0x0] =	vst.idx.msk $0xffff, v34;
	v35 =	vor.u32 s17, v9;
	v63 =	vmul.f32 $9.999999740e-06, v55  }
0x66: {  	v55 =	vadd.s32 v41, v62;
	v41 =	vor.u32 s16, v24;
	v48 =	vsel vm10, v50, v48  }
0x67: {  	v1 =	vadd.s32 v46, v1;
	[tilespmem:v38+s7+$0x0] =	vst.idx.msk $0xffff, v36;
	v36 =	vor.u32 s17, v11;
	v50 =	vadd.s32 $0x1, v55  }
0x68: {  	vm12 =	vlt.s32 v48, $0x0;
	v55 =	vadd.s32 $0x186A0, v48;
	v51 =	vtrunc.f32 v63  }
0x69: {  	s31 =	sadd.s32 $0xD00, s16;
	v59 =	vshll.u32 v50, $0x1;
	v63 =	vmul.u32 $0x3, v50;
	v51 =	vcvt.f32.s32 v51  }
0x6a: {  	[tilespmem:v40+s7+$0x0] =	vst.idx.msk $0xffff, v37;
	v37 =	vor.u32 s17, v24;
	v40 =	vor.u32 s31, v2;
	v62 =	vcvt.s32.f32 v59  }
0x6b: {  	v48 =	vsel vm12, v55, v48;
	v4 =	vcvt.s32.f32 v63;
	v51 =	vmul.u32 $0xFFFE7960, v51  }
0x6c: {  	v58 =	vmul.u32 $0x5, v50;
	v61 =	vmul.u32 $0xB, v50;
	v62 =	vmul.f32 $9.999999740e-06, v62  }
0x6d: {  	v38 =	vmul.u32 $0x13, v50;
	v4 =	vmul.f32 $9.999999740e-06, v4;
	v49 =	vadd.s32 v49, v51  }
0x6e: {  	vm14 =	vgt.s32 v48, $0x1869F;
	v51 =	vtrunc.f32 v62;
	vm13 =	vlt.s32 v49, $0x0  }
0x6f: {  	v62 =	vadd.s32 $0x186A0, v49;
	v51 =	vcvt.f32.s32 v51;
	v4 =	vtrunc.f32 v4  }
0x70: {  	v53 =	vsel vm14, $0x13D620, v20;
	v49 =	vsel vm13, v62, v49;
	v4 =	vcvt.f32.s32 v4  }
0x71: {  	v51 =	vmul.u32 $0xFFFE7960, v51;
	vm15 =	vlt.s32 v49, $0x0;
	v62 =	vadd.s32 $0x186A0, v49  }
0x72: {  	v48 =	vadd.s32 v48, v53;
	v4 =	vmul.u32 $0xFFFE7960, v4;
	v49 =	vsel vm15, v62, v49  }
0x73: {  	v62 =	vcvt.s32.f32 v58;
	v51 =	vadd.s32 v59, v51;
	v59 =	vor.u32 s17, v2  }
0x74: {  	vm9 =	vgt.s32 v49, $0x1869F;
	vm4 =	vlt.s32 v51, $0x0;
	v55 =	vadd.s32 $0x186A0, v51  }
0x75: {  	v4 =	vadd.s32 v63, v4;
	v56 =	vmul.f32 $9.999999740e-06, v62;
	v62 =	vmul.u32 $0x7, v50  }
0x76: {  	v51 =	vsel vm4, v55, v51;
	vm5 =	vlt.s32 v4, $0x0;
	v55 =	vadd.s32 $0x186A0, v4  }
0x77: {  	v4 =	vsel vm5, v55, v4;
	v55 =	vtrunc.f32 v56;
	v56 =	vcvt.s32.f32 v62  }
0x78: {  	vm6 =	vlt.s32 v51, $0x0;
	v60 =	vadd.s32 $0x186A0, v51;
	v55 =	vcvt.f32.s32 v55  }
0x79: {  	v63 =	vcvt.s32.f32 v61;
	v51 =	vsel vm6, v60, v51;
	v56 =	vmul.f32 $9.999999740e-06, v56  }
0x7a: {  	vm7 =	vlt.s32 v4, $0x0;
	v60 =	vadd.s32 $0x186A0, v4;
	v55 =	vmul.u32 $0xFFFE7960, v55  }
0x7b: {  	v4 =	vsel vm7, v60, v4;
	v60 =	vtrunc.f32 v56;
	v56 =	vmul.f32 $9.999999740e-06, v63  }
0x7c: {  	v55 =	vadd.s32 v58, v55;
	v46 =	vcvt.f32.s32 v60;
	v60 =	vmul.u32 $0xD, v50  }
0x7d: {  	vm8 =	vlt.s32 v55, $0x0;
	v58 =	vadd.s32 $0x186A0, v55;
	v56 =	vtrunc.f32 v56  }
0x7e: {  	v55 =	vsel vm8, v58, v55;
	v46 =	vmul.u32 $0xFFFE7960, v46;
	v58 =	vcvt.s32.f32 v60  }
0x7f: {  	vm4 =	vgt.s32 v51, $0x1869F;
	v56 =	vcvt.f32.s32 v56;
	vm10 =	vlt.s32 v55, $0x0  }
0x80: {  	v46 =	vadd.s32 v62, v46;
	v62 =	vadd.s32 $0x186A0, v55;
	v58 =	vmul.f32 $9.999999740e-06, v58  }
0x81: {  	v63 =	vsel vm9, $0x155CC0, v21;
	v56 =	vmul.u32 $0xFFFE7960, v56;
	v55 =	vsel vm10, v62, v55  }
0x82: {  	vm11 =	vlt.s32 v46, $0x0;
	v62 =	vadd.s32 $0x186A0, v46;
	v58 =	vtrunc.f32 v58  }
0x83: {  	v46 =	vsel vm11, v62, v46;
	v56 =	vadd.s32 v61, v56;
	v58 =	vcvt.f32.s32 v58  }
0x84: {  	vm12 =	vlt.s32 v56, $0x0;
	v61 =	vadd.s32 $0x186A0, v56;
	vm13 =	vlt.s32 v46, $0x0  }
0x85: {  	v53 =	vsel vm12, v61, v56;
	v56 =	vadd.s32 $0x186A0, v46;
	v58 =	vmul.u32 $0xFFFE7960, v58  }
0x86: {  	v33 =	vadd.s32 v49, v63;
	v46 =	vsel vm13, v56, v46;
	vm14 =	vlt.s32 v53, $0x0  }
0x87: {  	v56 =	vadd.s32 $0x186A0, v53;
	v58 =	vadd.s32 v60, v58;
	v60 =	vmul.u32 $0x11, v50  }
0x88: {  	v53 =	vsel vm14, v56, v53;
	vm15 =	vlt.s32 v58, $0x0;
	v56 =	vadd.s32 $0x186A0, v58  }
0x89: {  	v63 =	vsel vm4, $0x16E360, v22;
	v32 =	vsel vm15, v56, v58;
	v56 =	vcvt.s32.f32 v60  }
0x8a: {  	[tilespmem:v43+s7+$0x0] =	vst.idx.msk $0xffff, v39;
	vm5 =	vgt.s32 v4, $0x1869F;
	v34 =	vadd.s32 v51, v63;
	v62 =	vor.u32 s17, v3  }
0x8b: {  	[tilespmem:v44+s7+$0x0] =	vst.idx.msk $0xffff, v42;
	vm6 =	vgt.s32 v55, $0x1869F;
	v61 =	vor.u32 s17, v5;
	v63 =	vmul.f32 $9.999999740e-06, v56  }
0x8c: {  	[tilespmem:v41+s7+$0x0] =	vst.idx.msk $0xffff, v45;
	v49 =	vor.u32 s17, v7;
	v51 =	vsel vm6, $0x19F0A0, v25;
	v50 =	vcvt.s32.f32 v38  }
0x8d: {  	[tilespmem:v31+s7+$0x0] =	vst.idx.msk $0xffff, v30;
	vm7 =	vlt.s32 v32, $0x0;
	v56 =	vsel vm5, $0x186A00, v23;
	v58 =	vtrunc.f32 v63  }
0x8e: {  	[tilespmem:v59+s7+$0x0] =	vst.idx.msk $0xffff, v52;
	v4 =	vadd.s32 v4, v56;
	v56 =	vadd.s32 $0x186A0, v32;
	v63 =	vcvt.f32.s32 v58  }
0x8f: {  	v31 =	vadd.s32 v55, v51;
	vm9 =	vgt.s32 v46, $0x1869F;
	[tilespmem:v62+s7+$0x0] =	vst.idx.msk $0xffff, v54;
	v30 =	vsel vm7, v56, v32  }
0x90: {  	[tilespmem:v61+s7+$0x0] =	vst.idx.msk $0xffff, v47;
	v32 =	vor.u32 s31, v0;
	v58 =	vmul.f32 $9.999999740e-06, v50;
	v39 =	vmul.u32 $0xFFFE7960, v63  }
0x91: {  	v51 =	vsel vm9, $0x1B7740, v26;
	vm10 =	vgt.s32 v53, $0x1869F;
	v54 =	vor.u32 s31, v7;
	[tilespmem:v49+s7+$0x0] =	vst.idx.msk $0xffff, v57  }
0x92: {  	v52 =	vsel vm10, $0x1CFDE0, v27;
	[tilespmem:v35+s7+$0x0] =	vst.idx.msk $0xffff, v1;
	v39 =	vadd.s32 v60, v39;
	v60 =	vtrunc.f32 v58  }
0x93: {  	v59 =	vadd.s32 v46, v51;
	v61 =	vor.u32 s31, v9;
	[tilespmem:v36+s7+$0x0] =	vst.idx.msk $0xffff, v48;
	v41 =	vcvt.f32.s32 v60  }
0x94: {  	v49 =	vimm.s32 $0x231860;
	v1 =	vor.u32 s31, v5;
	[tilespmem:v37+s7+$0x0] =	vst.idx.msk $0xffff, v33;
	v63 =	vor.u32 s31, v3  }
0x95: {  	v50 =	vimm.s32 $0x2191C0;
	vm13 =	vgt.s32 v30, $0x1869F;
	[tilespmem:v32+s7+$0x0] =	vst.idx.msk $0xffff, v34;
	v41 =	vmul.u32 $0xFFFE7960, v41  }
0x96: {  	vm8 =	vlt.s32 v39, $0x0;
	v62 =	vadd.s32 $0x186A0, v39;
	[tilespmem:v40+s7+$0x0] =	vst.idx.msk $0xffff, v4;
	v4 =	vor.u32 s31, v11  }
0x97: {  	v39 =	vsel vm8, v62, v39;
	v62 =	vor.u32 s31, v24;
	v55 =	vadd.s32 v38, v41  }
0x98: {  	vm11 =	vlt.s32 v39, $0x0;
	vm12 =	vlt.s32 v55, $0x0;
	v58 =	vadd.s32 $0x186A0, v55  }
0x99: {  	v56 =	vadd.s32 $0x186A0, v39;
	[tilespmem:v63+s7+$0x0] =	vst.idx.msk $0xffff, v31;
	v63 =	vsel vm13, $0x1E8480, v28;
	v60 =	vsel vm12, v58, v55  }
0x9a: {  	p0 =	sne.s32 s16, $0x600;
	v57 =	vsel vm11, v56, v39;
	vm0 =	vlt.s32 v60, $0x0;
	v37 =	vadd.s32 $0x186A0, v60  }
.Ltmp0:
0x9b: {  	[tilespmem:v1+s7+$0x0] =	vst.idx.msk $0xffff, v59;
	v1 =	vadd.s32 v53, v52;
	vm14 =	vgt.s32 v57, $0x1869F;
	v31 =	vsel vm0, v37, v60;
	(pc) =	sbr.rel @p0 .LBB2_2-.Ltmp0, $4  }
0x9c: {  	[tilespmem:v54+s7+$0x0] =	vst.idx.msk $0xffff, v1;
	v1 =	vadd.s32 v30, v63;
	v30 =	vsel vm14, $0x200B20, v50;
	vm15 =	vgt.s32 v31, $0x1869F  }
0x9d: {  	[tilespmem:v61+s7+$0x0] =	vst.idx.msk $0xffff, v1;
	v1 =	vadd.s32 v57, v30;
	v30 =	vsel vm15, $0x2191C0, v49  }
0x9e: {  	[tilespmem:v4+s7+$0x0] =	vst.idx.msk $0xffff, v1;
	v1 =	vadd.s32 v31, v30  }
0x9f: {  	s15 =	sadd.s32 $0x10, s15;
	s16 =	sadd.s32 $0x80, s16;
	v4 =	vimm.s32 $0x186A0;
	[tilespmem:v62+s7+$0x0] =	vst.idx.msk $0xffff, v1  }
0xa0: {  	s15 =	simm.s32 $0x102;
	s16 =	simm.s32 $0x0;
	s17 =	simm.s32 $0x0  }
.LBB2_4:
0xa1: {  	p0 =	slt.s32 s16, $0x1D;
	v13 =	vimm.s32 $0x61A80  }
0xa2: {  	[tilespmem:s11], [sflag:$0x1] =	stream.indirect.gather [hbm4b:s5+s10], $0x10, s7, s10, $0xb8;
	v14 =	vimm.s32 $0x7A120;
	v15 =	vimm.s32 $0x927C0;
	v16 =	vimm.s32 $0xAAE60;
	[tilespmem:$0x17F00] =	vst v63  }
0xa3: {  	s18 =	smov.u32 s16;
	v19 =	vimm.s32 $0x10C8E0;
	v20 =	vimm.s32 $0x124F80;
	v21 =	vimm.s32 $0x13D620  }
0xa4: {  	v17 =	vimm.s32 $0xC3500;
	v22 =	vimm.s32 $0x155CC0;
	v23 =	vimm.s32 $0x16E360;
	s18 =	simm.s32 @!p0 $0x1D  }
0xa5: {  	v25 =	vimm.s32 $0x186A00;
	v26 =	vimm.s32 $0x19F0A0;
	v27 =	vimm.s32 $0x1B7740;
	s18 =	sshll.u32 s18, $0x8  }
0xa6: {  	v28 =	vimm.s32 $0x1CFDE0;
	v29 =	vimm.s32 $0x1E8480;
	s18 =	sand.u32 $0x3FFFFF00, s18  }
0xa7: {  	s19 =	smov.u32 s15;
	s20 =	simm.s32 $0x0;
	v18 =	vimm.s32 $0xDBBA0;
	v10 =	vimm.s32 $0x200B20;
	v12 =	vimm.s32 $0xF4240;
	s18 =	sadd.s32 $0x202, s18  }
.LBB2_5:
0xa8: {  	v1 =	vld [tilespmem:s19+$0xFFFFFFFE];
	_ =	sdelay $0x4  }
0xa9: {  	v4 =	vadd.s32 $0x1, v1  }
0xaa: {  	v30 =	vshll.u32 v4, $0x1  }
0xab: {  	v32 =	vmul.u32 $0x3, v4;
	v31 =	vcvt.s32.f32 v30  }
0xac: {  	v59 =	vmul.u32 $0x7, v4  }
0xad: {  	v6 =	vimm.s32 $0x186A0;
	s21 =	sadd.s32 $0x680, s20;
	v33 =	vcvt.s32.f32 v32;
	v31 =	vmul.f32 $9.999999740e-06, v31  }
0xae: {  	v49 =	vld [tilespmem:s19+$0xFFFFFFFF];
	v8 =	vor.u32 s21, v0;
	v62 =	vmul.u32 $0xB, v4;
	v60 =	vcvt.s32.f32 v59  }
0xaf: {  	v48 =	vmul.u32 $0x11, v4;
	v33 =	vmul.f32 $9.999999740e-06, v33;
	v31 =	vtrunc.f32 v31  }
0xb0: {  	v46 =	vmul.u32 $0xD, v4;
	v38 =	vcvt.s32.f32 v62;
	v31 =	vcvt.f32.s32 v31  }
0xb1: {  	v1 =	vmul.u32 $0xF4243, v1;
	v50 =	vcvt.s32.f32 v48;
	v33 =	vtrunc.f32 v33  }
0xb2: {  	v47 =	vcvt.s32.f32 v46;
	v33 =	vcvt.f32.s32 v33;
	v31 =	vmul.u32 $0xFFFE7960, v31  }
0xb3: {  	v1 =	vadd.s32 v49, v1;
	v42 =	vmul.f32 $9.999999740e-06, v38;
	v53 =	vmul.f32 $9.999999740e-06, v50  }
0xb4: {  	v33 =	vmul.u32 $0xFFFE7960, v33;
	v30 =	vadd.s32 v30, v31;
	v31 =	vmul.u32 $0x5, v4  }
0xb5: {  	v44 =	vtrunc.f32 v42;
	v4 =	vmul.u32 $0x13, v4;
	vm0 =	vlt.s32 v30, $0x0  }
0xb6: {  	v34 =	vadd.s32 $0x186A0, v30;
	v32 =	vadd.s32 v32, v33;
	v58 =	vcvt.s32.f32 v31  }
0xb7: {  	v30 =	vsel vm0, v34, v30;
	vm1 =	vlt.s32 v32, $0x0;
	v35 =	vadd.s32 $0x186A0, v32  }
0xb8: {  	v32 =	vsel vm1, v35, v32;
	v35 =	vmul.f32 $9.999999740e-06, v60;
	v34 =	vmul.f32 $9.999999740e-06, v58  }
0xb9: {  	v55 =	vtrunc.f32 v53;
	v57 =	vcvt.s32.f32 v4;
	vm0 =	vlt.s32 v30, $0x0  }
0xba: {  	v36 =	vadd.s32 $0x186A0, v30;
	v35 =	vtrunc.f32 v35;
	v34 =	vtrunc.f32 v34  }
0xbb: {  	v30 =	vsel vm0, v36, v30;
	v35 =	vcvt.f32.s32 v35;
	v34 =	vcvt.f32.s32 v34  }
0xbc: {  	vm11 =	vlt.s32 v32, $0x0;
	v61 =	vadd.s32 $0x186A0, v32;
	v58 =	vmul.f32 $9.999999740e-06, v57  }
0xbd: {  	v32 =	vsel vm11, v61, v32;
	v35 =	vmul.u32 $0xFFFE7960, v35;
	v34 =	vmul.u32 $0xFFFE7960, v34  }
0xbe: {  	vm12 =	vgt.s32 v30, $0x1869F;
	v37 =	vadd.s32 $0xFFFE7960, v30;
	vm0 =	vgt.s32 v32, $0x1869F  }
0xbf: {  	v63 =	vadd.s32 $0x186A0, v32;
	v33 =	vadd.s32 v59, v35;
	v34 =	vadd.s32 v31, v34  }
0xc0: {  	v31 =	vsel vm0, v32, v63;
	vm15 =	vlt.s32 v33, $0x0;
	v32 =	vcvt.f32.s32 v44  }
0xc1: {  	v45 =	vadd.s32 $0x186A0, v33;
	vm13 =	vlt.s32 v34, $0x0;
	v39 =	vadd.s32 $0x186A0, v34  }
0xc2: {  	v33 =	vsel vm15, v45, v33;
	v41 =	vsel vm13, v39, v34;
	v32 =	vmul.u32 $0xFFFE7960, v32  }
0xc3: {  	v34 =	vmul.f32 $9.999999740e-06, v47;
	vm14 =	vlt.s32 v41, $0x0;
	v43 =	vadd.s32 $0x186A0, v41  }
0xc4: {  	v30 =	vsel vm12, v37, v30;
	vm5 =	vlt.s32 v33, $0x0;
	v35 =	vsel vm14, v43, v41  }
0xc5: {  	v41 =	vadd.s32 $0x186A0, v33;
	v32 =	vadd.s32 v62, v32;
	v52 =	vtrunc.f32 v34  }
0xc6: {  	vm4 =	vlt.s32 v35, $0x186A0;
	v42 =	vsel vm5, v41, v33;
	vm6 =	vlt.s32 v32, $0x0  }
0xc7: {  	v51 =	vadd.s32 $0x186A0, v32;
	v33 =	vcvt.f32.s32 v52;
	v41 =	vmul.u32 $0xF4243, v1  }
0xc8: {  	v1 =	vadd.s32 $0x1, v1;
	v40 =	vsel vm4, $0x30D40, v6;
	v32 =	vsel vm6, v51, v32  }
0xc9: {  	vm7 =	vgt.s32 v42, $0x1869F;
	v6 =	vimm.s32 $0x493E0;
	v59 =	vshll.u32 v1, $0x1  }
0xca: {  	v63 =	vmul.u32 $0x3, v1;
	v50 =	vmul.u32 $0x5, v1;
	vm0 =	vlt.s32 v32, $0x0  }
0xcb: {  	v54 =	vadd.s32 $0x186A0, v32;
	v33 =	vmul.u32 $0xFFFE7960, v33;
	v36 =	vsel vm7, $0x30D40, v6  }
0xcc: {  	v44 =	vcvt.s32.f32 v59;
	v34 =	vadd.s32 v35, v40;
	v35 =	vor.u32 s20, v3  }
0xcd: {  	v39 =	vsel vm0, v54, v32;
	v32 =	vcvt.f32.s32 v55;
	v57 =	vcvt.s32.f32 v50  }
0xce: {  	vm8 =	vgt.s32 v39, $0x1869F;
	v33 =	vadd.s32 v46, v33;
	v44 =	vmul.f32 $9.999999740e-06, v44  }
0xcf: {  	v32 =	vmul.u32 $0xFFFE7960, v32;
	vm9 =	vlt.s32 v33, $0x0;
	v56 =	vadd.s32 $0x186A0, v33  }
0xd0: {  	v36 =	vadd.s32 v42, v36;
	v37 =	vsel vm8, $0x493E0, v13;
	v33 =	vsel vm9, v56, v33  }
0xd1: {  	v62 =	vtrunc.f32 v44;
	v37 =	vadd.s32 v39, v37;
	v32 =	vadd.s32 v48, v32  }
0xd2: {  	vm11 =	vlt.s32 v33, $0x0;
	v43 =	vadd.s32 $0x186A0, v33;
	v48 =	vcvt.s32.f32 v63  }
0xd3: {  	vm10 =	vlt.s32 v32, $0x0;
	v38 =	vadd.s32 $0x186A0, v32;
	v43 =	vsel vm11, v43, v33  }
0xd4: {  	v33 =	vor.u32 s20, v2;
	v38 =	vsel vm10, v38, v32;
	v32 =	vtrunc.f32 v58  }
0xd5: {  	vm13 =	vgt.s32 v43, $0x1869F;
	v48 =	vmul.f32 $9.999999740e-06, v48;
	vm12 =	vlt.s32 v38, $0x0  }
0xd6: {  	v60 =	vadd.s32 $0x186A0, v38;
	v45 =	vcvt.f32.s32 v32;
	v32 =	vor.u32 s20, v0  }
0xd7: {  	v46 =	vsel vm12, v60, v38;
	v38 =	vcvt.f32.s32 v62;
	v53 =	vtrunc.f32 v48  }
0xd8: {  	v60 =	vmul.u32 $0x7, v1;
	v61 =	vmul.u32 $0xFFFE7960, v45;
	v55 =	vcvt.f32.s32 v53  }
0xd9: {  	v45 =	vsel vm13, $0x61A80, v14;
	vm14 =	vgt.s32 v46, $0x1869F;
	v38 =	vmul.u32 $0xFFFE7960, v38  }
0xda: {  	v47 =	vsel vm14, $0x7A120, v15;
	v4 =	vadd.s32 v4, v61;
	v56 =	vmul.u32 $0xFFFE7960, v55  }
0xdb: {  	vm15 =	vlt.s32 v4, $0x0;
	v49 =	vadd.s32 $0x186A0, v4;
	v38 =	vadd.s32 v59, v38  }
0xdc: {  	v59 =	vmul.f32 $9.999999740e-06, v57;
	v4 =	vsel vm15, v49, v4;
	vm4 =	vlt.s32 v38, $0x0  }
0xdd: {  	v54 =	vadd.s32 $0x186A0, v38;
	v58 =	vadd.s32 v63, v56;
	v63 =	vcvt.s32.f32 v60  }
0xde: {  	vm0 =	vlt.s32 v4, $0x0;
	v49 =	vadd.s32 $0x186A0, v4;
	v38 =	vsel vm4, v54, v38  }
0xdf: {  	vm7 =	vlt.s32 v58, $0x0;
	v44 =	vadd.s32 $0x186A0, v58;
	v62 =	vtrunc.f32 v59  }
0xe0: {  	v54 =	vmul.u32 $0xB, v1;
	v4 =	vsel vm0, v49, v4;
	vm6 =	vlt.s32 v38, $0x0  }
0xe1: {  	v51 =	vadd.s32 $0x186A0, v38;
	v61 =	vsel vm7, v44, v58;
	v40 =	vmul.f32 $9.999999740e-06, v63  }
0xe2: {  	vm5 =	vgt.s32 v4, $0x1869F;
	v51 =	vsel vm6, v51, v38;
	v38 =	vcvt.f32.s32 v62  }
0xe3: {  	vm9 =	vlt.s32 v61, $0x0;
	v44 =	vadd.s32 $0x186A0, v61;
	v56 =	vcvt.s32.f32 v54  }
0xe4: {  	v49 =	vsel vm5, $0x927C0, v16;
	vm8 =	vgt.s32 v51, $0x1869F;
	v55 =	vsel vm9, v44, v61  }
0xe5: {  	v40 =	vtrunc.f32 v40;
	v52 =	vsel vm8, $0xAAE60, v17;
	v53 =	vmul.u32 $0xFFFE7960, v38  }
0xe6: {  	v38 =	vor.u32 s20, v5;
	v40 =	vcvt.f32.s32 v40;
	v42 =	vmul.f32 $9.999999740e-06, v56  }
0xe7: {  	vm11 =	vgt.s32 v55, $0x1869F;
	v51 =	vadd.s32 v51, v52;
	v53 =	vadd.s32 v50, v53  }
0xe8: {  	v50 =	vsel vm11, $0xC3500, v18;
	v40 =	vmul.u32 $0xFFFE7960, v40;
	v42 =	vtrunc.f32 v42  }
0xe9: {  	vm10 =	vlt.s32 v53, $0x0;
	v57 =	vadd.s32 $0x186A0, v53;
	v59 =	vcvt.f32.s32 v42  }
0xea: {  	v50 =	vadd.s32 v55, v50;
	v39 =	vsel vm10, v57, v53;
	v53 =	vmul.u32 $0xD, v1  }
0xeb: {  	v58 =	vadd.s32 v60, v40;
	v57 =	vmul.u32 $0x11, v1;
	v1 =	vmul.u32 $0x13, v1  }
0xec: {  	vm12 =	vlt.s32 v39, $0x0;
	v44 =	vadd.s32 $0x186A0, v39;
	vm13 =	vlt.s32 v58, $0x0  }
0xed: {  	v60 =	vadd.s32 $0x186A0, v58;
	v40 =	vmul.u32 $0xFFFE7960, v59;
	v56 =	vsel vm12, v44, v39  }
0xee: {  	v61 =	vcvt.s32.f32 v53;
	v39 =	vsel vm13, v60, v58;
	vm14 =	vgt.s32 v56, $0x1869F  }
0xef: {  	vm15 =	vlt.s32 v39, $0x0;
	v63 =	vadd.s32 $0x186A0, v39;
	v54 =	vadd.s32 v54, v40  }
0xf0: {  	v40 =	vor.u32 s20, v7;
	v48 =	vsel vm14, $0xDBBA0, v12;
	v62 =	vmul.f32 $9.999999740e-06, v61  }
0xf1: {  	v58 =	vsel vm15, v63, v39;
	vm4 =	vlt.s32 v54, $0x0;
	v60 =	vadd.s32 $0x186A0, v54  }
0xf2: {  	v39 =	vadd.s32 v43, v45;
	v43 =	vor.u32 s20, v9;
	v42 =	vsel vm4, v60, v54  }
0xf3: {  	vm5 =	vgt.s32 v58, $0x1869F;
	v48 =	vadd.s32 v56, v48;
	v59 =	vtrunc.f32 v62  }
0xf4: {  	v54 =	vsel vm5, $0xF4240, v19;
	v61 =	vcvt.f32.s32 v59;
	v59 =	vcvt.s32.f32 v57  }
0xf5: {  	vm6 =	vlt.s32 v42, $0x0;
	v60 =	vadd.s32 $0x186A0, v42;
	v54 =	vadd.s32 v58, v54  }
0xf6: {  	v62 =	vmul.u32 $0xFFFE7960, v61;
	v63 =	vmul.f32 $9.999999740e-06, v59;
	v59 =	vsel vm6, v60, v42;
	v60 =	vld [tilespmem:s19+$0x0];
	[tilespmem:v32+s12+$0x0] =	vst.idx.msk $0xffff, v30  }
0xf7: {  	v42 =	vadd.s32 v46, v47;
	vm8 =	vgt.s32 v59, $0x1869F;
	[tilespmem:v33+s12+$0x0] =	vst.idx.msk $0xffff, v31;
	v31 =	vor.u32 s21, v7  }
0xf8: {  	v45 =	vadd.s32 v53, v62;
	v61 =	vtrunc.f32 v63;
	v47 =	vsel vm8, $0x10C8E0, v20  }
0xf9: {  	[tilespmem:v35+s12+$0x0] =	vst.idx.msk $0xffff, v34;
	v34 =	vor.u32 s21, v9;
	v35 =	vor.u32 s21, v11;
	vm7 =	vlt.s32 v45, $0x0  }
0xfa: {  	v44 =	vadd.s32 $0x186A0, v45;
	v53 =	vcvt.f32.s32 v61;
	v61 =	vcvt.s32.f32 v1  }
0xfb: {  	v47 =	vadd.s32 v59, v47;
	[tilespmem:v38+s12+$0x0] =	vst.idx.msk $0xffff, v36;
	v46 =	vsel vm7, v44, v45;
	v44 =	vor.u32 s20, v11  }
0xfc: {  	v45 =	vadd.s32 v4, v49;
	[tilespmem:v40+s12+$0x0] =	vst.idx.msk $0xffff, v37;
	v37 =	vor.u32 s21, v24;
	v62 =	vmul.u32 $0xFFFE7960, v53  }
0xfd: {  	vm9 =	vlt.s32 v46, $0x0;
	v53 =	vadd.s32 $0x186A0, v46;
	v61 =	vmul.f32 $9.999999740e-06, v61  }
0xfe: {  	v4 =	vsel vm9, v53, v46;
	v57 =	vadd.s32 v57, v62;
	v62 =	vadd.s32 v41, v60  }
0xff: {  	v41 =	vor.u32 s20, v24;
	vm11 =	vgt.s32 v4, $0x1869F;
	v49 =	vtrunc.f32 v61  }
0x100: {  	vm10 =	vlt.s32 v57, $0x0;
	v63 =	vadd.s32 $0x186A0, v57;
	v53 =	vadd.s32 $0x1, v62  }
0x101: {  	v49 =	vcvt.f32.s32 v49;
	v46 =	vsel vm10, v63, v57;
	v57 =	vshll.u32 v53, $0x1  }
0x102: {  	v62 =	vsel vm11, $0x124F80, v21;
	v61 =	vmul.u32 $0x3, v53;
	v60 =	vcvt.s32.f32 v57  }
0x103: {  	v59 =	vmul.u32 $0xB, v53;
	v4 =	vadd.s32 v4, v62;
	v62 =	vmul.u32 $0xD, v53  }
0x104: {  	v36 =	vmul.u32 $0x13, v53;
	v6 =	vcvt.s32.f32 v61;
	v60 =	vmul.f32 $9.999999740e-06, v60  }
0x105: {  	vm12 =	vlt.s32 v46, $0x0;
	v63 =	vadd.s32 $0x186A0, v46;
	v49 =	vmul.u32 $0xFFFE7960, v49  }
0x106: {  	[tilespmem:v43+s12+$0x0] =	vst.idx.msk $0xffff, v39;
	v46 =	vsel vm12, v63, v46;
	v6 =	vmul.f32 $9.999999740e-06, v6;
	v63 =	vtrunc.f32 v60  }
0x107: {  	s31 =	sadd.s32 $0xD00, s20;
	[tilespmem:v44+s12+$0x0] =	vst.idx.msk $0xffff, v42;
	v1 =	vadd.s32 v1, v49;
	vm14 =	vgt.s32 v46, $0x1869F;
	v49 =	vcvt.f32.s32 v63  }
0x108: {  	[tilespmem:v41+s12+$0x0] =	vst.idx.msk $0xffff, v45;
	v45 =	vor.u32 s31, v0;
	vm13 =	vlt.s32 v1, $0x0;
	v6 =	vtrunc.f32 v6  }
0x109: {  	v60 =	vadd.s32 $0x186A0, v1;
	v6 =	vcvt.f32.s32 v6;
	v49 =	vmul.u32 $0xFFFE7960, v49  }
0x10a: {  	v52 =	vsel vm14, $0x13D620, v22;
	[tilespmem:v8+s12+$0x0] =	vst.idx.msk $0xffff, v51;
	v51 =	vor.u32 s31, v2;
	v1 =	vsel vm13, v60, v1  }
0x10b: {  	v6 =	vmul.u32 $0xFFFE7960, v6;
	v49 =	vadd.s32 v57, v49;
	v57 =	vmul.u32 $0x5, v53  }
0x10c: {  	v46 =	vadd.s32 v46, v52;
	vm15 =	vlt.s32 v1, $0x0;
	v55 =	vadd.s32 $0x186A0, v1  }
0x10d: {  	v1 =	vsel vm15, v55, v1;
	v6 =	vadd.s32 v61, v6;
	v61 =	vcvt.s32.f32 v57  }
0x10e: {  	v60 =	vor.u32 s21, v2;
	vm9 =	vgt.s32 v1, $0x1869F;
	vm4 =	vlt.s32 v49, $0x0  }
0x10f: {  	v55 =	vadd.s32 $0x186A0, v49;
	v56 =	vmul.f32 $9.999999740e-06, v61;
	v61 =	vmul.u32 $0x7, v53  }
0x110: {  	v49 =	vsel vm4, v55, v49;
	vm5 =	vlt.s32 v6, $0x0;
	v55 =	vadd.s32 $0x186A0, v6  }
0x111: {  	v6 =	vsel vm5, v55, v6;
	v55 =	vtrunc.f32 v56;
	v56 =	vcvt.s32.f32 v61  }
0x112: {  	vm6 =	vlt.s32 v49, $0x0;
	v63 =	vadd.s32 $0x186A0, v49;
	v55 =	vcvt.f32.s32 v55  }
0x113: {  	v49 =	vsel vm6, v63, v49;
	vm7 =	vlt.s32 v6, $0x0;
	v56 =	vmul.f32 $9.999999740e-06, v56  }
0x114: {  	v58 =	vadd.s32 $0x186A0, v6;
	v63 =	vcvt.s32.f32 v59;
	v55 =	vmul.u32 $0xFFFE7960, v55  }
0x115: {  	v6 =	vsel vm7, v58, v6;
	vm4 =	vgt.s32 v49, $0x1869F;
	v56 =	vtrunc.f32 v56  }
0x116: {  	v55 =	vadd.s32 v57, v55;
	v56 =	vcvt.f32.s32 v56;
	v57 =	vmul.f32 $9.999999740e-06, v63  }
0x117: {  	vm5 =	vgt.s32 v6, $0x1869F;
	v63 =	vsel vm9, $0x155CC0, v23;
	vm8 =	vlt.s32 v55, $0x0  }
0x118: {  	v58 =	vadd.s32 $0x186A0, v55;
	v56 =	vmul.u32 $0xFFFE7960, v56;
	v57 =	vtrunc.f32 v57  }
0x119: {  	v55 =	vsel vm8, v58, v55;
	v58 =	vcvt.s32.f32 v62;
	v57 =	vcvt.f32.s32 v57  }
0x11a: {  	v1 =	vadd.s32 v1, v63;
	vm10 =	vlt.s32 v55, $0x0;
	v56 =	vadd.s32 v61, v56  }
0x11b: {  	v61 =	vadd.s32 $0x186A0, v55;
	v58 =	vmul.f32 $9.999999740e-06, v58;
	v57 =	vmul.u32 $0xFFFE7960, v57  }
0x11c: {  	v55 =	vsel vm10, v61, v55;
	vm11 =	vlt.s32 v56, $0x0;
	v61 =	vadd.s32 $0x186A0, v56  }
0x11d: {  	v63 =	vsel vm4, $0x16E360, v25;
	v56 =	vsel vm11, v61, v56;
	v58 =	vtrunc.f32 v58  }
0x11e: {  	v61 =	vor.u32 s21, v3;
	v57 =	vadd.s32 v59, v57;
	v58 =	vcvt.f32.s32 v58  }
0x11f: {  	vm13 =	vlt.s32 v56, $0x0;
	vm12 =	vlt.s32 v57, $0x0;
	v59 =	vadd.s32 $0x186A0, v57  }
0x120: {  	v52 =	vsel vm12, v59, v57;
	v57 =	vadd.s32 $0x186A0, v56;
	v58 =	vmul.u32 $0xFFFE7960, v58  }
0x121: {  	vm6 =	vgt.s32 v55, $0x1869F;
	v56 =	vsel vm13, v57, v56;
	vm14 =	vlt.s32 v52, $0x0  }
0x122: {  	v57 =	vadd.s32 $0x186A0, v52;
	v58 =	vadd.s32 v62, v58;
	v62 =	vmul.u32 $0x11, v53  }
0x123: {  	v52 =	vsel vm14, v57, v52;
	vm15 =	vlt.s32 v58, $0x0;
	v57 =	vadd.s32 $0x186A0, v58  }
0x124: {  	v59 =	vor.u32 s21, v5;
	v30 =	vsel vm15, v57, v58;
	v58 =	vcvt.s32.f32 v62  }
0x125: {  	v33 =	vadd.s32 v49, v63;
	v49 =	vimm.s32 $0x2191C0;
	v63 =	vsel vm6, $0x19F0A0, v27  }
0x126: {  	vm9 =	vgt.s32 v56, $0x1869F;
	v57 =	vsel vm5, $0x186A00, v26;
	v32 =	vmul.f32 $9.999999740e-06, v58  }
0x127: {  	[tilespmem:v60+s12+$0x0] =	vst.idx.msk $0xffff, v50;
	vm10 =	vgt.s32 v52, $0x1869F;
	v6 =	vadd.s32 v6, v57;
	v58 =	vcvt.s32.f32 v36  }
0x128: {  	[tilespmem:v61+s12+$0x0] =	vst.idx.msk $0xffff, v48;
	vm7 =	vlt.s32 v30, $0x0;
	v44 =	vadd.s32 $0x186A0, v30;
	v32 =	vtrunc.f32 v32  }
0x129: {  	[tilespmem:v59+s12+$0x0] =	vst.idx.msk $0xffff, v54;
	v57 =	vsel vm10, $0x1CFDE0, v29;
	v39 =	vmul.f32 $9.999999740e-06, v58;
	v32 =	vcvt.f32.s32 v32  }
0x12a: {  	v8 =	vsel vm7, v44, v30;
	v30 =	vadd.s32 v55, v63;
	v55 =	vor.u32 s31, v3;
	[tilespmem:v31+s12+$0x0] =	vst.idx.msk $0xffff, v47  }
0x12b: {  	v31 =	vsel vm9, $0x1B7740, v28;
	[tilespmem:v34+s12+$0x0] =	vst.idx.msk $0xffff, v4;
	v39 =	vtrunc.f32 v39;
	v32 =	vmul.u32 $0xFFFE7960, v32  }
0x12c: {  	v63 =	vor.u32 s31, v24;
	v4 =	vor.u32 s31, v5;
	[tilespmem:v35+s12+$0x0] =	vst.idx.msk $0xffff, v46;
	v39 =	vcvt.f32.s32 v39  }
0x12d: {  	v31 =	vadd.s32 v56, v31;
	vm13 =	vgt.s32 v8, $0x1869F;
	[tilespmem:v37+s12+$0x0] =	vst.idx.msk $0xffff, v1;
	v32 =	vadd.s32 v62, v32  }
0x12e: {  	[tilespmem:v45+s12+$0x0] =	vst.idx.msk $0xffff, v33;
	v39 =	vmul.u32 $0xFFFE7960, v39;
	vm8 =	vlt.s32 v32, $0x0;
	v53 =	vadd.s32 $0x186A0, v32  }
0x12f: {  	v58 =	vor.u32 s31, v7;
	[tilespmem:v51+s12+$0x0] =	vst.idx.msk $0xffff, v6;
	v6 =	vor.u32 s31, v11;
	v32 =	vsel vm8, v53, v32  }
0x130: {  	[tilespmem:v55+s12+$0x0] =	vst.idx.msk $0xffff, v30;
	v62 =	vor.u32 s31, v9;
	v59 =	vadd.s32 v36, v39;
	vm11 =	vlt.s32 v32, $0x0  }
0x131: {  	[tilespmem:v4+s12+$0x0] =	vst.idx.msk $0xffff, v31;
	v60 =	vadd.s32 $0x186A0, v32;
	vm12 =	vlt.s32 v59, $0x0;
	v61 =	vadd.s32 $0x186A0, v59  }
0x132: {  	v4 =	vadd.s32 v52, v57;
	v1 =	vsel vm11, v60, v32;
	v32 =	vsel vm12, v61, v59  }
0x133: {  	p0 =	sne.s32 s20, $0x600;
	v31 =	vsel vm13, $0x1E8480, v10;
	vm0 =	vlt.s32 v32, $0x0;
	v35 =	vadd.s32 $0x186A0, v32  }
.Ltmp1:
0x134: {  	[tilespmem:v58+s12+$0x0] =	vst.idx.msk $0xffff, v4;
	v4 =	vadd.s32 v8, v31;
	vm14 =	vgt.s32 v1, $0x1869F;
	v30 =	vsel vm0, v35, v32;
	(pc) =	sbr.rel @p0 .LBB2_5-.Ltmp1, $4  }
0x135: {  	v31 =	vimm.s32 $0x231860;
	v8 =	vsel vm14, $0x200B20, v49;
	vm15 =	vgt.s32 v30, $0x1869F  }
0x136: {  	[tilespmem:v62+s12+$0x0] =	vst.idx.msk $0xffff, v4;
	v1 =	vadd.s32 v1, v8;
	v4 =	vsel vm15, $0x2191C0, v31  }
0x137: {  	[tilespmem:v6+s12+$0x0] =	vst.idx.msk $0xffff, v1;
	v1 =	vadd.s32 v30, v4  }
0x138: {  	s19 =	sadd.s32 $0x10, s19;
	s20 =	sadd.s32 $0x80, s20;
	[tilespmem:v63+s12+$0x0] =	vst.idx.msk $0xffff, v1  }
0x139: {  	_ =	swait.ge [sflag:s13], $0x13800  }
0x13a: {  	[sflag:s13] =	ssyncset.done $0x0  }
0x13b: {  	s20 =	simm.s32 $0x0;
	[sflag:s13] =	ssyncadd.s32 $0xFFFEC800  }
0x13c: {  	v35 =	vld [tilespmem:s20+$0x11700]  }
0x13d: {  	v34 =	vld [tilespmem:s20+$0x11710]  }
0x13e: {  	v33 =	vld [tilespmem:s20+$0x11720]  }
0x13f: {  	v32 =	vld [tilespmem:s20+$0x11730]  }
0x140: {  	v31 =	vld [tilespmem:s20+$0x11740]  }
0x141: {  	v30 =	vld [tilespmem:s20+$0x11750]  }
0x142: {  	v1 =	vld [tilespmem:s20+$0xAF00]  }
0x143: {  	v4 =	vld [tilespmem:s20+$0xAF10]  }
0x144: {  	v41 =	vld [tilespmem:s20+$0xAF20]  }
0x145: {  	v40 =	vld [tilespmem:s20+$0xAF30]  }
0x146: {  	v39 =	vld [tilespmem:s20+$0xAF40]  }
0x147: {  	v38 =	vld [tilespmem:s20+$0xAF50]  }
0x148: {  	v37 =	vld [tilespmem:s20+$0xAF60]  }
0x149: {  	v36 =	vld [tilespmem:s20+$0xAF70]  }
0x14a: {  	v6 =	vld [tilespmem:s20+$0x4700]  }
0x14b: {  	v8 =	vld [tilespmem:s20+$0x4710]  }
0x14c: {  	v46 =	vld [tilespmem:s20+$0x4720]  }
0x14d: {  	v45 =	vld [tilespmem:s20+$0x4730]  }
0x14e: {  	v44 =	vld [tilespmem:s20+$0x4740]  }
0x14f: {  	v43 =	vld [tilespmem:s20+$0x4750];
	v48 =	vadd.f32 v1, v6  }
0x150: {  	s19 =	simm.s32 $0x200;
	v42 =	vld [tilespmem:s20+$0x4760];
	v47 =	vadd.f32 v4, v8  }
.LBB2_7:
0x151: {  	p0 =	sne.s32 s19, $0x18E00;
	v1 =	vadd.f32 v35, v48;
	v4 =	vadd.f32 v41, v46;
	v6 =	vld [tilespmem:s20+$0x4770]  }
0x152: {  	v8 =	vadd.f32 v34, v47;
	v34 =	vadd.f32 v40, v45;
	v40 =	vld [tilespmem:s20+$0x11760]  }
0x153: {  	s21 =	sshra.s32 s19, $0x2;
	[tilespmem:s20+$0x4700] =	vst v1;
	v1 =	vadd.f32 v33, v4;
	v4 =	vadd.f32 v39, v44;
	v39 =	vld [tilespmem:s20+$0x11770]  }
0x154: {  	v35 =	vld [tilespmem:s21+$0x11700];
	[tilespmem:s20+$0x4710] =	vst v8;
	v8 =	vadd.f32 v32, v34;
	v32 =	vadd.f32 v38, v43  }
0x155: {  	v34 =	vld [tilespmem:s21+$0x11710];
	[tilespmem:s20+$0x4720] =	vst v1;
	v1 =	vadd.f32 v31, v4;
	v4 =	vadd.f32 v37, v42  }
0x156: {  	v33 =	vld [tilespmem:s21+$0x11720];
	[tilespmem:s20+$0x4730] =	vst v8;
	v8 =	vadd.f32 v30, v32;
	v6 =	vadd.f32 v36, v6  }
0x157: {  	v32 =	vld [tilespmem:s21+$0x11730];
	[tilespmem:s20+$0x4740] =	vst v1;
	v1 =	vadd.f32 v40, v4  }
0x158: {  	v31 =	vld [tilespmem:s21+$0x11740];
	[tilespmem:s20+$0x4750] =	vst v8;
	v4 =	vadd.f32 v39, v6  }
0x159: {  	v30 =	vld [tilespmem:s21+$0x11750];
	[tilespmem:s20+$0x4760] =	vst v1  }
0x15a: {  	v1 =	vld [tilespmem:s21+$0xAF00];
	[tilespmem:s20+$0x4770] =	vst v4;
	s20 =	smov.u32 s21  }
0x15b: {  	v4 =	vld [tilespmem:s20+$0xAF10]  }
0x15c: {  	v41 =	vld [tilespmem:s20+$0xAF20]  }
0x15d: {  	v40 =	vld [tilespmem:s20+$0xAF30]  }
0x15e: {  	v39 =	vld [tilespmem:s20+$0xAF40]  }
0x15f: {  	v38 =	vld [tilespmem:s20+$0xAF50]  }
0x160: {  	v37 =	vld [tilespmem:s20+$0xAF60]  }
0x161: {  	v36 =	vld [tilespmem:s20+$0xAF70]  }
0x162: {  	v6 =	vld [tilespmem:s20+$0x4700]  }
0x163: {  	v8 =	vld [tilespmem:s20+$0x4710]  }
.Ltmp2:
0x164: {  	v46 =	vld [tilespmem:s20+$0x4720];
	(pc) =	sbr.rel @p0 .LBB2_7-.Ltmp2, $4  }
0x165: {  	v45 =	vld [tilespmem:s20+$0x4730]  }
0x166: {  	v44 =	vld [tilespmem:s20+$0x4740]  }
0x167: {  	v48 =	vadd.f32 v1, v6;
	v43 =	vld [tilespmem:s20+$0x4750]  }
0x168: {  	s19 =	sadd.s32 $0x200, s19;
	v47 =	vadd.f32 v4, v8;
	v42 =	vld [tilespmem:s20+$0x4760]  }
0x169: {  	v1 =	vadd.f32 v35, v48;
	v4 =	vld [tilespmem:s20+$0x4770];
	v6 =	vadd.f32 v41, v46  }
0x16a: {  	v8 =	vld [tilespmem:s20+$0x11760];
	v34 =	vadd.f32 v34, v47;
	v61 =	vadd.f32 v40, v45  }
0x16b: {  	v62 =	vld [tilespmem:s20+$0x11770];
	[tilespmem:s20+$0x4700] =	vst v1;
	v1 =	vadd.f32 v33, v6;
	v6 =	vadd.f32 v39, v44  }
0x16c: {  	[tilespmem:s20+$0x4710] =	vst v34;
	v32 =	vadd.f32 v32, v61;
	v63 =	vadd.f32 v38, v43  }
0x16d: {  	[tilespmem:s20+$0x4720] =	vst v1;
	v1 =	vadd.f32 v31, v6;
	v6 =	vadd.f32 v37, v42  }
0x16e: {  	s19 =	sshll.u32 s17, $0x1;
	[tilespmem:s20+$0x4730] =	vst v32;
	v30 =	vadd.f32 v30, v63;
	v4 =	vadd.f32 v36, v4  }
0x16f: {  	s19 =	sor.u32 s4, s19;
	[tilespmem:s20+$0x4740] =	vst v1;
	v1 =	vadd.f32 v8, v6  }
0x170: {  	s21 =	smul.u32 $0xC80, s19;
	[tilespmem:s20+$0x4750] =	vst v30;
	v4 =	vadd.f32 v62, v4  }
0x171: {  	v13 =	vimm.s32 $0x61A80;
	[tilespmem:s20+$0x4760] =	vst v1  }
0x172: {  	v14 =	vimm.s32 $0x7A120;
	v19 =	vimm.s32 $0x10C8E0;
	v20 =	vimm.s32 $0x124F80;
	s21 =	sadd.s32 s2, s21;
	[tilespmem:s20+$0x4770] =	vst v4;
	s20 =	simm.s32 $0x0  }
0x173: {  	v15 =	vimm.s32 $0x927C0;
	v21 =	vimm.s32 $0x13D620;
	[hbm4b:s21+s20] =	stream.linear.scatter [tilespmem:s11], [sflag:$0x2], $0x6400, $0x38;
	[tilespmem:$0x17F00] =	vst v63  }
0x174: {  	v16 =	vimm.s32 $0xAAE60;
	v22 =	vimm.s32 $0x155CC0;
	v23 =	vimm.s32 $0x16E360;
	_ =	swait.ge [sflag:s9], $0x6400  }
0x175: {  	v25 =	vimm.s32 $0x186A00;
	v26 =	vimm.s32 $0x19F0A0;
	v27 =	vimm.s32 $0x1B7740;
	[sflag:s9] =	ssyncset.done $0x0  }
0x176: {  	v17 =	vimm.s32 $0xC3500;
	v28 =	vimm.s32 $0x1CFDE0;
	v29 =	vimm.s32 $0x1E8480;
	[sflag:s9] =	ssyncadd.s32 $0xFFFF9C00  }
0x177: {  	v18 =	vimm.s32 $0xDBBA0;
	v10 =	vimm.s32 $0x200B20;
	v12 =	vimm.s32 $0xF4240;
	[tilespmem:s11], [sflag:$0x1] =	stream.indirect.gather [hbm4b:s5+s10], $0x10, s12, s10, $0xb8;
	[tilespmem:$0x17F00] =	vst v63  }
.LBB2_9:
0x178: {  	v1 =	vld [tilespmem:s18+$0xFFFFFFFE];
	_ =	sdelay $0x4  }
0x179: {  	v4 =	vadd.s32 $0x1, v1  }
0x17a: {  	v6 =	vshll.u32 v4, $0x1  }
0x17b: {  	v37 =	vld [tilespmem:s18+$0xFFFFFFFF];
	v30 =	vmul.u32 $0x3, v4;
	v8 =	vcvt.s32.f32 v6  }
0x17c: {  	v38 =	vimm.s32 $0x186A0  }
0x17d: {  	v45 =	vimm.s32 $0x493E0;
	v31 =	vcvt.s32.f32 v30;
	v8 =	vmul.f32 $9.999999740e-06, v8  }
0x17e: {  	v1 =	vmul.u32 $0xF4243, v1;
	v33 =	vmul.u32 $0x7, v4;
	v36 =	vmul.u32 $0xB, v4  }
0x17f: {  	v61 =	vmul.u32 $0xD, v4;
	v31 =	vmul.f32 $9.999999740e-06, v31;
	v8 =	vtrunc.f32 v8  }
0x180: {  	v63 =	vmul.u32 $0x11, v4;
	v1 =	vadd.s32 v37, v1;
	v8 =	vcvt.f32.s32 v8  }
0x181: {  	v58 =	vcvt.s32.f32 v36;
	v41 =	vmul.u32 $0xF4243, v1;
	v31 =	vtrunc.f32 v31  }
0x182: {  	v1 =	vadd.s32 $0x1, v1;
	v31 =	vcvt.f32.s32 v31;
	v8 =	vmul.u32 $0xFFFE7960, v8  }
0x183: {  	v62 =	vcvt.s32.f32 v61;
	v42 =	vcvt.s32.f32 v63;
	v48 =	vshll.u32 v1, $0x1  }
0x184: {  	v53 =	vmul.u32 $0x3, v1;
	v31 =	vmul.u32 $0xFFFE7960, v31;
	v6 =	vadd.s32 v6, v8  }
0x185: {  	v8 =	vmul.u32 $0x5, v4;
	vm0 =	vlt.s32 v6, $0x0;
	v32 =	vadd.s32 $0x186A0, v6  }
0x186: {  	v4 =	vmul.u32 $0x13, v4;
	v30 =	vadd.s32 v30, v31;
	v6 =	vsel vm0, v32, v6  }
0x187: {  	v56 =	vcvt.s32.f32 v8;
	vm1 =	vlt.s32 v30, $0x0;
	v31 =	vadd.s32 $0x186A0, v30  }
0x188: {  	v46 =	vcvt.s32.f32 v4;
	vm0 =	vlt.s32 v6, $0x0;
	v34 =	vadd.s32 $0x186A0, v6  }
0x189: {  	v30 =	vsel vm1, v31, v30;
	v31 =	vcvt.s32.f32 v33;
	v32 =	vmul.f32 $9.999999740e-06, v56  }
0x18a: {  	v6 =	vsel vm0, v34, v6;
	vm11 =	vlt.s32 v30, $0x0;
	v47 =	vmul.f32 $9.999999740e-06, v46  }
0x18b: {  	v57 =	vadd.s32 $0x186A0, v30;
	v46 =	vcvt.s32.f32 v53;
	v31 =	vmul.f32 $9.999999740e-06, v31  }
0x18c: {  	vm12 =	vgt.s32 v6, $0x1869F;
	v35 =	vadd.s32 $0xFFFE7960, v6;
	v32 =	vtrunc.f32 v32  }
0x18d: {  	v34 =	vsel vm11, v57, v30;
	v32 =	vcvt.f32.s32 v32;
	v31 =	vtrunc.f32 v31  }
0x18e: {  	v30 =	vsel vm12, v35, v6;
	v46 =	vmul.f32 $9.999999740e-06, v46;
	v6 =	vcvt.f32.s32 v31  }
0x18f: {  	vm0 =	vgt.s32 v34, $0x1869F;
	v31 =	vadd.s32 $0x186A0, v34;
	v32 =	vmul.u32 $0xFFFE7960, v32  }
0x190: {  	v54 =	vtrunc.f32 v46;
	v31 =	vsel vm0, v34, v31;
	v6 =	vmul.u32 $0xFFFE7960, v6  }
0x191: {  	v56 =	vcvt.f32.s32 v54;
	v8 =	vadd.s32 v8, v32;
	v32 =	vmul.f32 $9.999999740e-06, v58  }
0x192: {  	vm13 =	vlt.s32 v8, $0x0;
	v59 =	vadd.s32 $0x186A0, v8;
	v6 =	vadd.s32 v33, v6  }
0x193: {  	v57 =	vmul.u32 $0xFFFE7960, v56;
	v8 =	vsel vm13, v59, v8;
	vm15 =	vlt.s32 v6, $0x0  }
0x194: {  	v32 =	vtrunc.f32 v32;
	v33 =	vadd.s32 $0x186A0, v6;
	vm14 =	vlt.s32 v8, $0x0  }
0x195: {  	v60 =	vadd.s32 $0x186A0, v8;
	v32 =	vcvt.f32.s32 v32;
	v6 =	vsel vm15, v33, v6  }
0x196: {  	v33 =	vmul.f32 $9.999999740e-06, v62;
	v8 =	vsel vm14, v60, v8;
	vm5 =	vlt.s32 v6, $0x0  }
0x197: {  	v39 =	vadd.s32 $0x186A0, v6;
	vm4 =	vlt.s32 v8, $0x186A0;
	v32 =	vmul.u32 $0xFFFE7960, v32  }
0x198: {  	v6 =	vsel vm5, v39, v6;
	v33 =	vtrunc.f32 v33;
	v38 =	vsel vm4, $0x30D40, v38  }
0x199: {  	v33 =	vcvt.f32.s32 v33;
	v32 =	vadd.s32 v36, v32;
	v36 =	vmul.f32 $9.999999740e-06, v42  }
0x19a: {  	v42 =	vcvt.s32.f32 v48;
	vm6 =	vlt.s32 v32, $0x0;
	v43 =	vadd.s32 $0x186A0, v32  }
0x19b: {  	vm7 =	vgt.s32 v6, $0x1869F;
	v33 =	vmul.u32 $0xFFFE7960, v33;
	v32 =	vsel vm6, v43, v32  }
0x19c: {  	v44 =	vtrunc.f32 v36;
	v36 =	vsel vm7, $0x30D40, v45;
	v42 =	vmul.f32 $9.999999740e-06, v42  }
0x19d: {  	vm0 =	vlt.s32 v32, $0x0;
	v39 =	vadd.s32 $0x186A0, v32;
	v33 =	vadd.s32 v61, v33  }
0x19e: {  	v61 =	vmul.u32 $0x7, v1;
	v36 =	vadd.s32 v6, v36;
	v37 =	vsel vm0, v39, v32  }
0x19f: {  	v32 =	vcvt.f32.s32 v44;
	vm9 =	vlt.s32 v33, $0x0;
	v34 =	vadd.s32 $0x186A0, v33  }
0x1a0: {  	v52 =	vtrunc.f32 v42;
	vm8 =	vgt.s32 v37, $0x1869F;
	v33 =	vsel vm9, v34, v33  }
0x1a1: {  	v34 =	vadd.s32 v8, v38;
	v38 =	vadd.s32 v53, v57;
	v32 =	vmul.u32 $0xFFFE7960, v32  }
0x1a2: {  	v39 =	vsel vm8, $0x493E0, v13;
	vm11 =	vlt.s32 v33, $0x0;
	v40 =	vadd.s32 $0x186A0, v33  }
0x1a3: {  	vm7 =	vlt.s32 v38, $0x0;
	v60 =	vadd.s32 $0x186A0, v38;
	v43 =	vsel vm11, v40, v33  }
0x1a4: {  	v33 =	vor.u32 s20, v2;
	v6 =	vsel vm7, v60, v38;
	v37 =	vadd.s32 v37, v39  }
0x1a5: {  	v32 =	vadd.s32 v63, v32;
	vm13 =	vgt.s32 v43, $0x1869F;
	v63 =	vcvt.s32.f32 v61  }
0x1a6: {  	vm9 =	vlt.s32 v6, $0x0;
	vm10 =	vlt.s32 v32, $0x0;
	v35 =	vadd.s32 $0x186A0, v32  }
0x1a7: {  	v42 =	vsel vm13, $0x61A80, v14;
	v35 =	vsel vm10, v35, v32;
	v32 =	vtrunc.f32 v47  }
0x1a8: {  	v40 =	vmul.f32 $9.999999740e-06, v63;
	vm12 =	vlt.s32 v35, $0x0;
	v49 =	vadd.s32 $0x186A0, v35  }
0x1a9: {  	v50 =	vcvt.f32.s32 v32;
	v32 =	vor.u32 s20, v0;
	v44 =	vsel vm12, v49, v35  }
0x1aa: {  	v35 =	vcvt.f32.s32 v52;
	v49 =	vmul.u32 $0x5, v1;
	v52 =	vmul.u32 $0xB, v1  }
0x1ab: {  	v40 =	vtrunc.f32 v40;
	v51 =	vmul.u32 $0xFFFE7960, v50;
	vm14 =	vgt.s32 v44, $0x1869F  }
0x1ac: {  	v50 =	vadd.s32 $0x186A0, v6;
	v40 =	vcvt.f32.s32 v40;
	v45 =	vsel vm14, $0x7A120, v15  }
0x1ad: {  	v35 =	vmul.u32 $0xFFFE7960, v35;
	v58 =	vcvt.s32.f32 v49;
	v6 =	vsel vm9, v50, v6  }
0x1ae: {  	v54 =	vcvt.s32.f32 v52;
	v4 =	vadd.s32 v4, v51;
	vm11 =	vgt.s32 v6, $0x1869F  }
0x1af: {  	v40 =	vmul.u32 $0xFFFE7960, v40;
	vm15 =	vlt.s32 v4, $0x0;
	v47 =	vadd.s32 $0x186A0, v4  }
0x1b0: {  	v48 =	vadd.s32 v48, v35;
	v35 =	vor.u32 s20, v3;
	v59 =	vmul.f32 $9.999999740e-06, v58  }
0x1b1: {  	v50 =	vsel vm11, $0xC3500, v18;
	v4 =	vsel vm15, v47, v4;
	vm4 =	vlt.s32 v48, $0x0  }
0x1b2: {  	v55 =	vadd.s32 $0x186A0, v48;
	v57 =	vadd.s32 v61, v40;
	v6 =	vadd.s32 v6, v50  }
0x1b3: {  	vm0 =	vlt.s32 v4, $0x0;
	v47 =	vadd.s32 $0x186A0, v4;
	v62 =	vtrunc.f32 v59  }
0x1b4: {  	v8 =	vsel vm4, v55, v48;
	vm13 =	vlt.s32 v57, $0x0;
	v38 =	vcvt.f32.s32 v62  }
0x1b5: {  	v4 =	vsel vm0, v47, v4;
	vm6 =	vlt.s32 v8, $0x0;
	v48 =	vadd.s32 $0x186A0, v8  }
0x1b6: {  	vm5 =	vgt.s32 v4, $0x1869F;
	v8 =	vsel vm6, v48, v8;
	v51 =	vmul.u32 $0xFFFE7960, v38  }
0x1b7: {  	v48 =	vadd.s32 $0x186A0, v57;
	v47 =	vsel vm5, $0x927C0, v16;
	vm8 =	vgt.s32 v8, $0x1869F  }
0x1b8: {  	v38 =	vor.u32 s20, v5;
	v53 =	vadd.s32 v49, v51;
	v49 =	vmul.f32 $9.999999740e-06, v54  }
0x1b9: {  	v46 =	vsel vm8, $0xAAE60, v17;
	vm10 =	vlt.s32 v53, $0x0;
	v55 =	vadd.s32 $0x186A0, v53  }
0x1ba: {  	v8 =	vadd.s32 v8, v46;
	v39 =	vsel vm10, v55, v53;
	v49 =	vtrunc.f32 v49  }
0x1bb: {  	v53 =	vmul.u32 $0xD, v1;
	v55 =	vmul.u32 $0x11, v1;
	v1 =	vmul.u32 $0x13, v1  }
0x1bc: {  	vm12 =	vlt.s32 v39, $0x0;
	v56 =	vadd.s32 $0x186A0, v39;
	v58 =	vcvt.f32.s32 v49  }
0x1bd: {  	v51 =	vsel vm12, v56, v39;
	v59 =	vcvt.s32.f32 v53;
	v39 =	vsel vm13, v48, v57  }
0x1be: {  	v57 =	vcvt.s32.f32 v55;
	vm14 =	vgt.s32 v51, $0x1869F;
	v40 =	vmul.u32 $0xFFFE7960, v58  }
0x1bf: {  	vm15 =	vlt.s32 v39, $0x0;
	v54 =	vadd.s32 $0x186A0, v39;
	v48 =	vsel vm14, $0xDBBA0, v12  }
0x1c0: {  	v49 =	vmul.f32 $9.999999740e-06, v59;
	v54 =	vsel vm15, v54, v39;
	v39 =	vadd.s32 v43, v42  }
0x1c1: {  	s21 =	sadd.s32 $0x680, s20;
	v58 =	vld [tilespmem:s18+$0x0];
	[tilespmem:v32+s7+$0x0] =	vst.idx.msk $0xffff, v30;
	v43 =	vor.u32 s20, v9;
	v42 =	vadd.s32 v44, v45;
	v44 =	vor.u32 s20, v11  }
0x1c2: {  	v59 =	vcvt.s32.f32 v1;
	v45 =	vadd.s32 v4, v47;
	[tilespmem:v33+s7+$0x0] =	vst.idx.msk $0xffff, v31;
	v31 =	vor.u32 s21, v7  }
0x1c3: {  	v52 =	vadd.s32 v52, v40;
	v40 =	vor.u32 s20, v7;
	vm5 =	vgt.s32 v54, $0x1869F  }
0x1c4: {  	v48 =	vadd.s32 v51, v48;
	[tilespmem:v35+s7+$0x0] =	vst.idx.msk $0xffff, v34;
	v34 =	vor.u32 s21, v9;
	v35 =	vor.u32 s21, v11  }
0x1c5: {  	vm4 =	vlt.s32 v52, $0x0;
	v60 =	vtrunc.f32 v49;
	v61 =	vadd.s32 $0x186A0, v52  }
0x1c6: {  	v56 =	vcvt.f32.s32 v60;
	v62 =	vsel vm4, v61, v52;
	v60 =	vmul.f32 $9.999999740e-06, v57  }
0x1c7: {  	v52 =	vsel vm5, $0xF4240, v19;
	vm6 =	vlt.s32 v62, $0x0;
	v61 =	vadd.s32 $0x186A0, v62  }
0x1c8: {  	[tilespmem:v38+s7+$0x0] =	vst.idx.msk $0xffff, v36;
	v63 =	vmul.u32 $0xFFFE7960, v56;
	v56 =	vsel vm6, v61, v62;
	v62 =	vtrunc.f32 v60  }
0x1c9: {  	v52 =	vadd.s32 v54, v52;
	v60 =	vcvt.f32.s32 v62;
	vm8 =	vgt.s32 v56, $0x1869F;
	[tilespmem:v40+s7+$0x0] =	vst.idx.msk $0xffff, v37  }
0x1ca: {  	v37 =	vor.u32 s21, v24;
	v53 =	vadd.s32 v53, v63;
	[tilespmem:v43+s7+$0x0] =	vst.idx.msk $0xffff, v39;
	v43 =	vimm.s32 $0x2191C0  }
0x1cb: {  	vm7 =	vlt.s32 v53, $0x0;
	v63 =	vadd.s32 $0x186A0, v53;
	v61 =	vmul.u32 $0xFFFE7960, v60  }
0x1cc: {  	v60 =	vmul.f32 $9.999999740e-06, v59;
	[tilespmem:v44+s7+$0x0] =	vst.idx.msk $0xffff, v42;
	v44 =	vimm.s32 $0x231860;
	v49 =	vsel vm7, v63, v53  }
0x1cd: {  	v53 =	vsel vm8, $0x10C8E0, v20;
	vm9 =	vlt.s32 v49, $0x0;
	v62 =	vadd.s32 $0x186A0, v49  }
0x1ce: {  	v55 =	vadd.s32 v55, v61;
	v61 =	vadd.s32 v41, v58;
	v41 =	vor.u32 s20, v24  }
0x1cf: {  	v53 =	vadd.s32 v56, v53;
	vm10 =	vlt.s32 v55, $0x0;
	v63 =	vadd.s32 $0x186A0, v55  }
0x1d0: {  	v4 =	vsel vm9, v62, v49;
	v49 =	vtrunc.f32 v60;
	v47 =	vsel vm10, v63, v55  }
0x1d1: {  	v55 =	vadd.s32 $0x1, v61;
	vm11 =	vgt.s32 v4, $0x1869F;
	v49 =	vcvt.f32.s32 v49  }
0x1d2: {  	v63 =	vor.u32 s21, v0;
	v57 =	vshll.u32 v55, $0x1;
	v59 =	vmul.u32 $0x3, v55  }
0x1d3: {  	v60 =	vsel vm11, $0x124F80, v21;
	vm12 =	vlt.s32 v47, $0x0;
	v58 =	vcvt.s32.f32 v57  }
0x1d4: {  	v61 =	vadd.s32 $0x186A0, v47;
	v36 =	vmul.u32 $0x13, v55;
	v49 =	vmul.u32 $0xFFFE7960, v49  }
0x1d5: {  	v46 =	vsel vm12, v61, v47;
	v62 =	vcvt.s32.f32 v59;
	v58 =	vmul.f32 $9.999999740e-06, v58  }
0x1d6: {  	v4 =	vadd.s32 v4, v60;
	v60 =	vmul.u32 $0xD, v55;
	vm14 =	vgt.s32 v46, $0x1869F  }
0x1d7: {  	v1 =	vadd.s32 v1, v49;
	v62 =	vmul.f32 $9.999999740e-06, v62;
	v47 =	vtrunc.f32 v58  }
0x1d8: {  	v50 =	vsel vm14, $0x13D620, v22;
	vm13 =	vlt.s32 v1, $0x0;
	v47 =	vcvt.f32.s32 v47  }
0x1d9: {  	v61 =	vadd.s32 $0x186A0, v1;
	v46 =	vadd.s32 v46, v50;
	v49 =	vtrunc.f32 v62  }
0x1da: {  	s31 =	sadd.s32 $0xD00, s20;
	[tilespmem:v41+s7+$0x0] =	vst.idx.msk $0xffff, v45;
	v1 =	vsel vm13, v61, v1;
	v49 =	vcvt.f32.s32 v49;
	v47 =	vmul.u32 $0xFFFE7960, v47  }
0x1db: {  	[tilespmem:v63+s7+$0x0] =	vst.idx.msk $0xffff, v8;
	v63 =	vor.u32 s31, v11;
	vm15 =	vlt.s32 v1, $0x0;
	v58 =	vadd.s32 $0x186A0, v1  }
0x1dc: {  	v49 =	vmul.u32 $0xFFFE7960, v49;
	v47 =	vadd.s32 v57, v47;
	v57 =	vmul.u32 $0x5, v55  }
0x1dd: {  	v61 =	vor.u32 s21, v2;
	v1 =	vsel vm15, v58, v1;
	vm4 =	vlt.s32 v47, $0x0  }
0x1de: {  	v58 =	vadd.s32 $0x186A0, v47;
	v49 =	vadd.s32 v59, v49;
	v62 =	vcvt.s32.f32 v57  }
0x1df: {  	v59 =	vmul.u32 $0x7, v55;
	v47 =	vsel vm4, v58, v47;
	vm5 =	vlt.s32 v49, $0x0  }
0x1e0: {  	v51 =	vadd.s32 $0x186A0, v49;
	v58 =	vmul.u32 $0xB, v55;
	v62 =	vmul.f32 $9.999999740e-06, v62  }
0x1e1: {  	v49 =	vsel vm5, v51, v49;
	vm6 =	vlt.s32 v47, $0x0;
	v54 =	vcvt.s32.f32 v59  }
0x1e2: {  	vm7 =	vlt.s32 v49, $0x0;
	v56 =	vadd.s32 $0x186A0, v49;
	v51 =	vtrunc.f32 v62  }
0x1e3: {  	v54 =	vmul.f32 $9.999999740e-06, v54;
	v62 =	vadd.s32 $0x186A0, v47;
	v51 =	vcvt.f32.s32 v51  }
0x1e4: {  	vm9 =	vgt.s32 v1, $0x1869F;
	v49 =	vsel vm7, v56, v49;
	v47 =	vsel vm6, v62, v47  }
0x1e5: {  	v62 =	vcvt.s32.f32 v58;
	v54 =	vtrunc.f32 v54;
	v51 =	vmul.u32 $0xFFFE7960, v51  }
0x1e6: {  	vm5 =	vgt.s32 v49, $0x1869F;
	v54 =	vcvt.f32.s32 v54;
	vm4 =	vgt.s32 v47, $0x1869F  }
0x1e7: {  	v56 =	vmul.f32 $9.999999740e-06, v62;
	v62 =	vsel vm9, $0x155CC0, v23;
	v51 =	vadd.s32 v57, v51  }
0x1e8: {  	v54 =	vmul.u32 $0xFFFE7960, v54;
	vm8 =	vlt.s32 v51, $0x0;
	v57 =	vadd.s32 $0x186A0, v51  }
0x1e9: {  	v56 =	vtrunc.f32 v56;
	v51 =	vsel vm8, v57, v51;
	v57 =	vcvt.s32.f32 v60  }
0x1ea: {  	v1 =	vadd.s32 v1, v62;
	v56 =	vcvt.f32.s32 v56;
	v54 =	vadd.s32 v59, v54  }
0x1eb: {  	v62 =	vcvt.s32.f32 v36;
	vm11 =	vlt.s32 v54, $0x0;
	v57 =	vmul.f32 $9.999999740e-06, v57  }
0x1ec: {  	vm10 =	vlt.s32 v51, $0x0;
	v59 =	vadd.s32 $0x186A0, v51;
	v56 =	vmul.u32 $0xFFFE7960, v56  }
0x1ed: {  	v51 =	vsel vm10, v59, v51;
	v59 =	vadd.s32 $0x186A0, v54;
	v57 =	vtrunc.f32 v57  }
0x1ee: {  	v54 =	vsel vm11, v59, v54;
	v56 =	vadd.s32 v58, v56;
	v57 =	vcvt.f32.s32 v57  }
0x1ef: {  	vm12 =	vlt.s32 v56, $0x0;
	v58 =	vadd.s32 $0x186A0, v56;
	vm13 =	vlt.s32 v54, $0x0  }
0x1f0: {  	v50 =	vsel vm12, v58, v56;
	v56 =	vadd.s32 $0x186A0, v54;
	v57 =	vmul.u32 $0xFFFE7960, v57  }
0x1f1: {  	v39 =	vmul.f32 $9.999999740e-06, v62;
	v54 =	vsel vm13, v56, v54;
	vm14 =	vlt.s32 v50, $0x0  }
0x1f2: {  	v56 =	vadd.s32 $0x186A0, v50;
	v57 =	vadd.s32 v60, v57;
	v60 =	vmul.u32 $0x11, v55  }
0x1f3: {  	v50 =	vsel vm14, v56, v50;
	vm15 =	vlt.s32 v57, $0x0;
	v56 =	vadd.s32 $0x186A0, v57  }
0x1f4: {  	v39 =	vtrunc.f32 v39;
	v30 =	vsel vm15, v56, v57;
	v57 =	vcvt.s32.f32 v60  }
0x1f5: {  	v62 =	vor.u32 s31, v9;
	v39 =	vcvt.f32.s32 v39;
	v59 =	vor.u32 s21, v3  }
0x1f6: {  	vm6 =	vgt.s32 v51, $0x1869F;
	v58 =	vor.u32 s21, v5;
	v32 =	vmul.f32 $9.999999740e-06, v57  }
0x1f7: {  	v39 =	vmul.u32 $0xFFFE7960, v39;
	vm9 =	vgt.s32 v54, $0x1869F;
	v56 =	vsel vm4, $0x16E360, v25  }
0x1f8: {  	vm7 =	vlt.s32 v30, $0x0;
	v57 =	vsel vm5, $0x186A00, v26;
	v32 =	vtrunc.f32 v32  }
0x1f9: {  	[tilespmem:v61+s7+$0x0] =	vst.idx.msk $0xffff, v6;
	v38 =	vadd.s32 v49, v57;
	v49 =	vadd.s32 $0x186A0, v30;
	v32 =	vcvt.f32.s32 v32  }
0x1fa: {  	[tilespmem:v59+s7+$0x0] =	vst.idx.msk $0xffff, v48;
	v33 =	vadd.s32 v47, v56;
	v47 =	vsel vm6, $0x19F0A0, v27;
	v8 =	vsel vm7, v49, v30  }
0x1fb: {  	[tilespmem:v58+s7+$0x0] =	vst.idx.msk $0xffff, v52;
	v30 =	vadd.s32 v51, v47;
	v51 =	vor.u32 s31, v0;
	v32 =	vmul.u32 $0xFFFE7960, v32  }
0x1fc: {  	vm10 =	vgt.s32 v50, $0x1869F;
	v59 =	vor.u32 s31, v7;
	v55 =	vor.u32 s31, v2;
	[tilespmem:v31+s7+$0x0] =	vst.idx.msk $0xffff, v53  }
0x1fd: {  	v31 =	vsel vm9, $0x1B7740, v28;
	[tilespmem:v34+s7+$0x0] =	vst.idx.msk $0xffff, v4;
	v57 =	vor.u32 s31, v3;
	v6 =	vadd.s32 v60, v32  }
0x1fe: {  	v4 =	vor.u32 s31, v5;
	[tilespmem:v35+s7+$0x0] =	vst.idx.msk $0xffff, v46;
	vm8 =	vlt.s32 v6, $0x0;
	v56 =	vadd.s32 $0x186A0, v6  }
0x1ff: {  	v58 =	vsel vm10, $0x1CFDE0, v29;
	v31 =	vadd.s32 v54, v31;
	[tilespmem:v37+s7+$0x0] =	vst.idx.msk $0xffff, v1;
	v6 =	vsel vm8, v56, v6  }
0x200: {  	v60 =	vadd.s32 v36, v39;
	[tilespmem:v51+s7+$0x0] =	vst.idx.msk $0xffff, v33;
	vm11 =	vlt.s32 v6, $0x0;
	v61 =	vadd.s32 $0x186A0, v6  }
0x201: {  	vm12 =	vlt.s32 v60, $0x0;
	[tilespmem:v55+s7+$0x0] =	vst.idx.msk $0xffff, v38;
	v1 =	vsel vm11, v61, v6;
	v6 =	vadd.s32 $0x186A0, v60  }
0x202: {  	vm13 =	vgt.s32 v8, $0x1869F;
	[tilespmem:v57+s7+$0x0] =	vst.idx.msk $0xffff, v30;
	v30 =	vor.u32 s31, v24;
	v6 =	vsel vm12, v6, v60  }
0x203: {  	p0 =	sne.s32 s20, $0x600;
	[tilespmem:v4+s7+$0x0] =	vst.idx.msk $0xffff, v31;
	v4 =	vadd.s32 v50, v58;
	vm0 =	vlt.s32 v6, $0x0;
	v35 =	vadd.s32 $0x186A0, v6  }
.Ltmp3:
0x204: {  	v31 =	vsel vm13, $0x1E8480, v10;
	vm14 =	vgt.s32 v1, $0x1869F;
	v6 =	vsel vm0, v35, v6;
	(pc) =	sbr.rel @p0 .LBB2_9-.Ltmp3, $4  }
0x205: {  	[tilespmem:v59+s7+$0x0] =	vst.idx.msk $0xffff, v4;
	v4 =	vadd.s32 v8, v31;
	v8 =	vsel vm14, $0x200B20, v43;
	vm15 =	vgt.s32 v6, $0x1869F  }
0x206: {  	[tilespmem:v62+s7+$0x0] =	vst.idx.msk $0xffff, v4;
	v1 =	vadd.s32 v1, v8;
	v4 =	vsel vm15, $0x2191C0, v44  }
0x207: {  	[tilespmem:v63+s7+$0x0] =	vst.idx.msk $0xffff, v1;
	v1 =	vadd.s32 v6, v4  }
0x208: {  	s18 =	sadd.s32 $0x10, s18;
	s20 =	sadd.s32 $0x80, s20;
	[tilespmem:v30+s7+$0x0] =	vst.idx.msk $0xffff, v1  }
0x209: {  	_ =	swait.ge [sflag:s13], $0x13800  }
0x20a: {  	[sflag:s13] =	ssyncset.done $0x0  }
0x20b: {  	s18 =	simm.s32 $0x0;
	[sflag:s13] =	ssyncadd.s32 $0xFFFEC800  }
0x20c: {  	v35 =	vld [tilespmem:s18+$0x11700]  }
0x20d: {  	v34 =	vld [tilespmem:s18+$0x11710]  }
0x20e: {  	v33 =	vld [tilespmem:s18+$0x11720]  }
0x20f: {  	v32 =	vld [tilespmem:s18+$0x11730]  }
0x210: {  	v31 =	vld [tilespmem:s18+$0x11740]  }
0x211: {  	v30 =	vld [tilespmem:s18+$0x11750]  }
0x212: {  	v1 =	vld [tilespmem:s18+$0xAF00]  }
0x213: {  	v4 =	vld [tilespmem:s18+$0xAF10]  }
0x214: {  	v41 =	vld [tilespmem:s18+$0xAF20]  }
0x215: {  	v40 =	vld [tilespmem:s18+$0xAF30]  }
0x216: {  	v39 =	vld [tilespmem:s18+$0xAF40]  }
0x217: {  	v38 =	vld [tilespmem:s18+$0xAF50]  }
0x218: {  	v37 =	vld [tilespmem:s18+$0xAF60]  }
0x219: {  	v36 =	vld [tilespmem:s18+$0xAF70]  }
0x21a: {  	v6 =	vld [tilespmem:s18+$0x4700]  }
0x21b: {  	v8 =	vld [tilespmem:s18+$0x4710]  }
0x21c: {  	v46 =	vld [tilespmem:s18+$0x4720]  }
0x21d: {  	v45 =	vld [tilespmem:s18+$0x4730]  }
0x21e: {  	v44 =	vld [tilespmem:s18+$0x4740]  }
0x21f: {  	v43 =	vld [tilespmem:s18+$0x4750];
	v48 =	vadd.f32 v1, v6  }
0x220: {  	s20 =	simm.s32 $0x200;
	v42 =	vld [tilespmem:s18+$0x4760];
	v47 =	vadd.f32 v4, v8  }
.LBB2_11:
0x221: {  	p0 =	sne.s32 s20, $0x18E00;
	v1 =	vadd.f32 v35, v48;
	v4 =	vadd.f32 v41, v46;
	v6 =	vld [tilespmem:s18+$0x4770]  }
0x222: {  	v8 =	vadd.f32 v34, v47;
	v34 =	vadd.f32 v40, v45;
	v40 =	vld [tilespmem:s18+$0x11760]  }
0x223: {  	s21 =	sshra.s32 s20, $0x2;
	[tilespmem:s18+$0x4700] =	vst v1;
	v1 =	vadd.f32 v33, v4;
	v4 =	vadd.f32 v39, v44;
	v39 =	vld [tilespmem:s18+$0x11770]  }
0x224: {  	v35 =	vld [tilespmem:s21+$0x11700];
	[tilespmem:s18+$0x4710] =	vst v8;
	v8 =	vadd.f32 v32, v34;
	v32 =	vadd.f32 v38, v43  }
0x225: {  	v34 =	vld [tilespmem:s21+$0x11710];
	[tilespmem:s18+$0x4720] =	vst v1;
	v1 =	vadd.f32 v31, v4;
	v4 =	vadd.f32 v37, v42  }
0x226: {  	v33 =	vld [tilespmem:s21+$0x11720];
	[tilespmem:s18+$0x4730] =	vst v8;
	v8 =	vadd.f32 v30, v32;
	v6 =	vadd.f32 v36, v6  }
0x227: {  	v32 =	vld [tilespmem:s21+$0x11730];
	[tilespmem:s18+$0x4740] =	vst v1;
	v1 =	vadd.f32 v40, v4  }
0x228: {  	v31 =	vld [tilespmem:s21+$0x11740];
	[tilespmem:s18+$0x4750] =	vst v8;
	v4 =	vadd.f32 v39, v6  }
0x229: {  	v30 =	vld [tilespmem:s21+$0x11750];
	[tilespmem:s18+$0x4760] =	vst v1  }
0x22a: {  	v1 =	vld [tilespmem:s21+$0xAF00];
	[tilespmem:s18+$0x4770] =	vst v4;
	s18 =	smov.u32 s21  }
0x22b: {  	v4 =	vld [tilespmem:s18+$0xAF10]  }
0x22c: {  	v41 =	vld [tilespmem:s18+$0xAF20]  }
0x22d: {  	v40 =	vld [tilespmem:s18+$0xAF30]  }
0x22e: {  	v39 =	vld [tilespmem:s18+$0xAF40]  }
0x22f: {  	v38 =	vld [tilespmem:s18+$0xAF50]  }
0x230: {  	v37 =	vld [tilespmem:s18+$0xAF60]  }
0x231: {  	v36 =	vld [tilespmem:s18+$0xAF70]  }
0x232: {  	v6 =	vld [tilespmem:s18+$0x4700]  }
0x233: {  	v8 =	vld [tilespmem:s18+$0x4710]  }
.Ltmp4:
0x234: {  	v46 =	vld [tilespmem:s18+$0x4720];
	(pc) =	sbr.rel @p0 .LBB2_11-.Ltmp4, $4  }
0x235: {  	v45 =	vld [tilespmem:s18+$0x4730]  }
0x236: {  	v44 =	vld [tilespmem:s18+$0x4740]  }
0x237: {  	v48 =	vadd.f32 v1, v6;
	v43 =	vld [tilespmem:s18+$0x4750]  }
0x238: {  	s20 =	sadd.s32 $0x200, s20;
	v47 =	vadd.f32 v4, v8;
	v42 =	vld [tilespmem:s18+$0x4760]  }
0x239: {  	v1 =	vadd.f32 v35, v48;
	v4 =	vld [tilespmem:s18+$0x4770];
	v6 =	vadd.f32 v41, v46  }
0x23a: {  	v8 =	vld [tilespmem:s18+$0x11760];
	v34 =	vadd.f32 v34, v47;
	v61 =	vadd.f32 v40, v45  }
0x23b: {  	v62 =	vld [tilespmem:s18+$0x11770];
	[tilespmem:s18+$0x4700] =	vst v1;
	v1 =	vadd.f32 v33, v6;
	v6 =	vadd.f32 v39, v44  }
0x23c: {  	[tilespmem:s18+$0x4710] =	vst v34;
	v32 =	vadd.f32 v32, v61;
	v63 =	vadd.f32 v38, v43  }
0x23d: {  	[tilespmem:s18+$0x4720] =	vst v1;
	v1 =	vadd.f32 v31, v6;
	v6 =	vadd.f32 v37, v42  }
0x23e: {  	s19 =	smul.u32 $0x6400, s19;
	[tilespmem:s18+$0x4730] =	vst v32;
	v30 =	vadd.f32 v30, v63;
	v4 =	vadd.f32 v36, v4  }
0x23f: {  	[tilespmem:s18+$0x4740] =	vst v1;
	v1 =	vadd.f32 v8, v6  }
0x240: {  	s17 =	sadd.s32 $0x1, s17;
	s19 =	sshrl.u32 s19, $0x3;
	[tilespmem:s18+$0x4750] =	vst v30;
	v4 =	vadd.f32 v62, v4  }
0x241: {  	p0 =	sne.s32 s17, $0x10;
	s19 =	sadd.s32 s2, s19;
	[tilespmem:s18+$0x4760] =	vst v1  }
.Ltmp5:
0x242: {  	s31 =	sadd.s32 $0xC80, s19;
	[tilespmem:s18+$0x4770] =	vst v4;
	(pc) =	sbr.rel @p0 .LBB2_4-.Ltmp5, $4  }
0x243: {  	[hbm4b:s31+s3] =	stream.linear.scatter [tilespmem:s11], [sflag:$0x2], $0x6400, $0x38;
	[tilespmem:$0x17F00] =	vst v63  }
0x244: {  	_ =	swait.ge [sflag:s9], $0x6400  }
0x245: {  	[sflag:s9] =	ssyncset.done $0x0  }
0x246: {  	s15 =	sadd.s32 $0x200, s15;
	s16 =	sadd.s32 $0x2, s16;
	[sflag:s9] =	ssyncadd.s32 $0xFFFF9C00  }
0x247: {  	s14 =	sadd.s32 $0x1, s14;
	v4 =	vimm.s32 $0x186A0;
	v8 =	vimm.s32 $0x493E0  }
0x248: {  	v10 =	vimm.s32 $0x61A80;
	v12 =	vimm.s32 $0x7A120;
	v13 =	vimm.s32 $0x927C0;
	p0 =	sne.s32 s14, s8  }
.Ltmp6:
0x249: {  	v14 =	vimm.s32 $0xAAE60;
	v15 =	vimm.s32 $0xC3500;
	v16 =	vimm.s32 $0xDBBA0;
	(pc) =	sbr.rel @p0 .LBB2_1-.Ltmp6, $4  }
0x24a: {  	v17 =	vimm.s32 $0x10C8E0;
	v18 =	vimm.s32 $0x124F80;
	v19 =	vimm.s32 $0x13D620  }
0x24b: {  	v20 =	vimm.s32 $0x155CC0;
	v21 =	vimm.s32 $0x16E360;
	v22 =	vimm.s32 $0x186A00  }
0x24c: {  	v23 =	vimm.s32 $0x19F0A0;
	v25 =	vimm.s32 $0x1B7740;
	v26 =	vimm.s32 $0x1CFDE0  }
0x24d: {  	v27 =	vimm.s32 $0x1E8480;
	v28 =	vimm.s32 $0x200B20;
	v29 =	vimm.s32 $0xF4240  }
0x24e: {  	_ =	sfence.sel $0x180000  }
0x24f: {  	[bflag:$0x0] =	sbarrier.arrive $0xFFFF  }
0x250: {  	p0 =	sne.s32 s0, $0x0;
	_ =	strace $0x90000047  }
0x251: {  	s0 =	sadd.s32 @!p0 $0x100000, s1;
	[bflag:$0x2] =	sbarrier.arrive $0xFFFF  }
0x252: {  	[sflag:s0] =	ssyncadd.tile.s32 @!p0 $0x1;
	_ =	shalt  }
.Lfunc_end2:
_tile_overlayer_lowered:
.L_overlay_start_2:
0x253: {  	(tag) =	ssettag $0x2  }
0x254: {  	s0 =	rddreg [dreg:$0x0];
	s2 =	stileid.u32  }
0x255: {  	s1 =	rddreg [dreg:$0x1];
	p0 =	sne.s32 s2, $0x0  }
0x256: {  	s3 =	rddreg [dreg:$0x2];
	[bflag:$0x3] =	sbarrier.arrive $0xFFFF;
	s2 =	simm.s32 @!p0 $0x1C02  }
0x257: {  	[timem:s3], [sflag:s2] =	dma.local @!p0 [hbm:s0], s1  }
0x258: {  	s0 =	simm.s32 @!p0 $0x2  }
0x259: {  	_ =	swait.ge @!p0 [sflag:s0], s1  }
0x25a: {  	s1 =	ssub.s32 @!p0 $0x0, s1;
	[sflag:s0] =	ssyncset.done @!p0 $0x0  }
0x25b: {  	[sflag:s0] =	ssyncadd.s32 @!p0 s1  }
0x25c: {  	[bflag:$0x3] =	sbarrier.arrive $0xFFFF  }
0x25d: {  	_ =	shalt  }

// kernel: sparse-core-data-format-call.cloned.1.call-start
scs
called_computation_lowered:
.L_overlay_start_0:
0x0: {  	s2 =	sld [smem:$0x3FD9]  }
0x1: {  	s3 =	sld [smem:$0x3FFE];
	_ =	sdelay $0x1  }
0x2: {  	s1 =	srdreg.scid  }
0x3: {  	s0 =	sand.u32 $0x1, s1  }
0x4: {  	s18 =	sshll.u32 s0, $0xA;
	s2 =	sadd.s32 s3, s2  }
0x5: {  	s2 =	sadd.s32 s2, s18  }
0x6: {  	[smem:$0x3FC6] =	sst s2  }
0x7: {  	_ = 	snop  }
0x8: {  	s2 =	sld [smem:$0x3FD0];
	(tm) =	ssettm $0x1  }
0x9: {  	s19 =	sld [smem:$0x3FFB];
	_ =	sdelay $0x3  }
0xa: {  	_ =	strace s19  }
0xb: {  	s3 =	sld [smem:$0x3FFC];
	_ =	sdelay $0x3  }
0xc: {  	_ =	strace s3  }
0xd: {  	s3 =	sld [smem:$0x3FFD];
	_ =	sdelay $0x3  }
0xe: {  	_ =	strace s3  }
0xf: {  	_ =	strace $0x8FFFFFFF  }
0x10: {  	s20 =	sld [smem:$0x3FDB];
	_ =	sdelay $0x1  }
0x11: {  	s4 =	simm.s32 $_scs_section_size  }
0x12: {  	s5 =	simm.s32 $_size__tile_overlayer_lowered;
	s6 =	simm.s32 $_tile_overlayer_lowered  }
0x13: {  	s23 =	simm.s32 $0x1BFF;
	s22 =	sshll.u32 s6, $0x1;
	s3 =	sadd.s32 s4, s20  }
0x14: {  	s7 =	simm.s32 $0x0;
	s21 =	sshll.u32 s5, $0x1;
	s5 =	sadd.s32 s22, s3  }
0x15: {  	[timem:s7], [sflag:s23] =	dma.local [hbm:s5], s21  }
0x16: {  	_ =	swait.ge [sflag:s23], s21  }
0x17: {  	s4 =	ssub.s32 $0x0, s21;
	[sflag:s23] =	ssyncset.done $0x0  }
0x18: {  	[sflag:s23] =	ssyncadd.s32 s4;
	_ =	sdelay $0x1  }
0x19: {  	s24 =	simm.s32 $0x1B8B  }
0x1a: {  	_ =	swait.ge [sflag:s24], $0x1  }
0x1b: {  	[sflag:s24] =	ssyncset.done $0x0  }
0x1c: {  	s26 =	simm.s32 $0x1B8E;
	s25 =	sld [smem:$0x3FFE];
	[sflag:s24] =	ssyncadd.s32 $0xFFFFFFFF  }
0x1d: {  	s27 =	simm.s32 $execute0_lowered;
	[smem:$0x3FD2] =	sst s26  }
0x1e: {  	s5 =	sshll.u32 s27, $0x1;
	_ =	strace $0x80000049;
	[dreg:$0x1] =	wrdreg $0xFFFFFFFF  }
0x1f: {  	s28 =	simm.s32 $_size_execute0_lowered;
	s3 =	sadd.s32 s3, s5;
	[dreg:$0x0] =	wrdreg $0x0  }
0x20: {  	s5 =	sshll.u32 s28, $0x1;
	[dreg:$0x2] =	wrdreg s3  }
0x21: {  	[dreg:$0x3] =	wrdreg s5  }
0x22: {  	[dreg:$0x4] =	wrdreg $0xC0  }
0x23: {  	_ =	task [dreg:s7], $0x5FFFF  }
0x24: {  	[dreg:$0x1] =	wrdreg $0xFFFFFFFF  }
0x25: {  	[dreg:$0x0] =	wrdreg $0x60  }
0x26: {  	[dreg:$0x2] =	wrdreg s25  }
0x27: {  	[dreg:$0x3] =	wrdreg s2  }
0x28: {  	[dreg:$0x4] =	wrdreg $0x9  }
0x29: {  	_ =	task.clear_ibuf [dreg:s7], $0x5FFFF;
	_ =	strace $0x90000049  }
0x2a: {  	s29 =	simm.s32 $0x9;
	_ =	strace $0x8000004B  }
0x2b: {  	_ =	swait.ge [sflag:s29], $0x1  }
0x2c: {  	[sflag:s29] =	ssyncadd.s32 $0xFFFFFFFF  }
0x2d: {  	_ =	strace $0x9000004B  }
0x2e: {  	_ =	sfence  }
0x2f: {  	s30 =	sld [smem:$0x0];
	_ =	sdelay $0x2  }
0x30: {  	s31 =	sshll.u32 s1, $0xD;
	s1 =	sshrl.u32 s1, $0x2  }
0x31: {  	s3 =	sand.u32 $0x4000, s31;
	s1 =	sadd.s32 s1, s30  }
0x32: {  	s0 =	sor.u32 s3, s0;
	s1 =	sshll.u32 s1, $0x11  }
0x33: {  	s0 =	sor.u32 s1, s0  }
0x34: {  	s0 =	sadd.s32 $0x8F2B, s0  }
0x35: {  	[sflag:s0] =	ssyncadd.remote.s32 $0x1  }
0x36: {  	_ =	sfence.sel $0xFFFF  }
0x37: {  	[dreg:$0x0] =	wrdreg $0xFFFFFFFF;
	(pc) =	sbr.abs _section_cstart, $3  }
0x38: {  	[dreg:$0x1] =	wrdreg $0xFFFFFFFF  }
0x39: {  	_ =	task.clear_ibuf [dreg:s7], $0x2FFFF;
	_ =	strace $0x9FFFFFFF  }
0x3a: {  	(tm) =	ssettm $0x7FFFFFFF  }
0x3b: {  	_ =	shalt  }
tec
execute0_lowered:
.L_overlay_start_1:
0x0: {  	(tag) =	ssettag $0x1  }
0x1: {  	s0 =	srdreg.scid  }
0x2: {  	s1 =	sshll.u32 s0, $0x4  }
0x3: {  	s4 =	rddreg [dreg:$0x0];
	s0 =	stileid.u32;
	s1 =	sand.u32 $0x10, s1  }
0x4: {  	s2 =	rddreg [dreg:$0x1];
	s7 =	simm.s32 $0x1;
	s1 =	sor.u32 s0, s1  }
0x5: {  	s8 =	simm.s32 $0x2;
	s11 =	simm.s32 $0x0;
	s3 =	sshll.u32 s1, $0x7  }
0x6: {  	s10 =	simm.s32 $0x0;
	s4 =	sadd.s32 $0xA00, s4;
	s6 =	ssub.s32 $0x190000, s3  }
.Ltmp0:
0x7: {  	s1 =	rddreg [dreg:$0x2];
	s5 =	sand.u32 $0xF80, s6;
	(pc) =	sbr.rel .LBB1_1-.Ltmp0, $4  }
0x8: {  	_ =	strace $0x8000004A;
	s9 =	smov.u32 s3;
	p0 =	sne.s32 s5, $0x0  }
0x9: {  	s6 =	sshrl.u32 s6, $0xC;
	s5 =	simm.s32 $0x1;
	s7 =	simm.s32 @!p0 $0x0  }
0xa: {  	[sflag:s5] =	ssyncpa.u1 $0x0;
	p0 =	por $0x0, $0x0;
	s6 =	sadd.s32 s7, s6  }
0xb: {  	[sflag:s8] =	ssyncpa.u1 $0x0;
	s8 =	simm.s32 $0xC80000;
	s7 =	sadd.s32 $0x1, s6  }
.LBB1_4:
0xc: {  	s14 =	sshll.u32 s11, $0x3  }
0xd: {  	s30 =	sand.u32 $0x7F, s11;
	s15 =	sand.u32 $0xFFFFFC00, s14  }
0xe: {  	s11 =	sor.u32 s30, s15  }
0xf: {  	s15 =	smulhi.u32 $0x51EB851F, s11  }
0x10: {  	s14 =	smulhi.u32 $0x51EB851F, s14  }
0x11: {  	s15 =	sshrl.u32 s15, $0x13  }
0x12: {  	s14 =	sshrl.u32 s14, $0x13;
	s15 =	smul.u32 $0x190000, s15  }
0x13: {  	[tilespmem:s12+$0xFFFFFFFC ss:$0x81] =	vst.msk $0xffff, v1;
	s14 =	sand.u32 $0xF, s14  }
0x14: {  	[tilespmem:s12+$0xFFFFFFFD ss:$0x81] =	vst.msk $0xffff, v2;
	s14 =	smul.u32 $0x32000, s14;
	s11 =	ssub.s32 s11, s15  }
0x15: {  	[tilespmem:s12+$0xFFFFFFFE ss:$0x81] =	vst.msk $0xffff, v0;
	s15 =	sand.u32 $0x7, s11  }
0x16: {  	[tilespmem:s12+$0xFFFFFFFF ss:$0x81] =	vst.msk $0xffff, v4;
	s14 =	sadd.s32 s2, s14;
	s11 =	sshrl.u32 s11, $0x3;
	s15 =	sshll.u32 s15, $0x12  }
0x17: {  	[tilespmem:s12+$0xFFFFFFF9 ss:$0x81] =	vst.msk $0xffff, v3;
	s11 =	sadd.s32 s11, s14;
	s31 =	sor.u32 $0x400, s15  }
0x18: {  	[hbm4b:s11+s31] =	stream.strided.scatter [tilespmem:s13], [sflag:$0x2], $0x800, s8, s31, $0x20;
	[tilespmem:$0x2020] =	vst v63  }
.LBB1_5:
0x19: {  	s13 =	sadd.s32 $0x1000, s9  }
0x1a: {  	p2 =	sgt.s32 s13, $0x18FFFF  }
0x1b: {  	s13 =	smov.u32 @p2 s3;
	p2 =	sne.s32 s10, s7  }
.Ltmp1:
0x1c: {  	p1 =	slt.u32 s10, $0x2;
	(pc) =	sbr.rel @!p2 .LBB1_6-.Ltmp1, $4  }
0x1d: {  	s12 =	simm.s32 @!p1 $0x2  }
0x1e: {  	s14 =	sadd.s32 $0x1, s10;
	_ =	swait.ge @!p1 [sflag:s12], $0x800  }
0x1f: {  	s11 =	smov.u32 s9;
	p0 =	por !p0, !p0;
	[sflag:s12] =	ssyncset.done @!p1 $0x0  }
0x20: {  	s10 =	smov.u32 s14;
	s9 =	smov.u32 s13;
	[sflag:s12] =	ssyncadd.s32 @!p1 $0xFFFFF800  }
.LBB1_1:
0x21: {  	p1 =	sge.u32 s10, s6  }
0x22: {  	s12 =	sand.u32 @!p1 $0x1FFFFFF, s9  }
0x23: {  	s13 =	smulhi.u32 @!p1 $0x147AE15, s12;
	_ =	sdelay $0x1  }
0x24: {  	s13 =	sshrl.u32 @!p1 s13, $0xD  }
0x25: {  	s13 =	smul.u32 @!p1 $0x190000, s13;
	_ =	sdelay $0x1  }
0x26: {  	s31 =	sadd.s32 $0xFFFFFFFF, s10;
	s14 =	sxor.u32 @!p1 $0xFFFFFFFF, s10;
	s12 =	ssub.s32 @!p1 s12, s13  }
0x27: {  	s15 =	simm.s32 @!p1 $0x80;
	s14 =	sshll.u32 @!p1 s14, $0xB;
	s12 =	sshll.u32 @!p1 s12, $0x4  }
0x28: {  	s13 =	sand.u32 @!p1 $0x800, s14;
	s14 =	simm.s32 @!p1 $0x10;
	s12 =	sadd.s32 @!p1 s4, s12  }
0x29: {  	[tilespmem:s13], [sflag:$0x1] =	stream.strided.gather @!p1 [hbm4b:s12+s14], $0x800, s15, s14, $0x38;
	[tilespmem:$0x2020] =	vst v63  }
0x2a: {  	p1 =	sge.u32 s31, s6  }
.Ltmp2:
0x2b: {  	_ = 	snop;
	(pc) =	sbr.rel @p1 .LBB1_5-.Ltmp2, $1  }
0x2c: {  	_ =	sdelay $0x3  }
0x2d: {  	s12 =	simm.s32 $0x1  }
0x2e: {  	_ =	swait.ge [sflag:s5], $0x800;
	s12 =	simm.s32 @!p0 $0x0  }
0x2f: {  	[sflag:s5] =	ssyncset.done $0x0;
	s13 =	sshll.u32 s12, $0xB  }
0x30: {  	[sflag:s5] =	ssyncadd.s32 $0xFFFFF800;
	s15 =	sor.u32 $0x40, s13  }
0x31: {  	v3 =	vld [tilespmem:s15+$0x30]  }
0x32: {  	s12 =	smul.u32 $0x2040, s12;
	v4 =	vld [tilespmem:s15+$0xFFFFFFD0]  }
0x33: {  	v5 =	vld [tilespmem:s15+$0xFFFFFFE0]  }
0x34: {  	s31 =	sand.u32 $0x1, s10;
	s12 =	sshrl.u32 s12, $0x2;
	v1 =	vld [tilespmem:s15+$0xFFFFFFF0]  }
0x35: {  	s13 =	smul.u32 $0x2040, s31;
	v2 =	vld [tilespmem:s15+$0x0];
	s12 =	sor.u32 $0x1007, s12  }
0x36: {  	v0 =	vld [tilespmem:s15+$0x10];
	[tilespmem:s12+$0x0 ss:$0x81] =	vst.msk $0xffff, v3  }
0x37: {  	s13 =	sshrl.u32 s13, $0x2;
	[tilespmem:s12+$0xFFFFFFFA ss:$0x81] =	vst.msk $0xffff, v4;
	v4 =	vld [tilespmem:s15+$0x20]  }
0x38: {  	s14 =	simm.s32 $0x0;
	s13 =	sor.u32 $0x1000, s13;
	v3 =	vld [tilespmem:s15+$0xFFFFFFC0];
	[tilespmem:s12+$0xFFFFFFFB ss:$0x81] =	vst.msk $0xffff, v5;
	s15 =	sadd.s32 $0x80, s15  }
.LBB1_3:
0x39: {  	v5 =	vld [tilespmem:s15+$0x30];
	s14 =	sadd.s32 $0x8, s14;
	[tilespmem:s12+$0xFFFFFFFC ss:$0x81] =	vst.msk $0xffff, v1  }
0x3a: {  	v6 =	vld [tilespmem:s15+$0xFFFFFFD0];
	p1 =	slt.u32 s14, $0x78;
	[tilespmem:s12+$0xFFFFFFFD ss:$0x81] =	vst.msk $0xffff, v2  }
0x3b: {  	v7 =	vld [tilespmem:s15+$0xFFFFFFE0];
	[tilespmem:s12+$0xFFFFFFFE ss:$0x81] =	vst.msk $0xffff, v0  }
.Ltmp3:
0x3c: {  	v1 =	vld [tilespmem:s15+$0xFFFFFFF0];
	[tilespmem:s12+$0xFFFFFFFF ss:$0x81] =	vst.msk $0xffff, v4;
	(pc) =	sbr.rel @p1 .LBB1_3-.Ltmp3, $4  }
0x3d: {  	v2 =	vld [tilespmem:s15+$0x0];
	[tilespmem:s12+$0xFFFFFFF9 ss:$0x81] =	vst.msk $0xffff, v3;
	s12 =	sadd.s32 $0x8, s12  }
0x3e: {  	v0 =	vld [tilespmem:s15+$0x10];
	[tilespmem:s12+$0x0 ss:$0x81] =	vst.msk $0xffff, v5  }
0x3f: {  	[tilespmem:s12+$0xFFFFFFFA ss:$0x81] =	vst.msk $0xffff, v6;
	v4 =	vld [tilespmem:s15+$0x20]  }
0x40: {  	v3 =	vld [tilespmem:s15+$0xFFFFFFC0];
	[tilespmem:s12+$0xFFFFFFFB ss:$0x81] =	vst.msk $0xffff, v7;
	s15 =	sadd.s32 $0x80, s15  }
.Ltmp4:
0x41: {  	_ = 	snop;
	(pc) =	sbr.rel .LBB1_4-.Ltmp4, $1  }
0x42: {  	_ =	sdelay $0x3  }
.LBB1_6:
0x43: {  	_ =	sfence.sel $0x180000  }
0x44: {  	s2 =	simm.s32 $0x1;
	[bflag:$0x0] =	sbarrier.arrive $0xFFFF  }
0x45: {  	s31 =	simm.s32 $0x2;
	[sflag:s2] =	ssyncpa.u1 $0x1  }
0x46: {  	[sflag:s31] =	ssyncpa.u1 $0x1  }
0x47: {  	p0 =	sne.s32 s0, $0x0;
	_ =	strace $0x9000004A  }
0x48: {  	s0 =	sadd.s32 @!p0 $0x100000, s1;
	[bflag:$0x2] =	sbarrier.arrive $0xFFFF  }
0x49: {  	[sflag:s0] =	ssyncadd.tile.s32 @!p0 $0x1;
	_ =	shalt  }
.Lfunc_end1:
_tile_overlayer_lowered:
.L_overlay_start_2:
0x4a: {  	(tag) =	ssettag $0x2  }
0x4b: {  	s0 =	rddreg [dreg:$0x0];
	s2 =	stileid.u32  }
0x4c: {  	s1 =	rddreg [dreg:$0x1];
	p0 =	sne.s32 s2, $0x0  }
0x4d: {  	s3 =	rddreg [dreg:$0x2];
	[bflag:$0x3] =	sbarrier.arrive $0xFFFF;
	s2 =	simm.s32 @!p0 $0x1C01  }
0x4e: {  	[timem:s3], [sflag:s2] =	dma.local @!p0 [hbm:s0], s1  }
0x4f: {  	s0 =	simm.s32 @!p0 $0x1  }
0x50: {  	_ =	swait.ge @!p0 [sflag:s0], s1  }
0x51: {  	s1 =	ssub.s32 @!p0 $0x0, s1;
	[sflag:s0] =	ssyncset.done @!p0 $0x0  }
0x52: {  	[sflag:s0] =	ssyncadd.s32 @!p0 s1  }
0x53: {  	[bflag:$0x3] =	sbarrier.arrive $0xFFFF  }
0x54: {  	_ =	shalt  }

</sc_bundles>
